<compile_context>
chip_gen: v7x
topology: tpu7x:2x2x1
jax: 0.10.2.dev20260603
libtpu: 0.0.44.dev20260713+nightly
codegen_flags: <defaults>
</compile_context>

<pallas_src>
import functools

import jax
import jax.numpy as jnp
from jax import lax
from jax.experimental import pallas as pl
from jax.experimental.pallas import tpu as pltpu
from jax.experimental.pallas import tpu_sc as plsc

_NC = 2
_NS = 16
_NW = _NC * _NS
_CH = 125
_LANES = 16



def _row_partition(n_nodes):
    rq = 8 * (n_nodes // (8 * _NS))
    tail = n_nodes - rq * _NS
    assert tail <= _CH and tail % 8 == 0
    return rq, tail


def _deg_kernel2(dst3, n_nodes):
    d = 128
    nch = dst3.shape[1]
    rq, tail = _row_partition(n_nodes)
    mesh = plsc.VectorSubcoreMesh(core_axis_name="c", subcore_axis_name="s",
                                  num_cores=1)

    @functools.partial(
        pl.kernel, mesh=mesh,
        out_type=jax.ShapeDtypeStruct((1, n_nodes, d), jnp.float32),
        scratch_types=[
            pltpu.VMEM((4, _CH), jnp.int32),
            pltpu.VMEM((_CH, d), jnp.float32),
            pltpu.VMEM((_CH, d), jnp.float32),
            pltpu.MemorySpace.VMEM_SHARED((n_nodes, d), jnp.float32),
            [pltpu.SemaphoreType.DMA] * 2,
            [pltpu.SemaphoreType.DMA] * 4,
        ])
    def k(dst_hbm, out_hbm, didx, ones_r, zero_r, acc, ssem, isem):
        sid = lax.axis_index("s")
        one = jnp.ones((_LANES,), jnp.float32)
        zero = jnp.zeros((_LANES,), jnp.float32)

        def zrow(i, _):
            def zcol(j, _):
                ones_r[i, pl.ds(j * _LANES, _LANES)] = one
                zero_r[i, pl.ds(j * _LANES, _LANES)] = zero
                return 0
            return lax.fori_loop(0, d // _LANES, zcol, 0)
        lax.fori_loop(0, _CH, zrow, 0)

        r0 = pl.multiple_of(sid * rq, 8)
        for st in range(0, rq, 96):
            ln = min(96, rq - st)
            pltpu.sync_copy(zero_r.at[pl.ds(0, ln)],
                            acc.at[pl.ds(r0 + st, ln)])
        if tail:
            @pl.when(sid == 0)
            def _():
                pltpu.sync_copy(zero_r.at[pl.ds(0, tail)],
                                acc.at[pl.ds(rq * _NS, tail)])
        plsc.subcore_barrier()

        def issue_idx(c, b):
            pltpu.async_copy(dst_hbm.at[sid].at[c], didx.at[b], isem[b])

        def wait_idx(b):
            pltpu.make_async_copy(dst_hbm.at[sid].at[0], didx.at[b],
                                  isem[b]).wait()

        def wait_scatter(ib, b):
            pltpu.make_async_copy(ones_r, acc.at[didx.at[ib]],
                                  ssem[b]).wait()

        issue_idx(0, 0)
        issue_idx(1, 1)

        def quad(q, _):
            for j in range(4):
                c = 4 * q + j
                b = j % 2
                wait_idx(j)

                @pl.when(c >= 2)
                def _():
                    wait_scatter((j - 2) % 4, b)
                pltpu.async_copy(ones_r, acc.at[didx.at[j]], ssem[b],
                                 add=True)

                @pl.when(c + 2 < nch)
                def _():
                    issue_idx(c + 2, (j + 2) % 4)
            return 0
        lax.fori_loop(0, nch // 4, quad, 0)
        wait_scatter(2, 0)
        wait_scatter(3, 1)
        plsc.subcore_barrier()

        pltpu.sync_copy(acc.at[pl.ds(r0, rq)],
                        out_hbm.at[0].at[pl.ds(r0, rq)])
        if tail:
            @pl.when(sid == 0)
            def _():
                pltpu.sync_copy(acc.at[pl.ds(rq * _NS, tail)],
                                out_hbm.at[0].at[pl.ds(rq * _NS, tail)])

    return k(dst3)


def _msg_kernel(hn, src3, dst3):
    n_nodes, d = hn.shape
    nch = src3.shape[1]
    assert nch % 4 == 0
    rq, tail = _row_partition(n_nodes)
    mesh = plsc.VectorSubcoreMesh(core_axis_name="c", subcore_axis_name="s",
                                  num_cores=1)

    @functools.partial(
        pl.kernel, mesh=mesh,
        out_type=jax.ShapeDtypeStruct((1, n_nodes, d), jnp.float32),
        scratch_types=[
            pltpu.VMEM((4, _CH), jnp.int32),
            pltpu.VMEM((4, _CH), jnp.int32),
            pltpu.VMEM((_CH, d), jnp.float32),
            pltpu.VMEM((_CH, d), jnp.float32),
            pltpu.MemorySpace.VMEM_SHARED((n_nodes, d), jnp.float32),
            [pltpu.SemaphoreType.DMA] * 2,
            [pltpu.SemaphoreType.DMA] * 2,
            [pltpu.SemaphoreType.DMA] * 4,
        ])
    def k(hn_hbm, src_hbm, dst_hbm, out_hbm,
          sidx, didx, rows0, rows1, acc, gsem, ssem, isem):
        sid = lax.axis_index("s")
        zero = jnp.zeros((_LANES,), jnp.float32)

        def zrow(i, _):
            def zcol(j, _):
                rows0[i, pl.ds(j * _LANES, _LANES)] = zero
                return 0
            return lax.fori_loop(0, d // _LANES, zcol, 0)
        lax.fori_loop(0, _CH, zrow, 0)

        r0 = pl.multiple_of(sid * rq, 8)
        for st in range(0, rq, 96):
            ln = min(96, rq - st)
            pltpu.sync_copy(rows0.at[pl.ds(0, ln)],
                            acc.at[pl.ds(r0 + st, ln)])
        if tail:
            @pl.when(sid == 0)
            def _():
                pltpu.sync_copy(rows0.at[pl.ds(0, tail)],
                                acc.at[pl.ds(rq * _NS, tail)])
        plsc.subcore_barrier()

        rows = (rows0, rows1)

        def issue_idx(c, b):
            pltpu.async_copy(src_hbm.at[sid].at[c], sidx.at[b], isem[b])
            pltpu.async_copy(dst_hbm.at[sid].at[c], didx.at[b], isem[b])

        def wait_idx(b):
            pltpu.make_async_copy(src_hbm.at[sid].at[0], sidx.at[b],
                                  isem[b]).wait()
            pltpu.make_async_copy(dst_hbm.at[sid].at[0], didx.at[b],
                                  isem[b]).wait()

        def issue_gather(ib, b):
            pltpu.async_copy(hn_hbm.at[sidx.at[ib]], rows[b], gsem[b])

        def wait_gather(ib, b):
            pltpu.make_async_copy(hn_hbm.at[sidx.at[ib]], rows[b],
                                  gsem[b]).wait()

        def wait_scatter(ib, b):
            pltpu.make_async_copy(rows[b], acc.at[didx.at[ib]],
                                  ssem[b]).wait()

        issue_idx(0, 0)
        issue_idx(1, 1)
        issue_idx(2, 2)
        wait_idx(0)
        issue_gather(0, 0)

        def outer(q, _):
            for j in range(4):
                c = 4 * q + j
                b = j % 2
                wait_gather(j, b)
                pltpu.async_copy(rows[b], acc.at[didx.at[j]], ssem[b],
                                 add=True)

                @pl.when(c >= 1)
                def _():
                    wait_scatter((j - 1) % 4, 1 - b)

                @pl.when(c + 3 < nch)
                def _():
                    issue_idx(c + 3, (j + 3) % 4)

                @pl.when(c + 1 < nch)
                def _():
                    wait_idx((j + 1) % 4)
                    issue_gather((j + 1) % 4, 1 - b)
            return 0
        lax.fori_loop(0, nch // 4, outer, 0)
        wait_scatter(3, 1)
        plsc.subcore_barrier()

        pltpu.sync_copy(acc.at[pl.ds(r0, rq)],
                        out_hbm.at[0].at[pl.ds(r0, rq)])
        if tail:
            @pl.when(sid == 0)
            def _():
                pltpu.sync_copy(acc.at[pl.ds(rq * _NS, tail)],
                                out_hbm.at[0].at[pl.ds(rq * _NS, tail)])

    return k(hn, src3, dst3)



def _dinv_blk(p_ref):
    deg = p_ref[0][:, 0:1] + 1.0
    return lax.rsqrt(deg)


def _scale_mm_call(xa, w, deg_parts, blk):
    n_nodes, _ = xa.shape
    d = w.shape[1]
    def body(x_ref, w_ref, p_ref, o_ref):
        h = jnp.dot(x_ref[...], w_ref[...],
                    preferred_element_type=jnp.float32,
                    precision=lax.Precision.HIGHEST)
        o_ref[...] = h * _dinv_blk(p_ref)
    return pl.pallas_call(
        body, grid=(n_nodes // blk,),
        in_specs=[pl.BlockSpec((blk, xa.shape[1]), lambda i: (i, 0)),
                  pl.BlockSpec(w.shape, lambda i: (0, 0)),
                  pl.BlockSpec((1, blk, 128), lambda i: (0, i, 0))],
        out_specs=pl.BlockSpec((blk, d), lambda i: (i, 0)),
        out_shape=jax.ShapeDtypeStruct((n_nodes, d), jnp.float32),
    )(xa, w, deg_parts)


def _combine_mm_call(acc, hn, deg_parts, b_row, w, blk):
    n_nodes, d = hn.shape
    def body(a_ref, hn_ref, p_ref, b_ref, w_ref, o_ref):
        dinv = _dinv_blk(p_ref)
        t = a_ref[0] + hn_ref[...]
        z = jnp.maximum(dinv * t + b_ref[...], 0.0)
        h = jnp.dot(z, w_ref[...],
                    preferred_element_type=jnp.float32,
                    precision=lax.Precision.HIGHEST)
        o_ref[...] = h * dinv
    return pl.pallas_call(
        body, grid=(n_nodes // blk,),
        in_specs=[pl.BlockSpec((1, blk, d), lambda i: (0, i, 0)),
                  pl.BlockSpec((blk, d), lambda i: (i, 0)),
                  pl.BlockSpec((1, blk, 128), lambda i: (0, i, 0)),
                  pl.BlockSpec((1, d), lambda i: (0, 0)),
                  pl.BlockSpec((d, d), lambda i: (0, 0))],
        out_specs=pl.BlockSpec((blk, d), lambda i: (i, 0)),
        out_shape=jax.ShapeDtypeStruct((n_nodes, d), jnp.float32),
    )(acc, hn, deg_parts, b_row, w)


def _final_call(acc, hn, deg_parts, b_row, batch3, wfc_p, bfc_row,
                n_graphs, blk):
    n_nodes, d = hn.shape
    def body(a_ref, hn_ref, p_ref, b_ref, bt_ref, wf_ref, bf_ref, o_ref,
             sums, cnts):
        i = pl.program_id(0)

        @pl.when(i == 0)
        def _():
            sums[...] = jnp.zeros_like(sums)
            cnts[...] = jnp.zeros_like(cnts)

        t = a_ref[0] + hn_ref[...]
        z = jnp.maximum(_dinv_blk(p_ref) * t + b_ref[...], 0.0)
        g = lax.broadcasted_iota(jnp.int32, (n_graphs, blk), 0)
        m = (bt_ref[0] == g).astype(jnp.float32)
        sums[...] += jnp.dot(m, z, preferred_element_type=jnp.float32,
                             precision=lax.Precision.HIGHEST)
        cnts[...] += jnp.sum(m, axis=1, keepdims=True)

        @pl.when(i == pl.num_programs(0) - 1)
        def _():
            pooled = sums[...] / jnp.maximum(cnts[...], 1.0)
            o_ref[...] = jnp.dot(pooled, wf_ref[...],
                                 preferred_element_type=jnp.float32,
                                 precision=lax.Precision.HIGHEST) + bf_ref[...]

    return pl.pallas_call(
        body, grid=(n_nodes // blk,),
        in_specs=[pl.BlockSpec((1, blk, d), lambda i: (0, i, 0)),
                  pl.BlockSpec((blk, d), lambda i: (i, 0)),
                  pl.BlockSpec((1, blk, 128), lambda i: (0, i, 0)),
                  pl.BlockSpec((1, d), lambda i: (0, 0)),
                  pl.BlockSpec((1, 1, blk), lambda i: (i, 0, 0)),
                  pl.BlockSpec((d, 128), lambda i: (0, 0)),
                  pl.BlockSpec((1, 128), lambda i: (0, 0))],
        out_specs=pl.BlockSpec((n_graphs, 128), lambda i: (0, 0)),
        out_shape=jax.ShapeDtypeStruct((n_graphs, 128), jnp.float32),
        scratch_shapes=[pltpu.VMEM((n_graphs, 128), jnp.float32),
                        pltpu.VMEM((n_graphs, 128), jnp.float32)],
    )(acc, hn, deg_parts, b_row, batch3, wfc_p, bfc_row)



def kernel(x, edge_index, batch, W1, b1, W2, b2, Wfc, bfc):
    n_nodes, _ = x.shape
    n_edges = edge_index.shape[1]
    d_hid = W1.shape[1]
    d_out = Wfc.shape[1]
    n_graphs = 16
    blk = 1000
    nch_deg = n_edges // (_NW * _CH)
    nch_msg = n_edges // (_NS * _CH)
    assert n_edges == _NW * _CH * nch_deg and n_nodes % blk == 0

    src3 = edge_index[0].reshape(_NS, nch_msg, _CH)
    dst3 = edge_index[1].reshape(_NS, nch_msg, _CH)

    deg_parts = _deg_kernel2(dst3, n_nodes)

    hn1 = _scale_mm_call(x, W1, deg_parts, blk)
    acc1 = _msg_kernel(hn1, src3, dst3)
    hn2 = _combine_mm_call(acc1, hn1, deg_parts, b1.reshape(1, -1), W2, blk)
    acc2 = _msg_kernel(hn2, src3, dst3)

    wfc_p = jnp.zeros((d_hid, 128), jnp.float32).at[:, :d_out].set(Wfc)
    bfc_row = jnp.zeros((1, 128), jnp.float32).at[0, :d_out].set(bfc)
    q_pad = _final_call(acc2, hn2, deg_parts, b2.reshape(1, -1),
                        batch.reshape(n_nodes // blk, 1, blk), wfc_p, bfc_row,
                        n_graphs, blk)
    return q_pad[:, :d_out]

# --- scband reference (transcript-rebuilt; emitter-appended) ---
"""Pipeline reference for scband-gun-gnn-69380901700243 (READ-ONLY COPY).

The authoritative reference and input builder live on the scoring server;
editing this copy changes nothing except your own understanding.
"""

import jax, jax.numpy as jnp
import numpy as np
import jax.ops

N = 10000
E = 320000
D_IN = 128
D_HID = 128
D_OUT = 8
NUM_GRAPHS = 16


def setup_inputs(seed: int = 0) -> dict:
    key = jax.random.key(seed)
    ks = jax.random.split(key, 10)
    x = jax.random.normal(ks[0], (N, D_IN), dtype=jnp.float32)
    edge_index = jax.random.randint(ks[1], (2, E), 0, N, dtype=jnp.int32)
    batch = jnp.sort(jax.random.randint(ks[2], (N,), 0, NUM_GRAPHS, dtype=jnp.int32))
    W1 = jax.random.normal(ks[3], (D_IN, D_HID), dtype=jnp.float32) * (1.0 / np.sqrt(D_IN))
    b1 = jnp.zeros((D_HID,), dtype=jnp.float32)
    W2 = jax.random.normal(ks[4], (D_HID, D_HID), dtype=jnp.float32) * (1.0 / np.sqrt(D_HID))
    b2 = jnp.zeros((D_HID,), dtype=jnp.float32)
    Wfc = jax.random.normal(ks[5], (D_HID, D_OUT), dtype=jnp.float32) * (1.0 / np.sqrt(D_HID))
    bfc = jnp.zeros((D_OUT,), dtype=jnp.float32)
    return {"x": x, "edge_index": edge_index, "batch": batch,
            "W1": W1, "b1": b1, "W2": W2, "b2": b2, "Wfc": Wfc, "bfc": bfc}


def _gcn_conv(x, src, dst, W, b, num_nodes):
    # GCNConv with added self-loops and symmetric normalization (PyG semantics)
    loop = jnp.arange(num_nodes, dtype=src.dtype)
    s = jnp.concatenate([src, loop])
    d = jnp.concatenate([dst, loop])
    deg = jax.ops.segment_sum(jnp.ones_like(s, dtype=x.dtype), d, num_segments=num_nodes)
    dinv = jnp.where(deg > 0, 1.0 / jnp.sqrt(deg), 0.0)
    norm = dinv[s] * dinv[d]
    h = x @ W
    msgs = h[s] * norm[:, None]
    out = jax.ops.segment_sum(msgs, d, num_segments=num_nodes)
    return out + b


def reference(x, edge_index, batch, W1, b1, W2, b2, Wfc, bfc):
    src = edge_index[0]
    dst = edge_index[1]
    h = jax.nn.relu(_gcn_conv(x, src, dst, W1, b1, N))
    h = jax.nn.relu(_gcn_conv(h, src, dst, W2, b2, N))
    # global mean pool over batch segments
    sums = jax.ops.segment_sum(h, batch, num_segments=NUM_GRAPHS)
    cnts = jax.ops.segment_sum(jnp.ones((N,), dtype=h.dtype), batch, num_segments=NUM_GRAPHS)
    pooled = sums / jnp.clip(cnts, 1.0, None)[:, None]
    q = pooled @ Wfc + bfc
    return q

if __name__ == "__main__":
    import jax
    _d = setup_inputs()
    print(jax.jit(kernel)(*tuple(_d.values())))

</pallas_src>

<mosaic_0001>
#map = affine_map<(d0, d1) -> (0, 0)>
#map1 = affine_map<(d0, d1) -> (0, 0, 0)>
module attributes {stable_mosaic.version = 14 : i64} {
  func.func @k(%arg0: i32, %arg1: i32, %arg2: memref<10000x128xf32, #tpu.memory_space<hbm>>, %arg3: memref<16x160x125xi32, #tpu.memory_space<hbm>>, %arg4: memref<16x160x125xi32, #tpu.memory_space<hbm>>, %arg5: memref<1x10000x128xf32, #tpu.memory_space<hbm>>, %arg6: memref<4x125xi32, #tpu.memory_space<vmem>>, %arg7: memref<4x125xi32, #tpu.memory_space<vmem>>, %arg8: memref<125x128xf32, #tpu.memory_space<vmem>>, %arg9: memref<125x128xf32, #tpu.memory_space<vmem>>, %arg10: memref<10000x128xf32, #tpu.memory_space<vmem_shared>>, %arg11: memref<!tpu.dma_semaphore, #tpu.memory_space<semaphore_mem>>, %arg12: memref<!tpu.dma_semaphore, #tpu.memory_space<semaphore_mem>>, %arg13: memref<!tpu.dma_semaphore, #tpu.memory_space<semaphore_mem>>, %arg14: memref<!tpu.dma_semaphore, #tpu.memory_space<semaphore_mem>>, %arg15: memref<!tpu.dma_semaphore, #tpu.memory_space<semaphore_mem>>, %arg16: memref<!tpu.dma_semaphore, #tpu.memory_space<semaphore_mem>>, %arg17: memref<!tpu.dma_semaphore, #tpu.memory_space<semaphore_mem>>, %arg18: memref<!tpu.dma_semaphore, #tpu.memory_space<semaphore_mem>>) attributes {dimension_semantics = [#tpu.dimension_semantics<core_parallel>, #tpu.dimension_semantics<subcore_parallel>], iteration_bounds = array<i64: 1, 16>, scalar_prefetch = 0 : i64, scratch_operands = 13 : i64, tpu.core_type = #tpu.core_type<sc_vector_subcore>, window_params = [{transform_indices = #map}, {transform_indices = #map1}, {transform_indices = #map1}, {transform_indices = #map1}]} {
    %broadcast_in_dim3A = arith.constant 0.000000e+00 : f32
    %broadcast_in_dim3A_0 = vector.broadcast %broadcast_in_dim3A : f32 to vector<16xf32>
    %scan3A = arith.constant 0 : i32
    %scan3A_1 = arith.constant 0 : i32
    %scan3A_2 = arith.constant 125 : i32
    %scan3A_3 = arith.addi %scan3A_1, %scan3A_2 : i32
    %scan3A_4 = arith.constant 1 : i32
    %scan3A_5 = scf.for %scan3A_224 = %scan3A_1 to %scan3A_3 step %scan3A_4 iter_args(%scan3A_225 = %scan3A) -> (i32)  : i32 {
      %scan3A_226 = arith.constant 0 : i32
      %scan3A_227 = arith.constant 0 : i32
      %scan3A_228 = arith.constant 8 : i32
      %scan3A_229 = arith.addi %scan3A_227, %scan3A_228 : i32
      %scan3A_230 = arith.constant 1 : i32
      %scan3A_231 = scf.for %scan3A_233 = %scan3A_227 to %scan3A_229 step %scan3A_230 iter_args(%scan3A_234 = %scan3A_226) -> (i32)  : i32 {
        %mul3A_235 = arith.constant 16 : i32
        %mul3A_236 = arith.muli %scan3A_233, %mul3A_235 : i32
        %swap3A = arith.index_cast %scan3A_224 : i32 to index
        %swap3A_237 = arith.index_cast %mul3A_236 : i32 to index
        %swap3A_238 = tpu.vector_load %arg8[%swap3A, %swap3A_237] {strides = array<i32>} : memref<125x128xf32, #tpu.memory_space<vmem>>, vector<1x16xf32>,
        %swap3A_239 = vector.shape_cast %swap3A_238 : vector<1x16xf32> to vector<16xf32>
        %swap3A_240 = vector.shape_cast %broadcast_in_dim3A_0 : vector<16xf32> to vector<1x16xf32>
        tpu.vector_store %arg8[%swap3A, %swap3A_237], %swap3A_240 {strides = array<i32>} : memref<125x128xf32, #tpu.memory_space<vmem>>, vector<1x16xf32>,
        %scan3A_241 = arith.constant 0 : i32
        scf.yield %scan3A_241 : i32
      }
      %scan3A_232 = arith.constant 8 : i32
      scf.yield %scan3A_231 : i32
    }
    %scan3A_6 = arith.constant 125 : i32
    %mul3A = arith.constant 624 : i32
    %mul3A_7 = arith.muli %arg1, %mul3A : i32
    %multiple_of3A = tpu.assume_multiple %mul3A_7, 8 : i32
    %add3A = arith.constant 0 : i32
    %add3A_8 = arith.addi %multiple_of3A, %add3A : i32
    "tpu.region"() ({
      %run_scoped3A_224 = tpu.sem_alloc : memref<!tpu.dma_semaphore, #tpu.memory_space<semaphore_mem>>
      %dma_start3A_225 = arith.constant 0 : i32
      %dma_start3A_226 = arith.constant 0 : i32
      %dma_start3A_227 = tpu.memref_slice %arg8[%dma_start3A_225, %dma_start3A_226] : memref<125x128xf32, #tpu.memory_space<vmem>> -> memref<96x128xf32, #tpu.memory_space<vmem>>
      %dma_start3A_228 = arith.constant 0 : i32
      %dma_start3A_229 = tpu.memref_slice %arg10[%add3A_8, %dma_start3A_228] : memref<10000x128xf32, #tpu.memory_space<vmem_shared>> -> memref<96x128xf32, #tpu.memory_space<vmem_shared>>
      %dma_start3A_230 = arith.constant 0 : i32
      %dma_start3A_231 = tpu.memref_slice %arg10[%add3A_8, %dma_start3A_230] : memref<10000x128xf32, #tpu.memory_space<vmem_shared>> -> memref<96x128xf32, #tpu.memory_space<vmem_shared>>
      %dma_start3A_232 = arith.constant 0 : i32
      %dma_start3A_233 = arith.constant 0 : i32
      %dma_start3A_234 = tpu.memref_slice %arg8[%dma_start3A_232, %dma_start3A_233] : memref<125x128xf32, #tpu.memory_space<vmem>> -> memref<96x128xf32, #tpu.memory_space<vmem>>
      tpu.enqueue_dma source(%dma_start3A_234 : memref<96x128xf32, #tpu.memory_space<vmem>>) target(%dma_start3A_231 : memref<96x128xf32, #tpu.memory_space<vmem_shared>>) target_semaphore(%run_scoped3A_224 : memref<!tpu.dma_semaphore, #tpu.memory_space<semaphore_mem>>)
      %dma_wait3A_235 = arith.constant 0 : i32
      %dma_wait3A_236 = arith.constant 0 : i32
      %dma_wait3A_237 = tpu.memref_slice %arg8[%dma_wait3A_235, %dma_wait3A_236] : memref<125x128xf32, #tpu.memory_space<vmem>> -> memref<96x128xf32, #tpu.memory_space<vmem>>
      %dma_wait3A_238 = arith.constant 0 : i32
      %dma_wait3A_239 = tpu.memref_slice %arg10[%add3A_8, %dma_wait3A_238] : memref<10000x128xf32, #tpu.memory_space<vmem_shared>> -> memref<96x128xf32, #tpu.memory_space<vmem_shared>>
      %dma_wait3A_240 = arith.constant 0 : i32
      %dma_wait3A_241 = tpu.memref_slice %arg10[%add3A_8, %dma_wait3A_240] : memref<10000x128xf32, #tpu.memory_space<vmem_shared>> -> memref<96x128xf32, #tpu.memory_space<vmem_shared>>
      %dma_wait3A_242 = arith.constant 0 : i32
      %dma_wait3A_243 = arith.constant 0 : i32
      %dma_wait3A_244 = tpu.memref_slice %arg8[%dma_wait3A_242, %dma_wait3A_243] : memref<125x128xf32, #tpu.memory_space<vmem>> -> memref<96x128xf32, #tpu.memory_space<vmem>>
      tpu.wait_dma2 semaphore(%run_scoped3A_224 : memref<!tpu.dma_semaphore, #tpu.memory_space<semaphore_mem>>) src(%dma_wait3A_244 : memref<96x128xf32, #tpu.memory_space<vmem>>) dst(%dma_wait3A_241 : memref<96x128xf32, #tpu.memory_space<vmem_shared>>)
      tpu.yield
    }) : () -> ()
    %add3A_9 = arith.constant 96 : i32
    %add3A_10 = arith.addi %multiple_of3A, %add3A_9 : i32
    "tpu.region"() ({
      %run_scoped3A_224 = tpu.sem_alloc : memref<!tpu.dma_semaphore, #tpu.memory_space<semaphore_mem>>
      %dma_start3A_225 = arith.constant 0 : i32
      %dma_start3A_226 = arith.constant 0 : i32
      %dma_start3A_227 = tpu.memref_slice %arg8[%dma_start3A_225, %dma_start3A_226] : memref<125x128xf32, #tpu.memory_space<vmem>> -> memref<96x128xf32, #tpu.memory_space<vmem>>
      %dma_start3A_228 = arith.constant 0 : i32
      %dma_start3A_229 = tpu.memref_slice %arg10[%add3A_10, %dma_start3A_228] : memref<10000x128xf32, #tpu.memory_space<vmem_shared>> -> memref<96x128xf32, #tpu.memory_space<vmem_shared>>
      %dma_start3A_230 = arith.constant 0 : i32
      %dma_start3A_231 = tpu.memref_slice %arg10[%add3A_10, %dma_start3A_230] : memref<10000x128xf32, #tpu.memory_space<vmem_shared>> -> memref<96x128xf32, #tpu.memory_space<vmem_shared>>
      %dma_start3A_232 = arith.constant 0 : i32
      %dma_start3A_233 = arith.constant 0 : i32
      %dma_start3A_234 = tpu.memref_slice %arg8[%dma_start3A_232, %dma_start3A_233] : memref<125x128xf32, #tpu.memory_space<vmem>> -> memref<96x128xf32, #tpu.memory_space<vmem>>
      tpu.enqueue_dma source(%dma_start3A_234 : memref<96x128xf32, #tpu.memory_space<vmem>>) target(%dma_start3A_231 : memref<96x128xf32, #tpu.memory_space<vmem_shared>>) target_semaphore(%run_scoped3A_224 : memref<!tpu.dma_semaphore, #tpu.memory_space<semaphore_mem>>)
      %dma_wait3A_235 = arith.constant 0 : i32
      %dma_wait3A_236 = arith.constant 0 : i32
      %dma_wait3A_237 = tpu.memref_slice %arg8[%dma_wait3A_235, %dma_wait3A_236] : memref<125x128xf32, #tpu.memory_space<vmem>> -> memref<96x128xf32, #tpu.memory_space<vmem>>
      %dma_wait3A_238 = arith.constant 0 : i32
      %dma_wait3A_239 = tpu.memref_slice %arg10[%add3A_10, %dma_wait3A_238] : memref<10000x128xf32, #tpu.memory_space<vmem_shared>> -> memref<96x128xf32, #tpu.memory_space<vmem_shared>>
      %dma_wait3A_240 = arith.constant 0 : i32
      %dma_wait3A_241 = tpu.memref_slice %arg10[%add3A_10, %dma_wait3A_240] : memref<10000x128xf32, #tpu.memory_space<vmem_shared>> -> memref<96x128xf32, #tpu.memory_space<vmem_shared>>
      %dma_wait3A_242 = arith.constant 0 : i32
      %dma_wait3A_243 = arith.constant 0 : i32
      %dma_wait3A_244 = tpu.memref_slice %arg8[%dma_wait3A_242, %dma_wait3A_243] : memref<125x128xf32, #tpu.memory_space<vmem>> -> memref<96x128xf32, #tpu.memory_space<vmem>>
      tpu.wait_dma2 semaphore(%run_scoped3A_224 : memref<!tpu.dma_semaphore, #tpu.memory_space<semaphore_mem>>) src(%dma_wait3A_244 : memref<96x128xf32, #tpu.memory_space<vmem>>) dst(%dma_wait3A_241 : memref<96x128xf32, #tpu.memory_space<vmem_shared>>)
      tpu.yield
    }) : () -> ()
    %add3A_11 = arith.constant 192 : i32
    %add3A_12 = arith.addi %multiple_of3A, %add3A_11 : i32
    "tpu.region"() ({
      %run_scoped3A_224 = tpu.sem_alloc : memref<!tpu.dma_semaphore, #tpu.memory_space<semaphore_mem>>
      %dma_start3A_225 = arith.constant 0 : i32
      %dma_start3A_226 = arith.constant 0 : i32
      %dma_start3A_227 = tpu.memref_slice %arg8[%dma_start3A_225, %dma_start3A_226] : memref<125x128xf32, #tpu.memory_space<vmem>> -> memref<96x128xf32, #tpu.memory_space<vmem>>
      %dma_start3A_228 = arith.constant 0 : i32
      %dma_start3A_229 = tpu.memref_slice %arg10[%add3A_12, %dma_start3A_228] : memref<10000x128xf32, #tpu.memory_space<vmem_shared>> -> memref<96x128xf32, #tpu.memory_space<vmem_shared>>
      %dma_start3A_230 = arith.constant 0 : i32
      %dma_start3A_231 = tpu.memref_slice %arg10[%add3A_12, %dma_start3A_230] : memref<10000x128xf32, #tpu.memory_space<vmem_shared>> -> memref<96x128xf32, #tpu.memory_space<vmem_shared>>
      %dma_start3A_232 = arith.constant 0 : i32
      %dma_start3A_233 = arith.constant 0 : i32
      %dma_start3A_234 = tpu.memref_slice %arg8[%dma_start3A_232, %dma_start3A_233] : memref<125x128xf32, #tpu.memory_space<vmem>> -> memref<96x128xf32, #tpu.memory_space<vmem>>
      tpu.enqueue_dma source(%dma_start3A_234 : memref<96x128xf32, #tpu.memory_space<vmem>>) target(%dma_start3A_231 : memref<96x128xf32, #tpu.memory_space<vmem_shared>>) target_semaphore(%run_scoped3A_224 : memref<!tpu.dma_semaphore, #tpu.memory_space<semaphore_mem>>)
      %dma_wait3A_235 = arith.constant 0 : i32
      %dma_wait3A_236 = arith.constant 0 : i32
      %dma_wait3A_237 = tpu.memref_slice %arg8[%dma_wait3A_235, %dma_wait3A_236] : memref<125x128xf32, #tpu.memory_space<vmem>> -> memref<96x128xf32, #tpu.memory_space<vmem>>
      %dma_wait3A_238 = arith.constant 0 : i32
      %dma_wait3A_239 = tpu.memref_slice %arg10[%add3A_12, %dma_wait3A_238] : memref<10000x128xf32, #tpu.memory_space<vmem_shared>> -> memref<96x128xf32, #tpu.memory_space<vmem_shared>>
      %dma_wait3A_240 = arith.constant 0 : i32
      %dma_wait3A_241 = tpu.memref_slice %arg10[%add3A_12, %dma_wait3A_240] : memref<10000x128xf32, #tpu.memory_space<vmem_shared>> -> memref<96x128xf32, #tpu.memory_space<vmem_shared>>
      %dma_wait3A_242 = arith.constant 0 : i32
      %dma_wait3A_243 = arith.constant 0 : i32
      %dma_wait3A_244 = tpu.memref_slice %arg8[%dma_wait3A_242, %dma_wait3A_243] : memref<125x128xf32, #tpu.memory_space<vmem>> -> memref<96x128xf32, #tpu.memory_space<vmem>>
      tpu.wait_dma2 semaphore(%run_scoped3A_224 : memref<!tpu.dma_semaphore, #tpu.memory_space<semaphore_mem>>) src(%dma_wait3A_244 : memref<96x128xf32, #tpu.memory_space<vmem>>) dst(%dma_wait3A_241 : memref<96x128xf32, #tpu.memory_space<vmem_shared>>)
      tpu.yield
    }) : () -> ()
    %add3A_13 = arith.constant 288 : i32
    %add3A_14 = arith.addi %multiple_of3A, %add3A_13 : i32
    "tpu.region"() ({
      %run_scoped3A_224 = tpu.sem_alloc : memref<!tpu.dma_semaphore, #tpu.memory_space<semaphore_mem>>
      %dma_start3A_225 = arith.constant 0 : i32
      %dma_start3A_226 = arith.constant 0 : i32
      %dma_start3A_227 = tpu.memref_slice %arg8[%dma_start3A_225, %dma_start3A_226] : memref<125x128xf32, #tpu.memory_space<vmem>> -> memref<96x128xf32, #tpu.memory_space<vmem>>
      %dma_start3A_228 = arith.constant 0 : i32
      %dma_start3A_229 = tpu.memref_slice %arg10[%add3A_14, %dma_start3A_228] : memref<10000x128xf32, #tpu.memory_space<vmem_shared>> -> memref<96x128xf32, #tpu.memory_space<vmem_shared>>
      %dma_start3A_230 = arith.constant 0 : i32
      %dma_start3A_231 = tpu.memref_slice %arg10[%add3A_14, %dma_start3A_230] : memref<10000x128xf32, #tpu.memory_space<vmem_shared>> -> memref<96x128xf32, #tpu.memory_space<vmem_shared>>
      %dma_start3A_232 = arith.constant 0 : i32
      %dma_start3A_233 = arith.constant 0 : i32
      %dma_start3A_234 = tpu.memref_slice %arg8[%dma_start3A_232, %dma_start3A_233] : memref<125x128xf32, #tpu.memory_space<vmem>> -> memref<96x128xf32, #tpu.memory_space<vmem>>
      tpu.enqueue_dma source(%dma_start3A_234 : memref<96x128xf32, #tpu.memory_space<vmem>>) target(%dma_start3A_231 : memref<96x128xf32, #tpu.memory_space<vmem_shared>>) target_semaphore(%run_scoped3A_224 : memref<!tpu.dma_semaphore, #tpu.memory_space<semaphore_mem>>)
      %dma_wait3A_235 = arith.constant 0 : i32
      %dma_wait3A_236 = arith.constant 0 : i32
      %dma_wait3A_237 = tpu.memref_slice %arg8[%dma_wait3A_235, %dma_wait3A_236] : memref<125x128xf32, #tpu.memory_space<vmem>> -> memref<96x128xf32, #tpu.memory_space<vmem>>
      %dma_wait3A_238 = arith.constant 0 : i32
      %dma_wait3A_239 = tpu.memref_slice %arg10[%add3A_14, %dma_wait3A_238] : memref<10000x128xf32, #tpu.memory_space<vmem_shared>> -> memref<96x128xf32, #tpu.memory_space<vmem_shared>>
      %dma_wait3A_240 = arith.constant 0 : i32
      %dma_wait3A_241 = tpu.memref_slice %arg10[%add3A_14, %dma_wait3A_240] : memref<10000x128xf32, #tpu.memory_space<vmem_shared>> -> memref<96x128xf32, #tpu.memory_space<vmem_shared>>
      %dma_wait3A_242 = arith.constant 0 : i32
      %dma_wait3A_243 = arith.constant 0 : i32
      %dma_wait3A_244 = tpu.memref_slice %arg8[%dma_wait3A_242, %dma_wait3A_243] : memref<125x128xf32, #tpu.memory_space<vmem>> -> memref<96x128xf32, #tpu.memory_space<vmem>>
      tpu.wait_dma2 semaphore(%run_scoped3A_224 : memref<!tpu.dma_semaphore, #tpu.memory_space<semaphore_mem>>) src(%dma_wait3A_244 : memref<96x128xf32, #tpu.memory_space<vmem>>) dst(%dma_wait3A_241 : memref<96x128xf32, #tpu.memory_space<vmem_shared>>)
      tpu.yield
    }) : () -> ()
    %add3A_15 = arith.constant 384 : i32
    %add3A_16 = arith.addi %multiple_of3A, %add3A_15 : i32
    "tpu.region"() ({
      %run_scoped3A_224 = tpu.sem_alloc : memref<!tpu.dma_semaphore, #tpu.memory_space<semaphore_mem>>
      %dma_start3A_225 = arith.constant 0 : i32
      %dma_start3A_226 = arith.constant 0 : i32
      %dma_start3A_227 = tpu.memref_slice %arg8[%dma_start3A_225, %dma_start3A_226] : memref<125x128xf32, #tpu.memory_space<vmem>> -> memref<96x128xf32, #tpu.memory_space<vmem>>
      %dma_start3A_228 = arith.constant 0 : i32
      %dma_start3A_229 = tpu.memref_slice %arg10[%add3A_16, %dma_start3A_228] : memref<10000x128xf32, #tpu.memory_space<vmem_shared>> -> memref<96x128xf32, #tpu.memory_space<vmem_shared>>
      %dma_start3A_230 = arith.constant 0 : i32
      %dma_start3A_231 = tpu.memref_slice %arg10[%add3A_16, %dma_start3A_230] : memref<10000x128xf32, #tpu.memory_space<vmem_shared>> -> memref<96x128xf32, #tpu.memory_space<vmem_shared>>
      %dma_start3A_232 = arith.constant 0 : i32
      %dma_start3A_233 = arith.constant 0 : i32
      %dma_start3A_234 = tpu.memref_slice %arg8[%dma_start3A_232, %dma_start3A_233] : memref<125x128xf32, #tpu.memory_space<vmem>> -> memref<96x128xf32, #tpu.memory_space<vmem>>
      tpu.enqueue_dma source(%dma_start3A_234 : memref<96x128xf32, #tpu.memory_space<vmem>>) target(%dma_start3A_231 : memref<96x128xf32, #tpu.memory_space<vmem_shared>>) target_semaphore(%run_scoped3A_224 : memref<!tpu.dma_semaphore, #tpu.memory_space<semaphore_mem>>)
      %dma_wait3A_235 = arith.constant 0 : i32
      %dma_wait3A_236 = arith.constant 0 : i32
      %dma_wait3A_237 = tpu.memref_slice %arg8[%dma_wait3A_235, %dma_wait3A_236] : memref<125x128xf32, #tpu.memory_space<vmem>> -> memref<96x128xf32, #tpu.memory_space<vmem>>
      %dma_wait3A_238 = arith.constant 0 : i32
      %dma_wait3A_239 = tpu.memref_slice %arg10[%add3A_16, %dma_wait3A_238] : memref<10000x128xf32, #tpu.memory_space<vmem_shared>> -> memref<96x128xf32, #tpu.memory_space<vmem_shared>>
      %dma_wait3A_240 = arith.constant 0 : i32
      %dma_wait3A_241 = tpu.memref_slice %arg10[%add3A_16, %dma_wait3A_240] : memref<10000x128xf32, #tpu.memory_space<vmem_shared>> -> memref<96x128xf32, #tpu.memory_space<vmem_shared>>
      %dma_wait3A_242 = arith.constant 0 : i32
      %dma_wait3A_243 = arith.constant 0 : i32
      %dma_wait3A_244 = tpu.memref_slice %arg8[%dma_wait3A_242, %dma_wait3A_243] : memref<125x128xf32, #tpu.memory_space<vmem>> -> memref<96x128xf32, #tpu.memory_space<vmem>>
      tpu.wait_dma2 semaphore(%run_scoped3A_224 : memref<!tpu.dma_semaphore, #tpu.memory_space<semaphore_mem>>) src(%dma_wait3A_244 : memref<96x128xf32, #tpu.memory_space<vmem>>) dst(%dma_wait3A_241 : memref<96x128xf32, #tpu.memory_space<vmem_shared>>)
      tpu.yield
    }) : () -> ()
    %add3A_17 = arith.constant 480 : i32
    %add3A_18 = arith.addi %multiple_of3A, %add3A_17 : i32
    "tpu.region"() ({
      %run_scoped3A_224 = tpu.sem_alloc : memref<!tpu.dma_semaphore, #tpu.memory_space<semaphore_mem>>
      %dma_start3A_225 = arith.constant 0 : i32
      %dma_start3A_226 = arith.constant 0 : i32
      %dma_start3A_227 = tpu.memref_slice %arg8[%dma_start3A_225, %dma_start3A_226] : memref<125x128xf32, #tpu.memory_space<vmem>> -> memref<96x128xf32, #tpu.memory_space<vmem>>
      %dma_start3A_228 = arith.constant 0 : i32
      %dma_start3A_229 = tpu.memref_slice %arg10[%add3A_18, %dma_start3A_228] : memref<10000x128xf32, #tpu.memory_space<vmem_shared>> -> memref<96x128xf32, #tpu.memory_space<vmem_shared>>
      %dma_start3A_230 = arith.constant 0 : i32
      %dma_start3A_231 = tpu.memref_slice %arg10[%add3A_18, %dma_start3A_230] : memref<10000x128xf32, #tpu.memory_space<vmem_shared>> -> memref<96x128xf32, #tpu.memory_space<vmem_shared>>
      %dma_start3A_232 = arith.constant 0 : i32
      %dma_start3A_233 = arith.constant 0 : i32
      %dma_start3A_234 = tpu.memref_slice %arg8[%dma_start3A_232, %dma_start3A_233] : memref<125x128xf32, #tpu.memory_space<vmem>> -> memref<96x128xf32, #tpu.memory_space<vmem>>
      tpu.enqueue_dma source(%dma_start3A_234 : memref<96x128xf32, #tpu.memory_space<vmem>>) target(%dma_start3A_231 : memref<96x128xf32, #tpu.memory_space<vmem_shared>>) target_semaphore(%run_scoped3A_224 : memref<!tpu.dma_semaphore, #tpu.memory_space<semaphore_mem>>)
      %dma_wait3A_235 = arith.constant 0 : i32
      %dma_wait3A_236 = arith.constant 0 : i32
      %dma_wait3A_237 = tpu.memref_slice %arg8[%dma_wait3A_235, %dma_wait3A_236] : memref<125x128xf32, #tpu.memory_space<vmem>> -> memref<96x128xf32, #tpu.memory_space<vmem>>
      %dma_wait3A_238 = arith.constant 0 : i32
      %dma_wait3A_239 = tpu.memref_slice %arg10[%add3A_18, %dma_wait3A_238] : memref<10000x128xf32, #tpu.memory_space<vmem_shared>> -> memref<96x128xf32, #tpu.memory_space<vmem_shared>>
      %dma_wait3A_240 = arith.constant 0 : i32
      %dma_wait3A_241 = tpu.memref_slice %arg10[%add3A_18, %dma_wait3A_240] : memref<10000x128xf32, #tpu.memory_space<vmem_shared>> -> memref<96x128xf32, #tpu.memory_space<vmem_shared>>
      %dma_wait3A_242 = arith.constant 0 : i32
      %dma_wait3A_243 = arith.constant 0 : i32
      %dma_wait3A_244 = tpu.memref_slice %arg8[%dma_wait3A_242, %dma_wait3A_243] : memref<125x128xf32, #tpu.memory_space<vmem>> -> memref<96x128xf32, #tpu.memory_space<vmem>>
      tpu.wait_dma2 semaphore(%run_scoped3A_224 : memref<!tpu.dma_semaphore, #tpu.memory_space<semaphore_mem>>) src(%dma_wait3A_244 : memref<96x128xf32, #tpu.memory_space<vmem>>) dst(%dma_wait3A_241 : memref<96x128xf32, #tpu.memory_space<vmem_shared>>)
      tpu.yield
    }) : () -> ()
    %add3A_19 = arith.constant 576 : i32
    %add3A_20 = arith.addi %multiple_of3A, %add3A_19 : i32
    "tpu.region"() ({
      %run_scoped3A_224 = tpu.sem_alloc : memref<!tpu.dma_semaphore, #tpu.memory_space<semaphore_mem>>
      %dma_start3A_225 = arith.constant 0 : i32
      %dma_start3A_226 = arith.constant 0 : i32
      %dma_start3A_227 = tpu.memref_slice %arg8[%dma_start3A_225, %dma_start3A_226] : memref<125x128xf32, #tpu.memory_space<vmem>> -> memref<48x128xf32, #tpu.memory_space<vmem>>
      %dma_start3A_228 = arith.constant 0 : i32
      %dma_start3A_229 = tpu.memref_slice %arg10[%add3A_20, %dma_start3A_228] : memref<10000x128xf32, #tpu.memory_space<vmem_shared>> -> memref<48x128xf32, #tpu.memory_space<vmem_shared>>
      %dma_start3A_230 = arith.constant 0 : i32
      %dma_start3A_231 = tpu.memref_slice %arg10[%add3A_20, %dma_start3A_230] : memref<10000x128xf32, #tpu.memory_space<vmem_shared>> -> memref<48x128xf32, #tpu.memory_space<vmem_shared>>
      %dma_start3A_232 = arith.constant 0 : i32
      %dma_start3A_233 = arith.constant 0 : i32
      %dma_start3A_234 = tpu.memref_slice %arg8[%dma_start3A_232, %dma_start3A_233] : memref<125x128xf32, #tpu.memory_space<vmem>> -> memref<48x128xf32, #tpu.memory_space<vmem>>
      tpu.enqueue_dma source(%dma_start3A_234 : memref<48x128xf32, #tpu.memory_space<vmem>>) target(%dma_start3A_231 : memref<48x128xf32, #tpu.memory_space<vmem_shared>>) target_semaphore(%run_scoped3A_224 : memref<!tpu.dma_semaphore, #tpu.memory_space<semaphore_mem>>)
      %dma_wait3A_235 = arith.constant 0 : i32
      %dma_wait3A_236 = arith.constant 0 : i32
      %dma_wait3A_237 = tpu.memref_slice %arg8[%dma_wait3A_235, %dma_wait3A_236] : memref<125x128xf32, #tpu.memory_space<vmem>> -> memref<48x128xf32, #tpu.memory_space<vmem>>
      %dma_wait3A_238 = arith.constant 0 : i32
      %dma_wait3A_239 = tpu.memref_slice %arg10[%add3A_20, %dma_wait3A_238] : memref<10000x128xf32, #tpu.memory_space<vmem_shared>> -> memref<48x128xf32, #tpu.memory_space<vmem_shared>>
      %dma_wait3A_240 = arith.constant 0 : i32
      %dma_wait3A_241 = tpu.memref_slice %arg10[%add3A_20, %dma_wait3A_240] : memref<10000x128xf32, #tpu.memory_space<vmem_shared>> -> memref<48x128xf32, #tpu.memory_space<vmem_shared>>
      %dma_wait3A_242 = arith.constant 0 : i32
      %dma_wait3A_243 = arith.constant 0 : i32
      %dma_wait3A_244 = tpu.memref_slice %arg8[%dma_wait3A_242, %dma_wait3A_243] : memref<125x128xf32, #tpu.memory_space<vmem>> -> memref<48x128xf32, #tpu.memory_space<vmem>>
      tpu.wait_dma2 semaphore(%run_scoped3A_224 : memref<!tpu.dma_semaphore, #tpu.memory_space<semaphore_mem>>) src(%dma_wait3A_244 : memref<48x128xf32, #tpu.memory_space<vmem>>) dst(%dma_wait3A_241 : memref<48x128xf32, #tpu.memory_space<vmem_shared>>)
      tpu.yield
    }) : () -> ()
    %eq3A = arith.constant 0 : i32
    %eq3A_21 = arith.cmpi eq, %arg1, %eq3A : i32
    %convert_element_type3A = arith.extui %eq3A_21 : i1 to i32
    %cond3A = arith.constant 0 : i32
    %cond3A_22 = arith.cmpi ne, %convert_element_type3A, %cond3A : i32
    scf.if %cond3A_22 {
      "tpu.region"() ({
        %run_scoped3A_224 = tpu.sem_alloc : memref<!tpu.dma_semaphore, #tpu.memory_space<semaphore_mem>>
        %dma_start3A_225 = arith.constant 0 : i32
        %dma_start3A_226 = arith.constant 0 : i32
        %dma_start3A_227 = tpu.memref_slice %arg8[%dma_start3A_225, %dma_start3A_226] : memref<125x128xf32, #tpu.memory_space<vmem>> -> memref<16x128xf32, #tpu.memory_space<vmem>>
        %dma_start3A_228 = arith.constant 9984 : i32
        %dma_start3A_229 = arith.constant 0 : i32
        %dma_start3A_230 = tpu.memref_slice %arg10[%dma_start3A_228, %dma_start3A_229] : memref<10000x128xf32, #tpu.memory_space<vmem_shared>> -> memref<16x128xf32, #tpu.memory_space<vmem_shared>>
        %dma_start3A_231 = arith.constant 9984 : i32
        %dma_start3A_232 = arith.constant 0 : i32
        %dma_start3A_233 = tpu.memref_slice %arg10[%dma_start3A_231, %dma_start3A_232] : memref<10000x128xf32, #tpu.memory_space<vmem_shared>> -> memref<16x128xf32, #tpu.memory_space<vmem_shared>>
        %dma_start3A_234 = arith.constant 0 : i32
        %dma_start3A_235 = arith.constant 0 : i32
        %dma_start3A_236 = tpu.memref_slice %arg8[%dma_start3A_234, %dma_start3A_235] : memref<125x128xf32, #tpu.memory_space<vmem>> -> memref<16x128xf32, #tpu.memory_space<vmem>>
        tpu.enqueue_dma source(%dma_start3A_236 : memref<16x128xf32, #tpu.memory_space<vmem>>) target(%dma_start3A_233 : memref<16x128xf32, #tpu.memory_space<vmem_shared>>) target_semaphore(%run_scoped3A_224 : memref<!tpu.dma_semaphore, #tpu.memory_space<semaphore_mem>>)
        %dma_wait3A_237 = arith.constant 0 : i32
        %dma_wait3A_238 = arith.constant 0 : i32
        %dma_wait3A_239 = tpu.memref_slice %arg8[%dma_wait3A_237, %dma_wait3A_238] : memref<125x128xf32, #tpu.memory_space<vmem>> -> memref<16x128xf32, #tpu.memory_space<vmem>>
        %dma_wait3A_240 = arith.constant 9984 : i32
        %dma_wait3A_241 = arith.constant 0 : i32
        %dma_wait3A_242 = tpu.memref_slice %arg10[%dma_wait3A_240, %dma_wait3A_241] : memref<10000x128xf32, #tpu.memory_space<vmem_shared>> -> memref<16x128xf32, #tpu.memory_space<vmem_shared>>
        %dma_wait3A_243 = arith.constant 9984 : i32
        %dma_wait3A_244 = arith.constant 0 : i32
        %dma_wait3A_245 = tpu.memref_slice %arg10[%dma_wait3A_243, %dma_wait3A_244] : memref<10000x128xf32, #tpu.memory_space<vmem_shared>> -> memref<16x128xf32, #tpu.memory_space<vmem_shared>>
        %dma_wait3A_246 = arith.constant 0 : i32
        %dma_wait3A_247 = arith.constant 0 : i32
        %dma_wait3A_248 = tpu.memref_slice %arg8[%dma_wait3A_246, %dma_wait3A_247] : memref<125x128xf32, #tpu.memory_space<vmem>> -> memref<16x128xf32, #tpu.memory_space<vmem>>
        tpu.wait_dma2 semaphore(%run_scoped3A_224 : memref<!tpu.dma_semaphore, #tpu.memory_space<semaphore_mem>>) src(%dma_wait3A_248 : memref<16x128xf32, #tpu.memory_space<vmem>>) dst(%dma_wait3A_245 : memref<16x128xf32, #tpu.memory_space<vmem_shared>>)
        tpu.yield
      }) : () -> ()
    } else {
    }
    %barrier3A = arith.constant 0 : index
    tpu.barrier barrier_id(%barrier3A)
    %dma_start3A = arith.constant 0 : i32
    %dma_start3A_23 = arith.constant 0 : i32
    %dma_start3A_24 = arith.constant 0 : i32
    %dma_start3A_25 = tpu.memref_slice %arg6[%dma_start3A_23, %dma_start3A_24] : memref<4x125xi32, #tpu.memory_space<vmem>> -> memref<1x125xi32, #tpu.memory_space<vmem>>
    %dma_start3A_26 = tpu.memref_squeeze %dma_start3A_25 : memref<1x125xi32, #tpu.memory_space<vmem>> -> memref<125xi32, #tpu.memory_space<vmem>>
    %dma_start3A_27 = arith.constant 0 : i32
    %dma_start3A_28 = arith.constant 0 : i32
    %dma_start3A_29 = tpu.memref_slice %arg3[%arg1, %dma_start3A_27, %dma_start3A_28] : memref<16x160x125xi32, #tpu.memory_space<hbm>> -> memref<1x160x125xi32, #tpu.memory_space<hbm>>
    %dma_start3A_30 = tpu.memref_squeeze %dma_start3A_29 : memref<1x160x125xi32, #tpu.memory_space<hbm>> -> memref<160x125xi32, #tpu.memory_space<hbm>>
    %dma_start3A_31 = arith.constant 0 : i32
    %dma_start3A_32 = tpu.memref_slice %dma_start3A_30[%dma_start3A, %dma_start3A_31] : memref<160x125xi32, #tpu.memory_space<hbm>> -> memref<1x125xi32, #tpu.memory_space<hbm>>
    %dma_start3A_33 = tpu.memref_squeeze %dma_start3A_32 : memref<1x125xi32, #tpu.memory_space<hbm>> -> memref<125xi32, #tpu.memory_space<hbm>>
    %dma_start3A_34 = arith.constant 0 : i32
    %dma_start3A_35 = tpu.memref_slice %arg6[%dma_start3A_23, %dma_start3A_34] : memref<4x125xi32, #tpu.memory_space<vmem>> -> memref<1x125xi32, #tpu.memory_space<vmem>>
    %dma_start3A_36 = tpu.memref_squeeze %dma_start3A_35 : memref<1x125xi32, #tpu.memory_space<vmem>> -> memref<125xi32, #tpu.memory_space<vmem>>
    %dma_start3A_37 = arith.constant 0 : i32
    %dma_start3A_38 = arith.constant 0 : i32
    %dma_start3A_39 = tpu.memref_slice %arg3[%arg1, %dma_start3A_37, %dma_start3A_38] : memref<16x160x125xi32, #tpu.memory_space<hbm>> -> memref<1x160x125xi32, #tpu.memory_space<hbm>>
    %dma_start3A_40 = tpu.memref_squeeze %dma_start3A_39 : memref<1x160x125xi32, #tpu.memory_space<hbm>> -> memref<160x125xi32, #tpu.memory_space<hbm>>
    %dma_start3A_41 = arith.constant 0 : i32
    %dma_start3A_42 = tpu.memref_slice %dma_start3A_40[%dma_start3A, %dma_start3A_41] : memref<160x125xi32, #tpu.memory_space<hbm>> -> memref<1x125xi32, #tpu.memory_space<hbm>>
    %dma_start3A_43 = tpu.memref_squeeze %dma_start3A_42 : memref<1x125xi32, #tpu.memory_space<hbm>> -> memref<125xi32, #tpu.memory_space<hbm>>
    tpu.enqueue_dma source(%dma_start3A_43 : memref<125xi32, #tpu.memory_space<hbm>>) target(%dma_start3A_36 : memref<125xi32, #tpu.memory_space<vmem>>) target_semaphore(%arg15 : memref<!tpu.dma_semaphore, #tpu.memory_space<semaphore_mem>>)
    %dma_start3A_44 = arith.constant 0 : i32
    %dma_start3A_45 = arith.constant 0 : i32
    %dma_start3A_46 = arith.constant 0 : i32
    %dma_start3A_47 = tpu.memref_slice %arg7[%dma_start3A_45, %dma_start3A_46] : memref<4x125xi32, #tpu.memory_space<vmem>> -> memref<1x125xi32, #tpu.memory_space<vmem>>
    %dma_start3A_48 = tpu.memref_squeeze %dma_start3A_47 : memref<1x125xi32, #tpu.memory_space<vmem>> -> memref<125xi32, #tpu.memory_space<vmem>>
    %dma_start3A_49 = arith.constant 0 : i32
    %dma_start3A_50 = arith.constant 0 : i32
    %dma_start3A_51 = tpu.memref_slice %arg4[%arg1, %dma_start3A_49, %dma_start3A_50] : memref<16x160x125xi32, #tpu.memory_space<hbm>> -> memref<1x160x125xi32, #tpu.memory_space<hbm>>
    %dma_start3A_52 = tpu.memref_squeeze %dma_start3A_51 : memref<1x160x125xi32, #tpu.memory_space<hbm>> -> memref<160x125xi32, #tpu.memory_space<hbm>>
    %dma_start3A_53 = arith.constant 0 : i32
    %dma_start3A_54 = tpu.memref_slice %dma_start3A_52[%dma_start3A_44, %dma_start3A_53] : memref<160x125xi32, #tpu.memory_space<hbm>> -> memref<1x125xi32, #tpu.memory_space<hbm>>
    %dma_start3A_55 = tpu.memref_squeeze %dma_start3A_54 : memref<1x125xi32, #tpu.memory_space<hbm>> -> memref<125xi32, #tpu.memory_space<hbm>>
    %dma_start3A_56 = arith.constant 0 : i32
    %dma_start3A_57 = tpu.memref_slice %arg7[%dma_start3A_45, %dma_start3A_56] : memref<4x125xi32, #tpu.memory_space<vmem>> -> memref<1x125xi32, #tpu.memory_space<vmem>>
    %dma_start3A_58 = tpu.memref_squeeze %dma_start3A_57 : memref<1x125xi32, #tpu.memory_space<vmem>> -> memref<125xi32, #tpu.memory_space<vmem>>
    %dma_start3A_59 = arith.constant 0 : i32
    %dma_start3A_60 = arith.constant 0 : i32
    %dma_start3A_61 = tpu.memref_slice %arg4[%arg1, %dma_start3A_59, %dma_start3A_60] : memref<16x160x125xi32, #tpu.memory_space<hbm>> -> memref<1x160x125xi32, #tpu.memory_space<hbm>>
    %dma_start3A_62 = tpu.memref_squeeze %dma_start3A_61 : memref<1x160x125xi32, #tpu.memory_space<hbm>> -> memref<160x125xi32, #tpu.memory_space<hbm>>
    %dma_start3A_63 = arith.constant 0 : i32
    %dma_start3A_64 = tpu.memref_slice %dma_start3A_62[%dma_start3A_44, %dma_start3A_63] : memref<160x125xi32, #tpu.memory_space<hbm>> -> memref<1x125xi32, #tpu.memory_space<hbm>>
    %dma_start3A_65 = tpu.memref_squeeze %dma_start3A_64 : memref<1x125xi32, #tpu.memory_space<hbm>> -> memref<125xi32, #tpu.memory_space<hbm>>
    tpu.enqueue_dma source(%dma_start3A_65 : memref<125xi32, #tpu.memory_space<hbm>>) target(%dma_start3A_58 : memref<125xi32, #tpu.memory_space<vmem>>) target_semaphore(%arg15 : memref<!tpu.dma_semaphore, #tpu.memory_space<semaphore_mem>>)
    %dma_start3A_66 = arith.constant 1 : i32
    %dma_start3A_67 = arith.constant 1 : i32
    %dma_start3A_68 = arith.constant 0 : i32
    %dma_start3A_69 = tpu.memref_slice %arg6[%dma_start3A_67, %dma_start3A_68] : memref<4x125xi32, #tpu.memory_space<vmem>> -> memref<1x125xi32, #tpu.memory_space<vmem>>
    %dma_start3A_70 = tpu.memref_squeeze %dma_start3A_69 : memref<1x125xi32, #tpu.memory_space<vmem>> -> memref<125xi32, #tpu.memory_space<vmem>>
    %dma_start3A_71 = arith.constant 0 : i32
    %dma_start3A_72 = arith.constant 0 : i32
    %dma_start3A_73 = tpu.memref_slice %arg3[%arg1, %dma_start3A_71, %dma_start3A_72] : memref<16x160x125xi32, #tpu.memory_space<hbm>> -> memref<1x160x125xi32, #tpu.memory_space<hbm>>
    %dma_start3A_74 = tpu.memref_squeeze %dma_start3A_73 : memref<1x160x125xi32, #tpu.memory_space<hbm>> -> memref<160x125xi32, #tpu.memory_space<hbm>>
    %dma_start3A_75 = arith.constant 0 : i32
    %dma_start3A_76 = tpu.memref_slice %dma_start3A_74[%dma_start3A_66, %dma_start3A_75] : memref<160x125xi32, #tpu.memory_space<hbm>> -> memref<1x125xi32, #tpu.memory_space<hbm>>
    %dma_start3A_77 = tpu.memref_squeeze %dma_start3A_76 : memref<1x125xi32, #tpu.memory_space<hbm>> -> memref<125xi32, #tpu.memory_space<hbm>>
    %dma_start3A_78 = arith.constant 0 : i32
    %dma_start3A_79 = tpu.memref_slice %arg6[%dma_start3A_67, %dma_start3A_78] : memref<4x125xi32, #tpu.memory_space<vmem>> -> memref<1x125xi32, #tpu.memory_space<vmem>>
    %dma_start3A_80 = tpu.memref_squeeze %dma_start3A_79 : memref<1x125xi32, #tpu.memory_space<vmem>> -> memref<125xi32, #tpu.memory_space<vmem>>
    %dma_start3A_81 = arith.constant 0 : i32
    %dma_start3A_82 = arith.constant 0 : i32
    %dma_start3A_83 = tpu.memref_slice %arg3[%arg1, %dma_start3A_81, %dma_start3A_82] : memref<16x160x125xi32, #tpu.memory_space<hbm>> -> memref<1x160x125xi32, #tpu.memory_space<hbm>>
    %dma_start3A_84 = tpu.memref_squeeze %dma_start3A_83 : memref<1x160x125xi32, #tpu.memory_space<hbm>> -> memref<160x125xi32, #tpu.memory_space<hbm>>
    %dma_start3A_85 = arith.constant 0 : i32
    %dma_start3A_86 = tpu.memref_slice %dma_start3A_84[%dma_start3A_66, %dma_start3A_85] : memref<160x125xi32, #tpu.memory_space<hbm>> -> memref<1x125xi32, #tpu.memory_space<hbm>>
    %dma_start3A_87 = tpu.memref_squeeze %dma_start3A_86 : memref<1x125xi32, #tpu.memory_space<hbm>> -> memref<125xi32, #tpu.memory_space<hbm>>
    tpu.enqueue_dma source(%dma_start3A_87 : memref<125xi32, #tpu.memory_space<hbm>>) target(%dma_start3A_80 : memref<125xi32, #tpu.memory_space<vmem>>) target_semaphore(%arg16 : memref<!tpu.dma_semaphore, #tpu.memory_space<semaphore_mem>>)
    %dma_start3A_88 = arith.constant 1 : i32
    %dma_start3A_89 = arith.constant 1 : i32
    %dma_start3A_90 = arith.constant 0 : i32
    %dma_start3A_91 = tpu.memref_slice %arg7[%dma_start3A_89, %dma_start3A_90] : memref<4x125xi32, #tpu.memory_space<vmem>> -> memref<1x125xi32, #tpu.memory_space<vmem>>
    %dma_start3A_92 = tpu.memref_squeeze %dma_start3A_91 : memref<1x125xi32, #tpu.memory_space<vmem>> -> memref<125xi32, #tpu.memory_space<vmem>>
    %dma_start3A_93 = arith.constant 0 : i32
    %dma_start3A_94 = arith.constant 0 : i32
    %dma_start3A_95 = tpu.memref_slice %arg4[%arg1, %dma_start3A_93, %dma_start3A_94] : memref<16x160x125xi32, #tpu.memory_space<hbm>> -> memref<1x160x125xi32, #tpu.memory_space<hbm>>
    %dma_start3A_96 = tpu.memref_squeeze %dma_start3A_95 : memref<1x160x125xi32, #tpu.memory_space<hbm>> -> memref<160x125xi32, #tpu.memory_space<hbm>>
    %dma_start3A_97 = arith.constant 0 : i32
    %dma_start3A_98 = tpu.memref_slice %dma_start3A_96[%dma_start3A_88, %dma_start3A_97] : memref<160x125xi32, #tpu.memory_space<hbm>> -> memref<1x125xi32, #tpu.memory_space<hbm>>
    %dma_start3A_99 = tpu.memref_squeeze %dma_start3A_98 : memref<1x125xi32, #tpu.memory_space<hbm>> -> memref<125xi32, #tpu.memory_space<hbm>>
    %dma_start3A_100 = arith.constant 0 : i32
    %dma_start3A_101 = tpu.memref_slice %arg7[%dma_start3A_89, %dma_start3A_100] : memref<4x125xi32, #tpu.memory_space<vmem>> -> memref<1x125xi32, #tpu.memory_space<vmem>>
    %dma_start3A_102 = tpu.memref_squeeze %dma_start3A_101 : memref<1x125xi32, #tpu.memory_space<vmem>> -> memref<125xi32, #tpu.memory_space<vmem>>
    %dma_start3A_103 = arith.constant 0 : i32
    %dma_start3A_104 = arith.constant 0 : i32
    %dma_start3A_105 = tpu.memref_slice %arg4[%arg1, %dma_start3A_103, %dma_start3A_104] : memref<16x160x125xi32, #tpu.memory_space<hbm>> -> memref<1x160x125xi32, #tpu.memory_space<hbm>>
    %dma_start3A_106 = tpu.memref_squeeze %dma_start3A_105 : memref<1x160x125xi32, #tpu.memory_space<hbm>> -> memref<160x125xi32, #tpu.memory_space<hbm>>
    %dma_start3A_107 = arith.constant 0 : i32
    %dma_start3A_108 = tpu.memref_slice %dma_start3A_106[%dma_start3A_88, %dma_start3A_107] : memref<160x125xi32, #tpu.memory_space<hbm>> -> memref<1x125xi32, #tpu.memory_space<hbm>>
    %dma_start3A_109 = tpu.memref_squeeze %dma_start3A_108 : memref<1x125xi32, #tpu.memory_space<hbm>> -> memref<125xi32, #tpu.memory_space<hbm>>
    tpu.enqueue_dma source(%dma_start3A_109 : memref<125xi32, #tpu.memory_space<hbm>>) target(%dma_start3A_102 : memref<125xi32, #tpu.memory_space<vmem>>) target_semaphore(%arg16 : memref<!tpu.dma_semaphore, #tpu.memory_space<semaphore_mem>>)
    %dma_start3A_110 = arith.constant 2 : i32
    %dma_start3A_111 = arith.constant 2 : i32
    %dma_start3A_112 = arith.constant 0 : i32
    %dma_start3A_113 = tpu.memref_slice %arg6[%dma_start3A_111, %dma_start3A_112] : memref<4x125xi32, #tpu.memory_space<vmem>> -> memref<1x125xi32, #tpu.memory_space<vmem>>
    %dma_start3A_114 = tpu.memref_squeeze %dma_start3A_113 : memref<1x125xi32, #tpu.memory_space<vmem>> -> memref<125xi32, #tpu.memory_space<vmem>>
    %dma_start3A_115 = arith.constant 0 : i32
    %dma_start3A_116 = arith.constant 0 : i32
    %dma_start3A_117 = tpu.memref_slice %arg3[%arg1, %dma_start3A_115, %dma_start3A_116] : memref<16x160x125xi32, #tpu.memory_space<hbm>> -> memref<1x160x125xi32, #tpu.memory_space<hbm>>
    %dma_start3A_118 = tpu.memref_squeeze %dma_start3A_117 : memref<1x160x125xi32, #tpu.memory_space<hbm>> -> memref<160x125xi32, #tpu.memory_space<hbm>>
    %dma_start3A_119 = arith.constant 0 : i32
    %dma_start3A_120 = tpu.memref_slice %dma_start3A_118[%dma_start3A_110, %dma_start3A_119] : memref<160x125xi32, #tpu.memory_space<hbm>> -> memref<1x125xi32, #tpu.memory_space<hbm>>
    %dma_start3A_121 = tpu.memref_squeeze %dma_start3A_120 : memref<1x125xi32, #tpu.memory_space<hbm>> -> memref<125xi32, #tpu.memory_space<hbm>>
    %dma_start3A_122 = arith.constant 0 : i32
    %dma_start3A_123 = tpu.memref_slice %arg6[%dma_start3A_111, %dma_start3A_122] : memref<4x125xi32, #tpu.memory_space<vmem>> -> memref<1x125xi32, #tpu.memory_space<vmem>>
    %dma_start3A_124 = tpu.memref_squeeze %dma_start3A_123 : memref<1x125xi32, #tpu.memory_space<vmem>> -> memref<125xi32, #tpu.memory_space<vmem>>
    %dma_start3A_125 = arith.constant 0 : i32
    %dma_start3A_126 = arith.constant 0 : i32
    %dma_start3A_127 = tpu.memref_slice %arg3[%arg1, %dma_start3A_125, %dma_start3A_126] : memref<16x160x125xi32, #tpu.memory_space<hbm>> -> memref<1x160x125xi32, #tpu.memory_space<hbm>>
    %dma_start3A_128 = tpu.memref_squeeze %dma_start3A_127 : memref<1x160x125xi32, #tpu.memory_space<hbm>> -> memref<160x125xi32, #tpu.memory_space<hbm>>
    %dma_start3A_129 = arith.constant 0 : i32
    %dma_start3A_130 = tpu.memref_slice %dma_start3A_128[%dma_start3A_110, %dma_start3A_129] : memref<160x125xi32, #tpu.memory_space<hbm>> -> memref<1x125xi32, #tpu.memory_space<hbm>>
    %dma_start3A_131 = tpu.memref_squeeze %dma_start3A_130 : memref<1x125xi32, #tpu.memory_space<hbm>> -> memref<125xi32, #tpu.memory_space<hbm>>
    tpu.enqueue_dma source(%dma_start3A_131 : memref<125xi32, #tpu.memory_space<hbm>>) target(%dma_start3A_124 : memref<125xi32, #tpu.memory_space<vmem>>) target_semaphore(%arg17 : memref<!tpu.dma_semaphore, #tpu.memory_space<semaphore_mem>>)
    %dma_start3A_132 = arith.constant 2 : i32
    %dma_start3A_133 = arith.constant 2 : i32
    %dma_start3A_134 = arith.constant 0 : i32
    %dma_start3A_135 = tpu.memref_slice %arg7[%dma_start3A_133, %dma_start3A_134] : memref<4x125xi32, #tpu.memory_space<vmem>> -> memref<1x125xi32, #tpu.memory_space<vmem>>
    %dma_start3A_136 = tpu.memref_squeeze %dma_start3A_135 : memref<1x125xi32, #tpu.memory_space<vmem>> -> memref<125xi32, #tpu.memory_space<vmem>>
    %dma_start3A_137 = arith.constant 0 : i32
    %dma_start3A_138 = arith.constant 0 : i32
    %dma_start3A_139 = tpu.memref_slice %arg4[%arg1, %dma_start3A_137, %dma_start3A_138] : memref<16x160x125xi32, #tpu.memory_space<hbm>> -> memref<1x160x125xi32, #tpu.memory_space<hbm>>
    %dma_start3A_140 = tpu.memref_squeeze %dma_start3A_139 : memref<1x160x125xi32, #tpu.memory_space<hbm>> -> memref<160x125xi32, #tpu.memory_space<hbm>>
    %dma_start3A_141 = arith.constant 0 : i32
    %dma_start3A_142 = tpu.memref_slice %dma_start3A_140[%dma_start3A_132, %dma_start3A_141] : memref<160x125xi32, #tpu.memory_space<hbm>> -> memref<1x125xi32, #tpu.memory_space<hbm>>
    %dma_start3A_143 = tpu.memref_squeeze %dma_start3A_142 : memref<1x125xi32, #tpu.memory_space<hbm>> -> memref<125xi32, #tpu.memory_space<hbm>>
    %dma_start3A_144 = arith.constant 0 : i32
    %dma_start3A_145 = tpu.memref_slice %arg7[%dma_start3A_133, %dma_start3A_144] : memref<4x125xi32, #tpu.memory_space<vmem>> -> memref<1x125xi32, #tpu.memory_space<vmem>>
    %dma_start3A_146 = tpu.memref_squeeze %dma_start3A_145 : memref<1x125xi32, #tpu.memory_space<vmem>> -> memref<125xi32, #tpu.memory_space<vmem>>
    %dma_start3A_147 = arith.constant 0 : i32
    %dma_start3A_148 = arith.constant 0 : i32
    %dma_start3A_149 = tpu.memref_slice %arg4[%arg1, %dma_start3A_147, %dma_start3A_148] : memref<16x160x125xi32, #tpu.memory_space<hbm>> -> memref<1x160x125xi32, #tpu.memory_space<hbm>>
    %dma_start3A_150 = tpu.memref_squeeze %dma_start3A_149 : memref<1x160x125xi32, #tpu.memory_space<hbm>> -> memref<160x125xi32, #tpu.memory_space<hbm>>
    %dma_start3A_151 = arith.constant 0 : i32
    %dma_start3A_152 = tpu.memref_slice %dma_start3A_150[%dma_start3A_132, %dma_start3A_151] : memref<160x125xi32, #tpu.memory_space<hbm>> -> memref<1x125xi32, #tpu.memory_space<hbm>>
    %dma_start3A_153 = tpu.memref_squeeze %dma_start3A_152 : memref<1x125xi32, #tpu.memory_space<hbm>> -> memref<125xi32, #tpu.memory_space<hbm>>
    tpu.enqueue_dma source(%dma_start3A_153 : memref<125xi32, #tpu.memory_space<hbm>>) target(%dma_start3A_146 : memref<125xi32, #tpu.memory_space<vmem>>) target_semaphore(%arg17 : memref<!tpu.dma_semaphore, #tpu.memory_space<semaphore_mem>>)
    %dma_wait3A = arith.constant 0 : i32
    %dma_wait3A_154 = arith.constant 0 : i32
    %dma_wait3A_155 = arith.constant 0 : i32
    %dma_wait3A_156 = tpu.memref_slice %arg6[%dma_wait3A_154, %dma_wait3A_155] : memref<4x125xi32, #tpu.memory_space<vmem>> -> memref<1x125xi32, #tpu.memory_space<vmem>>
    %dma_wait3A_157 = tpu.memref_squeeze %dma_wait3A_156 : memref<1x125xi32, #tpu.memory_space<vmem>> -> memref<125xi32, #tpu.memory_space<vmem>>
    %dma_wait3A_158 = arith.constant 0 : i32
    %dma_wait3A_159 = arith.constant 0 : i32
    %dma_wait3A_160 = tpu.memref_slice %arg3[%arg1, %dma_wait3A_158, %dma_wait3A_159] : memref<16x160x125xi32, #tpu.memory_space<hbm>> -> memref<1x160x125xi32, #tpu.memory_space<hbm>>
    %dma_wait3A_161 = tpu.memref_squeeze %dma_wait3A_160 : memref<1x160x125xi32, #tpu.memory_space<hbm>> -> memref<160x125xi32, #tpu.memory_space<hbm>>
    %dma_wait3A_162 = arith.constant 0 : i32
    %dma_wait3A_163 = tpu.memref_slice %dma_wait3A_161[%dma_wait3A, %dma_wait3A_162] : memref<160x125xi32, #tpu.memory_space<hbm>> -> memref<1x125xi32, #tpu.memory_space<hbm>>
    %dma_wait3A_164 = tpu.memref_squeeze %dma_wait3A_163 : memref<1x125xi32, #tpu.memory_space<hbm>> -> memref<125xi32, #tpu.memory_space<hbm>>
    %dma_wait3A_165 = arith.constant 0 : i32
    %dma_wait3A_166 = tpu.memref_slice %arg6[%dma_wait3A_154, %dma_wait3A_165] : memref<4x125xi32, #tpu.memory_space<vmem>> -> memref<1x125xi32, #tpu.memory_space<vmem>>
    %dma_wait3A_167 = tpu.memref_squeeze %dma_wait3A_166 : memref<1x125xi32, #tpu.memory_space<vmem>> -> memref<125xi32, #tpu.memory_space<vmem>>
    %dma_wait3A_168 = arith.constant 0 : i32
    %dma_wait3A_169 = arith.constant 0 : i32
    %dma_wait3A_170 = tpu.memref_slice %arg3[%arg1, %dma_wait3A_168, %dma_wait3A_169] : memref<16x160x125xi32, #tpu.memory_space<hbm>> -> memref<1x160x125xi32, #tpu.memory_space<hbm>>
    %dma_wait3A_171 = tpu.memref_squeeze %dma_wait3A_170 : memref<1x160x125xi32, #tpu.memory_space<hbm>> -> memref<160x125xi32, #tpu.memory_space<hbm>>
    %dma_wait3A_172 = arith.constant 0 : i32
    %dma_wait3A_173 = tpu.memref_slice %dma_wait3A_171[%dma_wait3A, %dma_wait3A_172] : memref<160x125xi32, #tpu.memory_space<hbm>> -> memref<1x125xi32, #tpu.memory_space<hbm>>
    %dma_wait3A_174 = tpu.memref_squeeze %dma_wait3A_173 : memref<1x125xi32, #tpu.memory_space<hbm>> -> memref<125xi32, #tpu.memory_space<hbm>>
    tpu.wait_dma2 semaphore(%arg15 : memref<!tpu.dma_semaphore, #tpu.memory_space<semaphore_mem>>) src(%dma_wait3A_174 : memref<125xi32, #tpu.memory_space<hbm>>) dst(%dma_wait3A_167 : memref<125xi32, #tpu.memory_space<vmem>>)
    %dma_wait3A_175 = arith.constant 0 : i32
    %dma_wait3A_176 = arith.constant 0 : i32
    %dma_wait3A_177 = arith.constant 0 : i32
    %dma_wait3A_178 = tpu.memref_slice %arg7[%dma_wait3A_176, %dma_wait3A_177] : memref<4x125xi32, #tpu.memory_space<vmem>> -> memref<1x125xi32, #tpu.memory_space<vmem>>
    %dma_wait3A_179 = tpu.memref_squeeze %dma_wait3A_178 : memref<1x125xi32, #tpu.memory_space<vmem>> -> memref<125xi32, #tpu.memory_space<vmem>>
    %dma_wait3A_180 = arith.constant 0 : i32
    %dma_wait3A_181 = arith.constant 0 : i32
    %dma_wait3A_182 = tpu.memref_slice %arg4[%arg1, %dma_wait3A_180, %dma_wait3A_181] : memref<16x160x125xi32, #tpu.memory_space<hbm>> -> memref<1x160x125xi32, #tpu.memory_space<hbm>>
    %dma_wait3A_183 = tpu.memref_squeeze %dma_wait3A_182 : memref<1x160x125xi32, #tpu.memory_space<hbm>> -> memref<160x125xi32, #tpu.memory_space<hbm>>
    %dma_wait3A_184 = arith.constant 0 : i32
    %dma_wait3A_185 = tpu.memref_slice %dma_wait3A_183[%dma_wait3A_175, %dma_wait3A_184] : memref<160x125xi32, #tpu.memory_space<hbm>> -> memref<1x125xi32, #tpu.memory_space<hbm>>
    %dma_wait3A_186 = tpu.memref_squeeze %dma_wait3A_185 : memref<1x125xi32, #tpu.memory_space<hbm>> -> memref<125xi32, #tpu.memory_space<hbm>>
    %dma_wait3A_187 = arith.constant 0 : i32
    %dma_wait3A_188 = tpu.memref_slice %arg7[%dma_wait3A_176, %dma_wait3A_187] : memref<4x125xi32, #tpu.memory_space<vmem>> -> memref<1x125xi32, #tpu.memory_space<vmem>>
    %dma_wait3A_189 = tpu.memref_squeeze %dma_wait3A_188 : memref<1x125xi32, #tpu.memory_space<vmem>> -> memref<125xi32, #tpu.memory_space<vmem>>
    %dma_wait3A_190 = arith.constant 0 : i32
    %dma_wait3A_191 = arith.constant 0 : i32
    %dma_wait3A_192 = tpu.memref_slice %arg4[%arg1, %dma_wait3A_190, %dma_wait3A_191] : memref<16x160x125xi32, #tpu.memory_space<hbm>> -> memref<1x160x125xi32, #tpu.memory_space<hbm>>
    %dma_wait3A_193 = tpu.memref_squeeze %dma_wait3A_192 : memref<1x160x125xi32, #tpu.memory_space<hbm>> -> memref<160x125xi32, #tpu.memory_space<hbm>>
    %dma_wait3A_194 = arith.constant 0 : i32
    %dma_wait3A_195 = tpu.memref_slice %dma_wait3A_193[%dma_wait3A_175, %dma_wait3A_194] : memref<160x125xi32, #tpu.memory_space<hbm>> -> memref<1x125xi32, #tpu.memory_space<hbm>>
    %dma_wait3A_196 = tpu.memref_squeeze %dma_wait3A_195 : memref<1x125xi32, #tpu.memory_space<hbm>> -> memref<125xi32, #tpu.memory_space<hbm>>
    tpu.wait_dma2 semaphore(%arg15 : memref<!tpu.dma_semaphore, #tpu.memory_space<semaphore_mem>>) src(%dma_wait3A_196 : memref<125xi32, #tpu.memory_space<hbm>>) dst(%dma_wait3A_189 : memref<125xi32, #tpu.memory_space<vmem>>)
    %dma_start3A_197 = arith.constant 0 : i32
    %dma_start3A_198 = arith.constant 0 : i32
    %dma_start3A_199 = tpu.memref_slice %arg6[%dma_start3A_197, %dma_start3A_198] : memref<4x125xi32, #tpu.memory_space<vmem>> -> memref<1x125xi32, #tpu.memory_space<vmem>>
    %dma_start3A_200 = tpu.memref_squeeze %dma_start3A_199 : memref<1x125xi32, #tpu.memory_space<vmem>> -> memref<125xi32, #tpu.memory_space<vmem>>
    %dma_start3A_201 = arith.constant 0 : i32
    %dma_start3A_202 = arith.constant 0 : i32
    %dma_start3A_203 = tpu.memref_slice %arg2[%dma_start3A_201, %dma_start3A_202] : memref<10000x128xf32, #tpu.memory_space<hbm>> -> memref<10000x128xf32, #tpu.memory_space<hbm>>
    tpu.enqueue_indirect_dma source(%dma_start3A_203 : memref<10000x128xf32, #tpu.memory_space<hbm>>) target(%arg8 : memref<125x128xf32, #tpu.memory_space<vmem>>) offsets(%dma_start3A_200 : memref<125xi32, #tpu.memory_space<vmem>>) semaphore(%arg11 : memref<!tpu.dma_semaphore, #tpu.memory_space<semaphore_mem>>)
    %scan3A_204 = arith.constant 0 : i32
    %scan3A_205 = arith.constant 0 : i32
    %scan3A_206 = arith.constant 40 : i32
    %scan3A_207 = arith.addi %scan3A_205, %scan3A_206 : i32
    %scan3A_208 = arith.constant 1 : i32
    %scan3A_209 = scf.for %scan3A_224 = %scan3A_205 to %scan3A_207 step %scan3A_208 iter_args(%scan3A_225 = %scan3A_204) -> (i32)  : i32 {
      %mul3A_226 = arith.constant 4 : i32
      %mul3A_227 = arith.muli %mul3A_226, %scan3A_224 : i32
      %add3A_228 = arith.constant 0 : i32
      %add3A_229 = arith.addi %mul3A_227, %add3A_228 : i32
      %dma_wait3A_230 = arith.constant 0 : i32
      %dma_wait3A_231 = arith.constant 0 : i32
      %dma_wait3A_232 = tpu.memref_slice %arg6[%dma_wait3A_230, %dma_wait3A_231] : memref<4x125xi32, #tpu.memory_space<vmem>> -> memref<1x125xi32, #tpu.memory_space<vmem>>
      %dma_wait3A_233 = tpu.memref_squeeze %dma_wait3A_232 : memref<1x125xi32, #tpu.memory_space<vmem>> -> memref<125xi32, #tpu.memory_space<vmem>>
      %dma_wait3A_234 = arith.constant 0 : i32
      %dma_wait3A_235 = arith.constant 0 : i32
      %dma_wait3A_236 = tpu.memref_slice %arg2[%dma_wait3A_234, %dma_wait3A_235] : memref<10000x128xf32, #tpu.memory_space<hbm>> -> memref<10000x128xf32, #tpu.memory_space<hbm>>
      tpu.wait_indirect_dma semaphore(%arg11 : memref<!tpu.dma_semaphore, #tpu.memory_space<semaphore_mem>>) src(%dma_wait3A_236 : memref<10000x128xf32, #tpu.memory_space<hbm>>) dst(%arg8 : memref<125x128xf32, #tpu.memory_space<vmem>>)
      %dma_start3A_237 = arith.constant 0 : i32
      %dma_start3A_238 = arith.constant 0 : i32
      %dma_start3A_239 = tpu.memref_slice %arg7[%dma_start3A_237, %dma_start3A_238] : memref<4x125xi32, #tpu.memory_space<vmem>> -> memref<1x125xi32, #tpu.memory_space<vmem>>
      %dma_start3A_240 = tpu.memref_squeeze %dma_start3A_239 : memref<1x125xi32, #tpu.memory_space<vmem>> -> memref<125xi32, #tpu.memory_space<vmem>>
      %dma_start3A_241 = arith.constant 0 : i32
      %dma_start3A_242 = arith.constant 0 : i32
      %dma_start3A_243 = tpu.memref_slice %arg10[%dma_start3A_241, %dma_start3A_242] : memref<10000x128xf32, #tpu.memory_space<vmem_shared>> -> memref<10000x128xf32, #tpu.memory_space<vmem_shared>>
      tpu.enqueue_indirect_dma source(%arg8 : memref<125x128xf32, #tpu.memory_space<vmem>>) target(%dma_start3A_243 : memref<10000x128xf32, #tpu.memory_space<vmem_shared>>) offsets(%dma_start3A_240 : memref<125xi32, #tpu.memory_space<vmem>>) semaphore(%arg13 : memref<!tpu.dma_semaphore, #tpu.memory_space<semaphore_mem>>) {add = true}
      %ge3A = arith.constant 1 : i32
      %ge3A_244 = arith.cmpi sge, %add3A_229, %ge3A : i32
      %convert_element_type3A_245 = arith.extui %ge3A_244 : i1 to i32
      %cond3A_246 = arith.constant 0 : i32
      %cond3A_247 = arith.cmpi ne, %convert_element_type3A_245, %cond3A_246 : i32
      scf.if %cond3A_247 {
        %dma_wait3A_373 = arith.constant 3 : i32
        %dma_wait3A_374 = arith.constant 0 : i32
        %dma_wait3A_375 = tpu.memref_slice %arg7[%dma_wait3A_373, %dma_wait3A_374] : memref<4x125xi32, #tpu.memory_space<vmem>> -> memref<1x125xi32, #tpu.memory_space<vmem>>
        %dma_wait3A_376 = tpu.memref_squeeze %dma_wait3A_375 : memref<1x125xi32, #tpu.memory_space<vmem>> -> memref<125xi32, #tpu.memory_space<vmem>>
        %dma_wait3A_377 = arith.constant 0 : i32
        %dma_wait3A_378 = arith.constant 0 : i32
        %dma_wait3A_379 = tpu.memref_slice %arg10[%dma_wait3A_377, %dma_wait3A_378] : memref<10000x128xf32, #tpu.memory_space<vmem_shared>> -> memref<10000x128xf32, #tpu.memory_space<vmem_shared>>
        tpu.wait_indirect_dma semaphore(%arg14 : memref<!tpu.dma_semaphore, #tpu.memory_space<semaphore_mem>>) src(%arg9 : memref<125x128xf32, #tpu.memory_space<vmem>>) dst(%dma_wait3A_379 : memref<10000x128xf32, #tpu.memory_space<vmem_shared>>)
      } else {
      }
      %add3A_248 = arith.constant 3 : i32
      %add3A_249 = arith.addi %add3A_229, %add3A_248 : i32
      %lt3A = arith.constant 160 : i32
      %lt3A_250 = arith.cmpi slt, %add3A_249, %lt3A : i32
      %convert_element_type3A_251 = arith.extui %lt3A_250 : i1 to i32
      %cond3A_252 = arith.constant 0 : i32
      %cond3A_253 = arith.cmpi ne, %convert_element_type3A_251, %cond3A_252 : i32
      scf.if %cond3A_253 {
        %add3A_373 = arith.constant 3 : i32
        %add3A_374 = arith.addi %add3A_229, %add3A_373 : i32
        %dma_start3A_375 = arith.constant 3 : i32
        %dma_start3A_376 = arith.constant 0 : i32
        %dma_start3A_377 = tpu.memref_slice %arg6[%dma_start3A_375, %dma_start3A_376] : memref<4x125xi32, #tpu.memory_space<vmem>> -> memref<1x125xi32, #tpu.memory_space<vmem>>
        %dma_start3A_378 = tpu.memref_squeeze %dma_start3A_377 : memref<1x125xi32, #tpu.memory_space<vmem>> -> memref<125xi32, #tpu.memory_space<vmem>>
        %dma_start3A_379 = arith.constant 0 : i32
        %dma_start3A_380 = arith.constant 0 : i32
        %dma_start3A_381 = tpu.memref_slice %arg3[%arg1, %dma_start3A_379, %dma_start3A_380] : memref<16x160x125xi32, #tpu.memory_space<hbm>> -> memref<1x160x125xi32, #tpu.memory_space<hbm>>
        %dma_start3A_382 = tpu.memref_squeeze %dma_start3A_381 : memref<1x160x125xi32, #tpu.memory_space<hbm>> -> memref<160x125xi32, #tpu.memory_space<hbm>>
        %dma_start3A_383 = arith.constant 0 : i32
        %dma_start3A_384 = tpu.memref_slice %dma_start3A_382[%add3A_374, %dma_start3A_383] : memref<160x125xi32, #tpu.memory_space<hbm>> -> memref<1x125xi32, #tpu.memory_space<hbm>>
        %dma_start3A_385 = tpu.memref_squeeze %dma_start3A_384 : memref<1x125xi32, #tpu.memory_space<hbm>> -> memref<125xi32, #tpu.memory_space<hbm>>
        %dma_start3A_386 = arith.constant 0 : i32
        %dma_start3A_387 = tpu.memref_slice %arg6[%dma_start3A_375, %dma_start3A_386] : memref<4x125xi32, #tpu.memory_space<vmem>> -> memref<1x125xi32, #tpu.memory_space<vmem>>
        %dma_start3A_388 = tpu.memref_squeeze %dma_start3A_387 : memref<1x125xi32, #tpu.memory_space<vmem>> -> memref<125xi32, #tpu.memory_space<vmem>>
        %dma_start3A_389 = arith.constant 0 : i32
        %dma_start3A_390 = arith.constant 0 : i32
        %dma_start3A_391 = tpu.memref_slice %arg3[%arg1, %dma_start3A_389, %dma_start3A_390] : memref<16x160x125xi32, #tpu.memory_space<hbm>> -> memref<1x160x125xi32, #tpu.memory_space<hbm>>
        %dma_start3A_392 = tpu.memref_squeeze %dma_start3A_391 : memref<1x160x125xi32, #tpu.memory_space<hbm>> -> memref<160x125xi32, #tpu.memory_space<hbm>>
        %dma_start3A_393 = arith.constant 0 : i32
        %dma_start3A_394 = tpu.memref_slice %dma_start3A_392[%add3A_374, %dma_start3A_393] : memref<160x125xi32, #tpu.memory_space<hbm>> -> memref<1x125xi32, #tpu.memory_space<hbm>>
        %dma_start3A_395 = tpu.memref_squeeze %dma_start3A_394 : memref<1x125xi32, #tpu.memory_space<hbm>> -> memref<125xi32, #tpu.memory_space<hbm>>
        tpu.enqueue_dma source(%dma_start3A_395 : memref<125xi32, #tpu.memory_space<hbm>>) target(%dma_start3A_388 : memref<125xi32, #tpu.memory_space<vmem>>) target_semaphore(%arg18 : memref<!tpu.dma_semaphore, #tpu.memory_space<semaphore_mem>>)
        %dma_start3A_396 = arith.constant 3 : i32
        %dma_start3A_397 = arith.constant 0 : i32
        %dma_start3A_398 = tpu.memref_slice %arg7[%dma_start3A_396, %dma_start3A_397] : memref<4x125xi32, #tpu.memory_space<vmem>> -> memref<1x125xi32, #tpu.memory_space<vmem>>
        %dma_start3A_399 = tpu.memref_squeeze %dma_start3A_398 : memref<1x125xi32, #tpu.memory_space<vmem>> -> memref<125xi32, #tpu.memory_space<vmem>>
        %dma_start3A_400 = arith.constant 0 : i32
        %dma_start3A_401 = arith.constant 0 : i32
        %dma_start3A_402 = tpu.memref_slice %arg4[%arg1, %dma_start3A_400, %dma_start3A_401] : memref<16x160x125xi32, #tpu.memory_space<hbm>> -> memref<1x160x125xi32, #tpu.memory_space<hbm>>
        %dma_start3A_403 = tpu.memref_squeeze %dma_start3A_402 : memref<1x160x125xi32, #tpu.memory_space<hbm>> -> memref<160x125xi32, #tpu.memory_space<hbm>>
        %dma_start3A_404 = arith.constant 0 : i32
        %dma_start3A_405 = tpu.memref_slice %dma_start3A_403[%add3A_374, %dma_start3A_404] : memref<160x125xi32, #tpu.memory_space<hbm>> -> memref<1x125xi32, #tpu.memory_space<hbm>>
        %dma_start3A_406 = tpu.memref_squeeze %dma_start3A_405 : memref<1x125xi32, #tpu.memory_space<hbm>> -> memref<125xi32, #tpu.memory_space<hbm>>
        %dma_start3A_407 = arith.constant 0 : i32
        %dma_start3A_408 = tpu.memref_slice %arg7[%dma_start3A_396, %dma_start3A_407] : memref<4x125xi32, #tpu.memory_space<vmem>> -> memref<1x125xi32, #tpu.memory_space<vmem>>
        %dma_start3A_409 = tpu.memref_squeeze %dma_start3A_408 : memref<1x125xi32, #tpu.memory_space<vmem>> -> memref<125xi32, #tpu.memory_space<vmem>>
        %dma_start3A_410 = arith.constant 0 : i32
        %dma_start3A_411 = arith.constant 0 : i32
        %dma_start3A_412 = tpu.memref_slice %arg4[%arg1, %dma_start3A_410, %dma_start3A_411] : memref<16x160x125xi32, #tpu.memory_space<hbm>> -> memref<1x160x125xi32, #tpu.memory_space<hbm>>
        %dma_start3A_413 = tpu.memref_squeeze %dma_start3A_412 : memref<1x160x125xi32, #tpu.memory_space<hbm>> -> memref<160x125xi32, #tpu.memory_space<hbm>>
        %dma_start3A_414 = arith.constant 0 : i32
        %dma_start3A_415 = tpu.memref_slice %dma_start3A_413[%add3A_374, %dma_start3A_414] : memref<160x125xi32, #tpu.memory_space<hbm>> -> memref<1x125xi32, #tpu.memory_space<hbm>>
        %dma_start3A_416 = tpu.memref_squeeze %dma_start3A_415 : memref<1x125xi32, #tpu.memory_space<hbm>> -> memref<125xi32, #tpu.memory_space<hbm>>
        tpu.enqueue_dma source(%dma_start3A_416 : memref<125xi32, #tpu.memory_space<hbm>>) target(%dma_start3A_409 : memref<125xi32, #tpu.memory_space<vmem>>) target_semaphore(%arg18 : memref<!tpu.dma_semaphore, #tpu.memory_space<semaphore_mem>>)
      } else {
      }
      %add3A_254 = arith.constant 1 : i32
      %add3A_255 = arith.addi %add3A_229, %add3A_254 : i32
      %lt3A_256 = arith.constant 160 : i32
      %lt3A_257 = arith.cmpi slt, %add3A_255, %lt3A_256 : i32
      %convert_element_type3A_258 = arith.extui %lt3A_257 : i1 to i32
      %cond3A_259 = arith.constant 0 : i32
      %cond3A_260 = arith.cmpi ne, %convert_element_type3A_258, %cond3A_259 : i32
      scf.if %cond3A_260 {
        %dma_wait3A_373 = arith.constant 0 : i32
        %dma_wait3A_374 = arith.constant 1 : i32
        %dma_wait3A_375 = arith.constant 0 : i32
        %dma_wait3A_376 = tpu.memref_slice %arg6[%dma_wait3A_374, %dma_wait3A_375] : memref<4x125xi32, #tpu.memory_space<vmem>> -> memref<1x125xi32, #tpu.memory_space<vmem>>
        %dma_wait3A_377 = tpu.memref_squeeze %dma_wait3A_376 : memref<1x125xi32, #tpu.memory_space<vmem>> -> memref<125xi32, #tpu.memory_space<vmem>>
        %dma_wait3A_378 = arith.constant 0 : i32
        %dma_wait3A_379 = arith.constant 0 : i32
        %dma_wait3A_380 = tpu.memref_slice %arg3[%arg1, %dma_wait3A_378, %dma_wait3A_379] : memref<16x160x125xi32, #tpu.memory_space<hbm>> -> memref<1x160x125xi32, #tpu.memory_space<hbm>>
        %dma_wait3A_381 = tpu.memref_squeeze %dma_wait3A_380 : memref<1x160x125xi32, #tpu.memory_space<hbm>> -> memref<160x125xi32, #tpu.memory_space<hbm>>
        %dma_wait3A_382 = arith.constant 0 : i32
        %dma_wait3A_383 = tpu.memref_slice %dma_wait3A_381[%dma_wait3A_373, %dma_wait3A_382] : memref<160x125xi32, #tpu.memory_space<hbm>> -> memref<1x125xi32, #tpu.memory_space<hbm>>
        %dma_wait3A_384 = tpu.memref_squeeze %dma_wait3A_383 : memref<1x125xi32, #tpu.memory_space<hbm>> -> memref<125xi32, #tpu.memory_space<hbm>>
        %dma_wait3A_385 = arith.constant 0 : i32
        %dma_wait3A_386 = tpu.memref_slice %arg6[%dma_wait3A_374, %dma_wait3A_385] : memref<4x125xi32, #tpu.memory_space<vmem>> -> memref<1x125xi32, #tpu.memory_space<vmem>>
        %dma_wait3A_387 = tpu.memref_squeeze %dma_wait3A_386 : memref<1x125xi32, #tpu.memory_space<vmem>> -> memref<125xi32, #tpu.memory_space<vmem>>
        %dma_wait3A_388 = arith.constant 0 : i32
        %dma_wait3A_389 = arith.constant 0 : i32
        %dma_wait3A_390 = tpu.memref_slice %arg3[%arg1, %dma_wait3A_388, %dma_wait3A_389] : memref<16x160x125xi32, #tpu.memory_space<hbm>> -> memref<1x160x125xi32, #tpu.memory_space<hbm>>
        %dma_wait3A_391 = tpu.memref_squeeze %dma_wait3A_390 : memref<1x160x125xi32, #tpu.memory_space<hbm>> -> memref<160x125xi32, #tpu.memory_space<hbm>>
        %dma_wait3A_392 = arith.constant 0 : i32
        %dma_wait3A_393 = tpu.memref_slice %dma_wait3A_391[%dma_wait3A_373, %dma_wait3A_392] : memref<160x125xi32, #tpu.memory_space<hbm>> -> memref<1x125xi32, #tpu.memory_space<hbm>>
        %dma_wait3A_394 = tpu.memref_squeeze %dma_wait3A_393 : memref<1x125xi32, #tpu.memory_space<hbm>> -> memref<125xi32, #tpu.memory_space<hbm>>
        tpu.wait_dma2 semaphore(%arg16 : memref<!tpu.dma_semaphore, #tpu.memory_space<semaphore_mem>>) src(%dma_wait3A_394 : memref<125xi32, #tpu.memory_space<hbm>>) dst(%dma_wait3A_387 : memref<125xi32, #tpu.memory_space<vmem>>)
        %dma_wait3A_395 = arith.constant 0 : i32
        %dma_wait3A_396 = arith.constant 1 : i32
        %dma_wait3A_397 = arith.constant 0 : i32
        %dma_wait3A_398 = tpu.memref_slice %arg7[%dma_wait3A_396, %dma_wait3A_397] : memref<4x125xi32, #tpu.memory_space<vmem>> -> memref<1x125xi32, #tpu.memory_space<vmem>>
        %dma_wait3A_399 = tpu.memref_squeeze %dma_wait3A_398 : memref<1x125xi32, #tpu.memory_space<vmem>> -> memref<125xi32, #tpu.memory_space<vmem>>
        %dma_wait3A_400 = arith.constant 0 : i32
        %dma_wait3A_401 = arith.constant 0 : i32
        %dma_wait3A_402 = tpu.memref_slice %arg4[%arg1, %dma_wait3A_400, %dma_wait3A_401] : memref<16x160x125xi32, #tpu.memory_space<hbm>> -> memref<1x160x125xi32, #tpu.memory_space<hbm>>
        %dma_wait3A_403 = tpu.memref_squeeze %dma_wait3A_402 : memref<1x160x125xi32, #tpu.memory_space<hbm>> -> memref<160x125xi32, #tpu.memory_space<hbm>>
        %dma_wait3A_404 = arith.constant 0 : i32
        %dma_wait3A_405 = tpu.memref_slice %dma_wait3A_403[%dma_wait3A_395, %dma_wait3A_404] : memref<160x125xi32, #tpu.memory_space<hbm>> -> memref<1x125xi32, #tpu.memory_space<hbm>>
        %dma_wait3A_406 = tpu.memref_squeeze %dma_wait3A_405 : memref<1x125xi32, #tpu.memory_space<hbm>> -> memref<125xi32, #tpu.memory_space<hbm>>
        %dma_wait3A_407 = arith.constant 0 : i32
        %dma_wait3A_408 = tpu.memref_slice %arg7[%dma_wait3A_396, %dma_wait3A_407] : memref<4x125xi32, #tpu.memory_space<vmem>> -> memref<1x125xi32, #tpu.memory_space<vmem>>
        %dma_wait3A_409 = tpu.memref_squeeze %dma_wait3A_408 : memref<1x125xi32, #tpu.memory_space<vmem>> -> memref<125xi32, #tpu.memory_space<vmem>>
        %dma_wait3A_410 = arith.constant 0 : i32
        %dma_wait3A_411 = arith.constant 0 : i32
        %dma_wait3A_412 = tpu.memref_slice %arg4[%arg1, %dma_wait3A_410, %dma_wait3A_411] : memref<16x160x125xi32, #tpu.memory_space<hbm>> -> memref<1x160x125xi32, #tpu.memory_space<hbm>>
        %dma_wait3A_413 = tpu.memref_squeeze %dma_wait3A_412 : memref<1x160x125xi32, #tpu.memory_space<hbm>> -> memref<160x125xi32, #tpu.memory_space<hbm>>
        %dma_wait3A_414 = arith.constant 0 : i32
        %dma_wait3A_415 = tpu.memref_slice %dma_wait3A_413[%dma_wait3A_395, %dma_wait3A_414] : memref<160x125xi32, #tpu.memory_space<hbm>> -> memref<1x125xi32, #tpu.memory_space<hbm>>
        %dma_wait3A_416 = tpu.memref_squeeze %dma_wait3A_415 : memref<1x125xi32, #tpu.memory_space<hbm>> -> memref<125xi32, #tpu.memory_space<hbm>>
        tpu.wait_dma2 semaphore(%arg16 : memref<!tpu.dma_semaphore, #tpu.memory_space<semaphore_mem>>) src(%dma_wait3A_416 : memref<125xi32, #tpu.memory_space<hbm>>) dst(%dma_wait3A_409 : memref<125xi32, #tpu.memory_space<vmem>>)
        %dma_start3A_417 = arith.constant 1 : i32
        %dma_start3A_418 = arith.constant 0 : i32
        %dma_start3A_419 = tpu.memref_slice %arg6[%dma_start3A_417, %dma_start3A_418] : memref<4x125xi32, #tpu.memory_space<vmem>> -> memref<1x125xi32, #tpu.memory_space<vmem>>
        %dma_start3A_420 = tpu.memref_squeeze %dma_start3A_419 : memref<1x125xi32, #tpu.memory_space<vmem>> -> memref<125xi32, #tpu.memory_space<vmem>>
        %dma_start3A_421 = arith.constant 0 : i32
        %dma_start3A_422 = arith.constant 0 : i32
        %dma_start3A_423 = tpu.memref_slice %arg2[%dma_start3A_421, %dma_start3A_422] : memref<10000x128xf32, #tpu.memory_space<hbm>> -> memref<10000x128xf32, #tpu.memory_space<hbm>>
        tpu.enqueue_indirect_dma source(%dma_start3A_423 : memref<10000x128xf32, #tpu.memory_space<hbm>>) target(%arg9 : memref<125x128xf32, #tpu.memory_space<vmem>>) offsets(%dma_start3A_420 : memref<125xi32, #tpu.memory_space<vmem>>) semaphore(%arg12 : memref<!tpu.dma_semaphore, #tpu.memory_space<semaphore_mem>>)
      } else {
      }
      %mul3A_261 = arith.constant 4 : i32
      %mul3A_262 = arith.muli %mul3A_261, %scan3A_224 : i32
      %add3A_263 = arith.constant 1 : i32
      %add3A_264 = arith.addi %mul3A_262, %add3A_263 : i32
      %dma_wait3A_265 = arith.constant 1 : i32
      %dma_wait3A_266 = arith.constant 0 : i32
      %dma_wait3A_267 = tpu.memref_slice %arg6[%dma_wait3A_265, %dma_wait3A_266] : memref<4x125xi32, #tpu.memory_space<vmem>> -> memref<1x125xi32, #tpu.memory_space<vmem>>
      %dma_wait3A_268 = tpu.memref_squeeze %dma_wait3A_267 : memref<1x125xi32, #tpu.memory_space<vmem>> -> memref<125xi32, #tpu.memory_space<vmem>>
      %dma_wait3A_269 = arith.constant 0 : i32
      %dma_wait3A_270 = arith.constant 0 : i32
      %dma_wait3A_271 = tpu.memref_slice %arg2[%dma_wait3A_269, %dma_wait3A_270] : memref<10000x128xf32, #tpu.memory_space<hbm>> -> memref<10000x128xf32, #tpu.memory_space<hbm>>
      tpu.wait_indirect_dma semaphore(%arg12 : memref<!tpu.dma_semaphore, #tpu.memory_space<semaphore_mem>>) src(%dma_wait3A_271 : memref<10000x128xf32, #tpu.memory_space<hbm>>) dst(%arg9 : memref<125x128xf32, #tpu.memory_space<vmem>>)
      %dma_start3A_272 = arith.constant 1 : i32
      %dma_start3A_273 = arith.constant 0 : i32
      %dma_start3A_274 = tpu.memref_slice %arg7[%dma_start3A_272, %dma_start3A_273] : memref<4x125xi32, #tpu.memory_space<vmem>> -> memref<1x125xi32, #tpu.memory_space<vmem>>
      %dma_start3A_275 = tpu.memref_squeeze %dma_start3A_274 : memref<1x125xi32, #tpu.memory_space<vmem>> -> memref<125xi32, #tpu.memory_space<vmem>>
      %dma_start3A_276 = arith.constant 0 : i32
      %dma_start3A_277 = arith.constant 0 : i32
      %dma_start3A_278 = tpu.memref_slice %arg10[%dma_start3A_276, %dma_start3A_277] : memref<10000x128xf32, #tpu.memory_space<vmem_shared>> -> memref<10000x128xf32, #tpu.memory_space<vmem_shared>>
      tpu.enqueue_indirect_dma source(%arg9 : memref<125x128xf32, #tpu.memory_space<vmem>>) target(%dma_start3A_278 : memref<10000x128xf32, #tpu.memory_space<vmem_shared>>) offsets(%dma_start3A_275 : memref<125xi32, #tpu.memory_space<vmem>>) semaphore(%arg14 : memref<!tpu.dma_semaphore, #tpu.memory_space<semaphore_mem>>) {add = true}
      %ge3A_279 = arith.constant 1 : i32
      %ge3A_280 = arith.cmpi sge, %add3A_264, %ge3A_279 : i32
      %convert_element_type3A_281 = arith.extui %ge3A_280 : i1 to i32
      %cond3A_282 = arith.constant 0 : i32
      %cond3A_283 = arith.cmpi ne, %convert_element_type3A_281, %cond3A_282 : i32
      scf.if %cond3A_283 {
        %dma_wait3A_373 = arith.constant 0 : i32
        %dma_wait3A_374 = arith.constant 0 : i32
        %dma_wait3A_375 = tpu.memref_slice %arg7[%dma_wait3A_373, %dma_wait3A_374] : memref<4x125xi32, #tpu.memory_space<vmem>> -> memref<1x125xi32, #tpu.memory_space<vmem>>
        %dma_wait3A_376 = tpu.memref_squeeze %dma_wait3A_375 : memref<1x125xi32, #tpu.memory_space<vmem>> -> memref<125xi32, #tpu.memory_space<vmem>>
        %dma_wait3A_377 = arith.constant 0 : i32
        %dma_wait3A_378 = arith.constant 0 : i32
        %dma_wait3A_379 = tpu.memref_slice %arg10[%dma_wait3A_377, %dma_wait3A_378] : memref<10000x128xf32, #tpu.memory_space<vmem_shared>> -> memref<10000x128xf32, #tpu.memory_space<vmem_shared>>
        tpu.wait_indirect_dma semaphore(%arg13 : memref<!tpu.dma_semaphore, #tpu.memory_space<semaphore_mem>>) src(%arg8 : memref<125x128xf32, #tpu.memory_space<vmem>>) dst(%dma_wait3A_379 : memref<10000x128xf32, #tpu.memory_space<vmem_shared>>)
      } else {
      }
      %add3A_284 = arith.constant 3 : i32
      %add3A_285 = arith.addi %add3A_264, %add3A_284 : i32
      %lt3A_286 = arith.constant 160 : i32
      %lt3A_287 = arith.cmpi slt, %add3A_285, %lt3A_286 : i32
      %convert_element_type3A_288 = arith.extui %lt3A_287 : i1 to i32
      %cond3A_289 = arith.constant 0 : i32
      %cond3A_290 = arith.cmpi ne, %convert_element_type3A_288, %cond3A_289 : i32
      scf.if %cond3A_290 {
        %add3A_373 = arith.constant 3 : i32
        %add3A_374 = arith.addi %add3A_264, %add3A_373 : i32
        %dma_start3A_375 = arith.constant 0 : i32
        %dma_start3A_376 = arith.constant 0 : i32
        %dma_start3A_377 = tpu.memref_slice %arg6[%dma_start3A_375, %dma_start3A_376] : memref<4x125xi32, #tpu.memory_space<vmem>> -> memref<1x125xi32, #tpu.memory_space<vmem>>
        %dma_start3A_378 = tpu.memref_squeeze %dma_start3A_377 : memref<1x125xi32, #tpu.memory_space<vmem>> -> memref<125xi32, #tpu.memory_space<vmem>>
        %dma_start3A_379 = arith.constant 0 : i32
        %dma_start3A_380 = arith.constant 0 : i32
        %dma_start3A_381 = tpu.memref_slice %arg3[%arg1, %dma_start3A_379, %dma_start3A_380] : memref<16x160x125xi32, #tpu.memory_space<hbm>> -> memref<1x160x125xi32, #tpu.memory_space<hbm>>
        %dma_start3A_382 = tpu.memref_squeeze %dma_start3A_381 : memref<1x160x125xi32, #tpu.memory_space<hbm>> -> memref<160x125xi32, #tpu.memory_space<hbm>>
        %dma_start3A_383 = arith.constant 0 : i32
        %dma_start3A_384 = tpu.memref_slice %dma_start3A_382[%add3A_374, %dma_start3A_383] : memref<160x125xi32, #tpu.memory_space<hbm>> -> memref<1x125xi32, #tpu.memory_space<hbm>>
        %dma_start3A_385 = tpu.memref_squeeze %dma_start3A_384 : memref<1x125xi32, #tpu.memory_space<hbm>> -> memref<125xi32, #tpu.memory_space<hbm>>
        %dma_start3A_386 = arith.constant 0 : i32
        %dma_start3A_387 = tpu.memref_slice %arg6[%dma_start3A_375, %dma_start3A_386] : memref<4x125xi32, #tpu.memory_space<vmem>> -> memref<1x125xi32, #tpu.memory_space<vmem>>
        %dma_start3A_388 = tpu.memref_squeeze %dma_start3A_387 : memref<1x125xi32, #tpu.memory_space<vmem>> -> memref<125xi32, #tpu.memory_space<vmem>>
        %dma_start3A_389 = arith.constant 0 : i32
        %dma_start3A_390 = arith.constant 0 : i32
        %dma_start3A_391 = tpu.memref_slice %arg3[%arg1, %dma_start3A_389, %dma_start3A_390] : memref<16x160x125xi32, #tpu.memory_space<hbm>> -> memref<1x160x125xi32, #tpu.memory_space<hbm>>
        %dma_start3A_392 = tpu.memref_squeeze %dma_start3A_391 : memref<1x160x125xi32, #tpu.memory_space<hbm>> -> memref<160x125xi32, #tpu.memory_space<hbm>>
        %dma_start3A_393 = arith.constant 0 : i32
        %dma_start3A_394 = tpu.memref_slice %dma_start3A_392[%add3A_374, %dma_start3A_393] : memref<160x125xi32, #tpu.memory_space<hbm>> -> memref<1x125xi32, #tpu.memory_space<hbm>>
        %dma_start3A_395 = tpu.memref_squeeze %dma_start3A_394 : memref<1x125xi32, #tpu.memory_space<hbm>> -> memref<125xi32, #tpu.memory_space<hbm>>
        tpu.enqueue_dma source(%dma_start3A_395 : memref<125xi32, #tpu.memory_space<hbm>>) target(%dma_start3A_388 : memref<125xi32, #tpu.memory_space<vmem>>) target_semaphore(%arg15 : memref<!tpu.dma_semaphore, #tpu.memory_space<semaphore_mem>>)
        %dma_start3A_396 = arith.constant 0 : i32
        %dma_start3A_397 = arith.constant 0 : i32
        %dma_start3A_398 = tpu.memref_slice %arg7[%dma_start3A_396, %dma_start3A_397] : memref<4x125xi32, #tpu.memory_space<vmem>> -> memref<1x125xi32, #tpu.memory_space<vmem>>
        %dma_start3A_399 = tpu.memref_squeeze %dma_start3A_398 : memref<1x125xi32, #tpu.memory_space<vmem>> -> memref<125xi32, #tpu.memory_space<vmem>>
        %dma_start3A_400 = arith.constant 0 : i32
        %dma_start3A_401 = arith.constant 0 : i32
        %dma_start3A_402 = tpu.memref_slice %arg4[%arg1, %dma_start3A_400, %dma_start3A_401] : memref<16x160x125xi32, #tpu.memory_space<hbm>> -> memref<1x160x125xi32, #tpu.memory_space<hbm>>
        %dma_start3A_403 = tpu.memref_squeeze %dma_start3A_402 : memref<1x160x125xi32, #tpu.memory_space<hbm>> -> memref<160x125xi32, #tpu.memory_space<hbm>>
        %dma_start3A_404 = arith.constant 0 : i32
        %dma_start3A_405 = tpu.memref_slice %dma_start3A_403[%add3A_374, %dma_start3A_404] : memref<160x125xi32, #tpu.memory_space<hbm>> -> memref<1x125xi32, #tpu.memory_space<hbm>>
        %dma_start3A_406 = tpu.memref_squeeze %dma_start3A_405 : memref<1x125xi32, #tpu.memory_space<hbm>> -> memref<125xi32, #tpu.memory_space<hbm>>
        %dma_start3A_407 = arith.constant 0 : i32
        %dma_start3A_408 = tpu.memref_slice %arg7[%dma_start3A_396, %dma_start3A_407] : memref<4x125xi32, #tpu.memory_space<vmem>> -> memref<1x125xi32, #tpu.memory_space<vmem>>
        %dma_start3A_409 = tpu.memref_squeeze %dma_start3A_408 : memref<1x125xi32, #tpu.memory_space<vmem>> -> memref<125xi32, #tpu.memory_space<vmem>>
        %dma_start3A_410 = arith.constant 0 : i32
        %dma_start3A_411 = arith.constant 0 : i32
        %dma_start3A_412 = tpu.memref_slice %arg4[%arg1, %dma_start3A_410, %dma_start3A_411] : memref<16x160x125xi32, #tpu.memory_space<hbm>> -> memref<1x160x125xi32, #tpu.memory_space<hbm>>
        %dma_start3A_413 = tpu.memref_squeeze %dma_start3A_412 : memref<1x160x125xi32, #tpu.memory_space<hbm>> -> memref<160x125xi32, #tpu.memory_space<hbm>>
        %dma_start3A_414 = arith.constant 0 : i32
        %dma_start3A_415 = tpu.memref_slice %dma_start3A_413[%add3A_374, %dma_start3A_414] : memref<160x125xi32, #tpu.memory_space<hbm>> -> memref<1x125xi32, #tpu.memory_space<hbm>>
        %dma_start3A_416 = tpu.memref_squeeze %dma_start3A_415 : memref<1x125xi32, #tpu.memory_space<hbm>> -> memref<125xi32, #tpu.memory_space<hbm>>
        tpu.enqueue_dma source(%dma_start3A_416 : memref<125xi32, #tpu.memory_space<hbm>>) target(%dma_start3A_409 : memref<125xi32, #tpu.memory_space<vmem>>) target_semaphore(%arg15 : memref<!tpu.dma_semaphore, #tpu.memory_space<semaphore_mem>>)
      } else {
      }
      %add3A_291 = arith.constant 1 : i32
      %add3A_292 = arith.addi %add3A_264, %add3A_291 : i32
      %lt3A_293 = arith.constant 160 : i32
      %lt3A_294 = arith.cmpi slt, %add3A_292, %lt3A_293 : i32
      %convert_element_type3A_295 = arith.extui %lt3A_294 : i1 to i32
      %cond3A_296 = arith.constant 0 : i32
      %cond3A_297 = arith.cmpi ne, %convert_element_type3A_295, %cond3A_296 : i32
      scf.if %cond3A_297 {
        %dma_wait3A_373 = arith.constant 0 : i32
        %dma_wait3A_374 = arith.constant 2 : i32
        %dma_wait3A_375 = arith.constant 0 : i32
        %dma_wait3A_376 = tpu.memref_slice %arg6[%dma_wait3A_374, %dma_wait3A_375] : memref<4x125xi32, #tpu.memory_space<vmem>> -> memref<1x125xi32, #tpu.memory_space<vmem>>
        %dma_wait3A_377 = tpu.memref_squeeze %dma_wait3A_376 : memref<1x125xi32, #tpu.memory_space<vmem>> -> memref<125xi32, #tpu.memory_space<vmem>>
        %dma_wait3A_378 = arith.constant 0 : i32
        %dma_wait3A_379 = arith.constant 0 : i32
        %dma_wait3A_380 = tpu.memref_slice %arg3[%arg1, %dma_wait3A_378, %dma_wait3A_379] : memref<16x160x125xi32, #tpu.memory_space<hbm>> -> memref<1x160x125xi32, #tpu.memory_space<hbm>>
        %dma_wait3A_381 = tpu.memref_squeeze %dma_wait3A_380 : memref<1x160x125xi32, #tpu.memory_space<hbm>> -> memref<160x125xi32, #tpu.memory_space<hbm>>
        %dma_wait3A_382 = arith.constant 0 : i32
        %dma_wait3A_383 = tpu.memref_slice %dma_wait3A_381[%dma_wait3A_373, %dma_wait3A_382] : memref<160x125xi32, #tpu.memory_space<hbm>> -> memref<1x125xi32, #tpu.memory_space<hbm>>
        %dma_wait3A_384 = tpu.memref_squeeze %dma_wait3A_383 : memref<1x125xi32, #tpu.memory_space<hbm>> -> memref<125xi32, #tpu.memory_space<hbm>>
        %dma_wait3A_385 = arith.constant 0 : i32
        %dma_wait3A_386 = tpu.memref_slice %arg6[%dma_wait3A_374, %dma_wait3A_385] : memref<4x125xi32, #tpu.memory_space<vmem>> -> memref<1x125xi32, #tpu.memory_space<vmem>>
        %dma_wait3A_387 = tpu.memref_squeeze %dma_wait3A_386 : memref<1x125xi32, #tpu.memory_space<vmem>> -> memref<125xi32, #tpu.memory_space<vmem>>
        %dma_wait3A_388 = arith.constant 0 : i32
        %dma_wait3A_389 = arith.constant 0 : i32
        %dma_wait3A_390 = tpu.memref_slice %arg3[%arg1, %dma_wait3A_388, %dma_wait3A_389] : memref<16x160x125xi32, #tpu.memory_space<hbm>> -> memref<1x160x125xi32, #tpu.memory_space<hbm>>
        %dma_wait3A_391 = tpu.memref_squeeze %dma_wait3A_390 : memref<1x160x125xi32, #tpu.memory_space<hbm>> -> memref<160x125xi32, #tpu.memory_space<hbm>>
        %dma_wait3A_392 = arith.constant 0 : i32
        %dma_wait3A_393 = tpu.memref_slice %dma_wait3A_391[%dma_wait3A_373, %dma_wait3A_392] : memref<160x125xi32, #tpu.memory_space<hbm>> -> memref<1x125xi32, #tpu.memory_space<hbm>>
        %dma_wait3A_394 = tpu.memref_squeeze %dma_wait3A_393 : memref<1x125xi32, #tpu.memory_space<hbm>> -> memref<125xi32, #tpu.memory_space<hbm>>
        tpu.wait_dma2 semaphore(%arg17 : memref<!tpu.dma_semaphore, #tpu.memory_space<semaphore_mem>>) src(%dma_wait3A_394 : memref<125xi32, #tpu.memory_space<hbm>>) dst(%dma_wait3A_387 : memref<125xi32, #tpu.memory_space<vmem>>)
        %dma_wait3A_395 = arith.constant 0 : i32
        %dma_wait3A_396 = arith.constant 2 : i32
        %dma_wait3A_397 = arith.constant 0 : i32
        %dma_wait3A_398 = tpu.memref_slice %arg7[%dma_wait3A_396, %dma_wait3A_397] : memref<4x125xi32, #tpu.memory_space<vmem>> -> memref<1x125xi32, #tpu.memory_space<vmem>>
        %dma_wait3A_399 = tpu.memref_squeeze %dma_wait3A_398 : memref<1x125xi32, #tpu.memory_space<vmem>> -> memref<125xi32, #tpu.memory_space<vmem>>
        %dma_wait3A_400 = arith.constant 0 : i32
        %dma_wait3A_401 = arith.constant 0 : i32
        %dma_wait3A_402 = tpu.memref_slice %arg4[%arg1, %dma_wait3A_400, %dma_wait3A_401] : memref<16x160x125xi32, #tpu.memory_space<hbm>> -> memref<1x160x125xi32, #tpu.memory_space<hbm>>
        %dma_wait3A_403 = tpu.memref_squeeze %dma_wait3A_402 : memref<1x160x125xi32, #tpu.memory_space<hbm>> -> memref<160x125xi32, #tpu.memory_space<hbm>>
        %dma_wait3A_404 = arith.constant 0 : i32
        %dma_wait3A_405 = tpu.memref_slice %dma_wait3A_403[%dma_wait3A_395, %dma_wait3A_404] : memref<160x125xi32, #tpu.memory_space<hbm>> -> memref<1x125xi32, #tpu.memory_space<hbm>>
        %dma_wait3A_406 = tpu.memref_squeeze %dma_wait3A_405 : memref<1x125xi32, #tpu.memory_space<hbm>> -> memref<125xi32, #tpu.memory_space<hbm>>
        %dma_wait3A_407 = arith.constant 0 : i32
        %dma_wait3A_408 = tpu.memref_slice %arg7[%dma_wait3A_396, %dma_wait3A_407] : memref<4x125xi32, #tpu.memory_space<vmem>> -> memref<1x125xi32, #tpu.memory_space<vmem>>
        %dma_wait3A_409 = tpu.memref_squeeze %dma_wait3A_408 : memref<1x125xi32, #tpu.memory_space<vmem>> -> memref<125xi32, #tpu.memory_space<vmem>>
        %dma_wait3A_410 = arith.constant 0 : i32
        %dma_wait3A_411 = arith.constant 0 : i32
        %dma_wait3A_412 = tpu.memref_slice %arg4[%arg1, %dma_wait3A_410, %dma_wait3A_411] : memref<16x160x125xi32, #tpu.memory_space<hbm>> -> memref<1x160x125xi32, #tpu.memory_space<hbm>>
        %dma_wait3A_413 = tpu.memref_squeeze %dma_wait3A_412 : memref<1x160x125xi32, #tpu.memory_space<hbm>> -> memref<160x125xi32, #tpu.memory_space<hbm>>
        %dma_wait3A_414 = arith.constant 0 : i32
        %dma_wait3A_415 = tpu.memref_slice %dma_wait3A_413[%dma_wait3A_395, %dma_wait3A_414] : memref<160x125xi32, #tpu.memory_space<hbm>> -> memref<1x125xi32, #tpu.memory_space<hbm>>
        %dma_wait3A_416 = tpu.memref_squeeze %dma_wait3A_415 : memref<1x125xi32, #tpu.memory_space<hbm>> -> memref<125xi32, #tpu.memory_space<hbm>>
        tpu.wait_dma2 semaphore(%arg17 : memref<!tpu.dma_semaphore, #tpu.memory_space<semaphore_mem>>) src(%dma_wait3A_416 : memref<125xi32, #tpu.memory_space<hbm>>) dst(%dma_wait3A_409 : memref<125xi32, #tpu.memory_space<vmem>>)
        %dma_start3A_417 = arith.constant 2 : i32
        %dma_start3A_418 = arith.constant 0 : i32
        %dma_start3A_419 = tpu.memref_slice %arg6[%dma_start3A_417, %dma_start3A_418] : memref<4x125xi32, #tpu.memory_space<vmem>> -> memref<1x125xi32, #tpu.memory_space<vmem>>
        %dma_start3A_420 = tpu.memref_squeeze %dma_start3A_419 : memref<1x125xi32, #tpu.memory_space<vmem>> -> memref<125xi32, #tpu.memory_space<vmem>>
        %dma_start3A_421 = arith.constant 0 : i32
        %dma_start3A_422 = arith.constant 0 : i32
        %dma_start3A_423 = tpu.memref_slice %arg2[%dma_start3A_421, %dma_start3A_422] : memref<10000x128xf32, #tpu.memory_space<hbm>> -> memref<10000x128xf32, #tpu.memory_space<hbm>>
        tpu.enqueue_indirect_dma source(%dma_start3A_423 : memref<10000x128xf32, #tpu.memory_space<hbm>>) target(%arg8 : memref<125x128xf32, #tpu.memory_space<vmem>>) offsets(%dma_start3A_420 : memref<125xi32, #tpu.memory_space<vmem>>) semaphore(%arg11 : memref<!tpu.dma_semaphore, #tpu.memory_space<semaphore_mem>>)
      } else {
      }
      %mul3A_298 = arith.constant 4 : i32
      %mul3A_299 = arith.muli %mul3A_298, %scan3A_224 : i32
      %add3A_300 = arith.constant 2 : i32
      %add3A_301 = arith.addi %mul3A_299, %add3A_300 : i32
      %dma_wait3A_302 = arith.constant 2 : i32
      %dma_wait3A_303 = arith.constant 0 : i32
      %dma_wait3A_304 = tpu.memref_slice %arg6[%dma_wait3A_302, %dma_wait3A_303] : memref<4x125xi32, #tpu.memory_space<vmem>> -> memref<1x125xi32, #tpu.memory_space<vmem>>
      %dma_wait3A_305 = tpu.memref_squeeze %dma_wait3A_304 : memref<1x125xi32, #tpu.memory_space<vmem>> -> memref<125xi32, #tpu.memory_space<vmem>>
      %dma_wait3A_306 = arith.constant 0 : i32
      %dma_wait3A_307 = arith.constant 0 : i32
      %dma_wait3A_308 = tpu.memref_slice %arg2[%dma_wait3A_306, %dma_wait3A_307] : memref<10000x128xf32, #tpu.memory_space<hbm>> -> memref<10000x128xf32, #tpu.memory_space<hbm>>
      tpu.wait_indirect_dma semaphore(%arg11 : memref<!tpu.dma_semaphore, #tpu.memory_space<semaphore_mem>>) src(%dma_wait3A_308 : memref<10000x128xf32, #tpu.memory_space<hbm>>) dst(%arg8 : memref<125x128xf32, #tpu.memory_space<vmem>>)
      %dma_start3A_309 = arith.constant 2 : i32
      %dma_start3A_310 = arith.constant 0 : i32
      %dma_start3A_311 = tpu.memref_slice %arg7[%dma_start3A_309, %dma_start3A_310] : memref<4x125xi32, #tpu.memory_space<vmem>> -> memref<1x125xi32, #tpu.memory_space<vmem>>
      %dma_start3A_312 = tpu.memref_squeeze %dma_start3A_311 : memref<1x125xi32, #tpu.memory_space<vmem>> -> memref<125xi32, #tpu.memory_space<vmem>>
      %dma_start3A_313 = arith.constant 0 : i32
      %dma_start3A_314 = arith.constant 0 : i32
      %dma_start3A_315 = tpu.memref_slice %arg10[%dma_start3A_313, %dma_start3A_314] : memref<10000x128xf32, #tpu.memory_space<vmem_shared>> -> memref<10000x128xf32, #tpu.memory_space<vmem_shared>>
      tpu.enqueue_indirect_dma source(%arg8 : memref<125x128xf32, #tpu.memory_space<vmem>>) target(%dma_start3A_315 : memref<10000x128xf32, #tpu.memory_space<vmem_shared>>) offsets(%dma_start3A_312 : memref<125xi32, #tpu.memory_space<vmem>>) semaphore(%arg13 : memref<!tpu.dma_semaphore, #tpu.memory_space<semaphore_mem>>) {add = true}
      %ge3A_316 = arith.constant 1 : i32
      %ge3A_317 = arith.cmpi sge, %add3A_301, %ge3A_316 : i32
      %convert_element_type3A_318 = arith.extui %ge3A_317 : i1 to i32
      %cond3A_319 = arith.constant 0 : i32
      %cond3A_320 = arith.cmpi ne, %convert_element_type3A_318, %cond3A_319 : i32
      scf.if %cond3A_320 {
        %dma_wait3A_373 = arith.constant 1 : i32
        %dma_wait3A_374 = arith.constant 0 : i32
        %dma_wait3A_375 = tpu.memref_slice %arg7[%dma_wait3A_373, %dma_wait3A_374] : memref<4x125xi32, #tpu.memory_space<vmem>> -> memref<1x125xi32, #tpu.memory_space<vmem>>
        %dma_wait3A_376 = tpu.memref_squeeze %dma_wait3A_375 : memref<1x125xi32, #tpu.memory_space<vmem>> -> memref<125xi32, #tpu.memory_space<vmem>>
        %dma_wait3A_377 = arith.constant 0 : i32
        %dma_wait3A_378 = arith.constant 0 : i32
        %dma_wait3A_379 = tpu.memref_slice %arg10[%dma_wait3A_377, %dma_wait3A_378] : memref<10000x128xf32, #tpu.memory_space<vmem_shared>> -> memref<10000x128xf32, #tpu.memory_space<vmem_shared>>
        tpu.wait_indirect_dma semaphore(%arg14 : memref<!tpu.dma_semaphore, #tpu.memory_space<semaphore_mem>>) src(%arg9 : memref<125x128xf32, #tpu.memory_space<vmem>>) dst(%dma_wait3A_379 : memref<10000x128xf32, #tpu.memory_space<vmem_shared>>)
      } else {
      }
      %add3A_321 = arith.constant 3 : i32
      %add3A_322 = arith.addi %add3A_301, %add3A_321 : i32
      %lt3A_323 = arith.constant 160 : i32
      %lt3A_324 = arith.cmpi slt, %add3A_322, %lt3A_323 : i32
      %convert_element_type3A_325 = arith.extui %lt3A_324 : i1 to i32
      %cond3A_326 = arith.constant 0 : i32
      %cond3A_327 = arith.cmpi ne, %convert_element_type3A_325, %cond3A_326 : i32
      scf.if %cond3A_327 {
        %add3A_373 = arith.constant 3 : i32
        %add3A_374 = arith.addi %add3A_301, %add3A_373 : i32
        %dma_start3A_375 = arith.constant 1 : i32
        %dma_start3A_376 = arith.constant 0 : i32
        %dma_start3A_377 = tpu.memref_slice %arg6[%dma_start3A_375, %dma_start3A_376] : memref<4x125xi32, #tpu.memory_space<vmem>> -> memref<1x125xi32, #tpu.memory_space<vmem>>
        %dma_start3A_378 = tpu.memref_squeeze %dma_start3A_377 : memref<1x125xi32, #tpu.memory_space<vmem>> -> memref<125xi32, #tpu.memory_space<vmem>>
        %dma_start3A_379 = arith.constant 0 : i32
        %dma_start3A_380 = arith.constant 0 : i32
        %dma_start3A_381 = tpu.memref_slice %arg3[%arg1, %dma_start3A_379, %dma_start3A_380] : memref<16x160x125xi32, #tpu.memory_space<hbm>> -> memref<1x160x125xi32, #tpu.memory_space<hbm>>
        %dma_start3A_382 = tpu.memref_squeeze %dma_start3A_381 : memref<1x160x125xi32, #tpu.memory_space<hbm>> -> memref<160x125xi32, #tpu.memory_space<hbm>>
        %dma_start3A_383 = arith.constant 0 : i32
        %dma_start3A_384 = tpu.memref_slice %dma_start3A_382[%add3A_374, %dma_start3A_383] : memref<160x125xi32, #tpu.memory_space<hbm>> -> memref<1x125xi32, #tpu.memory_space<hbm>>
        %dma_start3A_385 = tpu.memref_squeeze %dma_start3A_384 : memref<1x125xi32, #tpu.memory_space<hbm>> -> memref<125xi32, #tpu.memory_space<hbm>>
        %dma_start3A_386 = arith.constant 0 : i32
        %dma_start3A_387 = tpu.memref_slice %arg6[%dma_start3A_375, %dma_start3A_386] : memref<4x125xi32, #tpu.memory_space<vmem>> -> memref<1x125xi32, #tpu.memory_space<vmem>>
        %dma_start3A_388 = tpu.memref_squeeze %dma_start3A_387 : memref<1x125xi32, #tpu.memory_space<vmem>> -> memref<125xi32, #tpu.memory_space<vmem>>
        %dma_start3A_389 = arith.constant 0 : i32
        %dma_start3A_390 = arith.constant 0 : i32
        %dma_start3A_391 = tpu.memref_slice %arg3[%arg1, %dma_start3A_389, %dma_start3A_390] : memref<16x160x125xi32, #tpu.memory_space<hbm>> -> memref<1x160x125xi32, #tpu.memory_space<hbm>>
        %dma_start3A_392 = tpu.memref_squeeze %dma_start3A_391 : memref<1x160x125xi32, #tpu.memory_space<hbm>> -> memref<160x125xi32, #tpu.memory_space<hbm>>
        %dma_start3A_393 = arith.constant 0 : i32
        %dma_start3A_394 = tpu.memref_slice %dma_start3A_392[%add3A_374, %dma_start3A_393] : memref<160x125xi32, #tpu.memory_space<hbm>> -> memref<1x125xi32, #tpu.memory_space<hbm>>
        %dma_start3A_395 = tpu.memref_squeeze %dma_start3A_394 : memref<1x125xi32, #tpu.memory_space<hbm>> -> memref<125xi32, #tpu.memory_space<hbm>>
        tpu.enqueue_dma source(%dma_start3A_395 : memref<125xi32, #tpu.memory_space<hbm>>) target(%dma_start3A_388 : memref<125xi32, #tpu.memory_space<vmem>>) target_semaphore(%arg16 : memref<!tpu.dma_semaphore, #tpu.memory_space<semaphore_mem>>)
        %dma_start3A_396 = arith.constant 1 : i32
        %dma_start3A_397 = arith.constant 0 : i32
        %dma_start3A_398 = tpu.memref_slice %arg7[%dma_start3A_396, %dma_start3A_397] : memref<4x125xi32, #tpu.memory_space<vmem>> -> memref<1x125xi32, #tpu.memory_space<vmem>>
        %dma_start3A_399 = tpu.memref_squeeze %dma_start3A_398 : memref<1x125xi32, #tpu.memory_space<vmem>> -> memref<125xi32, #tpu.memory_space<vmem>>
        %dma_start3A_400 = arith.constant 0 : i32
        %dma_start3A_401 = arith.constant 0 : i32
        %dma_start3A_402 = tpu.memref_slice %arg4[%arg1, %dma_start3A_400, %dma_start3A_401] : memref<16x160x125xi32, #tpu.memory_space<hbm>> -> memref<1x160x125xi32, #tpu.memory_space<hbm>>
        %dma_start3A_403 = tpu.memref_squeeze %dma_start3A_402 : memref<1x160x125xi32, #tpu.memory_space<hbm>> -> memref<160x125xi32, #tpu.memory_space<hbm>>
        %dma_start3A_404 = arith.constant 0 : i32
        %dma_start3A_405 = tpu.memref_slice %dma_start3A_403[%add3A_374, %dma_start3A_404] : memref<160x125xi32, #tpu.memory_space<hbm>> -> memref<1x125xi32, #tpu.memory_space<hbm>>
        %dma_start3A_406 = tpu.memref_squeeze %dma_start3A_405 : memref<1x125xi32, #tpu.memory_space<hbm>> -> memref<125xi32, #tpu.memory_space<hbm>>
        %dma_start3A_407 = arith.constant 0 : i32
        %dma_start3A_408 = tpu.memref_slice %arg7[%dma_start3A_396, %dma_start3A_407] : memref<4x125xi32, #tpu.memory_space<vmem>> -> memref<1x125xi32, #tpu.memory_space<vmem>>
        %dma_start3A_409 = tpu.memref_squeeze %dma_start3A_408 : memref<1x125xi32, #tpu.memory_space<vmem>> -> memref<125xi32, #tpu.memory_space<vmem>>
        %dma_start3A_410 = arith.constant 0 : i32
        %dma_start3A_411 = arith.constant 0 : i32
        %dma_start3A_412 = tpu.memref_slice %arg4[%arg1, %dma_start3A_410, %dma_start3A_411] : memref<16x160x125xi32, #tpu.memory_space<hbm>> -> memref<1x160x125xi32, #tpu.memory_space<hbm>>
        %dma_start3A_413 = tpu.memref_squeeze %dma_start3A_412 : memref<1x160x125xi32, #tpu.memory_space<hbm>> -> memref<160x125xi32, #tpu.memory_space<hbm>>
        %dma_start3A_414 = arith.constant 0 : i32
        %dma_start3A_415 = tpu.memref_slice %dma_start3A_413[%add3A_374, %dma_start3A_414] : memref<160x125xi32, #tpu.memory_space<hbm>> -> memref<1x125xi32, #tpu.memory_space<hbm>>
        %dma_start3A_416 = tpu.memref_squeeze %dma_start3A_415 : memref<1x125xi32, #tpu.memory_space<hbm>> -> memref<125xi32, #tpu.memory_space<hbm>>
        tpu.enqueue_dma source(%dma_start3A_416 : memref<125xi32, #tpu.memory_space<hbm>>) target(%dma_start3A_409 : memref<125xi32, #tpu.memory_space<vmem>>) target_semaphore(%arg16 : memref<!tpu.dma_semaphore, #tpu.memory_space<semaphore_mem>>)
      } else {
      }
      %add3A_328 = arith.constant 1 : i32
      %add3A_329 = arith.addi %add3A_301, %add3A_328 : i32
      %lt3A_330 = arith.constant 160 : i32
      %lt3A_331 = arith.cmpi slt, %add3A_329, %lt3A_330 : i32
      %convert_element_type3A_332 = arith.extui %lt3A_331 : i1 to i32
      %cond3A_333 = arith.constant 0 : i32
      %cond3A_334 = arith.cmpi ne, %convert_element_type3A_332, %cond3A_333 : i32
      scf.if %cond3A_334 {
        %dma_wait3A_373 = arith.constant 0 : i32
        %dma_wait3A_374 = arith.constant 3 : i32
        %dma_wait3A_375 = arith.constant 0 : i32
        %dma_wait3A_376 = tpu.memref_slice %arg6[%dma_wait3A_374, %dma_wait3A_375] : memref<4x125xi32, #tpu.memory_space<vmem>> -> memref<1x125xi32, #tpu.memory_space<vmem>>
        %dma_wait3A_377 = tpu.memref_squeeze %dma_wait3A_376 : memref<1x125xi32, #tpu.memory_space<vmem>> -> memref<125xi32, #tpu.memory_space<vmem>>
        %dma_wait3A_378 = arith.constant 0 : i32
        %dma_wait3A_379 = arith.constant 0 : i32
        %dma_wait3A_380 = tpu.memref_slice %arg3[%arg1, %dma_wait3A_378, %dma_wait3A_379] : memref<16x160x125xi32, #tpu.memory_space<hbm>> -> memref<1x160x125xi32, #tpu.memory_space<hbm>>
        %dma_wait3A_381 = tpu.memref_squeeze %dma_wait3A_380 : memref<1x160x125xi32, #tpu.memory_space<hbm>> -> memref<160x125xi32, #tpu.memory_space<hbm>>
        %dma_wait3A_382 = arith.constant 0 : i32
        %dma_wait3A_383 = tpu.memref_slice %dma_wait3A_381[%dma_wait3A_373, %dma_wait3A_382] : memref<160x125xi32, #tpu.memory_space<hbm>> -> memref<1x125xi32, #tpu.memory_space<hbm>>
        %dma_wait3A_384 = tpu.memref_squeeze %dma_wait3A_383 : memref<1x125xi32, #tpu.memory_space<hbm>> -> memref<125xi32, #tpu.memory_space<hbm>>
        %dma_wait3A_385 = arith.constant 0 : i32
        %dma_wait3A_386 = tpu.memref_slice %arg6[%dma_wait3A_374, %dma_wait3A_385] : memref<4x125xi32, #tpu.memory_space<vmem>> -> memref<1x125xi32, #tpu.memory_space<vmem>>
        %dma_wait3A_387 = tpu.memref_squeeze %dma_wait3A_386 : memref<1x125xi32, #tpu.memory_space<vmem>> -> memref<125xi32, #tpu.memory_space<vmem>>
        %dma_wait3A_388 = arith.constant 0 : i32
        %dma_wait3A_389 = arith.constant 0 : i32
        %dma_wait3A_390 = tpu.memref_slice %arg3[%arg1, %dma_wait3A_388, %dma_wait3A_389] : memref<16x160x125xi32, #tpu.memory_space<hbm>> -> memref<1x160x125xi32, #tpu.memory_space<hbm>>
        %dma_wait3A_391 = tpu.memref_squeeze %dma_wait3A_390 : memref<1x160x125xi32, #tpu.memory_space<hbm>> -> memref<160x125xi32, #tpu.memory_space<hbm>>
        %dma_wait3A_392 = arith.constant 0 : i32
        %dma_wait3A_393 = tpu.memref_slice %dma_wait3A_391[%dma_wait3A_373, %dma_wait3A_392] : memref<160x125xi32, #tpu.memory_space<hbm>> -> memref<1x125xi32, #tpu.memory_space<hbm>>
        %dma_wait3A_394 = tpu.memref_squeeze %dma_wait3A_393 : memref<1x125xi32, #tpu.memory_space<hbm>> -> memref<125xi32, #tpu.memory_space<hbm>>
        tpu.wait_dma2 semaphore(%arg18 : memref<!tpu.dma_semaphore, #tpu.memory_space<semaphore_mem>>) src(%dma_wait3A_394 : memref<125xi32, #tpu.memory_space<hbm>>) dst(%dma_wait3A_387 : memref<125xi32, #tpu.memory_space<vmem>>)
        %dma_wait3A_395 = arith.constant 0 : i32
        %dma_wait3A_396 = arith.constant 3 : i32
        %dma_wait3A_397 = arith.constant 0 : i32
        %dma_wait3A_398 = tpu.memref_slice %arg7[%dma_wait3A_396, %dma_wait3A_397] : memref<4x125xi32, #tpu.memory_space<vmem>> -> memref<1x125xi32, #tpu.memory_space<vmem>>
        %dma_wait3A_399 = tpu.memref_squeeze %dma_wait3A_398 : memref<1x125xi32, #tpu.memory_space<vmem>> -> memref<125xi32, #tpu.memory_space<vmem>>
        %dma_wait3A_400 = arith.constant 0 : i32
        %dma_wait3A_401 = arith.constant 0 : i32
        %dma_wait3A_402 = tpu.memref_slice %arg4[%arg1, %dma_wait3A_400, %dma_wait3A_401] : memref<16x160x125xi32, #tpu.memory_space<hbm>> -> memref<1x160x125xi32, #tpu.memory_space<hbm>>
        %dma_wait3A_403 = tpu.memref_squeeze %dma_wait3A_402 : memref<1x160x125xi32, #tpu.memory_space<hbm>> -> memref<160x125xi32, #tpu.memory_space<hbm>>
        %dma_wait3A_404 = arith.constant 0 : i32
        %dma_wait3A_405 = tpu.memref_slice %dma_wait3A_403[%dma_wait3A_395, %dma_wait3A_404] : memref<160x125xi32, #tpu.memory_space<hbm>> -> memref<1x125xi32, #tpu.memory_space<hbm>>
        %dma_wait3A_406 = tpu.memref_squeeze %dma_wait3A_405 : memref<1x125xi32, #tpu.memory_space<hbm>> -> memref<125xi32, #tpu.memory_space<hbm>>
        %dma_wait3A_407 = arith.constant 0 : i32
        %dma_wait3A_408 = tpu.memref_slice %arg7[%dma_wait3A_396, %dma_wait3A_407] : memref<4x125xi32, #tpu.memory_space<vmem>> -> memref<1x125xi32, #tpu.memory_space<vmem>>
        %dma_wait3A_409 = tpu.memref_squeeze %dma_wait3A_408 : memref<1x125xi32, #tpu.memory_space<vmem>> -> memref<125xi32, #tpu.memory_space<vmem>>
        %dma_wait3A_410 = arith.constant 0 : i32
        %dma_wait3A_411 = arith.constant 0 : i32
        %dma_wait3A_412 = tpu.memref_slice %arg4[%arg1, %dma_wait3A_410, %dma_wait3A_411] : memref<16x160x125xi32, #tpu.memory_space<hbm>> -> memref<1x160x125xi32, #tpu.memory_space<hbm>>
        %dma_wait3A_413 = tpu.memref_squeeze %dma_wait3A_412 : memref<1x160x125xi32, #tpu.memory_space<hbm>> -> memref<160x125xi32, #tpu.memory_space<hbm>>
        %dma_wait3A_414 = arith.constant 0 : i32
        %dma_wait3A_415 = tpu.memref_slice %dma_wait3A_413[%dma_wait3A_395, %dma_wait3A_414] : memref<160x125xi32, #tpu.memory_space<hbm>> -> memref<1x125xi32, #tpu.memory_space<hbm>>
        %dma_wait3A_416 = tpu.memref_squeeze %dma_wait3A_415 : memref<1x125xi32, #tpu.memory_space<hbm>> -> memref<125xi32, #tpu.memory_space<hbm>>
        tpu.wait_dma2 semaphore(%arg18 : memref<!tpu.dma_semaphore, #tpu.memory_space<semaphore_mem>>) src(%dma_wait3A_416 : memref<125xi32, #tpu.memory_space<hbm>>) dst(%dma_wait3A_409 : memref<125xi32, #tpu.memory_space<vmem>>)
        %dma_start3A_417 = arith.constant 3 : i32
        %dma_start3A_418 = arith.constant 0 : i32
        %dma_start3A_419 = tpu.memref_slice %arg6[%dma_start3A_417, %dma_start3A_418] : memref<4x125xi32, #tpu.memory_space<vmem>> -> memref<1x125xi32, #tpu.memory_space<vmem>>
        %dma_start3A_420 = tpu.memref_squeeze %dma_start3A_419 : memref<1x125xi32, #tpu.memory_space<vmem>> -> memref<125xi32, #tpu.memory_space<vmem>>
        %dma_start3A_421 = arith.constant 0 : i32
        %dma_start3A_422 = arith.constant 0 : i32
        %dma_start3A_423 = tpu.memref_slice %arg2[%dma_start3A_421, %dma_start3A_422] : memref<10000x128xf32, #tpu.memory_space<hbm>> -> memref<10000x128xf32, #tpu.memory_space<hbm>>
        tpu.enqueue_indirect_dma source(%dma_start3A_423 : memref<10000x128xf32, #tpu.memory_space<hbm>>) target(%arg9 : memref<125x128xf32, #tpu.memory_space<vmem>>) offsets(%dma_start3A_420 : memref<125xi32, #tpu.memory_space<vmem>>) semaphore(%arg12 : memref<!tpu.dma_semaphore, #tpu.memory_space<semaphore_mem>>)
      } else {
      }
      %mul3A_335 = arith.constant 4 : i32
      %mul3A_336 = arith.muli %mul3A_335, %scan3A_224 : i32
      %add3A_337 = arith.constant 3 : i32
      %add3A_338 = arith.addi %mul3A_336, %add3A_337 : i32
      %dma_wait3A_339 = arith.constant 3 : i32
      %dma_wait3A_340 = arith.constant 0 : i32
      %dma_wait3A_341 = tpu.memref_slice %arg6[%dma_wait3A_339, %dma_wait3A_340] : memref<4x125xi32, #tpu.memory_space<vmem>> -> memref<1x125xi32, #tpu.memory_space<vmem>>
      %dma_wait3A_342 = tpu.memref_squeeze %dma_wait3A_341 : memref<1x125xi32, #tpu.memory_space<vmem>> -> memref<125xi32, #tpu.memory_space<vmem>>
      %dma_wait3A_343 = arith.constant 0 : i32
      %dma_wait3A_344 = arith.constant 0 : i32
      %dma_wait3A_345 = tpu.memref_slice %arg2[%dma_wait3A_343, %dma_wait3A_344] : memref<10000x128xf32, #tpu.memory_space<hbm>> -> memref<10000x128xf32, #tpu.memory_space<hbm>>
      tpu.wait_indirect_dma semaphore(%arg12 : memref<!tpu.dma_semaphore, #tpu.memory_space<semaphore_mem>>) src(%dma_wait3A_345 : memref<10000x128xf32, #tpu.memory_space<hbm>>) dst(%arg9 : memref<125x128xf32, #tpu.memory_space<vmem>>)
      %dma_start3A_346 = arith.constant 3 : i32
      %dma_start3A_347 = arith.constant 0 : i32
      %dma_start3A_348 = tpu.memref_slice %arg7[%dma_start3A_346, %dma_start3A_347] : memref<4x125xi32, #tpu.memory_space<vmem>> -> memref<1x125xi32, #tpu.memory_space<vmem>>
      %dma_start3A_349 = tpu.memref_squeeze %dma_start3A_348 : memref<1x125xi32, #tpu.memory_space<vmem>> -> memref<125xi32, #tpu.memory_space<vmem>>
      %dma_start3A_350 = arith.constant 0 : i32
      %dma_start3A_351 = arith.constant 0 : i32
      %dma_start3A_352 = tpu.memref_slice %arg10[%dma_start3A_350, %dma_start3A_351] : memref<10000x128xf32, #tpu.memory_space<vmem_shared>> -> memref<10000x128xf32, #tpu.memory_space<vmem_shared>>
      tpu.enqueue_indirect_dma source(%arg9 : memref<125x128xf32, #tpu.memory_space<vmem>>) target(%dma_start3A_352 : memref<10000x128xf32, #tpu.memory_space<vmem_shared>>) offsets(%dma_start3A_349 : memref<125xi32, #tpu.memory_space<vmem>>) semaphore(%arg14 : memref<!tpu.dma_semaphore, #tpu.memory_space<semaphore_mem>>) {add = true}
      %ge3A_353 = arith.constant 1 : i32
      %ge3A_354 = arith.cmpi sge, %add3A_338, %ge3A_353 : i32
      %convert_element_type3A_355 = arith.extui %ge3A_354 : i1 to i32
      %cond3A_356 = arith.constant 0 : i32
      %cond3A_357 = arith.cmpi ne, %convert_element_type3A_355, %cond3A_356 : i32
      scf.if %cond3A_357 {
        %dma_wait3A_373 = arith.constant 2 : i32
        %dma_wait3A_374 = arith.constant 0 : i32
        %dma_wait3A_375 = tpu.memref_slice %arg7[%dma_wait3A_373, %dma_wait3A_374] : memref<4x125xi32, #tpu.memory_space<vmem>> -> memref<1x125xi32, #tpu.memory_space<vmem>>
        %dma_wait3A_376 = tpu.memref_squeeze %dma_wait3A_375 : memref<1x125xi32, #tpu.memory_space<vmem>> -> memref<125xi32, #tpu.memory_space<vmem>>
        %dma_wait3A_377 = arith.constant 0 : i32
        %dma_wait3A_378 = arith.constant 0 : i32
        %dma_wait3A_379 = tpu.memref_slice %arg10[%dma_wait3A_377, %dma_wait3A_378] : memref<10000x128xf32, #tpu.memory_space<vmem_shared>> -> memref<10000x128xf32, #tpu.memory_space<vmem_shared>>
        tpu.wait_indirect_dma semaphore(%arg13 : memref<!tpu.dma_semaphore, #tpu.memory_space<semaphore_mem>>) src(%arg8 : memref<125x128xf32, #tpu.memory_space<vmem>>) dst(%dma_wait3A_379 : memref<10000x128xf32, #tpu.memory_space<vmem_shared>>)
      } else {
      }
      %add3A_358 = arith.constant 3 : i32
      %add3A_359 = arith.addi %add3A_338, %add3A_358 : i32
      %lt3A_360 = arith.constant 160 : i32
      %lt3A_361 = arith.cmpi slt, %add3A_359, %lt3A_360 : i32
      %convert_element_type3A_362 = arith.extui %lt3A_361 : i1 to i32
      %cond3A_363 = arith.constant 0 : i32
      %cond3A_364 = arith.cmpi ne, %convert_element_type3A_362, %cond3A_363 : i32
      scf.if %cond3A_364 {
        %add3A_373 = arith.constant 3 : i32
        %add3A_374 = arith.addi %add3A_338, %add3A_373 : i32
        %dma_start3A_375 = arith.constant 2 : i32
        %dma_start3A_376 = arith.constant 0 : i32
        %dma_start3A_377 = tpu.memref_slice %arg6[%dma_start3A_375, %dma_start3A_376] : memref<4x125xi32, #tpu.memory_space<vmem>> -> memref<1x125xi32, #tpu.memory_space<vmem>>
        %dma_start3A_378 = tpu.memref_squeeze %dma_start3A_377 : memref<1x125xi32, #tpu.memory_space<vmem>> -> memref<125xi32, #tpu.memory_space<vmem>>
        %dma_start3A_379 = arith.constant 0 : i32
        %dma_start3A_380 = arith.constant 0 : i32
        %dma_start3A_381 = tpu.memref_slice %arg3[%arg1, %dma_start3A_379, %dma_start3A_380] : memref<16x160x125xi32, #tpu.memory_space<hbm>> -> memref<1x160x125xi32, #tpu.memory_space<hbm>>
        %dma_start3A_382 = tpu.memref_squeeze %dma_start3A_381 : memref<1x160x125xi32, #tpu.memory_space<hbm>> -> memref<160x125xi32, #tpu.memory_space<hbm>>
        %dma_start3A_383 = arith.constant 0 : i32
        %dma_start3A_384 = tpu.memref_slice %dma_start3A_382[%add3A_374, %dma_start3A_383] : memref<160x125xi32, #tpu.memory_space<hbm>> -> memref<1x125xi32, #tpu.memory_space<hbm>>
        %dma_start3A_385 = tpu.memref_squeeze %dma_start3A_384 : memref<1x125xi32, #tpu.memory_space<hbm>> -> memref<125xi32, #tpu.memory_space<hbm>>
        %dma_start3A_386 = arith.constant 0 : i32
        %dma_start3A_387 = tpu.memref_slice %arg6[%dma_start3A_375, %dma_start3A_386] : memref<4x125xi32, #tpu.memory_space<vmem>> -> memref<1x125xi32, #tpu.memory_space<vmem>>
        %dma_start3A_388 = tpu.memref_squeeze %dma_start3A_387 : memref<1x125xi32, #tpu.memory_space<vmem>> -> memref<125xi32, #tpu.memory_space<vmem>>
        %dma_start3A_389 = arith.constant 0 : i32
        %dma_start3A_390 = arith.constant 0 : i32
        %dma_start3A_391 = tpu.memref_slice %arg3[%arg1, %dma_start3A_389, %dma_start3A_390] : memref<16x160x125xi32, #tpu.memory_space<hbm>> -> memref<1x160x125xi32, #tpu.memory_space<hbm>>
        %dma_start3A_392 = tpu.memref_squeeze %dma_start3A_391 : memref<1x160x125xi32, #tpu.memory_space<hbm>> -> memref<160x125xi32, #tpu.memory_space<hbm>>
        %dma_start3A_393 = arith.constant 0 : i32
        %dma_start3A_394 = tpu.memref_slice %dma_start3A_392[%add3A_374, %dma_start3A_393] : memref<160x125xi32, #tpu.memory_space<hbm>> -> memref<1x125xi32, #tpu.memory_space<hbm>>
        %dma_start3A_395 = tpu.memref_squeeze %dma_start3A_394 : memref<1x125xi32, #tpu.memory_space<hbm>> -> memref<125xi32, #tpu.memory_space<hbm>>
        tpu.enqueue_dma source(%dma_start3A_395 : memref<125xi32, #tpu.memory_space<hbm>>) target(%dma_start3A_388 : memref<125xi32, #tpu.memory_space<vmem>>) target_semaphore(%arg17 : memref<!tpu.dma_semaphore, #tpu.memory_space<semaphore_mem>>)
        %dma_start3A_396 = arith.constant 2 : i32
        %dma_start3A_397 = arith.constant 0 : i32
        %dma_start3A_398 = tpu.memref_slice %arg7[%dma_start3A_396, %dma_start3A_397] : memref<4x125xi32, #tpu.memory_space<vmem>> -> memref<1x125xi32, #tpu.memory_space<vmem>>
        %dma_start3A_399 = tpu.memref_squeeze %dma_start3A_398 : memref<1x125xi32, #tpu.memory_space<vmem>> -> memref<125xi32, #tpu.memory_space<vmem>>
        %dma_start3A_400 = arith.constant 0 : i32
        %dma_start3A_401 = arith.constant 0 : i32
        %dma_start3A_402 = tpu.memref_slice %arg4[%arg1, %dma_start3A_400, %dma_start3A_401] : memref<16x160x125xi32, #tpu.memory_space<hbm>> -> memref<1x160x125xi32, #tpu.memory_space<hbm>>
        %dma_start3A_403 = tpu.memref_squeeze %dma_start3A_402 : memref<1x160x125xi32, #tpu.memory_space<hbm>> -> memref<160x125xi32, #tpu.memory_space<hbm>>
        %dma_start3A_404 = arith.constant 0 : i32
        %dma_start3A_405 = tpu.memref_slice %dma_start3A_403[%add3A_374, %dma_start3A_404] : memref<160x125xi32, #tpu.memory_space<hbm>> -> memref<1x125xi32, #tpu.memory_space<hbm>>
        %dma_start3A_406 = tpu.memref_squeeze %dma_start3A_405 : memref<1x125xi32, #tpu.memory_space<hbm>> -> memref<125xi32, #tpu.memory_space<hbm>>
        %dma_start3A_407 = arith.constant 0 : i32
        %dma_start3A_408 = tpu.memref_slice %arg7[%dma_start3A_396, %dma_start3A_407] : memref<4x125xi32, #tpu.memory_space<vmem>> -> memref<1x125xi32, #tpu.memory_space<vmem>>
        %dma_start3A_409 = tpu.memref_squeeze %dma_start3A_408 : memref<1x125xi32, #tpu.memory_space<vmem>> -> memref<125xi32, #tpu.memory_space<vmem>>
        %dma_start3A_410 = arith.constant 0 : i32
        %dma_start3A_411 = arith.constant 0 : i32
        %dma_start3A_412 = tpu.memref_slice %arg4[%arg1, %dma_start3A_410, %dma_start3A_411] : memref<16x160x125xi32, #tpu.memory_space<hbm>> -> memref<1x160x125xi32, #tpu.memory_space<hbm>>
        %dma_start3A_413 = tpu.memref_squeeze %dma_start3A_412 : memref<1x160x125xi32, #tpu.memory_space<hbm>> -> memref<160x125xi32, #tpu.memory_space<hbm>>
        %dma_start3A_414 = arith.constant 0 : i32
        %dma_start3A_415 = tpu.memref_slice %dma_start3A_413[%add3A_374, %dma_start3A_414] : memref<160x125xi32, #tpu.memory_space<hbm>> -> memref<1x125xi32, #tpu.memory_space<hbm>>
        %dma_start3A_416 = tpu.memref_squeeze %dma_start3A_415 : memref<1x125xi32, #tpu.memory_space<hbm>> -> memref<125xi32, #tpu.memory_space<hbm>>
        tpu.enqueue_dma source(%dma_start3A_416 : memref<125xi32, #tpu.memory_space<hbm>>) target(%dma_start3A_409 : memref<125xi32, #tpu.memory_space<vmem>>) target_semaphore(%arg17 : memref<!tpu.dma_semaphore, #tpu.memory_space<semaphore_mem>>)
      } else {
      }
      %add3A_365 = arith.constant 1 : i32
      %add3A_366 = arith.addi %add3A_338, %add3A_365 : i32
      %lt3A_367 = arith.constant 160 : i32
      %lt3A_368 = arith.cmpi slt, %add3A_366, %lt3A_367 : i32
      %convert_element_type3A_369 = arith.extui %lt3A_368 : i1 to i32
      %cond3A_370 = arith.constant 0 : i32
      %cond3A_371 = arith.cmpi ne, %convert_element_type3A_369, %cond3A_370 : i32
      scf.if %cond3A_371 {
        %dma_wait3A_373 = arith.constant 0 : i32
        %dma_wait3A_374 = arith.constant 0 : i32
        %dma_wait3A_375 = arith.constant 0 : i32
        %dma_wait3A_376 = tpu.memref_slice %arg6[%dma_wait3A_374, %dma_wait3A_375] : memref<4x125xi32, #tpu.memory_space<vmem>> -> memref<1x125xi32, #tpu.memory_space<vmem>>
        %dma_wait3A_377 = tpu.memref_squeeze %dma_wait3A_376 : memref<1x125xi32, #tpu.memory_space<vmem>> -> memref<125xi32, #tpu.memory_space<vmem>>
        %dma_wait3A_378 = arith.constant 0 : i32
        %dma_wait3A_379 = arith.constant 0 : i32
        %dma_wait3A_380 = tpu.memref_slice %arg3[%arg1, %dma_wait3A_378, %dma_wait3A_379] : memref<16x160x125xi32, #tpu.memory_space<hbm>> -> memref<1x160x125xi32, #tpu.memory_space<hbm>>
        %dma_wait3A_381 = tpu.memref_squeeze %dma_wait3A_380 : memref<1x160x125xi32, #tpu.memory_space<hbm>> -> memref<160x125xi32, #tpu.memory_space<hbm>>
        %dma_wait3A_382 = arith.constant 0 : i32
        %dma_wait3A_383 = tpu.memref_slice %dma_wait3A_381[%dma_wait3A_373, %dma_wait3A_382] : memref<160x125xi32, #tpu.memory_space<hbm>> -> memref<1x125xi32, #tpu.memory_space<hbm>>
        %dma_wait3A_384 = tpu.memref_squeeze %dma_wait3A_383 : memref<1x125xi32, #tpu.memory_space<hbm>> -> memref<125xi32, #tpu.memory_space<hbm>>
        %dma_wait3A_385 = arith.constant 0 : i32
        %dma_wait3A_386 = tpu.memref_slice %arg6[%dma_wait3A_374, %dma_wait3A_385] : memref<4x125xi32, #tpu.memory_space<vmem>> -> memref<1x125xi32, #tpu.memory_space<vmem>>
        %dma_wait3A_387 = tpu.memref_squeeze %dma_wait3A_386 : memref<1x125xi32, #tpu.memory_space<vmem>> -> memref<125xi32, #tpu.memory_space<vmem>>
        %dma_wait3A_388 = arith.constant 0 : i32
        %dma_wait3A_389 = arith.constant 0 : i32
        %dma_wait3A_390 = tpu.memref_slice %arg3[%arg1, %dma_wait3A_388, %dma_wait3A_389] : memref<16x160x125xi32, #tpu.memory_space<hbm>> -> memref<1x160x125xi32, #tpu.memory_space<hbm>>
        %dma_wait3A_391 = tpu.memref_squeeze %dma_wait3A_390 : memref<1x160x125xi32, #tpu.memory_space<hbm>> -> memref<160x125xi32, #tpu.memory_space<hbm>>
        %dma_wait3A_392 = arith.constant 0 : i32
        %dma_wait3A_393 = tpu.memref_slice %dma_wait3A_391[%dma_wait3A_373, %dma_wait3A_392] : memref<160x125xi32, #tpu.memory_space<hbm>> -> memref<1x125xi32, #tpu.memory_space<hbm>>
        %dma_wait3A_394 = tpu.memref_squeeze %dma_wait3A_393 : memref<1x125xi32, #tpu.memory_space<hbm>> -> memref<125xi32, #tpu.memory_space<hbm>>
        tpu.wait_dma2 semaphore(%arg15 : memref<!tpu.dma_semaphore, #tpu.memory_space<semaphore_mem>>) src(%dma_wait3A_394 : memref<125xi32, #tpu.memory_space<hbm>>) dst(%dma_wait3A_387 : memref<125xi32, #tpu.memory_space<vmem>>)
        %dma_wait3A_395 = arith.constant 0 : i32
        %dma_wait3A_396 = arith.constant 0 : i32
        %dma_wait3A_397 = arith.constant 0 : i32
        %dma_wait3A_398 = tpu.memref_slice %arg7[%dma_wait3A_396, %dma_wait3A_397] : memref<4x125xi32, #tpu.memory_space<vmem>> -> memref<1x125xi32, #tpu.memory_space<vmem>>
        %dma_wait3A_399 = tpu.memref_squeeze %dma_wait3A_398 : memref<1x125xi32, #tpu.memory_space<vmem>> -> memref<125xi32, #tpu.memory_space<vmem>>
        %dma_wait3A_400 = arith.constant 0 : i32
        %dma_wait3A_401 = arith.constant 0 : i32
        %dma_wait3A_402 = tpu.memref_slice %arg4[%arg1, %dma_wait3A_400, %dma_wait3A_401] : memref<16x160x125xi32, #tpu.memory_space<hbm>> -> memref<1x160x125xi32, #tpu.memory_space<hbm>>
        %dma_wait3A_403 = tpu.memref_squeeze %dma_wait3A_402 : memref<1x160x125xi32, #tpu.memory_space<hbm>> -> memref<160x125xi32, #tpu.memory_space<hbm>>
        %dma_wait3A_404 = arith.constant 0 : i32
        %dma_wait3A_405 = tpu.memref_slice %dma_wait3A_403[%dma_wait3A_395, %dma_wait3A_404] : memref<160x125xi32, #tpu.memory_space<hbm>> -> memref<1x125xi32, #tpu.memory_space<hbm>>
        %dma_wait3A_406 = tpu.memref_squeeze %dma_wait3A_405 : memref<1x125xi32, #tpu.memory_space<hbm>> -> memref<125xi32, #tpu.memory_space<hbm>>
        %dma_wait3A_407 = arith.constant 0 : i32
        %dma_wait3A_408 = tpu.memref_slice %arg7[%dma_wait3A_396, %dma_wait3A_407] : memref<4x125xi32, #tpu.memory_space<vmem>> -> memref<1x125xi32, #tpu.memory_space<vmem>>
        %dma_wait3A_409 = tpu.memref_squeeze %dma_wait3A_408 : memref<1x125xi32, #tpu.memory_space<vmem>> -> memref<125xi32, #tpu.memory_space<vmem>>
        %dma_wait3A_410 = arith.constant 0 : i32
        %dma_wait3A_411 = arith.constant 0 : i32
        %dma_wait3A_412 = tpu.memref_slice %arg4[%arg1, %dma_wait3A_410, %dma_wait3A_411] : memref<16x160x125xi32, #tpu.memory_space<hbm>> -> memref<1x160x125xi32, #tpu.memory_space<hbm>>
        %dma_wait3A_413 = tpu.memref_squeeze %dma_wait3A_412 : memref<1x160x125xi32, #tpu.memory_space<hbm>> -> memref<160x125xi32, #tpu.memory_space<hbm>>
        %dma_wait3A_414 = arith.constant 0 : i32
        %dma_wait3A_415 = tpu.memref_slice %dma_wait3A_413[%dma_wait3A_395, %dma_wait3A_414] : memref<160x125xi32, #tpu.memory_space<hbm>> -> memref<1x125xi32, #tpu.memory_space<hbm>>
        %dma_wait3A_416 = tpu.memref_squeeze %dma_wait3A_415 : memref<1x125xi32, #tpu.memory_space<hbm>> -> memref<125xi32, #tpu.memory_space<hbm>>
        tpu.wait_dma2 semaphore(%arg15 : memref<!tpu.dma_semaphore, #tpu.memory_space<semaphore_mem>>) src(%dma_wait3A_416 : memref<125xi32, #tpu.memory_space<hbm>>) dst(%dma_wait3A_409 : memref<125xi32, #tpu.memory_space<vmem>>)
        %dma_start3A_417 = arith.constant 0 : i32
        %dma_start3A_418 = arith.constant 0 : i32
        %dma_start3A_419 = tpu.memref_slice %arg6[%dma_start3A_417, %dma_start3A_418] : memref<4x125xi32, #tpu.memory_space<vmem>> -> memref<1x125xi32, #tpu.memory_space<vmem>>
        %dma_start3A_420 = tpu.memref_squeeze %dma_start3A_419 : memref<1x125xi32, #tpu.memory_space<vmem>> -> memref<125xi32, #tpu.memory_space<vmem>>
        %dma_start3A_421 = arith.constant 0 : i32
        %dma_start3A_422 = arith.constant 0 : i32
        %dma_start3A_423 = tpu.memref_slice %arg2[%dma_start3A_421, %dma_start3A_422] : memref<10000x128xf32, #tpu.memory_space<hbm>> -> memref<10000x128xf32, #tpu.memory_space<hbm>>
        tpu.enqueue_indirect_dma source(%dma_start3A_423 : memref<10000x128xf32, #tpu.memory_space<hbm>>) target(%arg8 : memref<125x128xf32, #tpu.memory_space<vmem>>) offsets(%dma_start3A_420 : memref<125xi32, #tpu.memory_space<vmem>>) semaphore(%arg11 : memref<!tpu.dma_semaphore, #tpu.memory_space<semaphore_mem>>)
      } else {
      }
      %scan3A_372 = arith.constant 0 : i32
      scf.yield %scan3A_372 : i32
    }
    %scan3A_210 = arith.constant 40 : i32
    %dma_wait3A_211 = arith.constant 3 : i32
    %dma_wait3A_212 = arith.constant 0 : i32
    %dma_wait3A_213 = tpu.memref_slice %arg7[%dma_wait3A_211, %dma_wait3A_212] : memref<4x125xi32, #tpu.memory_space<vmem>> -> memref<1x125xi32, #tpu.memory_space<vmem>>
    %dma_wait3A_214 = tpu.memref_squeeze %dma_wait3A_213 : memref<1x125xi32, #tpu.memory_space<vmem>> -> memref<125xi32, #tpu.memory_space<vmem>>
    %dma_wait3A_215 = arith.constant 0 : i32
    %dma_wait3A_216 = arith.constant 0 : i32
    %dma_wait3A_217 = tpu.memref_slice %arg10[%dma_wait3A_215, %dma_wait3A_216] : memref<10000x128xf32, #tpu.memory_space<vmem_shared>> -> memref<10000x128xf32, #tpu.memory_space<vmem_shared>>
    tpu.wait_indirect_dma semaphore(%arg14 : memref<!tpu.dma_semaphore, #tpu.memory_space<semaphore_mem>>) src(%arg9 : memref<125x128xf32, #tpu.memory_space<vmem>>) dst(%dma_wait3A_217 : memref<10000x128xf32, #tpu.memory_space<vmem_shared>>)
    %barrier3A_218 = arith.constant 0 : index
    tpu.barrier barrier_id(%barrier3A_218)
    %run_scoped3A = arith.constant 0 : i32
    "tpu.region"() ({
      %run_scoped3A_224 = tpu.sem_alloc : memref<!tpu.dma_semaphore, #tpu.memory_space<semaphore_mem>>
      %dma_start3A_225 = arith.constant 0 : i32
      %dma_start3A_226 = arith.constant 0 : i32
      %dma_start3A_227 = tpu.memref_slice %arg5[%run_scoped3A, %dma_start3A_225, %dma_start3A_226] : memref<1x10000x128xf32, #tpu.memory_space<hbm>> -> memref<1x10000x128xf32, #tpu.memory_space<hbm>>
      %dma_start3A_228 = tpu.memref_squeeze %dma_start3A_227 : memref<1x10000x128xf32, #tpu.memory_space<hbm>> -> memref<10000x128xf32, #tpu.memory_space<hbm>>
      %dma_start3A_229 = arith.constant 0 : i32
      %dma_start3A_230 = tpu.memref_slice %dma_start3A_228[%multiple_of3A, %dma_start3A_229] : memref<10000x128xf32, #tpu.memory_space<hbm>> -> memref<624x128xf32, #tpu.memory_space<hbm>>
      %dma_start3A_231 = arith.constant 0 : i32
      %dma_start3A_232 = tpu.memref_slice %arg10[%multiple_of3A, %dma_start3A_231] : memref<10000x128xf32, #tpu.memory_space<vmem_shared>> -> memref<624x128xf32, #tpu.memory_space<vmem_shared>>
      tpu.enqueue_dma source(%dma_start3A_232 : memref<624x128xf32, #tpu.memory_space<vmem_shared>>) target(%dma_start3A_230 : memref<624x128xf32, #tpu.memory_space<hbm>>) target_semaphore(%run_scoped3A_224 : memref<!tpu.dma_semaphore, #tpu.memory_space<semaphore_mem>>)
      %dma_wait3A_233 = arith.constant 0 : i32
      %dma_wait3A_234 = arith.constant 0 : i32
      %dma_wait3A_235 = tpu.memref_slice %arg5[%run_scoped3A, %dma_wait3A_233, %dma_wait3A_234] : memref<1x10000x128xf32, #tpu.memory_space<hbm>> -> memref<1x10000x128xf32, #tpu.memory_space<hbm>>
      %dma_wait3A_236 = tpu.memref_squeeze %dma_wait3A_235 : memref<1x10000x128xf32, #tpu.memory_space<hbm>> -> memref<10000x128xf32, #tpu.memory_space<hbm>>
      %dma_wait3A_237 = arith.constant 0 : i32
      %dma_wait3A_238 = tpu.memref_slice %dma_wait3A_236[%multiple_of3A, %dma_wait3A_237] : memref<10000x128xf32, #tpu.memory_space<hbm>> -> memref<624x128xf32, #tpu.memory_space<hbm>>
      %dma_wait3A_239 = arith.constant 0 : i32
      %dma_wait3A_240 = tpu.memref_slice %arg10[%multiple_of3A, %dma_wait3A_239] : memref<10000x128xf32, #tpu.memory_space<vmem_shared>> -> memref<624x128xf32, #tpu.memory_space<vmem_shared>>
      tpu.wait_dma2 semaphore(%run_scoped3A_224 : memref<!tpu.dma_semaphore, #tpu.memory_space<semaphore_mem>>) src(%dma_wait3A_240 : memref<624x128xf32, #tpu.memory_space<vmem_shared>>) dst(%dma_wait3A_238 : memref<624x128xf32, #tpu.memory_space<hbm>>)
      tpu.yield
    }) : () -> ()
    %eq3A_219 = arith.constant 0 : i32
    %eq3A_220 = arith.cmpi eq, %arg1, %eq3A_219 : i32
    %convert_element_type3A_221 = arith.extui %eq3A_220 : i1 to i32
    %cond3A_222 = arith.constant 0 : i32
    %cond3A_223 = arith.cmpi ne, %convert_element_type3A_221, %cond3A_222 : i32
    scf.if %cond3A_223 {
      %run_scoped3A_224 = arith.constant 0 : i32
      "tpu.region"() ({
        %run_scoped3A_225 = tpu.sem_alloc : memref<!tpu.dma_semaphore, #tpu.memory_space<semaphore_mem>>
        %dma_start3A_226 = arith.constant 0 : i32
        %dma_start3A_227 = arith.constant 0 : i32
        %dma_start3A_228 = tpu.memref_slice %arg5[%run_scoped3A_224, %dma_start3A_226, %dma_start3A_227] : memref<1x10000x128xf32, #tpu.memory_space<hbm>> -> memref<1x10000x128xf32, #tpu.memory_space<hbm>>
        %dma_start3A_229 = tpu.memref_squeeze %dma_start3A_228 : memref<1x10000x128xf32, #tpu.memory_space<hbm>> -> memref<10000x128xf32, #tpu.memory_space<hbm>>
        %dma_start3A_230 = arith.constant 9984 : i32
        %dma_start3A_231 = arith.constant 0 : i32
        %dma_start3A_232 = tpu.memref_slice %dma_start3A_229[%dma_start3A_230, %dma_start3A_231] : memref<10000x128xf32, #tpu.memory_space<hbm>> -> memref<16x128xf32, #tpu.memory_space<hbm>>
        %dma_start3A_233 = arith.constant 9984 : i32
        %dma_start3A_234 = arith.constant 0 : i32
        %dma_start3A_235 = tpu.memref_slice %arg10[%dma_start3A_233, %dma_start3A_234] : memref<10000x128xf32, #tpu.memory_space<vmem_shared>> -> memref<16x128xf32, #tpu.memory_space<vmem_shared>>
        tpu.enqueue_dma source(%dma_start3A_235 : memref<16x128xf32, #tpu.memory_space<vmem_shared>>) target(%dma_start3A_232 : memref<16x128xf32, #tpu.memory_space<hbm>>) target_semaphore(%run_scoped3A_225 : memref<!tpu.dma_semaphore, #tpu.memory_space<semaphore_mem>>)
        %dma_wait3A_236 = arith.constant 0 : i32
        %dma_wait3A_237 = arith.constant 0 : i32
        %dma_wait3A_238 = tpu.memref_slice %arg5[%run_scoped3A_224, %dma_wait3A_236, %dma_wait3A_237] : memref<1x10000x128xf32, #tpu.memory_space<hbm>> -> memref<1x10000x128xf32, #tpu.memory_space<hbm>>
        %dma_wait3A_239 = tpu.memref_squeeze %dma_wait3A_238 : memref<1x10000x128xf32, #tpu.memory_space<hbm>> -> memref<10000x128xf32, #tpu.memory_space<hbm>>
        %dma_wait3A_240 = arith.constant 9984 : i32
        %dma_wait3A_241 = arith.constant 0 : i32
        %dma_wait3A_242 = tpu.memref_slice %dma_wait3A_239[%dma_wait3A_240, %dma_wait3A_241] : memref<10000x128xf32, #tpu.memory_space<hbm>> -> memref<16x128xf32, #tpu.memory_space<hbm>>
        %dma_wait3A_243 = arith.constant 9984 : i32
        %dma_wait3A_244 = arith.constant 0 : i32
        %dma_wait3A_245 = tpu.memref_slice %arg10[%dma_wait3A_243, %dma_wait3A_244] : memref<10000x128xf32, #tpu.memory_space<vmem_shared>> -> memref<16x128xf32, #tpu.memory_space<vmem_shared>>
        tpu.wait_dma2 semaphore(%run_scoped3A_225 : memref<!tpu.dma_semaphore, #tpu.memory_space<semaphore_mem>>) src(%dma_wait3A_245 : memref<16x128xf32, #tpu.memory_space<vmem_shared>>) dst(%dma_wait3A_242 : memref<16x128xf32, #tpu.memory_space<hbm>>)
        tpu.yield
      }) : () -> ()
    } else {
    }
    return
  }
}

#map = affine_map<(d0, d1) -> (0, 0, 0)>
module attributes {stable_mosaic.version = 14 : i64} {
  func.func @k(%arg0: i32, %arg1: i32, %arg2: memref<16x160x125xi32, #tpu.memory_space<hbm>>, %arg3: memref<1x10000x128xf32, #tpu.memory_space<hbm>>, %arg4: memref<4x125xi32, #tpu.memory_space<vmem>>, %arg5: memref<125x128xf32, #tpu.memory_space<vmem>>, %arg6: memref<125x128xf32, #tpu.memory_space<vmem>>, %arg7: memref<10000x128xf32, #tpu.memory_space<vmem_shared>>, %arg8: memref<!tpu.dma_semaphore, #tpu.memory_space<semaphore_mem>>, %arg9: memref<!tpu.dma_semaphore, #tpu.memory_space<semaphore_mem>>, %arg10: memref<!tpu.dma_semaphore, #tpu.memory_space<semaphore_mem>>, %arg11: memref<!tpu.dma_semaphore, #tpu.memory_space<semaphore_mem>>, %arg12: memref<!tpu.dma_semaphore, #tpu.memory_space<semaphore_mem>>, %arg13: memref<!tpu.dma_semaphore, #tpu.memory_space<semaphore_mem>>) attributes {dimension_semantics = [#tpu.dimension_semantics<core_parallel>, #tpu.dimension_semantics<subcore_parallel>], iteration_bounds = array<i64: 1, 16>, scalar_prefetch = 0 : i64, scratch_operands = 10 : i64, tpu.core_type = #tpu.core_type<sc_vector_subcore>, window_params = [{transform_indices = #map}, {transform_indices = #map}]} {
    %broadcast_in_dim3A = arith.constant 1.000000e+00 : f32
    %broadcast_in_dim3A_0 = vector.broadcast %broadcast_in_dim3A : f32 to vector<16xf32>
    %broadcast_in_dim3A_1 = arith.constant 0.000000e+00 : f32
    %broadcast_in_dim3A_2 = vector.broadcast %broadcast_in_dim3A_1 : f32 to vector<16xf32>
    %scan3A = arith.constant 0 : i32
    %scan3A_3 = arith.constant 0 : i32
    %scan3A_4 = arith.constant 125 : i32
    %scan3A_5 = arith.addi %scan3A_3, %scan3A_4 : i32
    %scan3A_6 = arith.constant 1 : i32
    %scan3A_7 = scf.for %scan3A_94 = %scan3A_3 to %scan3A_5 step %scan3A_6 iter_args(%scan3A_95 = %scan3A) -> (i32)  : i32 {
      %scan3A_96 = arith.constant 0 : i32
      %scan3A_97 = arith.constant 0 : i32
      %scan3A_98 = arith.constant 8 : i32
      %scan3A_99 = arith.addi %scan3A_97, %scan3A_98 : i32
      %scan3A_100 = arith.constant 1 : i32
      %scan3A_101 = scf.for %scan3A_103 = %scan3A_97 to %scan3A_99 step %scan3A_100 iter_args(%scan3A_104 = %scan3A_96) -> (i32)  : i32 {
        %mul3A_105 = arith.constant 16 : i32
        %mul3A_106 = arith.muli %scan3A_103, %mul3A_105 : i32
        %swap3A = arith.index_cast %scan3A_94 : i32 to index
        %swap3A_107 = arith.index_cast %mul3A_106 : i32 to index
        %swap3A_108 = tpu.vector_load %arg5[%swap3A, %swap3A_107] {strides = array<i32>} : memref<125x128xf32, #tpu.memory_space<vmem>>, vector<1x16xf32>,
        %swap3A_109 = vector.shape_cast %swap3A_108 : vector<1x16xf32> to vector<16xf32>
        %swap3A_110 = vector.shape_cast %broadcast_in_dim3A_0 : vector<16xf32> to vector<1x16xf32>
        tpu.vector_store %arg5[%swap3A, %swap3A_107], %swap3A_110 {strides = array<i32>} : memref<125x128xf32, #tpu.memory_space<vmem>>, vector<1x16xf32>,
        %mul3A_111 = arith.constant 16 : i32
        %mul3A_112 = arith.muli %scan3A_103, %mul3A_111 : i32
        %swap3A_113 = arith.index_cast %scan3A_94 : i32 to index
        %swap3A_114 = arith.index_cast %mul3A_112 : i32 to index
        %swap3A_115 = tpu.vector_load %arg6[%swap3A_113, %swap3A_114] {strides = array<i32>} : memref<125x128xf32, #tpu.memory_space<vmem>>, vector<1x16xf32>,
        %swap3A_116 = vector.shape_cast %swap3A_115 : vector<1x16xf32> to vector<16xf32>
        %swap3A_117 = vector.shape_cast %broadcast_in_dim3A_2 : vector<16xf32> to vector<1x16xf32>
        tpu.vector_store %arg6[%swap3A_113, %swap3A_114], %swap3A_117 {strides = array<i32>} : memref<125x128xf32, #tpu.memory_space<vmem>>, vector<1x16xf32>,
        %scan3A_118 = arith.constant 0 : i32
        scf.yield %scan3A_118 : i32
      }
      %scan3A_102 = arith.constant 8 : i32
      scf.yield %scan3A_101 : i32
    }
    %scan3A_8 = arith.constant 125 : i32
    %mul3A = arith.constant 624 : i32
    %mul3A_9 = arith.muli %arg1, %mul3A : i32
    %multiple_of3A = tpu.assume_multiple %mul3A_9, 8 : i32
    %add3A = arith.constant 0 : i32
    %add3A_10 = arith.addi %multiple_of3A, %add3A : i32
    "tpu.region"() ({
      %run_scoped3A_94 = tpu.sem_alloc : memref<!tpu.dma_semaphore, #tpu.memory_space<semaphore_mem>>
      %dma_start3A_95 = arith.constant 0 : i32
      %dma_start3A_96 = arith.constant 0 : i32
      %dma_start3A_97 = tpu.memref_slice %arg6[%dma_start3A_95, %dma_start3A_96] : memref<125x128xf32, #tpu.memory_space<vmem>> -> memref<96x128xf32, #tpu.memory_space<vmem>>
      %dma_start3A_98 = arith.constant 0 : i32
      %dma_start3A_99 = tpu.memref_slice %arg7[%add3A_10, %dma_start3A_98] : memref<10000x128xf32, #tpu.memory_space<vmem_shared>> -> memref<96x128xf32, #tpu.memory_space<vmem_shared>>
      %dma_start3A_100 = arith.constant 0 : i32
      %dma_start3A_101 = tpu.memref_slice %arg7[%add3A_10, %dma_start3A_100] : memref<10000x128xf32, #tpu.memory_space<vmem_shared>> -> memref<96x128xf32, #tpu.memory_space<vmem_shared>>
      %dma_start3A_102 = arith.constant 0 : i32
      %dma_start3A_103 = arith.constant 0 : i32
      %dma_start3A_104 = tpu.memref_slice %arg6[%dma_start3A_102, %dma_start3A_103] : memref<125x128xf32, #tpu.memory_space<vmem>> -> memref<96x128xf32, #tpu.memory_space<vmem>>
      tpu.enqueue_dma source(%dma_start3A_104 : memref<96x128xf32, #tpu.memory_space<vmem>>) target(%dma_start3A_101 : memref<96x128xf32, #tpu.memory_space<vmem_shared>>) target_semaphore(%run_scoped3A_94 : memref<!tpu.dma_semaphore, #tpu.memory_space<semaphore_mem>>)
      %dma_wait3A_105 = arith.constant 0 : i32
      %dma_wait3A_106 = arith.constant 0 : i32
      %dma_wait3A_107 = tpu.memref_slice %arg6[%dma_wait3A_105, %dma_wait3A_106] : memref<125x128xf32, #tpu.memory_space<vmem>> -> memref<96x128xf32, #tpu.memory_space<vmem>>
      %dma_wait3A_108 = arith.constant 0 : i32
      %dma_wait3A_109 = tpu.memref_slice %arg7[%add3A_10, %dma_wait3A_108] : memref<10000x128xf32, #tpu.memory_space<vmem_shared>> -> memref<96x128xf32, #tpu.memory_space<vmem_shared>>
      %dma_wait3A_110 = arith.constant 0 : i32
      %dma_wait3A_111 = tpu.memref_slice %arg7[%add3A_10, %dma_wait3A_110] : memref<10000x128xf32, #tpu.memory_space<vmem_shared>> -> memref<96x128xf32, #tpu.memory_space<vmem_shared>>
      %dma_wait3A_112 = arith.constant 0 : i32
      %dma_wait3A_113 = arith.constant 0 : i32
      %dma_wait3A_114 = tpu.memref_slice %arg6[%dma_wait3A_112, %dma_wait3A_113] : memref<125x128xf32, #tpu.memory_space<vmem>> -> memref<96x128xf32, #tpu.memory_space<vmem>>
      tpu.wait_dma2 semaphore(%run_scoped3A_94 : memref<!tpu.dma_semaphore, #tpu.memory_space<semaphore_mem>>) src(%dma_wait3A_114 : memref<96x128xf32, #tpu.memory_space<vmem>>) dst(%dma_wait3A_111 : memref<96x128xf32, #tpu.memory_space<vmem_shared>>)
      tpu.yield
    }) : () -> ()
    %add3A_11 = arith.constant 96 : i32
    %add3A_12 = arith.addi %multiple_of3A, %add3A_11 : i32
    "tpu.region"() ({
      %run_scoped3A_94 = tpu.sem_alloc : memref<!tpu.dma_semaphore, #tpu.memory_space<semaphore_mem>>
      %dma_start3A_95 = arith.constant 0 : i32
      %dma_start3A_96 = arith.constant 0 : i32
      %dma_start3A_97 = tpu.memref_slice %arg6[%dma_start3A_95, %dma_start3A_96] : memref<125x128xf32, #tpu.memory_space<vmem>> -> memref<96x128xf32, #tpu.memory_space<vmem>>
      %dma_start3A_98 = arith.constant 0 : i32
      %dma_start3A_99 = tpu.memref_slice %arg7[%add3A_12, %dma_start3A_98] : memref<10000x128xf32, #tpu.memory_space<vmem_shared>> -> memref<96x128xf32, #tpu.memory_space<vmem_shared>>
      %dma_start3A_100 = arith.constant 0 : i32
      %dma_start3A_101 = tpu.memref_slice %arg7[%add3A_12, %dma_start3A_100] : memref<10000x128xf32, #tpu.memory_space<vmem_shared>> -> memref<96x128xf32, #tpu.memory_space<vmem_shared>>
      %dma_start3A_102 = arith.constant 0 : i32
      %dma_start3A_103 = arith.constant 0 : i32
      %dma_start3A_104 = tpu.memref_slice %arg6[%dma_start3A_102, %dma_start3A_103] : memref<125x128xf32, #tpu.memory_space<vmem>> -> memref<96x128xf32, #tpu.memory_space<vmem>>
      tpu.enqueue_dma source(%dma_start3A_104 : memref<96x128xf32, #tpu.memory_space<vmem>>) target(%dma_start3A_101 : memref<96x128xf32, #tpu.memory_space<vmem_shared>>) target_semaphore(%run_scoped3A_94 : memref<!tpu.dma_semaphore, #tpu.memory_space<semaphore_mem>>)
      %dma_wait3A_105 = arith.constant 0 : i32
      %dma_wait3A_106 = arith.constant 0 : i32
      %dma_wait3A_107 = tpu.memref_slice %arg6[%dma_wait3A_105, %dma_wait3A_106] : memref<125x128xf32, #tpu.memory_space<vmem>> -> memref<96x128xf32, #tpu.memory_space<vmem>>
      %dma_wait3A_108 = arith.constant 0 : i32
      %dma_wait3A_109 = tpu.memref_slice %arg7[%add3A_12, %dma_wait3A_108] : memref<10000x128xf32, #tpu.memory_space<vmem_shared>> -> memref<96x128xf32, #tpu.memory_space<vmem_shared>>
      %dma_wait3A_110 = arith.constant 0 : i32
      %dma_wait3A_111 = tpu.memref_slice %arg7[%add3A_12, %dma_wait3A_110] : memref<10000x128xf32, #tpu.memory_space<vmem_shared>> -> memref<96x128xf32, #tpu.memory_space<vmem_shared>>
      %dma_wait3A_112 = arith.constant 0 : i32
      %dma_wait3A_113 = arith.constant 0 : i32
      %dma_wait3A_114 = tpu.memref_slice %arg6[%dma_wait3A_112, %dma_wait3A_113] : memref<125x128xf32, #tpu.memory_space<vmem>> -> memref<96x128xf32, #tpu.memory_space<vmem>>
      tpu.wait_dma2 semaphore(%run_scoped3A_94 : memref<!tpu.dma_semaphore, #tpu.memory_space<semaphore_mem>>) src(%dma_wait3A_114 : memref<96x128xf32, #tpu.memory_space<vmem>>) dst(%dma_wait3A_111 : memref<96x128xf32, #tpu.memory_space<vmem_shared>>)
      tpu.yield
    }) : () -> ()
    %add3A_13 = arith.constant 192 : i32
    %add3A_14 = arith.addi %multiple_of3A, %add3A_13 : i32
    "tpu.region"() ({
      %run_scoped3A_94 = tpu.sem_alloc : memref<!tpu.dma_semaphore, #tpu.memory_space<semaphore_mem>>
      %dma_start3A_95 = arith.constant 0 : i32
      %dma_start3A_96 = arith.constant 0 : i32
      %dma_start3A_97 = tpu.memref_slice %arg6[%dma_start3A_95, %dma_start3A_96] : memref<125x128xf32, #tpu.memory_space<vmem>> -> memref<96x128xf32, #tpu.memory_space<vmem>>
      %dma_start3A_98 = arith.constant 0 : i32
      %dma_start3A_99 = tpu.memref_slice %arg7[%add3A_14, %dma_start3A_98] : memref<10000x128xf32, #tpu.memory_space<vmem_shared>> -> memref<96x128xf32, #tpu.memory_space<vmem_shared>>
      %dma_start3A_100 = arith.constant 0 : i32
      %dma_start3A_101 = tpu.memref_slice %arg7[%add3A_14, %dma_start3A_100] : memref<10000x128xf32, #tpu.memory_space<vmem_shared>> -> memref<96x128xf32, #tpu.memory_space<vmem_shared>>
      %dma_start3A_102 = arith.constant 0 : i32
      %dma_start3A_103 = arith.constant 0 : i32
      %dma_start3A_104 = tpu.memref_slice %arg6[%dma_start3A_102, %dma_start3A_103] : memref<125x128xf32, #tpu.memory_space<vmem>> -> memref<96x128xf32, #tpu.memory_space<vmem>>
      tpu.enqueue_dma source(%dma_start3A_104 : memref<96x128xf32, #tpu.memory_space<vmem>>) target(%dma_start3A_101 : memref<96x128xf32, #tpu.memory_space<vmem_shared>>) target_semaphore(%run_scoped3A_94 : memref<!tpu.dma_semaphore, #tpu.memory_space<semaphore_mem>>)
      %dma_wait3A_105 = arith.constant 0 : i32
      %dma_wait3A_106 = arith.constant 0 : i32
      %dma_wait3A_107 = tpu.memref_slice %arg6[%dma_wait3A_105, %dma_wait3A_106] : memref<125x128xf32, #tpu.memory_space<vmem>> -> memref<96x128xf32, #tpu.memory_space<vmem>>
      %dma_wait3A_108 = arith.constant 0 : i32
      %dma_wait3A_109 = tpu.memref_slice %arg7[%add3A_14, %dma_wait3A_108] : memref<10000x128xf32, #tpu.memory_space<vmem_shared>> -> memref<96x128xf32, #tpu.memory_space<vmem_shared>>
      %dma_wait3A_110 = arith.constant 0 : i32
      %dma_wait3A_111 = tpu.memref_slice %arg7[%add3A_14, %dma_wait3A_110] : memref<10000x128xf32, #tpu.memory_space<vmem_shared>> -> memref<96x128xf32, #tpu.memory_space<vmem_shared>>
      %dma_wait3A_112 = arith.constant 0 : i32
      %dma_wait3A_113 = arith.constant 0 : i32
      %dma_wait3A_114 = tpu.memref_slice %arg6[%dma_wait3A_112, %dma_wait3A_113] : memref<125x128xf32, #tpu.memory_space<vmem>> -> memref<96x128xf32, #tpu.memory_space<vmem>>
      tpu.wait_dma2 semaphore(%run_scoped3A_94 : memref<!tpu.dma_semaphore, #tpu.memory_space<semaphore_mem>>) src(%dma_wait3A_114 : memref<96x128xf32, #tpu.memory_space<vmem>>) dst(%dma_wait3A_111 : memref<96x128xf32, #tpu.memory_space<vmem_shared>>)
      tpu.yield
    }) : () -> ()
    %add3A_15 = arith.constant 288 : i32
    %add3A_16 = arith.addi %multiple_of3A, %add3A_15 : i32
    "tpu.region"() ({
      %run_scoped3A_94 = tpu.sem_alloc : memref<!tpu.dma_semaphore, #tpu.memory_space<semaphore_mem>>
      %dma_start3A_95 = arith.constant 0 : i32
      %dma_start3A_96 = arith.constant 0 : i32
      %dma_start3A_97 = tpu.memref_slice %arg6[%dma_start3A_95, %dma_start3A_96] : memref<125x128xf32, #tpu.memory_space<vmem>> -> memref<96x128xf32, #tpu.memory_space<vmem>>
      %dma_start3A_98 = arith.constant 0 : i32
      %dma_start3A_99 = tpu.memref_slice %arg7[%add3A_16, %dma_start3A_98] : memref<10000x128xf32, #tpu.memory_space<vmem_shared>> -> memref<96x128xf32, #tpu.memory_space<vmem_shared>>
      %dma_start3A_100 = arith.constant 0 : i32
      %dma_start3A_101 = tpu.memref_slice %arg7[%add3A_16, %dma_start3A_100] : memref<10000x128xf32, #tpu.memory_space<vmem_shared>> -> memref<96x128xf32, #tpu.memory_space<vmem_shared>>
      %dma_start3A_102 = arith.constant 0 : i32
      %dma_start3A_103 = arith.constant 0 : i32
      %dma_start3A_104 = tpu.memref_slice %arg6[%dma_start3A_102, %dma_start3A_103] : memref<125x128xf32, #tpu.memory_space<vmem>> -> memref<96x128xf32, #tpu.memory_space<vmem>>
      tpu.enqueue_dma source(%dma_start3A_104 : memref<96x128xf32, #tpu.memory_space<vmem>>) target(%dma_start3A_101 : memref<96x128xf32, #tpu.memory_space<vmem_shared>>) target_semaphore(%run_scoped3A_94 : memref<!tpu.dma_semaphore, #tpu.memory_space<semaphore_mem>>)
      %dma_wait3A_105 = arith.constant 0 : i32
      %dma_wait3A_106 = arith.constant 0 : i32
      %dma_wait3A_107 = tpu.memref_slice %arg6[%dma_wait3A_105, %dma_wait3A_106] : memref<125x128xf32, #tpu.memory_space<vmem>> -> memref<96x128xf32, #tpu.memory_space<vmem>>
      %dma_wait3A_108 = arith.constant 0 : i32
      %dma_wait3A_109 = tpu.memref_slice %arg7[%add3A_16, %dma_wait3A_108] : memref<10000x128xf32, #tpu.memory_space<vmem_shared>> -> memref<96x128xf32, #tpu.memory_space<vmem_shared>>
      %dma_wait3A_110 = arith.constant 0 : i32
      %dma_wait3A_111 = tpu.memref_slice %arg7[%add3A_16, %dma_wait3A_110] : memref<10000x128xf32, #tpu.memory_space<vmem_shared>> -> memref<96x128xf32, #tpu.memory_space<vmem_shared>>
      %dma_wait3A_112 = arith.constant 0 : i32
      %dma_wait3A_113 = arith.constant 0 : i32
      %dma_wait3A_114 = tpu.memref_slice %arg6[%dma_wait3A_112, %dma_wait3A_113] : memref<125x128xf32, #tpu.memory_space<vmem>> -> memref<96x128xf32, #tpu.memory_space<vmem>>
      tpu.wait_dma2 semaphore(%run_scoped3A_94 : memref<!tpu.dma_semaphore, #tpu.memory_space<semaphore_mem>>) src(%dma_wait3A_114 : memref<96x128xf32, #tpu.memory_space<vmem>>) dst(%dma_wait3A_111 : memref<96x128xf32, #tpu.memory_space<vmem_shared>>)
      tpu.yield
    }) : () -> ()
    %add3A_17 = arith.constant 384 : i32
    %add3A_18 = arith.addi %multiple_of3A, %add3A_17 : i32
    "tpu.region"() ({
      %run_scoped3A_94 = tpu.sem_alloc : memref<!tpu.dma_semaphore, #tpu.memory_space<semaphore_mem>>
      %dma_start3A_95 = arith.constant 0 : i32
      %dma_start3A_96 = arith.constant 0 : i32
      %dma_start3A_97 = tpu.memref_slice %arg6[%dma_start3A_95, %dma_start3A_96] : memref<125x128xf32, #tpu.memory_space<vmem>> -> memref<96x128xf32, #tpu.memory_space<vmem>>
      %dma_start3A_98 = arith.constant 0 : i32
      %dma_start3A_99 = tpu.memref_slice %arg7[%add3A_18, %dma_start3A_98] : memref<10000x128xf32, #tpu.memory_space<vmem_shared>> -> memref<96x128xf32, #tpu.memory_space<vmem_shared>>
      %dma_start3A_100 = arith.constant 0 : i32
      %dma_start3A_101 = tpu.memref_slice %arg7[%add3A_18, %dma_start3A_100] : memref<10000x128xf32, #tpu.memory_space<vmem_shared>> -> memref<96x128xf32, #tpu.memory_space<vmem_shared>>
      %dma_start3A_102 = arith.constant 0 : i32
      %dma_start3A_103 = arith.constant 0 : i32
      %dma_start3A_104 = tpu.memref_slice %arg6[%dma_start3A_102, %dma_start3A_103] : memref<125x128xf32, #tpu.memory_space<vmem>> -> memref<96x128xf32, #tpu.memory_space<vmem>>
      tpu.enqueue_dma source(%dma_start3A_104 : memref<96x128xf32, #tpu.memory_space<vmem>>) target(%dma_start3A_101 : memref<96x128xf32, #tpu.memory_space<vmem_shared>>) target_semaphore(%run_scoped3A_94 : memref<!tpu.dma_semaphore, #tpu.memory_space<semaphore_mem>>)
      %dma_wait3A_105 = arith.constant 0 : i32
      %dma_wait3A_106 = arith.constant 0 : i32
      %dma_wait3A_107 = tpu.memref_slice %arg6[%dma_wait3A_105, %dma_wait3A_106] : memref<125x128xf32, #tpu.memory_space<vmem>> -> memref<96x128xf32, #tpu.memory_space<vmem>>
      %dma_wait3A_108 = arith.constant 0 : i32
      %dma_wait3A_109 = tpu.memref_slice %arg7[%add3A_18, %dma_wait3A_108] : memref<10000x128xf32, #tpu.memory_space<vmem_shared>> -> memref<96x128xf32, #tpu.memory_space<vmem_shared>>
      %dma_wait3A_110 = arith.constant 0 : i32
      %dma_wait3A_111 = tpu.memref_slice %arg7[%add3A_18, %dma_wait3A_110] : memref<10000x128xf32, #tpu.memory_space<vmem_shared>> -> memref<96x128xf32, #tpu.memory_space<vmem_shared>>
      %dma_wait3A_112 = arith.constant 0 : i32
      %dma_wait3A_113 = arith.constant 0 : i32
      %dma_wait3A_114 = tpu.memref_slice %arg6[%dma_wait3A_112, %dma_wait3A_113] : memref<125x128xf32, #tpu.memory_space<vmem>> -> memref<96x128xf32, #tpu.memory_space<vmem>>
      tpu.wait_dma2 semaphore(%run_scoped3A_94 : memref<!tpu.dma_semaphore, #tpu.memory_space<semaphore_mem>>) src(%dma_wait3A_114 : memref<96x128xf32, #tpu.memory_space<vmem>>) dst(%dma_wait3A_111 : memref<96x128xf32, #tpu.memory_space<vmem_shared>>)
      tpu.yield
    }) : () -> ()
    %add3A_19 = arith.constant 480 : i32
    %add3A_20 = arith.addi %multiple_of3A, %add3A_19 : i32
    "tpu.region"() ({
      %run_scoped3A_94 = tpu.sem_alloc : memref<!tpu.dma_semaphore, #tpu.memory_space<semaphore_mem>>
      %dma_start3A_95 = arith.constant 0 : i32
      %dma_start3A_96 = arith.constant 0 : i32
      %dma_start3A_97 = tpu.memref_slice %arg6[%dma_start3A_95, %dma_start3A_96] : memref<125x128xf32, #tpu.memory_space<vmem>> -> memref<96x128xf32, #tpu.memory_space<vmem>>
      %dma_start3A_98 = arith.constant 0 : i32
      %dma_start3A_99 = tpu.memref_slice %arg7[%add3A_20, %dma_start3A_98] : memref<10000x128xf32, #tpu.memory_space<vmem_shared>> -> memref<96x128xf32, #tpu.memory_space<vmem_shared>>
      %dma_start3A_100 = arith.constant 0 : i32
      %dma_start3A_101 = tpu.memref_slice %arg7[%add3A_20, %dma_start3A_100] : memref<10000x128xf32, #tpu.memory_space<vmem_shared>> -> memref<96x128xf32, #tpu.memory_space<vmem_shared>>
      %dma_start3A_102 = arith.constant 0 : i32
      %dma_start3A_103 = arith.constant 0 : i32
      %dma_start3A_104 = tpu.memref_slice %arg6[%dma_start3A_102, %dma_start3A_103] : memref<125x128xf32, #tpu.memory_space<vmem>> -> memref<96x128xf32, #tpu.memory_space<vmem>>
      tpu.enqueue_dma source(%dma_start3A_104 : memref<96x128xf32, #tpu.memory_space<vmem>>) target(%dma_start3A_101 : memref<96x128xf32, #tpu.memory_space<vmem_shared>>) target_semaphore(%run_scoped3A_94 : memref<!tpu.dma_semaphore, #tpu.memory_space<semaphore_mem>>)
      %dma_wait3A_105 = arith.constant 0 : i32
      %dma_wait3A_106 = arith.constant 0 : i32
      %dma_wait3A_107 = tpu.memref_slice %arg6[%dma_wait3A_105, %dma_wait3A_106] : memref<125x128xf32, #tpu.memory_space<vmem>> -> memref<96x128xf32, #tpu.memory_space<vmem>>
      %dma_wait3A_108 = arith.constant 0 : i32
      %dma_wait3A_109 = tpu.memref_slice %arg7[%add3A_20, %dma_wait3A_108] : memref<10000x128xf32, #tpu.memory_space<vmem_shared>> -> memref<96x128xf32, #tpu.memory_space<vmem_shared>>
      %dma_wait3A_110 = arith.constant 0 : i32
      %dma_wait3A_111 = tpu.memref_slice %arg7[%add3A_20, %dma_wait3A_110] : memref<10000x128xf32, #tpu.memory_space<vmem_shared>> -> memref<96x128xf32, #tpu.memory_space<vmem_shared>>
      %dma_wait3A_112 = arith.constant 0 : i32
      %dma_wait3A_113 = arith.constant 0 : i32
      %dma_wait3A_114 = tpu.memref_slice %arg6[%dma_wait3A_112, %dma_wait3A_113] : memref<125x128xf32, #tpu.memory_space<vmem>> -> memref<96x128xf32, #tpu.memory_space<vmem>>
      tpu.wait_dma2 semaphore(%run_scoped3A_94 : memref<!tpu.dma_semaphore, #tpu.memory_space<semaphore_mem>>) src(%dma_wait3A_114 : memref<96x128xf32, #tpu.memory_space<vmem>>) dst(%dma_wait3A_111 : memref<96x128xf32, #tpu.memory_space<vmem_shared>>)
      tpu.yield
    }) : () -> ()
    %add3A_21 = arith.constant 576 : i32
    %add3A_22 = arith.addi %multiple_of3A, %add3A_21 : i32
    "tpu.region"() ({
      %run_scoped3A_94 = tpu.sem_alloc : memref<!tpu.dma_semaphore, #tpu.memory_space<semaphore_mem>>
      %dma_start3A_95 = arith.constant 0 : i32
      %dma_start3A_96 = arith.constant 0 : i32
      %dma_start3A_97 = tpu.memref_slice %arg6[%dma_start3A_95, %dma_start3A_96] : memref<125x128xf32, #tpu.memory_space<vmem>> -> memref<48x128xf32, #tpu.memory_space<vmem>>
      %dma_start3A_98 = arith.constant 0 : i32
      %dma_start3A_99 = tpu.memref_slice %arg7[%add3A_22, %dma_start3A_98] : memref<10000x128xf32, #tpu.memory_space<vmem_shared>> -> memref<48x128xf32, #tpu.memory_space<vmem_shared>>
      %dma_start3A_100 = arith.constant 0 : i32
      %dma_start3A_101 = tpu.memref_slice %arg7[%add3A_22, %dma_start3A_100] : memref<10000x128xf32, #tpu.memory_space<vmem_shared>> -> memref<48x128xf32, #tpu.memory_space<vmem_shared>>
      %dma_start3A_102 = arith.constant 0 : i32
      %dma_start3A_103 = arith.constant 0 : i32
      %dma_start3A_104 = tpu.memref_slice %arg6[%dma_start3A_102, %dma_start3A_103] : memref<125x128xf32, #tpu.memory_space<vmem>> -> memref<48x128xf32, #tpu.memory_space<vmem>>
      tpu.enqueue_dma source(%dma_start3A_104 : memref<48x128xf32, #tpu.memory_space<vmem>>) target(%dma_start3A_101 : memref<48x128xf32, #tpu.memory_space<vmem_shared>>) target_semaphore(%run_scoped3A_94 : memref<!tpu.dma_semaphore, #tpu.memory_space<semaphore_mem>>)
      %dma_wait3A_105 = arith.constant 0 : i32
      %dma_wait3A_106 = arith.constant 0 : i32
      %dma_wait3A_107 = tpu.memref_slice %arg6[%dma_wait3A_105, %dma_wait3A_106] : memref<125x128xf32, #tpu.memory_space<vmem>> -> memref<48x128xf32, #tpu.memory_space<vmem>>
      %dma_wait3A_108 = arith.constant 0 : i32
      %dma_wait3A_109 = tpu.memref_slice %arg7[%add3A_22, %dma_wait3A_108] : memref<10000x128xf32, #tpu.memory_space<vmem_shared>> -> memref<48x128xf32, #tpu.memory_space<vmem_shared>>
      %dma_wait3A_110 = arith.constant 0 : i32
      %dma_wait3A_111 = tpu.memref_slice %arg7[%add3A_22, %dma_wait3A_110] : memref<10000x128xf32, #tpu.memory_space<vmem_shared>> -> memref<48x128xf32, #tpu.memory_space<vmem_shared>>
      %dma_wait3A_112 = arith.constant 0 : i32
      %dma_wait3A_113 = arith.constant 0 : i32
      %dma_wait3A_114 = tpu.memref_slice %arg6[%dma_wait3A_112, %dma_wait3A_113] : memref<125x128xf32, #tpu.memory_space<vmem>> -> memref<48x128xf32, #tpu.memory_space<vmem>>
      tpu.wait_dma2 semaphore(%run_scoped3A_94 : memref<!tpu.dma_semaphore, #tpu.memory_space<semaphore_mem>>) src(%dma_wait3A_114 : memref<48x128xf32, #tpu.memory_space<vmem>>) dst(%dma_wait3A_111 : memref<48x128xf32, #tpu.memory_space<vmem_shared>>)
      tpu.yield
    }) : () -> ()
    %eq3A = arith.constant 0 : i32
    %eq3A_23 = arith.cmpi eq, %arg1, %eq3A : i32
    %convert_element_type3A = arith.extui %eq3A_23 : i1 to i32
    %cond3A = arith.constant 0 : i32
    %cond3A_24 = arith.cmpi ne, %convert_element_type3A, %cond3A : i32
    scf.if %cond3A_24 {
      "tpu.region"() ({
        %run_scoped3A_94 = tpu.sem_alloc : memref<!tpu.dma_semaphore, #tpu.memory_space<semaphore_mem>>
        %dma_start3A_95 = arith.constant 0 : i32
        %dma_start3A_96 = arith.constant 0 : i32
        %dma_start3A_97 = tpu.memref_slice %arg6[%dma_start3A_95, %dma_start3A_96] : memref<125x128xf32, #tpu.memory_space<vmem>> -> memref<16x128xf32, #tpu.memory_space<vmem>>
        %dma_start3A_98 = arith.constant 9984 : i32
        %dma_start3A_99 = arith.constant 0 : i32
        %dma_start3A_100 = tpu.memref_slice %arg7[%dma_start3A_98, %dma_start3A_99] : memref<10000x128xf32, #tpu.memory_space<vmem_shared>> -> memref<16x128xf32, #tpu.memory_space<vmem_shared>>
        %dma_start3A_101 = arith.constant 9984 : i32
        %dma_start3A_102 = arith.constant 0 : i32
        %dma_start3A_103 = tpu.memref_slice %arg7[%dma_start3A_101, %dma_start3A_102] : memref<10000x128xf32, #tpu.memory_space<vmem_shared>> -> memref<16x128xf32, #tpu.memory_space<vmem_shared>>
        %dma_start3A_104 = arith.constant 0 : i32
        %dma_start3A_105 = arith.constant 0 : i32
        %dma_start3A_106 = tpu.memref_slice %arg6[%dma_start3A_104, %dma_start3A_105] : memref<125x128xf32, #tpu.memory_space<vmem>> -> memref<16x128xf32, #tpu.memory_space<vmem>>
        tpu.enqueue_dma source(%dma_start3A_106 : memref<16x128xf32, #tpu.memory_space<vmem>>) target(%dma_start3A_103 : memref<16x128xf32, #tpu.memory_space<vmem_shared>>) target_semaphore(%run_scoped3A_94 : memref<!tpu.dma_semaphore, #tpu.memory_space<semaphore_mem>>)
        %dma_wait3A_107 = arith.constant 0 : i32
        %dma_wait3A_108 = arith.constant 0 : i32
        %dma_wait3A_109 = tpu.memref_slice %arg6[%dma_wait3A_107, %dma_wait3A_108] : memref<125x128xf32, #tpu.memory_space<vmem>> -> memref<16x128xf32, #tpu.memory_space<vmem>>
        %dma_wait3A_110 = arith.constant 9984 : i32
        %dma_wait3A_111 = arith.constant 0 : i32
        %dma_wait3A_112 = tpu.memref_slice %arg7[%dma_wait3A_110, %dma_wait3A_111] : memref<10000x128xf32, #tpu.memory_space<vmem_shared>> -> memref<16x128xf32, #tpu.memory_space<vmem_shared>>
        %dma_wait3A_113 = arith.constant 9984 : i32
        %dma_wait3A_114 = arith.constant 0 : i32
        %dma_wait3A_115 = tpu.memref_slice %arg7[%dma_wait3A_113, %dma_wait3A_114] : memref<10000x128xf32, #tpu.memory_space<vmem_shared>> -> memref<16x128xf32, #tpu.memory_space<vmem_shared>>
        %dma_wait3A_116 = arith.constant 0 : i32
        %dma_wait3A_117 = arith.constant 0 : i32
        %dma_wait3A_118 = tpu.memref_slice %arg6[%dma_wait3A_116, %dma_wait3A_117] : memref<125x128xf32, #tpu.memory_space<vmem>> -> memref<16x128xf32, #tpu.memory_space<vmem>>
        tpu.wait_dma2 semaphore(%run_scoped3A_94 : memref<!tpu.dma_semaphore, #tpu.memory_space<semaphore_mem>>) src(%dma_wait3A_118 : memref<16x128xf32, #tpu.memory_space<vmem>>) dst(%dma_wait3A_115 : memref<16x128xf32, #tpu.memory_space<vmem_shared>>)
        tpu.yield
      }) : () -> ()
    } else {
    }
    %barrier3A = arith.constant 0 : index
    tpu.barrier barrier_id(%barrier3A)
    %dma_start3A = arith.constant 0 : i32
    %dma_start3A_25 = arith.constant 0 : i32
    %dma_start3A_26 = arith.constant 0 : i32
    %dma_start3A_27 = tpu.memref_slice %arg4[%dma_start3A_25, %dma_start3A_26] : memref<4x125xi32, #tpu.memory_space<vmem>> -> memref<1x125xi32, #tpu.memory_space<vmem>>
    %dma_start3A_28 = tpu.memref_squeeze %dma_start3A_27 : memref<1x125xi32, #tpu.memory_space<vmem>> -> memref<125xi32, #tpu.memory_space<vmem>>
    %dma_start3A_29 = arith.constant 0 : i32
    %dma_start3A_30 = arith.constant 0 : i32
    %dma_start3A_31 = tpu.memref_slice %arg2[%arg1, %dma_start3A_29, %dma_start3A_30] : memref<16x160x125xi32, #tpu.memory_space<hbm>> -> memref<1x160x125xi32, #tpu.memory_space<hbm>>
    %dma_start3A_32 = tpu.memref_squeeze %dma_start3A_31 : memref<1x160x125xi32, #tpu.memory_space<hbm>> -> memref<160x125xi32, #tpu.memory_space<hbm>>
    %dma_start3A_33 = arith.constant 0 : i32
    %dma_start3A_34 = tpu.memref_slice %dma_start3A_32[%dma_start3A, %dma_start3A_33] : memref<160x125xi32, #tpu.memory_space<hbm>> -> memref<1x125xi32, #tpu.memory_space<hbm>>
    %dma_start3A_35 = tpu.memref_squeeze %dma_start3A_34 : memref<1x125xi32, #tpu.memory_space<hbm>> -> memref<125xi32, #tpu.memory_space<hbm>>
    %dma_start3A_36 = arith.constant 0 : i32
    %dma_start3A_37 = tpu.memref_slice %arg4[%dma_start3A_25, %dma_start3A_36] : memref<4x125xi32, #tpu.memory_space<vmem>> -> memref<1x125xi32, #tpu.memory_space<vmem>>
    %dma_start3A_38 = tpu.memref_squeeze %dma_start3A_37 : memref<1x125xi32, #tpu.memory_space<vmem>> -> memref<125xi32, #tpu.memory_space<vmem>>
    %dma_start3A_39 = arith.constant 0 : i32
    %dma_start3A_40 = arith.constant 0 : i32
    %dma_start3A_41 = tpu.memref_slice %arg2[%arg1, %dma_start3A_39, %dma_start3A_40] : memref<16x160x125xi32, #tpu.memory_space<hbm>> -> memref<1x160x125xi32, #tpu.memory_space<hbm>>
    %dma_start3A_42 = tpu.memref_squeeze %dma_start3A_41 : memref<1x160x125xi32, #tpu.memory_space<hbm>> -> memref<160x125xi32, #tpu.memory_space<hbm>>
    %dma_start3A_43 = arith.constant 0 : i32
    %dma_start3A_44 = tpu.memref_slice %dma_start3A_42[%dma_start3A, %dma_start3A_43] : memref<160x125xi32, #tpu.memory_space<hbm>> -> memref<1x125xi32, #tpu.memory_space<hbm>>
    %dma_start3A_45 = tpu.memref_squeeze %dma_start3A_44 : memref<1x125xi32, #tpu.memory_space<hbm>> -> memref<125xi32, #tpu.memory_space<hbm>>
    tpu.enqueue_dma source(%dma_start3A_45 : memref<125xi32, #tpu.memory_space<hbm>>) target(%dma_start3A_38 : memref<125xi32, #tpu.memory_space<vmem>>) target_semaphore(%arg10 : memref<!tpu.dma_semaphore, #tpu.memory_space<semaphore_mem>>)
    %dma_start3A_46 = arith.constant 1 : i32
    %dma_start3A_47 = arith.constant 1 : i32
    %dma_start3A_48 = arith.constant 0 : i32
    %dma_start3A_49 = tpu.memref_slice %arg4[%dma_start3A_47, %dma_start3A_48] : memref<4x125xi32, #tpu.memory_space<vmem>> -> memref<1x125xi32, #tpu.memory_space<vmem>>
    %dma_start3A_50 = tpu.memref_squeeze %dma_start3A_49 : memref<1x125xi32, #tpu.memory_space<vmem>> -> memref<125xi32, #tpu.memory_space<vmem>>
    %dma_start3A_51 = arith.constant 0 : i32
    %dma_start3A_52 = arith.constant 0 : i32
    %dma_start3A_53 = tpu.memref_slice %arg2[%arg1, %dma_start3A_51, %dma_start3A_52] : memref<16x160x125xi32, #tpu.memory_space<hbm>> -> memref<1x160x125xi32, #tpu.memory_space<hbm>>
    %dma_start3A_54 = tpu.memref_squeeze %dma_start3A_53 : memref<1x160x125xi32, #tpu.memory_space<hbm>> -> memref<160x125xi32, #tpu.memory_space<hbm>>
    %dma_start3A_55 = arith.constant 0 : i32
    %dma_start3A_56 = tpu.memref_slice %dma_start3A_54[%dma_start3A_46, %dma_start3A_55] : memref<160x125xi32, #tpu.memory_space<hbm>> -> memref<1x125xi32, #tpu.memory_space<hbm>>
    %dma_start3A_57 = tpu.memref_squeeze %dma_start3A_56 : memref<1x125xi32, #tpu.memory_space<hbm>> -> memref<125xi32, #tpu.memory_space<hbm>>
    %dma_start3A_58 = arith.constant 0 : i32
    %dma_start3A_59 = tpu.memref_slice %arg4[%dma_start3A_47, %dma_start3A_58] : memref<4x125xi32, #tpu.memory_space<vmem>> -> memref<1x125xi32, #tpu.memory_space<vmem>>
    %dma_start3A_60 = tpu.memref_squeeze %dma_start3A_59 : memref<1x125xi32, #tpu.memory_space<vmem>> -> memref<125xi32, #tpu.memory_space<vmem>>
    %dma_start3A_61 = arith.constant 0 : i32
    %dma_start3A_62 = arith.constant 0 : i32
    %dma_start3A_63 = tpu.memref_slice %arg2[%arg1, %dma_start3A_61, %dma_start3A_62] : memref<16x160x125xi32, #tpu.memory_space<hbm>> -> memref<1x160x125xi32, #tpu.memory_space<hbm>>
    %dma_start3A_64 = tpu.memref_squeeze %dma_start3A_63 : memref<1x160x125xi32, #tpu.memory_space<hbm>> -> memref<160x125xi32, #tpu.memory_space<hbm>>
    %dma_start3A_65 = arith.constant 0 : i32
    %dma_start3A_66 = tpu.memref_slice %dma_start3A_64[%dma_start3A_46, %dma_start3A_65] : memref<160x125xi32, #tpu.memory_space<hbm>> -> memref<1x125xi32, #tpu.memory_space<hbm>>
    %dma_start3A_67 = tpu.memref_squeeze %dma_start3A_66 : memref<1x125xi32, #tpu.memory_space<hbm>> -> memref<125xi32, #tpu.memory_space<hbm>>
    tpu.enqueue_dma source(%dma_start3A_67 : memref<125xi32, #tpu.memory_space<hbm>>) target(%dma_start3A_60 : memref<125xi32, #tpu.memory_space<vmem>>) target_semaphore(%arg11 : memref<!tpu.dma_semaphore, #tpu.memory_space<semaphore_mem>>)
    %scan3A_68 = arith.constant 0 : i32
    %scan3A_69 = arith.constant 0 : i32
    %scan3A_70 = arith.constant 40 : i32
    %scan3A_71 = arith.addi %scan3A_69, %scan3A_70 : i32
    %scan3A_72 = arith.constant 1 : i32
    %scan3A_73 = scf.for %scan3A_94 = %scan3A_69 to %scan3A_71 step %scan3A_72 iter_args(%scan3A_95 = %scan3A_68) -> (i32)  : i32 {
      %mul3A_96 = arith.constant 4 : i32
      %mul3A_97 = arith.muli %mul3A_96, %scan3A_94 : i32
      %add3A_98 = arith.constant 0 : i32
      %add3A_99 = arith.addi %mul3A_97, %add3A_98 : i32
      %dma_wait3A_100 = arith.constant 0 : i32
      %dma_wait3A_101 = arith.constant 0 : i32
      %dma_wait3A_102 = arith.constant 0 : i32
      %dma_wait3A_103 = tpu.memref_slice %arg4[%dma_wait3A_101, %dma_wait3A_102] : memref<4x125xi32, #tpu.memory_space<vmem>> -> memref<1x125xi32, #tpu.memory_space<vmem>>
      %dma_wait3A_104 = tpu.memref_squeeze %dma_wait3A_103 : memref<1x125xi32, #tpu.memory_space<vmem>> -> memref<125xi32, #tpu.memory_space<vmem>>
      %dma_wait3A_105 = arith.constant 0 : i32
      %dma_wait3A_106 = arith.constant 0 : i32
      %dma_wait3A_107 = tpu.memref_slice %arg2[%arg1, %dma_wait3A_105, %dma_wait3A_106] : memref<16x160x125xi32, #tpu.memory_space<hbm>> -> memref<1x160x125xi32, #tpu.memory_space<hbm>>
      %dma_wait3A_108 = tpu.memref_squeeze %dma_wait3A_107 : memref<1x160x125xi32, #tpu.memory_space<hbm>> -> memref<160x125xi32, #tpu.memory_space<hbm>>
      %dma_wait3A_109 = arith.constant 0 : i32
      %dma_wait3A_110 = tpu.memref_slice %dma_wait3A_108[%dma_wait3A_100, %dma_wait3A_109] : memref<160x125xi32, #tpu.memory_space<hbm>> -> memref<1x125xi32, #tpu.memory_space<hbm>>
      %dma_wait3A_111 = tpu.memref_squeeze %dma_wait3A_110 : memref<1x125xi32, #tpu.memory_space<hbm>> -> memref<125xi32, #tpu.memory_space<hbm>>
      %dma_wait3A_112 = arith.constant 0 : i32
      %dma_wait3A_113 = tpu.memref_slice %arg4[%dma_wait3A_101, %dma_wait3A_112] : memref<4x125xi32, #tpu.memory_space<vmem>> -> memref<1x125xi32, #tpu.memory_space<vmem>>
      %dma_wait3A_114 = tpu.memref_squeeze %dma_wait3A_113 : memref<1x125xi32, #tpu.memory_space<vmem>> -> memref<125xi32, #tpu.memory_space<vmem>>
      %dma_wait3A_115 = arith.constant 0 : i32
      %dma_wait3A_116 = arith.constant 0 : i32
      %dma_wait3A_117 = tpu.memref_slice %arg2[%arg1, %dma_wait3A_115, %dma_wait3A_116] : memref<16x160x125xi32, #tpu.memory_space<hbm>> -> memref<1x160x125xi32, #tpu.memory_space<hbm>>
      %dma_wait3A_118 = tpu.memref_squeeze %dma_wait3A_117 : memref<1x160x125xi32, #tpu.memory_space<hbm>> -> memref<160x125xi32, #tpu.memory_space<hbm>>
      %dma_wait3A_119 = arith.constant 0 : i32
      %dma_wait3A_120 = tpu.memref_slice %dma_wait3A_118[%dma_wait3A_100, %dma_wait3A_119] : memref<160x125xi32, #tpu.memory_space<hbm>> -> memref<1x125xi32, #tpu.memory_space<hbm>>
      %dma_wait3A_121 = tpu.memref_squeeze %dma_wait3A_120 : memref<1x125xi32, #tpu.memory_space<hbm>> -> memref<125xi32, #tpu.memory_space<hbm>>
      tpu.wait_dma2 semaphore(%arg10 : memref<!tpu.dma_semaphore, #tpu.memory_space<semaphore_mem>>) src(%dma_wait3A_121 : memref<125xi32, #tpu.memory_space<hbm>>) dst(%dma_wait3A_114 : memref<125xi32, #tpu.memory_space<vmem>>)
      %ge3A = arith.constant 2 : i32
      %ge3A_122 = arith.cmpi sge, %add3A_99, %ge3A : i32
      %convert_element_type3A_123 = arith.extui %ge3A_122 : i1 to i32
      %cond3A_124 = arith.constant 0 : i32
      %cond3A_125 = arith.cmpi ne, %convert_element_type3A_123, %cond3A_124 : i32
      scf.if %cond3A_125 {
        %dma_wait3A_275 = arith.constant 2 : i32
        %dma_wait3A_276 = arith.constant 0 : i32
        %dma_wait3A_277 = tpu.memref_slice %arg4[%dma_wait3A_275, %dma_wait3A_276] : memref<4x125xi32, #tpu.memory_space<vmem>> -> memref<1x125xi32, #tpu.memory_space<vmem>>
        %dma_wait3A_278 = tpu.memref_squeeze %dma_wait3A_277 : memref<1x125xi32, #tpu.memory_space<vmem>> -> memref<125xi32, #tpu.memory_space<vmem>>
        %dma_wait3A_279 = arith.constant 0 : i32
        %dma_wait3A_280 = arith.constant 0 : i32
        %dma_wait3A_281 = tpu.memref_slice %arg7[%dma_wait3A_279, %dma_wait3A_280] : memref<10000x128xf32, #tpu.memory_space<vmem_shared>> -> memref<10000x128xf32, #tpu.memory_space<vmem_shared>>
        tpu.wait_indirect_dma semaphore(%arg8 : memref<!tpu.dma_semaphore, #tpu.memory_space<semaphore_mem>>) src(%arg5 : memref<125x128xf32, #tpu.memory_space<vmem>>) dst(%dma_wait3A_281 : memref<10000x128xf32, #tpu.memory_space<vmem_shared>>)
      } else {
      }
      %dma_start3A_126 = arith.constant 0 : i32
      %dma_start3A_127 = arith.constant 0 : i32
      %dma_start3A_128 = tpu.memref_slice %arg4[%dma_start3A_126, %dma_start3A_127] : memref<4x125xi32, #tpu.memory_space<vmem>> -> memref<1x125xi32, #tpu.memory_space<vmem>>
      %dma_start3A_129 = tpu.memref_squeeze %dma_start3A_128 : memref<1x125xi32, #tpu.memory_space<vmem>> -> memref<125xi32, #tpu.memory_space<vmem>>
      %dma_start3A_130 = arith.constant 0 : i32
      %dma_start3A_131 = arith.constant 0 : i32
      %dma_start3A_132 = tpu.memref_slice %arg7[%dma_start3A_130, %dma_start3A_131] : memref<10000x128xf32, #tpu.memory_space<vmem_shared>> -> memref<10000x128xf32, #tpu.memory_space<vmem_shared>>
      tpu.enqueue_indirect_dma source(%arg5 : memref<125x128xf32, #tpu.memory_space<vmem>>) target(%dma_start3A_132 : memref<10000x128xf32, #tpu.memory_space<vmem_shared>>) offsets(%dma_start3A_129 : memref<125xi32, #tpu.memory_space<vmem>>) semaphore(%arg8 : memref<!tpu.dma_semaphore, #tpu.memory_space<semaphore_mem>>) {add = true}
      %add3A_133 = arith.constant 2 : i32
      %add3A_134 = arith.addi %add3A_99, %add3A_133 : i32
      %lt3A = arith.constant 160 : i32
      %lt3A_135 = arith.cmpi slt, %add3A_134, %lt3A : i32
      %convert_element_type3A_136 = arith.extui %lt3A_135 : i1 to i32
      %cond3A_137 = arith.constant 0 : i32
      %cond3A_138 = arith.cmpi ne, %convert_element_type3A_136, %cond3A_137 : i32
      scf.if %cond3A_138 {
        %add3A_275 = arith.constant 2 : i32
        %add3A_276 = arith.addi %add3A_99, %add3A_275 : i32
        %dma_start3A_277 = arith.constant 2 : i32
        %dma_start3A_278 = arith.constant 0 : i32
        %dma_start3A_279 = tpu.memref_slice %arg4[%dma_start3A_277, %dma_start3A_278] : memref<4x125xi32, #tpu.memory_space<vmem>> -> memref<1x125xi32, #tpu.memory_space<vmem>>
        %dma_start3A_280 = tpu.memref_squeeze %dma_start3A_279 : memref<1x125xi32, #tpu.memory_space<vmem>> -> memref<125xi32, #tpu.memory_space<vmem>>
        %dma_start3A_281 = arith.constant 0 : i32
        %dma_start3A_282 = arith.constant 0 : i32
        %dma_start3A_283 = tpu.memref_slice %arg2[%arg1, %dma_start3A_281, %dma_start3A_282] : memref<16x160x125xi32, #tpu.memory_space<hbm>> -> memref<1x160x125xi32, #tpu.memory_space<hbm>>
        %dma_start3A_284 = tpu.memref_squeeze %dma_start3A_283 : memref<1x160x125xi32, #tpu.memory_space<hbm>> -> memref<160x125xi32, #tpu.memory_space<hbm>>
        %dma_start3A_285 = arith.constant 0 : i32
        %dma_start3A_286 = tpu.memref_slice %dma_start3A_284[%add3A_276, %dma_start3A_285] : memref<160x125xi32, #tpu.memory_space<hbm>> -> memref<1x125xi32, #tpu.memory_space<hbm>>
        %dma_start3A_287 = tpu.memref_squeeze %dma_start3A_286 : memref<1x125xi32, #tpu.memory_space<hbm>> -> memref<125xi32, #tpu.memory_space<hbm>>
        %dma_start3A_288 = arith.constant 0 : i32
        %dma_start3A_289 = tpu.memref_slice %arg4[%dma_start3A_277, %dma_start3A_288] : memref<4x125xi32, #tpu.memory_space<vmem>> -> memref<1x125xi32, #tpu.memory_space<vmem>>
        %dma_start3A_290 = tpu.memref_squeeze %dma_start3A_289 : memref<1x125xi32, #tpu.memory_space<vmem>> -> memref<125xi32, #tpu.memory_space<vmem>>
        %dma_start3A_291 = arith.constant 0 : i32
        %dma_start3A_292 = arith.constant 0 : i32
        %dma_start3A_293 = tpu.memref_slice %arg2[%arg1, %dma_start3A_291, %dma_start3A_292] : memref<16x160x125xi32, #tpu.memory_space<hbm>> -> memref<1x160x125xi32, #tpu.memory_space<hbm>>
        %dma_start3A_294 = tpu.memref_squeeze %dma_start3A_293 : memref<1x160x125xi32, #tpu.memory_space<hbm>> -> memref<160x125xi32, #tpu.memory_space<hbm>>
        %dma_start3A_295 = arith.constant 0 : i32
        %dma_start3A_296 = tpu.memref_slice %dma_start3A_294[%add3A_276, %dma_start3A_295] : memref<160x125xi32, #tpu.memory_space<hbm>> -> memref<1x125xi32, #tpu.memory_space<hbm>>
        %dma_start3A_297 = tpu.memref_squeeze %dma_start3A_296 : memref<1x125xi32, #tpu.memory_space<hbm>> -> memref<125xi32, #tpu.memory_space<hbm>>
        tpu.enqueue_dma source(%dma_start3A_297 : memref<125xi32, #tpu.memory_space<hbm>>) target(%dma_start3A_290 : memref<125xi32, #tpu.memory_space<vmem>>) target_semaphore(%arg12 : memref<!tpu.dma_semaphore, #tpu.memory_space<semaphore_mem>>)
      } else {
      }
      %mul3A_139 = arith.constant 4 : i32
      %mul3A_140 = arith.muli %mul3A_139, %scan3A_94 : i32
      %add3A_141 = arith.constant 1 : i32
      %add3A_142 = arith.addi %mul3A_140, %add3A_141 : i32
      %dma_wait3A_143 = arith.constant 0 : i32
      %dma_wait3A_144 = arith.constant 1 : i32
      %dma_wait3A_145 = arith.constant 0 : i32
      %dma_wait3A_146 = tpu.memref_slice %arg4[%dma_wait3A_144, %dma_wait3A_145] : memref<4x125xi32, #tpu.memory_space<vmem>> -> memref<1x125xi32, #tpu.memory_space<vmem>>
      %dma_wait3A_147 = tpu.memref_squeeze %dma_wait3A_146 : memref<1x125xi32, #tpu.memory_space<vmem>> -> memref<125xi32, #tpu.memory_space<vmem>>
      %dma_wait3A_148 = arith.constant 0 : i32
      %dma_wait3A_149 = arith.constant 0 : i32
      %dma_wait3A_150 = tpu.memref_slice %arg2[%arg1, %dma_wait3A_148, %dma_wait3A_149] : memref<16x160x125xi32, #tpu.memory_space<hbm>> -> memref<1x160x125xi32, #tpu.memory_space<hbm>>
      %dma_wait3A_151 = tpu.memref_squeeze %dma_wait3A_150 : memref<1x160x125xi32, #tpu.memory_space<hbm>> -> memref<160x125xi32, #tpu.memory_space<hbm>>
      %dma_wait3A_152 = arith.constant 0 : i32
      %dma_wait3A_153 = tpu.memref_slice %dma_wait3A_151[%dma_wait3A_143, %dma_wait3A_152] : memref<160x125xi32, #tpu.memory_space<hbm>> -> memref<1x125xi32, #tpu.memory_space<hbm>>
      %dma_wait3A_154 = tpu.memref_squeeze %dma_wait3A_153 : memref<1x125xi32, #tpu.memory_space<hbm>> -> memref<125xi32, #tpu.memory_space<hbm>>
      %dma_wait3A_155 = arith.constant 0 : i32
      %dma_wait3A_156 = tpu.memref_slice %arg4[%dma_wait3A_144, %dma_wait3A_155] : memref<4x125xi32, #tpu.memory_space<vmem>> -> memref<1x125xi32, #tpu.memory_space<vmem>>
      %dma_wait3A_157 = tpu.memref_squeeze %dma_wait3A_156 : memref<1x125xi32, #tpu.memory_space<vmem>> -> memref<125xi32, #tpu.memory_space<vmem>>
      %dma_wait3A_158 = arith.constant 0 : i32
      %dma_wait3A_159 = arith.constant 0 : i32
      %dma_wait3A_160 = tpu.memref_slice %arg2[%arg1, %dma_wait3A_158, %dma_wait3A_159] : memref<16x160x125xi32, #tpu.memory_space<hbm>> -> memref<1x160x125xi32, #tpu.memory_space<hbm>>
      %dma_wait3A_161 = tpu.memref_squeeze %dma_wait3A_160 : memref<1x160x125xi32, #tpu.memory_space<hbm>> -> memref<160x125xi32, #tpu.memory_space<hbm>>
      %dma_wait3A_162 = arith.constant 0 : i32
      %dma_wait3A_163 = tpu.memref_slice %dma_wait3A_161[%dma_wait3A_143, %dma_wait3A_162] : memref<160x125xi32, #tpu.memory_space<hbm>> -> memref<1x125xi32, #tpu.memory_space<hbm>>
      %dma_wait3A_164 = tpu.memref_squeeze %dma_wait3A_163 : memref<1x125xi32, #tpu.memory_space<hbm>> -> memref<125xi32, #tpu.memory_space<hbm>>
      tpu.wait_dma2 semaphore(%arg11 : memref<!tpu.dma_semaphore, #tpu.memory_space<semaphore_mem>>) src(%dma_wait3A_164 : memref<125xi32, #tpu.memory_space<hbm>>) dst(%dma_wait3A_157 : memref<125xi32, #tpu.memory_space<vmem>>)
      %ge3A_165 = arith.constant 2 : i32
      %ge3A_166 = arith.cmpi sge, %add3A_142, %ge3A_165 : i32
      %convert_element_type3A_167 = arith.extui %ge3A_166 : i1 to i32
      %cond3A_168 = arith.constant 0 : i32
      %cond3A_169 = arith.cmpi ne, %convert_element_type3A_167, %cond3A_168 : i32
      scf.if %cond3A_169 {
        %dma_wait3A_275 = arith.constant 3 : i32
        %dma_wait3A_276 = arith.constant 0 : i32
        %dma_wait3A_277 = tpu.memref_slice %arg4[%dma_wait3A_275, %dma_wait3A_276] : memref<4x125xi32, #tpu.memory_space<vmem>> -> memref<1x125xi32, #tpu.memory_space<vmem>>
        %dma_wait3A_278 = tpu.memref_squeeze %dma_wait3A_277 : memref<1x125xi32, #tpu.memory_space<vmem>> -> memref<125xi32, #tpu.memory_space<vmem>>
        %dma_wait3A_279 = arith.constant 0 : i32
        %dma_wait3A_280 = arith.constant 0 : i32
        %dma_wait3A_281 = tpu.memref_slice %arg7[%dma_wait3A_279, %dma_wait3A_280] : memref<10000x128xf32, #tpu.memory_space<vmem_shared>> -> memref<10000x128xf32, #tpu.memory_space<vmem_shared>>
        tpu.wait_indirect_dma semaphore(%arg9 : memref<!tpu.dma_semaphore, #tpu.memory_space<semaphore_mem>>) src(%arg5 : memref<125x128xf32, #tpu.memory_space<vmem>>) dst(%dma_wait3A_281 : memref<10000x128xf32, #tpu.memory_space<vmem_shared>>)
      } else {
      }
      %dma_start3A_170 = arith.constant 1 : i32
      %dma_start3A_171 = arith.constant 0 : i32
      %dma_start3A_172 = tpu.memref_slice %arg4[%dma_start3A_170, %dma_start3A_171] : memref<4x125xi32, #tpu.memory_space<vmem>> -> memref<1x125xi32, #tpu.memory_space<vmem>>
      %dma_start3A_173 = tpu.memref_squeeze %dma_start3A_172 : memref<1x125xi32, #tpu.memory_space<vmem>> -> memref<125xi32, #tpu.memory_space<vmem>>
      %dma_start3A_174 = arith.constant 0 : i32
      %dma_start3A_175 = arith.constant 0 : i32
      %dma_start3A_176 = tpu.memref_slice %arg7[%dma_start3A_174, %dma_start3A_175] : memref<10000x128xf32, #tpu.memory_space<vmem_shared>> -> memref<10000x128xf32, #tpu.memory_space<vmem_shared>>
      tpu.enqueue_indirect_dma source(%arg5 : memref<125x128xf32, #tpu.memory_space<vmem>>) target(%dma_start3A_176 : memref<10000x128xf32, #tpu.memory_space<vmem_shared>>) offsets(%dma_start3A_173 : memref<125xi32, #tpu.memory_space<vmem>>) semaphore(%arg9 : memref<!tpu.dma_semaphore, #tpu.memory_space<semaphore_mem>>) {add = true}
      %add3A_177 = arith.constant 2 : i32
      %add3A_178 = arith.addi %add3A_142, %add3A_177 : i32
      %lt3A_179 = arith.constant 160 : i32
      %lt3A_180 = arith.cmpi slt, %add3A_178, %lt3A_179 : i32
      %convert_element_type3A_181 = arith.extui %lt3A_180 : i1 to i32
      %cond3A_182 = arith.constant 0 : i32
      %cond3A_183 = arith.cmpi ne, %convert_element_type3A_181, %cond3A_182 : i32
      scf.if %cond3A_183 {
        %add3A_275 = arith.constant 2 : i32
        %add3A_276 = arith.addi %add3A_142, %add3A_275 : i32
        %dma_start3A_277 = arith.constant 3 : i32
        %dma_start3A_278 = arith.constant 0 : i32
        %dma_start3A_279 = tpu.memref_slice %arg4[%dma_start3A_277, %dma_start3A_278] : memref<4x125xi32, #tpu.memory_space<vmem>> -> memref<1x125xi32, #tpu.memory_space<vmem>>
        %dma_start3A_280 = tpu.memref_squeeze %dma_start3A_279 : memref<1x125xi32, #tpu.memory_space<vmem>> -> memref<125xi32, #tpu.memory_space<vmem>>
        %dma_start3A_281 = arith.constant 0 : i32
        %dma_start3A_282 = arith.constant 0 : i32
        %dma_start3A_283 = tpu.memref_slice %arg2[%arg1, %dma_start3A_281, %dma_start3A_282] : memref<16x160x125xi32, #tpu.memory_space<hbm>> -> memref<1x160x125xi32, #tpu.memory_space<hbm>>
        %dma_start3A_284 = tpu.memref_squeeze %dma_start3A_283 : memref<1x160x125xi32, #tpu.memory_space<hbm>> -> memref<160x125xi32, #tpu.memory_space<hbm>>
        %dma_start3A_285 = arith.constant 0 : i32
        %dma_start3A_286 = tpu.memref_slice %dma_start3A_284[%add3A_276, %dma_start3A_285] : memref<160x125xi32, #tpu.memory_space<hbm>> -> memref<1x125xi32, #tpu.memory_space<hbm>>
        %dma_start3A_287 = tpu.memref_squeeze %dma_start3A_286 : memref<1x125xi32, #tpu.memory_space<hbm>> -> memref<125xi32, #tpu.memory_space<hbm>>
        %dma_start3A_288 = arith.constant 0 : i32
        %dma_start3A_289 = tpu.memref_slice %arg4[%dma_start3A_277, %dma_start3A_288] : memref<4x125xi32, #tpu.memory_space<vmem>> -> memref<1x125xi32, #tpu.memory_space<vmem>>
        %dma_start3A_290 = tpu.memref_squeeze %dma_start3A_289 : memref<1x125xi32, #tpu.memory_space<vmem>> -> memref<125xi32, #tpu.memory_space<vmem>>
        %dma_start3A_291 = arith.constant 0 : i32
        %dma_start3A_292 = arith.constant 0 : i32
        %dma_start3A_293 = tpu.memref_slice %arg2[%arg1, %dma_start3A_291, %dma_start3A_292] : memref<16x160x125xi32, #tpu.memory_space<hbm>> -> memref<1x160x125xi32, #tpu.memory_space<hbm>>
        %dma_start3A_294 = tpu.memref_squeeze %dma_start3A_293 : memref<1x160x125xi32, #tpu.memory_space<hbm>> -> memref<160x125xi32, #tpu.memory_space<hbm>>
        %dma_start3A_295 = arith.constant 0 : i32
        %dma_start3A_296 = tpu.memref_slice %dma_start3A_294[%add3A_276, %dma_start3A_295] : memref<160x125xi32, #tpu.memory_space<hbm>> -> memref<1x125xi32, #tpu.memory_space<hbm>>
        %dma_start3A_297 = tpu.memref_squeeze %dma_start3A_296 : memref<1x125xi32, #tpu.memory_space<hbm>> -> memref<125xi32, #tpu.memory_space<hbm>>
        tpu.enqueue_dma source(%dma_start3A_297 : memref<125xi32, #tpu.memory_space<hbm>>) target(%dma_start3A_290 : memref<125xi32, #tpu.memory_space<vmem>>) target_semaphore(%arg13 : memref<!tpu.dma_semaphore, #tpu.memory_space<semaphore_mem>>)
      } else {
      }
      %mul3A_184 = arith.constant 4 : i32
      %mul3A_185 = arith.muli %mul3A_184, %scan3A_94 : i32
      %add3A_186 = arith.constant 2 : i32
      %add3A_187 = arith.addi %mul3A_185, %add3A_186 : i32
      %dma_wait3A_188 = arith.constant 0 : i32
      %dma_wait3A_189 = arith.constant 2 : i32
      %dma_wait3A_190 = arith.constant 0 : i32
      %dma_wait3A_191 = tpu.memref_slice %arg4[%dma_wait3A_189, %dma_wait3A_190] : memref<4x125xi32, #tpu.memory_space<vmem>> -> memref<1x125xi32, #tpu.memory_space<vmem>>
      %dma_wait3A_192 = tpu.memref_squeeze %dma_wait3A_191 : memref<1x125xi32, #tpu.memory_space<vmem>> -> memref<125xi32, #tpu.memory_space<vmem>>
      %dma_wait3A_193 = arith.constant 0 : i32
      %dma_wait3A_194 = arith.constant 0 : i32
      %dma_wait3A_195 = tpu.memref_slice %arg2[%arg1, %dma_wait3A_193, %dma_wait3A_194] : memref<16x160x125xi32, #tpu.memory_space<hbm>> -> memref<1x160x125xi32, #tpu.memory_space<hbm>>
      %dma_wait3A_196 = tpu.memref_squeeze %dma_wait3A_195 : memref<1x160x125xi32, #tpu.memory_space<hbm>> -> memref<160x125xi32, #tpu.memory_space<hbm>>
      %dma_wait3A_197 = arith.constant 0 : i32
      %dma_wait3A_198 = tpu.memref_slice %dma_wait3A_196[%dma_wait3A_188, %dma_wait3A_197] : memref<160x125xi32, #tpu.memory_space<hbm>> -> memref<1x125xi32, #tpu.memory_space<hbm>>
      %dma_wait3A_199 = tpu.memref_squeeze %dma_wait3A_198 : memref<1x125xi32, #tpu.memory_space<hbm>> -> memref<125xi32, #tpu.memory_space<hbm>>
      %dma_wait3A_200 = arith.constant 0 : i32
      %dma_wait3A_201 = tpu.memref_slice %arg4[%dma_wait3A_189, %dma_wait3A_200] : memref<4x125xi32, #tpu.memory_space<vmem>> -> memref<1x125xi32, #tpu.memory_space<vmem>>
      %dma_wait3A_202 = tpu.memref_squeeze %dma_wait3A_201 : memref<1x125xi32, #tpu.memory_space<vmem>> -> memref<125xi32, #tpu.memory_space<vmem>>
      %dma_wait3A_203 = arith.constant 0 : i32
      %dma_wait3A_204 = arith.constant 0 : i32
      %dma_wait3A_205 = tpu.memref_slice %arg2[%arg1, %dma_wait3A_203, %dma_wait3A_204] : memref<16x160x125xi32, #tpu.memory_space<hbm>> -> memref<1x160x125xi32, #tpu.memory_space<hbm>>
      %dma_wait3A_206 = tpu.memref_squeeze %dma_wait3A_205 : memref<1x160x125xi32, #tpu.memory_space<hbm>> -> memref<160x125xi32, #tpu.memory_space<hbm>>
      %dma_wait3A_207 = arith.constant 0 : i32
      %dma_wait3A_208 = tpu.memref_slice %dma_wait3A_206[%dma_wait3A_188, %dma_wait3A_207] : memref<160x125xi32, #tpu.memory_space<hbm>> -> memref<1x125xi32, #tpu.memory_space<hbm>>
      %dma_wait3A_209 = tpu.memref_squeeze %dma_wait3A_208 : memref<1x125xi32, #tpu.memory_space<hbm>> -> memref<125xi32, #tpu.memory_space<hbm>>
      tpu.wait_dma2 semaphore(%arg12 : memref<!tpu.dma_semaphore, #tpu.memory_space<semaphore_mem>>) src(%dma_wait3A_209 : memref<125xi32, #tpu.memory_space<hbm>>) dst(%dma_wait3A_202 : memref<125xi32, #tpu.memory_space<vmem>>)
      %ge3A_210 = arith.constant 2 : i32
      %ge3A_211 = arith.cmpi sge, %add3A_187, %ge3A_210 : i32
      %convert_element_type3A_212 = arith.extui %ge3A_211 : i1 to i32
      %cond3A_213 = arith.constant 0 : i32
      %cond3A_214 = arith.cmpi ne, %convert_element_type3A_212, %cond3A_213 : i32
      scf.if %cond3A_214 {
        %dma_wait3A_275 = arith.constant 0 : i32
        %dma_wait3A_276 = arith.constant 0 : i32
        %dma_wait3A_277 = tpu.memref_slice %arg4[%dma_wait3A_275, %dma_wait3A_276] : memref<4x125xi32, #tpu.memory_space<vmem>> -> memref<1x125xi32, #tpu.memory_space<vmem>>
        %dma_wait3A_278 = tpu.memref_squeeze %dma_wait3A_277 : memref<1x125xi32, #tpu.memory_space<vmem>> -> memref<125xi32, #tpu.memory_space<vmem>>
        %dma_wait3A_279 = arith.constant 0 : i32
        %dma_wait3A_280 = arith.constant 0 : i32
        %dma_wait3A_281 = tpu.memref_slice %arg7[%dma_wait3A_279, %dma_wait3A_280] : memref<10000x128xf32, #tpu.memory_space<vmem_shared>> -> memref<10000x128xf32, #tpu.memory_space<vmem_shared>>
        tpu.wait_indirect_dma semaphore(%arg8 : memref<!tpu.dma_semaphore, #tpu.memory_space<semaphore_mem>>) src(%arg5 : memref<125x128xf32, #tpu.memory_space<vmem>>) dst(%dma_wait3A_281 : memref<10000x128xf32, #tpu.memory_space<vmem_shared>>)
      } else {
      }
      %dma_start3A_215 = arith.constant 2 : i32
      %dma_start3A_216 = arith.constant 0 : i32
      %dma_start3A_217 = tpu.memref_slice %arg4[%dma_start3A_215, %dma_start3A_216] : memref<4x125xi32, #tpu.memory_space<vmem>> -> memref<1x125xi32, #tpu.memory_space<vmem>>
      %dma_start3A_218 = tpu.memref_squeeze %dma_start3A_217 : memref<1x125xi32, #tpu.memory_space<vmem>> -> memref<125xi32, #tpu.memory_space<vmem>>
      %dma_start3A_219 = arith.constant 0 : i32
      %dma_start3A_220 = arith.constant 0 : i32
      %dma_start3A_221 = tpu.memref_slice %arg7[%dma_start3A_219, %dma_start3A_220] : memref<10000x128xf32, #tpu.memory_space<vmem_shared>> -> memref<10000x128xf32, #tpu.memory_space<vmem_shared>>
      tpu.enqueue_indirect_dma source(%arg5 : memref<125x128xf32, #tpu.memory_space<vmem>>) target(%dma_start3A_221 : memref<10000x128xf32, #tpu.memory_space<vmem_shared>>) offsets(%dma_start3A_218 : memref<125xi32, #tpu.memory_space<vmem>>) semaphore(%arg8 : memref<!tpu.dma_semaphore, #tpu.memory_space<semaphore_mem>>) {add = true}
      %add3A_222 = arith.constant 2 : i32
      %add3A_223 = arith.addi %add3A_187, %add3A_222 : i32
      %lt3A_224 = arith.constant 160 : i32
      %lt3A_225 = arith.cmpi slt, %add3A_223, %lt3A_224 : i32
      %convert_element_type3A_226 = arith.extui %lt3A_225 : i1 to i32
      %cond3A_227 = arith.constant 0 : i32
      %cond3A_228 = arith.cmpi ne, %convert_element_type3A_226, %cond3A_227 : i32
      scf.if %cond3A_228 {
        %add3A_275 = arith.constant 2 : i32
        %add3A_276 = arith.addi %add3A_187, %add3A_275 : i32
        %dma_start3A_277 = arith.constant 0 : i32
        %dma_start3A_278 = arith.constant 0 : i32
        %dma_start3A_279 = tpu.memref_slice %arg4[%dma_start3A_277, %dma_start3A_278] : memref<4x125xi32, #tpu.memory_space<vmem>> -> memref<1x125xi32, #tpu.memory_space<vmem>>
        %dma_start3A_280 = tpu.memref_squeeze %dma_start3A_279 : memref<1x125xi32, #tpu.memory_space<vmem>> -> memref<125xi32, #tpu.memory_space<vmem>>
        %dma_start3A_281 = arith.constant 0 : i32
        %dma_start3A_282 = arith.constant 0 : i32
        %dma_start3A_283 = tpu.memref_slice %arg2[%arg1, %dma_start3A_281, %dma_start3A_282] : memref<16x160x125xi32, #tpu.memory_space<hbm>> -> memref<1x160x125xi32, #tpu.memory_space<hbm>>
        %dma_start3A_284 = tpu.memref_squeeze %dma_start3A_283 : memref<1x160x125xi32, #tpu.memory_space<hbm>> -> memref<160x125xi32, #tpu.memory_space<hbm>>
        %dma_start3A_285 = arith.constant 0 : i32
        %dma_start3A_286 = tpu.memref_slice %dma_start3A_284[%add3A_276, %dma_start3A_285] : memref<160x125xi32, #tpu.memory_space<hbm>> -> memref<1x125xi32, #tpu.memory_space<hbm>>
        %dma_start3A_287 = tpu.memref_squeeze %dma_start3A_286 : memref<1x125xi32, #tpu.memory_space<hbm>> -> memref<125xi32, #tpu.memory_space<hbm>>
        %dma_start3A_288 = arith.constant 0 : i32
        %dma_start3A_289 = tpu.memref_slice %arg4[%dma_start3A_277, %dma_start3A_288] : memref<4x125xi32, #tpu.memory_space<vmem>> -> memref<1x125xi32, #tpu.memory_space<vmem>>
        %dma_start3A_290 = tpu.memref_squeeze %dma_start3A_289 : memref<1x125xi32, #tpu.memory_space<vmem>> -> memref<125xi32, #tpu.memory_space<vmem>>
        %dma_start3A_291 = arith.constant 0 : i32
        %dma_start3A_292 = arith.constant 0 : i32
        %dma_start3A_293 = tpu.memref_slice %arg2[%arg1, %dma_start3A_291, %dma_start3A_292] : memref<16x160x125xi32, #tpu.memory_space<hbm>> -> memref<1x160x125xi32, #tpu.memory_space<hbm>>
        %dma_start3A_294 = tpu.memref_squeeze %dma_start3A_293 : memref<1x160x125xi32, #tpu.memory_space<hbm>> -> memref<160x125xi32, #tpu.memory_space<hbm>>
        %dma_start3A_295 = arith.constant 0 : i32
        %dma_start3A_296 = tpu.memref_slice %dma_start3A_294[%add3A_276, %dma_start3A_295] : memref<160x125xi32, #tpu.memory_space<hbm>> -> memref<1x125xi32, #tpu.memory_space<hbm>>
        %dma_start3A_297 = tpu.memref_squeeze %dma_start3A_296 : memref<1x125xi32, #tpu.memory_space<hbm>> -> memref<125xi32, #tpu.memory_space<hbm>>
        tpu.enqueue_dma source(%dma_start3A_297 : memref<125xi32, #tpu.memory_space<hbm>>) target(%dma_start3A_290 : memref<125xi32, #tpu.memory_space<vmem>>) target_semaphore(%arg10 : memref<!tpu.dma_semaphore, #tpu.memory_space<semaphore_mem>>)
      } else {
      }
      %mul3A_229 = arith.constant 4 : i32
      %mul3A_230 = arith.muli %mul3A_229, %scan3A_94 : i32
      %add3A_231 = arith.constant 3 : i32
      %add3A_232 = arith.addi %mul3A_230, %add3A_231 : i32
      %dma_wait3A_233 = arith.constant 0 : i32
      %dma_wait3A_234 = arith.constant 3 : i32
      %dma_wait3A_235 = arith.constant 0 : i32
      %dma_wait3A_236 = tpu.memref_slice %arg4[%dma_wait3A_234, %dma_wait3A_235] : memref<4x125xi32, #tpu.memory_space<vmem>> -> memref<1x125xi32, #tpu.memory_space<vmem>>
      %dma_wait3A_237 = tpu.memref_squeeze %dma_wait3A_236 : memref<1x125xi32, #tpu.memory_space<vmem>> -> memref<125xi32, #tpu.memory_space<vmem>>
      %dma_wait3A_238 = arith.constant 0 : i32
      %dma_wait3A_239 = arith.constant 0 : i32
      %dma_wait3A_240 = tpu.memref_slice %arg2[%arg1, %dma_wait3A_238, %dma_wait3A_239] : memref<16x160x125xi32, #tpu.memory_space<hbm>> -> memref<1x160x125xi32, #tpu.memory_space<hbm>>
      %dma_wait3A_241 = tpu.memref_squeeze %dma_wait3A_240 : memref<1x160x125xi32, #tpu.memory_space<hbm>> -> memref<160x125xi32, #tpu.memory_space<hbm>>
      %dma_wait3A_242 = arith.constant 0 : i32
      %dma_wait3A_243 = tpu.memref_slice %dma_wait3A_241[%dma_wait3A_233, %dma_wait3A_242] : memref<160x125xi32, #tpu.memory_space<hbm>> -> memref<1x125xi32, #tpu.memory_space<hbm>>
      %dma_wait3A_244 = tpu.memref_squeeze %dma_wait3A_243 : memref<1x125xi32, #tpu.memory_space<hbm>> -> memref<125xi32, #tpu.memory_space<hbm>>
      %dma_wait3A_245 = arith.constant 0 : i32
      %dma_wait3A_246 = tpu.memref_slice %arg4[%dma_wait3A_234, %dma_wait3A_245] : memref<4x125xi32, #tpu.memory_space<vmem>> -> memref<1x125xi32, #tpu.memory_space<vmem>>
      %dma_wait3A_247 = tpu.memref_squeeze %dma_wait3A_246 : memref<1x125xi32, #tpu.memory_space<vmem>> -> memref<125xi32, #tpu.memory_space<vmem>>
      %dma_wait3A_248 = arith.constant 0 : i32
      %dma_wait3A_249 = arith.constant 0 : i32
      %dma_wait3A_250 = tpu.memref_slice %arg2[%arg1, %dma_wait3A_248, %dma_wait3A_249] : memref<16x160x125xi32, #tpu.memory_space<hbm>> -> memref<1x160x125xi32, #tpu.memory_space<hbm>>
      %dma_wait3A_251 = tpu.memref_squeeze %dma_wait3A_250 : memref<1x160x125xi32, #tpu.memory_space<hbm>> -> memref<160x125xi32, #tpu.memory_space<hbm>>
      %dma_wait3A_252 = arith.constant 0 : i32
      %dma_wait3A_253 = tpu.memref_slice %dma_wait3A_251[%dma_wait3A_233, %dma_wait3A_252] : memref<160x125xi32, #tpu.memory_space<hbm>> -> memref<1x125xi32, #tpu.memory_space<hbm>>
      %dma_wait3A_254 = tpu.memref_squeeze %dma_wait3A_253 : memref<1x125xi32, #tpu.memory_space<hbm>> -> memref<125xi32, #tpu.memory_space<hbm>>
      tpu.wait_dma2 semaphore(%arg13 : memref<!tpu.dma_semaphore, #tpu.memory_space<semaphore_mem>>) src(%dma_wait3A_254 : memref<125xi32, #tpu.memory_space<hbm>>) dst(%dma_wait3A_247 : memref<125xi32, #tpu.memory_space<vmem>>)
      %ge3A_255 = arith.constant 2 : i32
      %ge3A_256 = arith.cmpi sge, %add3A_232, %ge3A_255 : i32
      %convert_element_type3A_257 = arith.extui %ge3A_256 : i1 to i32
      %cond3A_258 = arith.constant 0 : i32
      %cond3A_259 = arith.cmpi ne, %convert_element_type3A_257, %cond3A_258 : i32
      scf.if %cond3A_259 {
        %dma_wait3A_275 = arith.constant 1 : i32
        %dma_wait3A_276 = arith.constant 0 : i32
        %dma_wait3A_277 = tpu.memref_slice %arg4[%dma_wait3A_275, %dma_wait3A_276] : memref<4x125xi32, #tpu.memory_space<vmem>> -> memref<1x125xi32, #tpu.memory_space<vmem>>
        %dma_wait3A_278 = tpu.memref_squeeze %dma_wait3A_277 : memref<1x125xi32, #tpu.memory_space<vmem>> -> memref<125xi32, #tpu.memory_space<vmem>>
        %dma_wait3A_279 = arith.constant 0 : i32
        %dma_wait3A_280 = arith.constant 0 : i32
        %dma_wait3A_281 = tpu.memref_slice %arg7[%dma_wait3A_279, %dma_wait3A_280] : memref<10000x128xf32, #tpu.memory_space<vmem_shared>> -> memref<10000x128xf32, #tpu.memory_space<vmem_shared>>
        tpu.wait_indirect_dma semaphore(%arg9 : memref<!tpu.dma_semaphore, #tpu.memory_space<semaphore_mem>>) src(%arg5 : memref<125x128xf32, #tpu.memory_space<vmem>>) dst(%dma_wait3A_281 : memref<10000x128xf32, #tpu.memory_space<vmem_shared>>)
      } else {
      }
      %dma_start3A_260 = arith.constant 3 : i32
      %dma_start3A_261 = arith.constant 0 : i32
      %dma_start3A_262 = tpu.memref_slice %arg4[%dma_start3A_260, %dma_start3A_261] : memref<4x125xi32, #tpu.memory_space<vmem>> -> memref<1x125xi32, #tpu.memory_space<vmem>>
      %dma_start3A_263 = tpu.memref_squeeze %dma_start3A_262 : memref<1x125xi32, #tpu.memory_space<vmem>> -> memref<125xi32, #tpu.memory_space<vmem>>
      %dma_start3A_264 = arith.constant 0 : i32
      %dma_start3A_265 = arith.constant 0 : i32
      %dma_start3A_266 = tpu.memref_slice %arg7[%dma_start3A_264, %dma_start3A_265] : memref<10000x128xf32, #tpu.memory_space<vmem_shared>> -> memref<10000x128xf32, #tpu.memory_space<vmem_shared>>
      tpu.enqueue_indirect_dma source(%arg5 : memref<125x128xf32, #tpu.memory_space<vmem>>) target(%dma_start3A_266 : memref<10000x128xf32, #tpu.memory_space<vmem_shared>>) offsets(%dma_start3A_263 : memref<125xi32, #tpu.memory_space<vmem>>) semaphore(%arg9 : memref<!tpu.dma_semaphore, #tpu.memory_space<semaphore_mem>>) {add = true}
      %add3A_267 = arith.constant 2 : i32
      %add3A_268 = arith.addi %add3A_232, %add3A_267 : i32
      %lt3A_269 = arith.constant 160 : i32
      %lt3A_270 = arith.cmpi slt, %add3A_268, %lt3A_269 : i32
      %convert_element_type3A_271 = arith.extui %lt3A_270 : i1 to i32
      %cond3A_272 = arith.constant 0 : i32
      %cond3A_273 = arith.cmpi ne, %convert_element_type3A_271, %cond3A_272 : i32
      scf.if %cond3A_273 {
        %add3A_275 = arith.constant 2 : i32
        %add3A_276 = arith.addi %add3A_232, %add3A_275 : i32
        %dma_start3A_277 = arith.constant 1 : i32
        %dma_start3A_278 = arith.constant 0 : i32
        %dma_start3A_279 = tpu.memref_slice %arg4[%dma_start3A_277, %dma_start3A_278] : memref<4x125xi32, #tpu.memory_space<vmem>> -> memref<1x125xi32, #tpu.memory_space<vmem>>
        %dma_start3A_280 = tpu.memref_squeeze %dma_start3A_279 : memref<1x125xi32, #tpu.memory_space<vmem>> -> memref<125xi32, #tpu.memory_space<vmem>>
        %dma_start3A_281 = arith.constant 0 : i32
        %dma_start3A_282 = arith.constant 0 : i32
        %dma_start3A_283 = tpu.memref_slice %arg2[%arg1, %dma_start3A_281, %dma_start3A_282] : memref<16x160x125xi32, #tpu.memory_space<hbm>> -> memref<1x160x125xi32, #tpu.memory_space<hbm>>
        %dma_start3A_284 = tpu.memref_squeeze %dma_start3A_283 : memref<1x160x125xi32, #tpu.memory_space<hbm>> -> memref<160x125xi32, #tpu.memory_space<hbm>>
        %dma_start3A_285 = arith.constant 0 : i32
        %dma_start3A_286 = tpu.memref_slice %dma_start3A_284[%add3A_276, %dma_start3A_285] : memref<160x125xi32, #tpu.memory_space<hbm>> -> memref<1x125xi32, #tpu.memory_space<hbm>>
        %dma_start3A_287 = tpu.memref_squeeze %dma_start3A_286 : memref<1x125xi32, #tpu.memory_space<hbm>> -> memref<125xi32, #tpu.memory_space<hbm>>
        %dma_start3A_288 = arith.constant 0 : i32
        %dma_start3A_289 = tpu.memref_slice %arg4[%dma_start3A_277, %dma_start3A_288] : memref<4x125xi32, #tpu.memory_space<vmem>> -> memref<1x125xi32, #tpu.memory_space<vmem>>
        %dma_start3A_290 = tpu.memref_squeeze %dma_start3A_289 : memref<1x125xi32, #tpu.memory_space<vmem>> -> memref<125xi32, #tpu.memory_space<vmem>>
        %dma_start3A_291 = arith.constant 0 : i32
        %dma_start3A_292 = arith.constant 0 : i32
        %dma_start3A_293 = tpu.memref_slice %arg2[%arg1, %dma_start3A_291, %dma_start3A_292] : memref<16x160x125xi32, #tpu.memory_space<hbm>> -> memref<1x160x125xi32, #tpu.memory_space<hbm>>
        %dma_start3A_294 = tpu.memref_squeeze %dma_start3A_293 : memref<1x160x125xi32, #tpu.memory_space<hbm>> -> memref<160x125xi32, #tpu.memory_space<hbm>>
        %dma_start3A_295 = arith.constant 0 : i32
        %dma_start3A_296 = tpu.memref_slice %dma_start3A_294[%add3A_276, %dma_start3A_295] : memref<160x125xi32, #tpu.memory_space<hbm>> -> memref<1x125xi32, #tpu.memory_space<hbm>>
        %dma_start3A_297 = tpu.memref_squeeze %dma_start3A_296 : memref<1x125xi32, #tpu.memory_space<hbm>> -> memref<125xi32, #tpu.memory_space<hbm>>
        tpu.enqueue_dma source(%dma_start3A_297 : memref<125xi32, #tpu.memory_space<hbm>>) target(%dma_start3A_290 : memref<125xi32, #tpu.memory_space<vmem>>) target_semaphore(%arg11 : memref<!tpu.dma_semaphore, #tpu.memory_space<semaphore_mem>>)
      } else {
      }
      %scan3A_274 = arith.constant 0 : i32
      scf.yield %scan3A_274 : i32
    }
    %scan3A_74 = arith.constant 40 : i32
    %dma_wait3A = arith.constant 2 : i32
    %dma_wait3A_75 = arith.constant 0 : i32
    %dma_wait3A_76 = tpu.memref_slice %arg4[%dma_wait3A, %dma_wait3A_75] : memref<4x125xi32, #tpu.memory_space<vmem>> -> memref<1x125xi32, #tpu.memory_space<vmem>>
    %dma_wait3A_77 = tpu.memref_squeeze %dma_wait3A_76 : memref<1x125xi32, #tpu.memory_space<vmem>> -> memref<125xi32, #tpu.memory_space<vmem>>
    %dma_wait3A_78 = arith.constant 0 : i32
    %dma_wait3A_79 = arith.constant 0 : i32
    %dma_wait3A_80 = tpu.memref_slice %arg7[%dma_wait3A_78, %dma_wait3A_79] : memref<10000x128xf32, #tpu.memory_space<vmem_shared>> -> memref<10000x128xf32, #tpu.memory_space<vmem_shared>>
    tpu.wait_indirect_dma semaphore(%arg8 : memref<!tpu.dma_semaphore, #tpu.memory_space<semaphore_mem>>) src(%arg5 : memref<125x128xf32, #tpu.memory_space<vmem>>) dst(%dma_wait3A_80 : memref<10000x128xf32, #tpu.memory_space<vmem_shared>>)
    %dma_wait3A_81 = arith.constant 3 : i32
    %dma_wait3A_82 = arith.constant 0 : i32
    %dma_wait3A_83 = tpu.memref_slice %arg4[%dma_wait3A_81, %dma_wait3A_82] : memref<4x125xi32, #tpu.memory_space<vmem>> -> memref<1x125xi32, #tpu.memory_space<vmem>>
    %dma_wait3A_84 = tpu.memref_squeeze %dma_wait3A_83 : memref<1x125xi32, #tpu.memory_space<vmem>> -> memref<125xi32, #tpu.memory_space<vmem>>
    %dma_wait3A_85 = arith.constant 0 : i32
    %dma_wait3A_86 = arith.constant 0 : i32
    %dma_wait3A_87 = tpu.memref_slice %arg7[%dma_wait3A_85, %dma_wait3A_86] : memref<10000x128xf32, #tpu.memory_space<vmem_shared>> -> memref<10000x128xf32, #tpu.memory_space<vmem_shared>>
    tpu.wait_indirect_dma semaphore(%arg9 : memref<!tpu.dma_semaphore, #tpu.memory_space<semaphore_mem>>) src(%arg5 : memref<125x128xf32, #tpu.memory_space<vmem>>) dst(%dma_wait3A_87 : memref<10000x128xf32, #tpu.memory_space<vmem_shared>>)
    %barrier3A_88 = arith.constant 0 : index
    tpu.barrier barrier_id(%barrier3A_88)
    %run_scoped3A = arith.constant 0 : i32
    "tpu.region"() ({
      %run_scoped3A_94 = tpu.sem_alloc : memref<!tpu.dma_semaphore, #tpu.memory_space<semaphore_mem>>
      %dma_start3A_95 = arith.constant 0 : i32
      %dma_start3A_96 = arith.constant 0 : i32
      %dma_start3A_97 = tpu.memref_slice %arg3[%run_scoped3A, %dma_start3A_95, %dma_start3A_96] : memref<1x10000x128xf32, #tpu.memory_space<hbm>> -> memref<1x10000x128xf32, #tpu.memory_space<hbm>>
      %dma_start3A_98 = tpu.memref_squeeze %dma_start3A_97 : memref<1x10000x128xf32, #tpu.memory_space<hbm>> -> memref<10000x128xf32, #tpu.memory_space<hbm>>
      %dma_start3A_99 = arith.constant 0 : i32
      %dma_start3A_100 = tpu.memref_slice %dma_start3A_98[%multiple_of3A, %dma_start3A_99] : memref<10000x128xf32, #tpu.memory_space<hbm>> -> memref<624x128xf32, #tpu.memory_space<hbm>>
      %dma_start3A_101 = arith.constant 0 : i32
      %dma_start3A_102 = tpu.memref_slice %arg7[%multiple_of3A, %dma_start3A_101] : memref<10000x128xf32, #tpu.memory_space<vmem_shared>> -> memref<624x128xf32, #tpu.memory_space<vmem_shared>>
      tpu.enqueue_dma source(%dma_start3A_102 : memref<624x128xf32, #tpu.memory_space<vmem_shared>>) target(%dma_start3A_100 : memref<624x128xf32, #tpu.memory_space<hbm>>) target_semaphore(%run_scoped3A_94 : memref<!tpu.dma_semaphore, #tpu.memory_space<semaphore_mem>>)
      %dma_wait3A_103 = arith.constant 0 : i32
      %dma_wait3A_104 = arith.constant 0 : i32
      %dma_wait3A_105 = tpu.memref_slice %arg3[%run_scoped3A, %dma_wait3A_103, %dma_wait3A_104] : memref<1x10000x128xf32, #tpu.memory_space<hbm>> -> memref<1x10000x128xf32, #tpu.memory_space<hbm>>
      %dma_wait3A_106 = tpu.memref_squeeze %dma_wait3A_105 : memref<1x10000x128xf32, #tpu.memory_space<hbm>> -> memref<10000x128xf32, #tpu.memory_space<hbm>>
      %dma_wait3A_107 = arith.constant 0 : i32
      %dma_wait3A_108 = tpu.memref_slice %dma_wait3A_106[%multiple_of3A, %dma_wait3A_107] : memref<10000x128xf32, #tpu.memory_space<hbm>> -> memref<624x128xf32, #tpu.memory_space<hbm>>
      %dma_wait3A_109 = arith.constant 0 : i32
      %dma_wait3A_110 = tpu.memref_slice %arg7[%multiple_of3A, %dma_wait3A_109] : memref<10000x128xf32, #tpu.memory_space<vmem_shared>> -> memref<624x128xf32, #tpu.memory_space<vmem_shared>>
      tpu.wait_dma2 semaphore(%run_scoped3A_94 : memref<!tpu.dma_semaphore, #tpu.memory_space<semaphore_mem>>) src(%dma_wait3A_110 : memref<624x128xf32, #tpu.memory_space<vmem_shared>>) dst(%dma_wait3A_108 : memref<624x128xf32, #tpu.memory_space<hbm>>)
      tpu.yield
    }) : () -> ()
    %eq3A_89 = arith.constant 0 : i32
    %eq3A_90 = arith.cmpi eq, %arg1, %eq3A_89 : i32
    %convert_element_type3A_91 = arith.extui %eq3A_90 : i1 to i32
    %cond3A_92 = arith.constant 0 : i32
    %cond3A_93 = arith.cmpi ne, %convert_element_type3A_91, %cond3A_92 : i32
    scf.if %cond3A_93 {
      %run_scoped3A_94 = arith.constant 0 : i32
      "tpu.region"() ({
        %run_scoped3A_95 = tpu.sem_alloc : memref<!tpu.dma_semaphore, #tpu.memory_space<semaphore_mem>>
        %dma_start3A_96 = arith.constant 0 : i32
        %dma_start3A_97 = arith.constant 0 : i32
        %dma_start3A_98 = tpu.memref_slice %arg3[%run_scoped3A_94, %dma_start3A_96, %dma_start3A_97] : memref<1x10000x128xf32, #tpu.memory_space<hbm>> -> memref<1x10000x128xf32, #tpu.memory_space<hbm>>
        %dma_start3A_99 = tpu.memref_squeeze %dma_start3A_98 : memref<1x10000x128xf32, #tpu.memory_space<hbm>> -> memref<10000x128xf32, #tpu.memory_space<hbm>>
        %dma_start3A_100 = arith.constant 9984 : i32
        %dma_start3A_101 = arith.constant 0 : i32
        %dma_start3A_102 = tpu.memref_slice %dma_start3A_99[%dma_start3A_100, %dma_start3A_101] : memref<10000x128xf32, #tpu.memory_space<hbm>> -> memref<16x128xf32, #tpu.memory_space<hbm>>
        %dma_start3A_103 = arith.constant 9984 : i32
        %dma_start3A_104 = arith.constant 0 : i32
        %dma_start3A_105 = tpu.memref_slice %arg7[%dma_start3A_103, %dma_start3A_104] : memref<10000x128xf32, #tpu.memory_space<vmem_shared>> -> memref<16x128xf32, #tpu.memory_space<vmem_shared>>
        tpu.enqueue_dma source(%dma_start3A_105 : memref<16x128xf32, #tpu.memory_space<vmem_shared>>) target(%dma_start3A_102 : memref<16x128xf32, #tpu.memory_space<hbm>>) target_semaphore(%run_scoped3A_95 : memref<!tpu.dma_semaphore, #tpu.memory_space<semaphore_mem>>)
        %dma_wait3A_106 = arith.constant 0 : i32
        %dma_wait3A_107 = arith.constant 0 : i32
        %dma_wait3A_108 = tpu.memref_slice %arg3[%run_scoped3A_94, %dma_wait3A_106, %dma_wait3A_107] : memref<1x10000x128xf32, #tpu.memory_space<hbm>> -> memref<1x10000x128xf32, #tpu.memory_space<hbm>>
        %dma_wait3A_109 = tpu.memref_squeeze %dma_wait3A_108 : memref<1x10000x128xf32, #tpu.memory_space<hbm>> -> memref<10000x128xf32, #tpu.memory_space<hbm>>
        %dma_wait3A_110 = arith.constant 9984 : i32
        %dma_wait3A_111 = arith.constant 0 : i32
        %dma_wait3A_112 = tpu.memref_slice %dma_wait3A_109[%dma_wait3A_110, %dma_wait3A_111] : memref<10000x128xf32, #tpu.memory_space<hbm>> -> memref<16x128xf32, #tpu.memory_space<hbm>>
        %dma_wait3A_113 = arith.constant 9984 : i32
        %dma_wait3A_114 = arith.constant 0 : i32
        %dma_wait3A_115 = tpu.memref_slice %arg7[%dma_wait3A_113, %dma_wait3A_114] : memref<10000x128xf32, #tpu.memory_space<vmem_shared>> -> memref<16x128xf32, #tpu.memory_space<vmem_shared>>
        tpu.wait_dma2 semaphore(%run_scoped3A_95 : memref<!tpu.dma_semaphore, #tpu.memory_space<semaphore_mem>>) src(%dma_wait3A_115 : memref<16x128xf32, #tpu.memory_space<vmem_shared>>) dst(%dma_wait3A_112 : memref<16x128xf32, #tpu.memory_space<hbm>>)
        tpu.yield
      }) : () -> ()
    } else {
    }
    return
  }
}

#map = affine_map<(d0, d1) -> (0, 0)>
#map1 = affine_map<(d0, d1) -> (0, 0, 0)>
module attributes {stable_mosaic.version = 14 : i64} {
  func.func @k(%arg0: i32, %arg1: i32, %arg2: memref<10000x128xf32, #tpu.memory_space<hbm>>, %arg3: memref<16x160x125xi32, #tpu.memory_space<hbm>>, %arg4: memref<16x160x125xi32, #tpu.memory_space<hbm>>, %arg5: memref<1x10000x128xf32, #tpu.memory_space<hbm>>, %arg6: memref<4x125xi32, #tpu.memory_space<vmem>>, %arg7: memref<4x125xi32, #tpu.memory_space<vmem>>, %arg8: memref<125x128xf32, #tpu.memory_space<vmem>>, %arg9: memref<125x128xf32, #tpu.memory_space<vmem>>, %arg10: memref<10000x128xf32, #tpu.memory_space<vmem_shared>>, %arg11: memref<!tpu.dma_semaphore, #tpu.memory_space<semaphore_mem>>, %arg12: memref<!tpu.dma_semaphore, #tpu.memory_space<semaphore_mem>>, %arg13: memref<!tpu.dma_semaphore, #tpu.memory_space<semaphore_mem>>, %arg14: memref<!tpu.dma_semaphore, #tpu.memory_space<semaphore_mem>>, %arg15: memref<!tpu.dma_semaphore, #tpu.memory_space<semaphore_mem>>, %arg16: memref<!tpu.dma_semaphore, #tpu.memory_space<semaphore_mem>>, %arg17: memref<!tpu.dma_semaphore, #tpu.memory_space<semaphore_mem>>, %arg18: memref<!tpu.dma_semaphore, #tpu.memory_space<semaphore_mem>>) attributes {dimension_semantics = [#tpu.dimension_semantics<core_parallel>, #tpu.dimension_semantics<subcore_parallel>], iteration_bounds = array<i64: 1, 16>, scalar_prefetch = 0 : i64, scratch_operands = 13 : i64, tpu.core_type = #tpu.core_type<sc_vector_subcore>, window_params = [{transform_indices = #map}, {transform_indices = #map1}, {transform_indices = #map1}, {transform_indices = #map1}]} {
    %broadcast_in_dim3A = arith.constant 0.000000e+00 : f32
    %broadcast_in_dim3A_0 = vector.broadcast %broadcast_in_dim3A : f32 to vector<16xf32>
    %scan3A = arith.constant 0 : i32
    %scan3A_1 = arith.constant 0 : i32
    %scan3A_2 = arith.constant 125 : i32
    %scan3A_3 = arith.addi %scan3A_1, %scan3A_2 : i32
    %scan3A_4 = arith.constant 1 : i32
    %scan3A_5 = scf.for %scan3A_224 = %scan3A_1 to %scan3A_3 step %scan3A_4 iter_args(%scan3A_225 = %scan3A) -> (i32)  : i32 {
      %scan3A_226 = arith.constant 0 : i32
      %scan3A_227 = arith.constant 0 : i32
      %scan3A_228 = arith.constant 8 : i32
      %scan3A_229 = arith.addi %scan3A_227, %scan3A_228 : i32
      %scan3A_230 = arith.constant 1 : i32
      %scan3A_231 = scf.for %scan3A_233 = %scan3A_227 to %scan3A_229 step %scan3A_230 iter_args(%scan3A_234 = %scan3A_226) -> (i32)  : i32 {
        %mul3A_235 = arith.constant 16 : i32
        %mul3A_236 = arith.muli %scan3A_233, %mul3A_235 : i32
        %swap3A = arith.index_cast %scan3A_224 : i32 to index
        %swap3A_237 = arith.index_cast %mul3A_236 : i32 to index
        %swap3A_238 = tpu.vector_load %arg8[%swap3A, %swap3A_237] {strides = array<i32>} : memref<125x128xf32, #tpu.memory_space<vmem>>, vector<1x16xf32>,
        %swap3A_239 = vector.shape_cast %swap3A_238 : vector<1x16xf32> to vector<16xf32>
        %swap3A_240 = vector.shape_cast %broadcast_in_dim3A_0 : vector<16xf32> to vector<1x16xf32>
        tpu.vector_store %arg8[%swap3A, %swap3A_237], %swap3A_240 {strides = array<i32>} : memref<125x128xf32, #tpu.memory_space<vmem>>, vector<1x16xf32>,
        %scan3A_241 = arith.constant 0 : i32
        scf.yield %scan3A_241 : i32
      }
      %scan3A_232 = arith.constant 8 : i32
      scf.yield %scan3A_231 : i32
    }
    %scan3A_6 = arith.constant 125 : i32
    %mul3A = arith.constant 624 : i32
    %mul3A_7 = arith.muli %arg1, %mul3A : i32
    %multiple_of3A = tpu.assume_multiple %mul3A_7, 8 : i32
    %add3A = arith.constant 0 : i32
    %add3A_8 = arith.addi %multiple_of3A, %add3A : i32
    "tpu.region"() ({
      %run_scoped3A_224 = tpu.sem_alloc : memref<!tpu.dma_semaphore, #tpu.memory_space<semaphore_mem>>
      %dma_start3A_225 = arith.constant 0 : i32
      %dma_start3A_226 = arith.constant 0 : i32
      %dma_start3A_227 = tpu.memref_slice %arg8[%dma_start3A_225, %dma_start3A_226] : memref<125x128xf32, #tpu.memory_space<vmem>> -> memref<96x128xf32, #tpu.memory_space<vmem>>
      %dma_start3A_228 = arith.constant 0 : i32
      %dma_start3A_229 = tpu.memref_slice %arg10[%add3A_8, %dma_start3A_228] : memref<10000x128xf32, #tpu.memory_space<vmem_shared>> -> memref<96x128xf32, #tpu.memory_space<vmem_shared>>
      %dma_start3A_230 = arith.constant 0 : i32
      %dma_start3A_231 = tpu.memref_slice %arg10[%add3A_8, %dma_start3A_230] : memref<10000x128xf32, #tpu.memory_space<vmem_shared>> -> memref<96x128xf32, #tpu.memory_space<vmem_shared>>
      %dma_start3A_232 = arith.constant 0 : i32
      %dma_start3A_233 = arith.constant 0 : i32
      %dma_start3A_234 = tpu.memref_slice %arg8[%dma_start3A_232, %dma_start3A_233] : memref<125x128xf32, #tpu.memory_space<vmem>> -> memref<96x128xf32, #tpu.memory_space<vmem>>
      tpu.enqueue_dma source(%dma_start3A_234 : memref<96x128xf32, #tpu.memory_space<vmem>>) target(%dma_start3A_231 : memref<96x128xf32, #tpu.memory_space<vmem_shared>>) target_semaphore(%run_scoped3A_224 : memref<!tpu.dma_semaphore, #tpu.memory_space<semaphore_mem>>)
      %dma_wait3A_235 = arith.constant 0 : i32
      %dma_wait3A_236 = arith.constant 0 : i32
      %dma_wait3A_237 = tpu.memref_slice %arg8[%dma_wait3A_235, %dma_wait3A_236] : memref<125x128xf32, #tpu.memory_space<vmem>> -> memref<96x128xf32, #tpu.memory_space<vmem>>
      %dma_wait3A_238 = arith.constant 0 : i32
      %dma_wait3A_239 = tpu.memref_slice %arg10[%add3A_8, %dma_wait3A_238] : memref<10000x128xf32, #tpu.memory_space<vmem_shared>> -> memref<96x128xf32, #tpu.memory_space<vmem_shared>>
      %dma_wait3A_240 = arith.constant 0 : i32
      %dma_wait3A_241 = tpu.memref_slice %arg10[%add3A_8, %dma_wait3A_240] : memref<10000x128xf32, #tpu.memory_space<vmem_shared>> -> memref<96x128xf32, #tpu.memory_space<vmem_shared>>
      %dma_wait3A_242 = arith.constant 0 : i32
      %dma_wait3A_243 = arith.constant 0 : i32
      %dma_wait3A_244 = tpu.memref_slice %arg8[%dma_wait3A_242, %dma_wait3A_243] : memref<125x128xf32, #tpu.memory_space<vmem>> -> memref<96x128xf32, #tpu.memory_space<vmem>>
      tpu.wait_dma2 semaphore(%run_scoped3A_224 : memref<!tpu.dma_semaphore, #tpu.memory_space<semaphore_mem>>) src(%dma_wait3A_244 : memref<96x128xf32, #tpu.memory_space<vmem>>) dst(%dma_wait3A_241 : memref<96x128xf32, #tpu.memory_space<vmem_shared>>)
      tpu.yield
    }) : () -> ()
    %add3A_9 = arith.constant 96 : i32
    %add3A_10 = arith.addi %multiple_of3A, %add3A_9 : i32
    "tpu.region"() ({
      %run_scoped3A_224 = tpu.sem_alloc : memref<!tpu.dma_semaphore, #tpu.memory_space<semaphore_mem>>
      %dma_start3A_225 = arith.constant 0 : i32
      %dma_start3A_226 = arith.constant 0 : i32
      %dma_start3A_227 = tpu.memref_slice %arg8[%dma_start3A_225, %dma_start3A_226] : memref<125x128xf32, #tpu.memory_space<vmem>> -> memref<96x128xf32, #tpu.memory_space<vmem>>
      %dma_start3A_228 = arith.constant 0 : i32
      %dma_start3A_229 = tpu.memref_slice %arg10[%add3A_10, %dma_start3A_228] : memref<10000x128xf32, #tpu.memory_space<vmem_shared>> -> memref<96x128xf32, #tpu.memory_space<vmem_shared>>
      %dma_start3A_230 = arith.constant 0 : i32
      %dma_start3A_231 = tpu.memref_slice %arg10[%add3A_10, %dma_start3A_230] : memref<10000x128xf32, #tpu.memory_space<vmem_shared>> -> memref<96x128xf32, #tpu.memory_space<vmem_shared>>
      %dma_start3A_232 = arith.constant 0 : i32
      %dma_start3A_233 = arith.constant 0 : i32
      %dma_start3A_234 = tpu.memref_slice %arg8[%dma_start3A_232, %dma_start3A_233] : memref<125x128xf32, #tpu.memory_space<vmem>> -> memref<96x128xf32, #tpu.memory_space<vmem>>
      tpu.enqueue_dma source(%dma_start3A_234 : memref<96x128xf32, #tpu.memory_space<vmem>>) target(%dma_start3A_231 : memref<96x128xf32, #tpu.memory_space<vmem_shared>>) target_semaphore(%run_scoped3A_224 : memref<!tpu.dma_semaphore, #tpu.memory_space<semaphore_mem>>)
      %dma_wait3A_235 = arith.constant 0 : i32
      %dma_wait3A_236 = arith.constant 0 : i32
      %dma_wait3A_237 = tpu.memref_slice %arg8[%dma_wait3A_235, %dma_wait3A_236] : memref<125x128xf32, #tpu.memory_space<vmem>> -> memref<96x128xf32, #tpu.memory_space<vmem>>
      %dma_wait3A_238 = arith.constant 0 : i32
      %dma_wait3A_239 = tpu.memref_slice %arg10[%add3A_10, %dma_wait3A_238] : memref<10000x128xf32, #tpu.memory_space<vmem_shared>> -> memref<96x128xf32, #tpu.memory_space<vmem_shared>>
      %dma_wait3A_240 = arith.constant 0 : i32
      %dma_wait3A_241 = tpu.memref_slice %arg10[%add3A_10, %dma_wait3A_240] : memref<10000x128xf32, #tpu.memory_space<vmem_shared>> -> memref<96x128xf32, #tpu.memory_space<vmem_shared>>
      %dma_wait3A_242 = arith.constant 0 : i32
      %dma_wait3A_243 = arith.constant 0 : i32
      %dma_wait3A_244 = tpu.memref_slice %arg8[%dma_wait3A_242, %dma_wait3A_243] : memref<125x128xf32, #tpu.memory_space<vmem>> -> memref<96x128xf32, #tpu.memory_space<vmem>>
      tpu.wait_dma2 semaphore(%run_scoped3A_224 : memref<!tpu.dma_semaphore, #tpu.memory_space<semaphore_mem>>) src(%dma_wait3A_244 : memref<96x128xf32, #tpu.memory_space<vmem>>) dst(%dma_wait3A_241 : memref<96x128xf32, #tpu.memory_space<vmem_shared>>)
      tpu.yield
    }) : () -> ()
    %add3A_11 = arith.constant 192 : i32
    %add3A_12 = arith.addi %multiple_of3A, %add3A_11 : i32
    "tpu.region"() ({
      %run_scoped3A_224 = tpu.sem_alloc : memref<!tpu.dma_semaphore, #tpu.memory_space<semaphore_mem>>
      %dma_start3A_225 = arith.constant 0 : i32
      %dma_start3A_226 = arith.constant 0 : i32
      %dma_start3A_227 = tpu.memref_slice %arg8[%dma_start3A_225, %dma_start3A_226] : memref<125x128xf32, #tpu.memory_space<vmem>> -> memref<96x128xf32, #tpu.memory_space<vmem>>
      %dma_start3A_228 = arith.constant 0 : i32
      %dma_start3A_229 = tpu.memref_slice %arg10[%add3A_12, %dma_start3A_228] : memref<10000x128xf32, #tpu.memory_space<vmem_shared>> -> memref<96x128xf32, #tpu.memory_space<vmem_shared>>
      %dma_start3A_230 = arith.constant 0 : i32
      %dma_start3A_231 = tpu.memref_slice %arg10[%add3A_12, %dma_start3A_230] : memref<10000x128xf32, #tpu.memory_space<vmem_shared>> -> memref<96x128xf32, #tpu.memory_space<vmem_shared>>
      %dma_start3A_232 = arith.constant 0 : i32
      %dma_start3A_233 = arith.constant 0 : i32
      %dma_start3A_234 = tpu.memref_slice %arg8[%dma_start3A_232, %dma_start3A_233] : memref<125x128xf32, #tpu.memory_space<vmem>> -> memref<96x128xf32, #tpu.memory_space<vmem>>
      tpu.enqueue_dma source(%dma_start3A_234 : memref<96x128xf32, #tpu.memory_space<vmem>>) target(%dma_start3A_231 : memref<96x128xf32, #tpu.memory_space<vmem_shared>>) target_semaphore(%run_scoped3A_224 : memref<!tpu.dma_semaphore, #tpu.memory_space<semaphore_mem>>)
      %dma_wait3A_235 = arith.constant 0 : i32
      %dma_wait3A_236 = arith.constant 0 : i32
      %dma_wait3A_237 = tpu.memref_slice %arg8[%dma_wait3A_235, %dma_wait3A_236] : memref<125x128xf32, #tpu.memory_space<vmem>> -> memref<96x128xf32, #tpu.memory_space<vmem>>
      %dma_wait3A_238 = arith.constant 0 : i32
      %dma_wait3A_239 = tpu.memref_slice %arg10[%add3A_12, %dma_wait3A_238] : memref<10000x128xf32, #tpu.memory_space<vmem_shared>> -> memref<96x128xf32, #tpu.memory_space<vmem_shared>>
      %dma_wait3A_240 = arith.constant 0 : i32
      %dma_wait3A_241 = tpu.memref_slice %arg10[%add3A_12, %dma_wait3A_240] : memref<10000x128xf32, #tpu.memory_space<vmem_shared>> -> memref<96x128xf32, #tpu.memory_space<vmem_shared>>
      %dma_wait3A_242 = arith.constant 0 : i32
      %dma_wait3A_243 = arith.constant 0 : i32
      %dma_wait3A_244 = tpu.memref_slice %arg8[%dma_wait3A_242, %dma_wait3A_243] : memref<125x128xf32, #tpu.memory_space<vmem>> -> memref<96x128xf32, #tpu.memory_space<vmem>>
      tpu.wait_dma2 semaphore(%run_scoped3A_224 : memref<!tpu.dma_semaphore, #tpu.memory_space<semaphore_mem>>) src(%dma_wait3A_244 : memref<96x128xf32, #tpu.memory_space<vmem>>) dst(%dma_wait3A_241 : memref<96x128xf32, #tpu.memory_space<vmem_shared>>)
      tpu.yield
    }) : () -> ()
    %add3A_13 = arith.constant 288 : i32
    %add3A_14 = arith.addi %multiple_of3A, %add3A_13 : i32
    "tpu.region"() ({
      %run_scoped3A_224 = tpu.sem_alloc : memref<!tpu.dma_semaphore, #tpu.memory_space<semaphore_mem>>
      %dma_start3A_225 = arith.constant 0 : i32
      %dma_start3A_226 = arith.constant 0 : i32
      %dma_start3A_227 = tpu.memref_slice %arg8[%dma_start3A_225, %dma_start3A_226] : memref<125x128xf32, #tpu.memory_space<vmem>> -> memref<96x128xf32, #tpu.memory_space<vmem>>
      %dma_start3A_228 = arith.constant 0 : i32
      %dma_start3A_229 = tpu.memref_slice %arg10[%add3A_14, %dma_start3A_228] : memref<10000x128xf32, #tpu.memory_space<vmem_shared>> -> memref<96x128xf32, #tpu.memory_space<vmem_shared>>
      %dma_start3A_230 = arith.constant 0 : i32
      %dma_start3A_231 = tpu.memref_slice %arg10[%add3A_14, %dma_start3A_230] : memref<10000x128xf32, #tpu.memory_space<vmem_shared>> -> memref<96x128xf32, #tpu.memory_space<vmem_shared>>
      %dma_start3A_232 = arith.constant 0 : i32
      %dma_start3A_233 = arith.constant 0 : i32
      %dma_start3A_234 = tpu.memref_slice %arg8[%dma_start3A_232, %dma_start3A_233] : memref<125x128xf32, #tpu.memory_space<vmem>> -> memref<96x128xf32, #tpu.memory_space<vmem>>
      tpu.enqueue_dma source(%dma_start3A_234 : memref<96x128xf32, #tpu.memory_space<vmem>>) target(%dma_start3A_231 : memref<96x128xf32, #tpu.memory_space<vmem_shared>>) target_semaphore(%run_scoped3A_224 : memref<!tpu.dma_semaphore, #tpu.memory_space<semaphore_mem>>)
      %dma_wait3A_235 = arith.constant 0 : i32
      %dma_wait3A_236 = arith.constant 0 : i32
      %dma_wait3A_237 = tpu.memref_slice %arg8[%dma_wait3A_235, %dma_wait3A_236] : memref<125x128xf32, #tpu.memory_space<vmem>> -> memref<96x128xf32, #tpu.memory_space<vmem>>
      %dma_wait3A_238 = arith.constant 0 : i32
      %dma_wait3A_239 = tpu.memref_slice %arg10[%add3A_14, %dma_wait3A_238] : memref<10000x128xf32, #tpu.memory_space<vmem_shared>> -> memref<96x128xf32, #tpu.memory_space<vmem_shared>>
      %dma_wait3A_240 = arith.constant 0 : i32
      %dma_wait3A_241 = tpu.memref_slice %arg10[%add3A_14, %dma_wait3A_240] : memref<10000x128xf32, #tpu.memory_space<vmem_shared>> -> memref<96x128xf32, #tpu.memory_space<vmem_shared>>
      %dma_wait3A_242 = arith.constant 0 : i32
      %dma_wait3A_243 = arith.constant 0 : i32
      %dma_wait3A_244 = tpu.memref_slice %arg8[%dma_wait3A_242, %dma_wait3A_243] : memref<125x128xf32, #tpu.memory_space<vmem>> -> memref<96x128xf32, #tpu.memory_space<vmem>>
      tpu.wait_dma2 semaphore(%run_scoped3A_224 : memref<!tpu.dma_semaphore, #tpu.memory_space<semaphore_mem>>) src(%dma_wait3A_244 : memref<96x128xf32, #tpu.memory_space<vmem>>) dst(%dma_wait3A_241 : memref<96x128xf32, #tpu.memory_space<vmem_shared>>)
      tpu.yield
    }) : () -> ()
    %add3A_15 = arith.constant 384 : i32
    %add3A_16 = arith.addi %multiple_of3A, %add3A_15 : i32
    "tpu.region"() ({
      %run_scoped3A_224 = tpu.sem_alloc : memref<!tpu.dma_semaphore, #tpu.memory_space<semaphore_mem>>
      %dma_start3A_225 = arith.constant 0 : i32
      %dma_start3A_226 = arith.constant 0 : i32
      %dma_start3A_227 = tpu.memref_slice %arg8[%dma_start3A_225, %dma_start3A_226] : memref<125x128xf32, #tpu.memory_space<vmem>> -> memref<96x128xf32, #tpu.memory_space<vmem>>
      %dma_start3A_228 = arith.constant 0 : i32
      %dma_start3A_229 = tpu.memref_slice %arg10[%add3A_16, %dma_start3A_228] : memref<10000x128xf32, #tpu.memory_space<vmem_shared>> -> memref<96x128xf32, #tpu.memory_space<vmem_shared>>
      %dma_start3A_230 = arith.constant 0 : i32
      %dma_start3A_231 = tpu.memref_slice %arg10[%add3A_16, %dma_start3A_230] : memref<10000x128xf32, #tpu.memory_space<vmem_shared>> -> memref<96x128xf32, #tpu.memory_space<vmem_shared>>
      %dma_start3A_232 = arith.constant 0 : i32
      %dma_start3A_233 = arith.constant 0 : i32
      %dma_start3A_234 = tpu.memref_slice %arg8[%dma_start3A_232, %dma_start3A_233] : memref<125x128xf32, #tpu.memory_space<vmem>> -> memref<96x128xf32, #tpu.memory_space<vmem>>
      tpu.enqueue_dma source(%dma_start3A_234 : memref<96x128xf32, #tpu.memory_space<vmem>>) target(%dma_start3A_231 : memref<96x128xf32, #tpu.memory_space<vmem_shared>>) target_semaphore(%run_scoped3A_224 : memref<!tpu.dma_semaphore, #tpu.memory_space<semaphore_mem>>)
      %dma_wait3A_235 = arith.constant 0 : i32
      %dma_wait3A_236 = arith.constant 0 : i32
      %dma_wait3A_237 = tpu.memref_slice %arg8[%dma_wait3A_235, %dma_wait3A_236] : memref<125x128xf32, #tpu.memory_space<vmem>> -> memref<96x128xf32, #tpu.memory_space<vmem>>
      %dma_wait3A_238 = arith.constant 0 : i32
      %dma_wait3A_239 = tpu.memref_slice %arg10[%add3A_16, %dma_wait3A_238] : memref<10000x128xf32, #tpu.memory_space<vmem_shared>> -> memref<96x128xf32, #tpu.memory_space<vmem_shared>>
      %dma_wait3A_240 = arith.constant 0 : i32
      %dma_wait3A_241 = tpu.memref_slice %arg10[%add3A_16, %dma_wait3A_240] : memref<10000x128xf32, #tpu.memory_space<vmem_shared>> -> memref<96x128xf32, #tpu.memory_space<vmem_shared>>
      %dma_wait3A_242 = arith.constant 0 : i32
      %dma_wait3A_243 = arith.constant 0 : i32
      %dma_wait3A_244 = tpu.memref_slice %arg8[%dma_wait3A_242, %dma_wait3A_243] : memref<125x128xf32, #tpu.memory_space<vmem>> -> memref<96x128xf32, #tpu.memory_space<vmem>>
      tpu.wait_dma2 semaphore(%run_scoped3A_224 : memref<!tpu.dma_semaphore, #tpu.memory_space<semaphore_mem>>) src(%dma_wait3A_244 : memref<96x128xf32, #tpu.memory_space<vmem>>) dst(%dma_wait3A_241 : memref<96x128xf32, #tpu.memory_space<vmem_shared>>)
      tpu.yield
    }) : () -> ()
    %add3A_17 = arith.constant 480 : i32
    %add3A_18 = arith.addi %multiple_of3A, %add3A_17 : i32
    "tpu.region"() ({
      %run_scoped3A_224 = tpu.sem_alloc : memref<!tpu.dma_semaphore, #tpu.memory_space<semaphore_mem>>
      %dma_start3A_225 = arith.constant 0 : i32
      %dma_start3A_226 = arith.constant 0 : i32
      %dma_start3A_227 = tpu.memref_slice %arg8[%dma_start3A_225, %dma_start3A_226] : memref<125x128xf32, #tpu.memory_space<vmem>> -> memref<96x128xf32, #tpu.memory_space<vmem>>
      %dma_start3A_228 = arith.constant 0 : i32
      %dma_start3A_229 = tpu.memref_slice %arg10[%add3A_18, %dma_start3A_228] : memref<10000x128xf32, #tpu.memory_space<vmem_shared>> -> memref<96x128xf32, #tpu.memory_space<vmem_shared>>
      %dma_start3A_230 = arith.constant 0 : i32
      %dma_start3A_231 = tpu.memref_slice %arg10[%add3A_18, %dma_start3A_230] : memref<10000x128xf32, #tpu.memory_space<vmem_shared>> -> memref<96x128xf32, #tpu.memory_space<vmem_shared>>
      %dma_start3A_232 = arith.constant 0 : i32
      %dma_start3A_233 = arith.constant 0 : i32
      %dma_start3A_234 = tpu.memref_slice %arg8[%dma_start3A_232, %dma_start3A_233] : memref<125x128xf32, #tpu.memory_space<vmem>> -> memref<96x128xf32, #tpu.memory_space<vmem>>
      tpu.enqueue_dma source(%dma_start3A_234 : memref<96x128xf32, #tpu.memory_space<vmem>>) target(%dma_start3A_231 : memref<96x128xf32, #tpu.memory_space<vmem_shared>>) target_semaphore(%run_scoped3A_224 : memref<!tpu.dma_semaphore, #tpu.memory_space<semaphore_mem>>)
      %dma_wait3A_235 = arith.constant 0 : i32
      %dma_wait3A_236 = arith.constant 0 : i32
      %dma_wait3A_237 = tpu.memref_slice %arg8[%dma_wait3A_235, %dma_wait3A_236] : memref<125x128xf32, #tpu.memory_space<vmem>> -> memref<96x128xf32, #tpu.memory_space<vmem>>
      %dma_wait3A_238 = arith.constant 0 : i32
      %dma_wait3A_239 = tpu.memref_slice %arg10[%add3A_18, %dma_wait3A_238] : memref<10000x128xf32, #tpu.memory_space<vmem_shared>> -> memref<96x128xf32, #tpu.memory_space<vmem_shared>>
      %dma_wait3A_240 = arith.constant 0 : i32
      %dma_wait3A_241 = tpu.memref_slice %arg10[%add3A_18, %dma_wait3A_240] : memref<10000x128xf32, #tpu.memory_space<vmem_shared>> -> memref<96x128xf32, #tpu.memory_space<vmem_shared>>
      %dma_wait3A_242 = arith.constant 0 : i32
      %dma_wait3A_243 = arith.constant 0 : i32
      %dma_wait3A_244 = tpu.memref_slice %arg8[%dma_wait3A_242, %dma_wait3A_243] : memref<125x128xf32, #tpu.memory_space<vmem>> -> memref<96x128xf32, #tpu.memory_space<vmem>>
      tpu.wait_dma2 semaphore(%run_scoped3A_224 : memref<!tpu.dma_semaphore, #tpu.memory_space<semaphore_mem>>) src(%dma_wait3A_244 : memref<96x128xf32, #tpu.memory_space<vmem>>) dst(%dma_wait3A_241 : memref<96x128xf32, #tpu.memory_space<vmem_shared>>)
      tpu.yield
    }) : () -> ()
    %add3A_19 = arith.constant 576 : i32
    %add3A_20 = arith.addi %multiple_of3A, %add3A_19 : i32
    "tpu.region"() ({
      %run_scoped3A_224 = tpu.sem_alloc : memref<!tpu.dma_semaphore, #tpu.memory_space<semaphore_mem>>
      %dma_start3A_225 = arith.constant 0 : i32
      %dma_start3A_226 = arith.constant 0 : i32
      %dma_start3A_227 = tpu.memref_slice %arg8[%dma_start3A_225, %dma_start3A_226] : memref<125x128xf32, #tpu.memory_space<vmem>> -> memref<48x128xf32, #tpu.memory_space<vmem>>
      %dma_start3A_228 = arith.constant 0 : i32
      %dma_start3A_229 = tpu.memref_slice %arg10[%add3A_20, %dma_start3A_228] : memref<10000x128xf32, #tpu.memory_space<vmem_shared>> -> memref<48x128xf32, #tpu.memory_space<vmem_shared>>
      %dma_start3A_230 = arith.constant 0 : i32
      %dma_start3A_231 = tpu.memref_slice %arg10[%add3A_20, %dma_start3A_230] : memref<10000x128xf32, #tpu.memory_space<vmem_shared>> -> memref<48x128xf32, #tpu.memory_space<vmem_shared>>
      %dma_start3A_232 = arith.constant 0 : i32
      %dma_start3A_233 = arith.constant 0 : i32
      %dma_start3A_234 = tpu.memref_slice %arg8[%dma_start3A_232, %dma_start3A_233] : memref<125x128xf32, #tpu.memory_space<vmem>> -> memref<48x128xf32, #tpu.memory_space<vmem>>
      tpu.enqueue_dma source(%dma_start3A_234 : memref<48x128xf32, #tpu.memory_space<vmem>>) target(%dma_start3A_231 : memref<48x128xf32, #tpu.memory_space<vmem_shared>>) target_semaphore(%run_scoped3A_224 : memref<!tpu.dma_semaphore, #tpu.memory_space<semaphore_mem>>)
      %dma_wait3A_235 = arith.constant 0 : i32
      %dma_wait3A_236 = arith.constant 0 : i32
      %dma_wait3A_237 = tpu.memref_slice %arg8[%dma_wait3A_235, %dma_wait3A_236] : memref<125x128xf32, #tpu.memory_space<vmem>> -> memref<48x128xf32, #tpu.memory_space<vmem>>
      %dma_wait3A_238 = arith.constant 0 : i32
      %dma_wait3A_239 = tpu.memref_slice %arg10[%add3A_20, %dma_wait3A_238] : memref<10000x128xf32, #tpu.memory_space<vmem_shared>> -> memref<48x128xf32, #tpu.memory_space<vmem_shared>>
      %dma_wait3A_240 = arith.constant 0 : i32
      %dma_wait3A_241 = tpu.memref_slice %arg10[%add3A_20, %dma_wait3A_240] : memref<10000x128xf32, #tpu.memory_space<vmem_shared>> -> memref<48x128xf32, #tpu.memory_space<vmem_shared>>
      %dma_wait3A_242 = arith.constant 0 : i32
      %dma_wait3A_243 = arith.constant 0 : i32
      %dma_wait3A_244 = tpu.memref_slice %arg8[%dma_wait3A_242, %dma_wait3A_243] : memref<125x128xf32, #tpu.memory_space<vmem>> -> memref<48x128xf32, #tpu.memory_space<vmem>>
      tpu.wait_dma2 semaphore(%run_scoped3A_224 : memref<!tpu.dma_semaphore, #tpu.memory_space<semaphore_mem>>) src(%dma_wait3A_244 : memref<48x128xf32, #tpu.memory_space<vmem>>) dst(%dma_wait3A_241 : memref<48x128xf32, #tpu.memory_space<vmem_shared>>)
      tpu.yield
    }) : () -> ()
    %eq3A = arith.constant 0 : i32
    %eq3A_21 = arith.cmpi eq, %arg1, %eq3A : i32
    %convert_element_type3A = arith.extui %eq3A_21 : i1 to i32
    %cond3A = arith.constant 0 : i32
    %cond3A_22 = arith.cmpi ne, %convert_element_type3A, %cond3A : i32
    scf.if %cond3A_22 {
      "tpu.region"() ({
        %run_scoped3A_224 = tpu.sem_alloc : memref<!tpu.dma_semaphore, #tpu.memory_space<semaphore_mem>>
        %dma_start3A_225 = arith.constant 0 : i32
        %dma_start3A_226 = arith.constant 0 : i32
        %dma_start3A_227 = tpu.memref_slice %arg8[%dma_start3A_225, %dma_start3A_226] : memref<125x128xf32, #tpu.memory_space<vmem>> -> memref<16x128xf32, #tpu.memory_space<vmem>>
        %dma_start3A_228 = arith.constant 9984 : i32
        %dma_start3A_229 = arith.constant 0 : i32
        %dma_start3A_230 = tpu.memref_slice %arg10[%dma_start3A_228, %dma_start3A_229] : memref<10000x128xf32, #tpu.memory_space<vmem_shared>> -> memref<16x128xf32, #tpu.memory_space<vmem_shared>>
        %dma_start3A_231 = arith.constant 9984 : i32
        %dma_start3A_232 = arith.constant 0 : i32
        %dma_start3A_233 = tpu.memref_slice %arg10[%dma_start3A_231, %dma_start3A_232] : memref<10000x128xf32, #tpu.memory_space<vmem_shared>> -> memref<16x128xf32, #tpu.memory_space<vmem_shared>>
        %dma_start3A_234 = arith.constant 0 : i32
        %dma_start3A_235 = arith.constant 0 : i32
        %dma_start3A_236 = tpu.memref_slice %arg8[%dma_start3A_234, %dma_start3A_235] : memref<125x128xf32, #tpu.memory_space<vmem>> -> memref<16x128xf32, #tpu.memory_space<vmem>>
        tpu.enqueue_dma source(%dma_start3A_236 : memref<16x128xf32, #tpu.memory_space<vmem>>) target(%dma_start3A_233 : memref<16x128xf32, #tpu.memory_space<vmem_shared>>) target_semaphore(%run_scoped3A_224 : memref<!tpu.dma_semaphore, #tpu.memory_space<semaphore_mem>>)
        %dma_wait3A_237 = arith.constant 0 : i32
        %dma_wait3A_238 = arith.constant 0 : i32
        %dma_wait3A_239 = tpu.memref_slice %arg8[%dma_wait3A_237, %dma_wait3A_238] : memref<125x128xf32, #tpu.memory_space<vmem>> -> memref<16x128xf32, #tpu.memory_space<vmem>>
        %dma_wait3A_240 = arith.constant 9984 : i32
        %dma_wait3A_241 = arith.constant 0 : i32
        %dma_wait3A_242 = tpu.memref_slice %arg10[%dma_wait3A_240, %dma_wait3A_241] : memref<10000x128xf32, #tpu.memory_space<vmem_shared>> -> memref<16x128xf32, #tpu.memory_space<vmem_shared>>
        %dma_wait3A_243 = arith.constant 9984 : i32
        %dma_wait3A_244 = arith.constant 0 : i32
        %dma_wait3A_245 = tpu.memref_slice %arg10[%dma_wait3A_243, %dma_wait3A_244] : memref<10000x128xf32, #tpu.memory_space<vmem_shared>> -> memref<16x128xf32, #tpu.memory_space<vmem_shared>>
        %dma_wait3A_246 = arith.constant 0 : i32
        %dma_wait3A_247 = arith.constant 0 : i32
        %dma_wait3A_248 = tpu.memref_slice %arg8[%dma_wait3A_246, %dma_wait3A_247] : memref<125x128xf32, #tpu.memory_space<vmem>> -> memref<16x128xf32, #tpu.memory_space<vmem>>
        tpu.wait_dma2 semaphore(%run_scoped3A_224 : memref<!tpu.dma_semaphore, #tpu.memory_space<semaphore_mem>>) src(%dma_wait3A_248 : memref<16x128xf32, #tpu.memory_space<vmem>>) dst(%dma_wait3A_245 : memref<16x128xf32, #tpu.memory_space<vmem_shared>>)
        tpu.yield
      }) : () -> ()
    } else {
    }
    %barrier3A = arith.constant 0 : index
    tpu.barrier barrier_id(%barrier3A)
    %dma_start3A = arith.constant 0 : i32
    %dma_start3A_23 = arith.constant 0 : i32
    %dma_start3A_24 = arith.constant 0 : i32
    %dma_start3A_25 = tpu.memref_slice %arg6[%dma_start3A_23, %dma_start3A_24] : memref<4x125xi32, #tpu.memory_space<vmem>> -> memref<1x125xi32, #tpu.memory_space<vmem>>
    %dma_start3A_26 = tpu.memref_squeeze %dma_start3A_25 : memref<1x125xi32, #tpu.memory_space<vmem>> -> memref<125xi32, #tpu.memory_space<vmem>>
    %dma_start3A_27 = arith.constant 0 : i32
    %dma_start3A_28 = arith.constant 0 : i32
    %dma_start3A_29 = tpu.memref_slice %arg3[%arg1, %dma_start3A_27, %dma_start3A_28] : memref<16x160x125xi32, #tpu.memory_space<hbm>> -> memref<1x160x125xi32, #tpu.memory_space<hbm>>
    %dma_start3A_30 = tpu.memref_squeeze %dma_start3A_29 : memref<1x160x125xi32, #tpu.memory_space<hbm>> -> memref<160x125xi32, #tpu.memory_space<hbm>>
    %dma_start3A_31 = arith.constant 0 : i32
    %dma_start3A_32 = tpu.memref_slice %dma_start3A_30[%dma_start3A, %dma_start3A_31] : memref<160x125xi32, #tpu.memory_space<hbm>> -> memref<1x125xi32, #tpu.memory_space<hbm>>
    %dma_start3A_33 = tpu.memref_squeeze %dma_start3A_32 : memref<1x125xi32, #tpu.memory_space<hbm>> -> memref<125xi32, #tpu.memory_space<hbm>>
    %dma_start3A_34 = arith.constant 0 : i32
    %dma_start3A_35 = tpu.memref_slice %arg6[%dma_start3A_23, %dma_start3A_34] : memref<4x125xi32, #tpu.memory_space<vmem>> -> memref<1x125xi32, #tpu.memory_space<vmem>>
    %dma_start3A_36 = tpu.memref_squeeze %dma_start3A_35 : memref<1x125xi32, #tpu.memory_space<vmem>> -> memref<125xi32, #tpu.memory_space<vmem>>
    %dma_start3A_37 = arith.constant 0 : i32
    %dma_start3A_38 = arith.constant 0 : i32
    %dma_start3A_39 = tpu.memref_slice %arg3[%arg1, %dma_start3A_37, %dma_start3A_38] : memref<16x160x125xi32, #tpu.memory_space<hbm>> -> memref<1x160x125xi32, #tpu.memory_space<hbm>>
    %dma_start3A_40 = tpu.memref_squeeze %dma_start3A_39 : memref<1x160x125xi32, #tpu.memory_space<hbm>> -> memref<160x125xi32, #tpu.memory_space<hbm>>
    %dma_start3A_41 = arith.constant 0 : i32
    %dma_start3A_42 = tpu.memref_slice %dma_start3A_40[%dma_start3A, %dma_start3A_41] : memref<160x125xi32, #tpu.memory_space<hbm>> -> memref<1x125xi32, #tpu.memory_space<hbm>>
    %dma_start3A_43 = tpu.memref_squeeze %dma_start3A_42 : memref<1x125xi32, #tpu.memory_space<hbm>> -> memref<125xi32, #tpu.memory_space<hbm>>
    tpu.enqueue_dma source(%dma_start3A_43 : memref<125xi32, #tpu.memory_space<hbm>>) target(%dma_start3A_36 : memref<125xi32, #tpu.memory_space<vmem>>) target_semaphore(%arg15 : memref<!tpu.dma_semaphore, #tpu.memory_space<semaphore_mem>>)
    %dma_start3A_44 = arith.constant 0 : i32
    %dma_start3A_45 = arith.constant 0 : i32
    %dma_start3A_46 = arith.constant 0 : i32
    %dma_start3A_47 = tpu.memref_slice %arg7[%dma_start3A_45, %dma_start3A_46] : memref<4x125xi32, #tpu.memory_space<vmem>> -> memref<1x125xi32, #tpu.memory_space<vmem>>
    %dma_start3A_48 = tpu.memref_squeeze %dma_start3A_47 : memref<1x125xi32, #tpu.memory_space<vmem>> -> memref<125xi32, #tpu.memory_space<vmem>>
    %dma_start3A_49 = arith.constant 0 : i32
    %dma_start3A_50 = arith.constant 0 : i32
    %dma_start3A_51 = tpu.memref_slice %arg4[%arg1, %dma_start3A_49, %dma_start3A_50] : memref<16x160x125xi32, #tpu.memory_space<hbm>> -> memref<1x160x125xi32, #tpu.memory_space<hbm>>
    %dma_start3A_52 = tpu.memref_squeeze %dma_start3A_51 : memref<1x160x125xi32, #tpu.memory_space<hbm>> -> memref<160x125xi32, #tpu.memory_space<hbm>>
    %dma_start3A_53 = arith.constant 0 : i32
    %dma_start3A_54 = tpu.memref_slice %dma_start3A_52[%dma_start3A_44, %dma_start3A_53] : memref<160x125xi32, #tpu.memory_space<hbm>> -> memref<1x125xi32, #tpu.memory_space<hbm>>
    %dma_start3A_55 = tpu.memref_squeeze %dma_start3A_54 : memref<1x125xi32, #tpu.memory_space<hbm>> -> memref<125xi32, #tpu.memory_space<hbm>>
    %dma_start3A_56 = arith.constant 0 : i32
    %dma_start3A_57 = tpu.memref_slice %arg7[%dma_start3A_45, %dma_start3A_56] : memref<4x125xi32, #tpu.memory_space<vmem>> -> memref<1x125xi32, #tpu.memory_space<vmem>>
    %dma_start3A_58 = tpu.memref_squeeze %dma_start3A_57 : memref<1x125xi32, #tpu.memory_space<vmem>> -> memref<125xi32, #tpu.memory_space<vmem>>
    %dma_start3A_59 = arith.constant 0 : i32
    %dma_start3A_60 = arith.constant 0 : i32
    %dma_start3A_61 = tpu.memref_slice %arg4[%arg1, %dma_start3A_59, %dma_start3A_60] : memref<16x160x125xi32, #tpu.memory_space<hbm>> -> memref<1x160x125xi32, #tpu.memory_space<hbm>>
    %dma_start3A_62 = tpu.memref_squeeze %dma_start3A_61 : memref<1x160x125xi32, #tpu.memory_space<hbm>> -> memref<160x125xi32, #tpu.memory_space<hbm>>
    %dma_start3A_63 = arith.constant 0 : i32
    %dma_start3A_64 = tpu.memref_slice %dma_start3A_62[%dma_start3A_44, %dma_start3A_63] : memref<160x125xi32, #tpu.memory_space<hbm>> -> memref<1x125xi32, #tpu.memory_space<hbm>>
    %dma_start3A_65 = tpu.memref_squeeze %dma_start3A_64 : memref<1x125xi32, #tpu.memory_space<hbm>> -> memref<125xi32, #tpu.memory_space<hbm>>
    tpu.enqueue_dma source(%dma_start3A_65 : memref<125xi32, #tpu.memory_space<hbm>>) target(%dma_start3A_58 : memref<125xi32, #tpu.memory_space<vmem>>) target_semaphore(%arg15 : memref<!tpu.dma_semaphore, #tpu.memory_space<semaphore_mem>>)
    %dma_start3A_66 = arith.constant 1 : i32
    %dma_start3A_67 = arith.constant 1 : i32
    %dma_start3A_68 = arith.constant 0 : i32
    %dma_start3A_69 = tpu.memref_slice %arg6[%dma_start3A_67, %dma_start3A_68] : memref<4x125xi32, #tpu.memory_space<vmem>> -> memref<1x125xi32, #tpu.memory_space<vmem>>
    %dma_start3A_70 = tpu.memref_squeeze %dma_start3A_69 : memref<1x125xi32, #tpu.memory_space<vmem>> -> memref<125xi32, #tpu.memory_space<vmem>>
    %dma_start3A_71 = arith.constant 0 : i32
    %dma_start3A_72 = arith.constant 0 : i32
    %dma_start3A_73 = tpu.memref_slice %arg3[%arg1, %dma_start3A_71, %dma_start3A_72] : memref<16x160x125xi32, #tpu.memory_space<hbm>> -> memref<1x160x125xi32, #tpu.memory_space<hbm>>
    %dma_start3A_74 = tpu.memref_squeeze %dma_start3A_73 : memref<1x160x125xi32, #tpu.memory_space<hbm>> -> memref<160x125xi32, #tpu.memory_space<hbm>>
    %dma_start3A_75 = arith.constant 0 : i32
    %dma_start3A_76 = tpu.memref_slice %dma_start3A_74[%dma_start3A_66, %dma_start3A_75] : memref<160x125xi32, #tpu.memory_space<hbm>> -> memref<1x125xi32, #tpu.memory_space<hbm>>
    %dma_start3A_77 = tpu.memref_squeeze %dma_start3A_76 : memref<1x125xi32, #tpu.memory_space<hbm>> -> memref<125xi32, #tpu.memory_space<hbm>>
    %dma_start3A_78 = arith.constant 0 : i32
    %dma_start3A_79 = tpu.memref_slice %arg6[%dma_start3A_67, %dma_start3A_78] : memref<4x125xi32, #tpu.memory_space<vmem>> -> memref<1x125xi32, #tpu.memory_space<vmem>>
    %dma_start3A_80 = tpu.memref_squeeze %dma_start3A_79 : memref<1x125xi32, #tpu.memory_space<vmem>> -> memref<125xi32, #tpu.memory_space<vmem>>
    %dma_start3A_81 = arith.constant 0 : i32
    %dma_start3A_82 = arith.constant 0 : i32
    %dma_start3A_83 = tpu.memref_slice %arg3[%arg1, %dma_start3A_81, %dma_start3A_82] : memref<16x160x125xi32, #tpu.memory_space<hbm>> -> memref<1x160x125xi32, #tpu.memory_space<hbm>>
    %dma_start3A_84 = tpu.memref_squeeze %dma_start3A_83 : memref<1x160x125xi32, #tpu.memory_space<hbm>> -> memref<160x125xi32, #tpu.memory_space<hbm>>
    %dma_start3A_85 = arith.constant 0 : i32
    %dma_start3A_86 = tpu.memref_slice %dma_start3A_84[%dma_start3A_66, %dma_start3A_85] : memref<160x125xi32, #tpu.memory_space<hbm>> -> memref<1x125xi32, #tpu.memory_space<hbm>>
    %dma_start3A_87 = tpu.memref_squeeze %dma_start3A_86 : memref<1x125xi32, #tpu.memory_space<hbm>> -> memref<125xi32, #tpu.memory_space<hbm>>
    tpu.enqueue_dma source(%dma_start3A_87 : memref<125xi32, #tpu.memory_space<hbm>>) target(%dma_start3A_80 : memref<125xi32, #tpu.memory_space<vmem>>) target_semaphore(%arg16 : memref<!tpu.dma_semaphore, #tpu.memory_space<semaphore_mem>>)
    %dma_start3A_88 = arith.constant 1 : i32
    %dma_start3A_89 = arith.constant 1 : i32
    %dma_start3A_90 = arith.constant 0 : i32
    %dma_start3A_91 = tpu.memref_slice %arg7[%dma_start3A_89, %dma_start3A_90] : memref<4x125xi32, #tpu.memory_space<vmem>> -> memref<1x125xi32, #tpu.memory_space<vmem>>
    %dma_start3A_92 = tpu.memref_squeeze %dma_start3A_91 : memref<1x125xi32, #tpu.memory_space<vmem>> -> memref<125xi32, #tpu.memory_space<vmem>>
    %dma_start3A_93 = arith.constant 0 : i32
    %dma_start3A_94 = arith.constant 0 : i32
    %dma_start3A_95 = tpu.memref_slice %arg4[%arg1, %dma_start3A_93, %dma_start3A_94] : memref<16x160x125xi32, #tpu.memory_space<hbm>> -> memref<1x160x125xi32, #tpu.memory_space<hbm>>
    %dma_start3A_96 = tpu.memref_squeeze %dma_start3A_95 : memref<1x160x125xi32, #tpu.memory_space<hbm>> -> memref<160x125xi32, #tpu.memory_space<hbm>>
    %dma_start3A_97 = arith.constant 0 : i32
    %dma_start3A_98 = tpu.memref_slice %dma_start3A_96[%dma_start3A_88, %dma_start3A_97] : memref<160x125xi32, #tpu.memory_space<hbm>> -> memref<1x125xi32, #tpu.memory_space<hbm>>
    %dma_start3A_99 = tpu.memref_squeeze %dma_start3A_98 : memref<1x125xi32, #tpu.memory_space<hbm>> -> memref<125xi32, #tpu.memory_space<hbm>>
    %dma_start3A_100 = arith.constant 0 : i32
    %dma_start3A_101 = tpu.memref_slice %arg7[%dma_start3A_89, %dma_start3A_100] : memref<4x125xi32, #tpu.memory_space<vmem>> -> memref<1x125xi32, #tpu.memory_space<vmem>>
    %dma_start3A_102 = tpu.memref_squeeze %dma_start3A_101 : memref<1x125xi32, #tpu.memory_space<vmem>> -> memref<125xi32, #tpu.memory_space<vmem>>
    %dma_start3A_103 = arith.constant 0 : i32
    %dma_start3A_104 = arith.constant 0 : i32
    %dma_start3A_105 = tpu.memref_slice %arg4[%arg1, %dma_start3A_103, %dma_start3A_104] : memref<16x160x125xi32, #tpu.memory_space<hbm>> -> memref<1x160x125xi32, #tpu.memory_space<hbm>>
    %dma_start3A_106 = tpu.memref_squeeze %dma_start3A_105 : memref<1x160x125xi32, #tpu.memory_space<hbm>> -> memref<160x125xi32, #tpu.memory_space<hbm>>
    %dma_start3A_107 = arith.constant 0 : i32
    %dma_start3A_108 = tpu.memref_slice %dma_start3A_106[%dma_start3A_88, %dma_start3A_107] : memref<160x125xi32, #tpu.memory_space<hbm>> -> memref<1x125xi32, #tpu.memory_space<hbm>>
    %dma_start3A_109 = tpu.memref_squeeze %dma_start3A_108 : memref<1x125xi32, #tpu.memory_space<hbm>> -> memref<125xi32, #tpu.memory_space<hbm>>
    tpu.enqueue_dma source(%dma_start3A_109 : memref<125xi32, #tpu.memory_space<hbm>>) target(%dma_start3A_102 : memref<125xi32, #tpu.memory_space<vmem>>) target_semaphore(%arg16 : memref<!tpu.dma_semaphore, #tpu.memory_space<semaphore_mem>>)
    %dma_start3A_110 = arith.constant 2 : i32
    %dma_start3A_111 = arith.constant 2 : i32
    %dma_start3A_112 = arith.constant 0 : i32
    %dma_start3A_113 = tpu.memref_slice %arg6[%dma_start3A_111, %dma_start3A_112] : memref<4x125xi32, #tpu.memory_space<vmem>> -> memref<1x125xi32, #tpu.memory_space<vmem>>
    %dma_start3A_114 = tpu.memref_squeeze %dma_start3A_113 : memref<1x125xi32, #tpu.memory_space<vmem>> -> memref<125xi32, #tpu.memory_space<vmem>>
    %dma_start3A_115 = arith.constant 0 : i32
    %dma_start3A_116 = arith.constant 0 : i32
    %dma_start3A_117 = tpu.memref_slice %arg3[%arg1, %dma_start3A_115, %dma_start3A_116] : memref<16x160x125xi32, #tpu.memory_space<hbm>> -> memref<1x160x125xi32, #tpu.memory_space<hbm>>
    %dma_start3A_118 = tpu.memref_squeeze %dma_start3A_117 : memref<1x160x125xi32, #tpu.memory_space<hbm>> -> memref<160x125xi32, #tpu.memory_space<hbm>>
    %dma_start3A_119 = arith.constant 0 : i32
    %dma_start3A_120 = tpu.memref_slice %dma_start3A_118[%dma_start3A_110, %dma_start3A_119] : memref<160x125xi32, #tpu.memory_space<hbm>> -> memref<1x125xi32, #tpu.memory_space<hbm>>
    %dma_start3A_121 = tpu.memref_squeeze %dma_start3A_120 : memref<1x125xi32, #tpu.memory_space<hbm>> -> memref<125xi32, #tpu.memory_space<hbm>>
    %dma_start3A_122 = arith.constant 0 : i32
    %dma_start3A_123 = tpu.memref_slice %arg6[%dma_start3A_111, %dma_start3A_122] : memref<4x125xi32, #tpu.memory_space<vmem>> -> memref<1x125xi32, #tpu.memory_space<vmem>>
    %dma_start3A_124 = tpu.memref_squeeze %dma_start3A_123 : memref<1x125xi32, #tpu.memory_space<vmem>> -> memref<125xi32, #tpu.memory_space<vmem>>
    %dma_start3A_125 = arith.constant 0 : i32
    %dma_start3A_126 = arith.constant 0 : i32
    %dma_start3A_127 = tpu.memref_slice %arg3[%arg1, %dma_start3A_125, %dma_start3A_126] : memref<16x160x125xi32, #tpu.memory_space<hbm>> -> memref<1x160x125xi32, #tpu.memory_space<hbm>>
    %dma_start3A_128 = tpu.memref_squeeze %dma_start3A_127 : memref<1x160x125xi32, #tpu.memory_space<hbm>> -> memref<160x125xi32, #tpu.memory_space<hbm>>
    %dma_start3A_129 = arith.constant 0 : i32
    %dma_start3A_130 = tpu.memref_slice %dma_start3A_128[%dma_start3A_110, %dma_start3A_129] : memref<160x125xi32, #tpu.memory_space<hbm>> -> memref<1x125xi32, #tpu.memory_space<hbm>>
    %dma_start3A_131 = tpu.memref_squeeze %dma_start3A_130 : memref<1x125xi32, #tpu.memory_space<hbm>> -> memref<125xi32, #tpu.memory_space<hbm>>
    tpu.enqueue_dma source(%dma_start3A_131 : memref<125xi32, #tpu.memory_space<hbm>>) target(%dma_start3A_124 : memref<125xi32, #tpu.memory_space<vmem>>) target_semaphore(%arg17 : memref<!tpu.dma_semaphore, #tpu.memory_space<semaphore_mem>>)
    %dma_start3A_132 = arith.constant 2 : i32
    %dma_start3A_133 = arith.constant 2 : i32
    %dma_start3A_134 = arith.constant 0 : i32
    %dma_start3A_135 = tpu.memref_slice %arg7[%dma_start3A_133, %dma_start3A_134] : memref<4x125xi32, #tpu.memory_space<vmem>> -> memref<1x125xi32, #tpu.memory_space<vmem>>
    %dma_start3A_136 = tpu.memref_squeeze %dma_start3A_135 : memref<1x125xi32, #tpu.memory_space<vmem>> -> memref<125xi32, #tpu.memory_space<vmem>>
    %dma_start3A_137 = arith.constant 0 : i32
    %dma_start3A_138 = arith.constant 0 : i32
    %dma_start3A_139 = tpu.memref_slice %arg4[%arg1, %dma_start3A_137, %dma_start3A_138] : memref<16x160x125xi32, #tpu.memory_space<hbm>> -> memref<1x160x125xi32, #tpu.memory_space<hbm>>
    %dma_start3A_140 = tpu.memref_squeeze %dma_start3A_139 : memref<1x160x125xi32, #tpu.memory_space<hbm>> -> memref<160x125xi32, #tpu.memory_space<hbm>>
    %dma_start3A_141 = arith.constant 0 : i32
    %dma_start3A_142 = tpu.memref_slice %dma_start3A_140[%dma_start3A_132, %dma_start3A_141] : memref<160x125xi32, #tpu.memory_space<hbm>> -> memref<1x125xi32, #tpu.memory_space<hbm>>
    %dma_start3A_143 = tpu.memref_squeeze %dma_start3A_142 : memref<1x125xi32, #tpu.memory_space<hbm>> -> memref<125xi32, #tpu.memory_space<hbm>>
    %dma_start3A_144 = arith.constant 0 : i32
    %dma_start3A_145 = tpu.memref_slice %arg7[%dma_start3A_133, %dma_start3A_144] : memref<4x125xi32, #tpu.memory_space<vmem>> -> memref<1x125xi32, #tpu.memory_space<vmem>>
    %dma_start3A_146 = tpu.memref_squeeze %dma_start3A_145 : memref<1x125xi32, #tpu.memory_space<vmem>> -> memref<125xi32, #tpu.memory_space<vmem>>
    %dma_start3A_147 = arith.constant 0 : i32
    %dma_start3A_148 = arith.constant 0 : i32
    %dma_start3A_149 = tpu.memref_slice %arg4[%arg1, %dma_start3A_147, %dma_start3A_148] : memref<16x160x125xi32, #tpu.memory_space<hbm>> -> memref<1x160x125xi32, #tpu.memory_space<hbm>>
    %dma_start3A_150 = tpu.memref_squeeze %dma_start3A_149 : memref<1x160x125xi32, #tpu.memory_space<hbm>> -> memref<160x125xi32, #tpu.memory_space<hbm>>
    %dma_start3A_151 = arith.constant 0 : i32
    %dma_start3A_152 = tpu.memref_slice %dma_start3A_150[%dma_start3A_132, %dma_start3A_151] : memref<160x125xi32, #tpu.memory_space<hbm>> -> memref<1x125xi32, #tpu.memory_space<hbm>>
    %dma_start3A_153 = tpu.memref_squeeze %dma_start3A_152 : memref<1x125xi32, #tpu.memory_space<hbm>> -> memref<125xi32, #tpu.memory_space<hbm>>
    tpu.enqueue_dma source(%dma_start3A_153 : memref<125xi32, #tpu.memory_space<hbm>>) target(%dma_start3A_146 : memref<125xi32, #tpu.memory_space<vmem>>) target_semaphore(%arg17 : memref<!tpu.dma_semaphore, #tpu.memory_space<semaphore_mem>>)
    %dma_wait3A = arith.constant 0 : i32
    %dma_wait3A_154 = arith.constant 0 : i32
    %dma_wait3A_155 = arith.constant 0 : i32
    %dma_wait3A_156 = tpu.memref_slice %arg6[%dma_wait3A_154, %dma_wait3A_155] : memref<4x125xi32, #tpu.memory_space<vmem>> -> memref<1x125xi32, #tpu.memory_space<vmem>>
    %dma_wait3A_157 = tpu.memref_squeeze %dma_wait3A_156 : memref<1x125xi32, #tpu.memory_space<vmem>> -> memref<125xi32, #tpu.memory_space<vmem>>
    %dma_wait3A_158 = arith.constant 0 : i32
    %dma_wait3A_159 = arith.constant 0 : i32
    %dma_wait3A_160 = tpu.memref_slice %arg3[%arg1, %dma_wait3A_158, %dma_wait3A_159] : memref<16x160x125xi32, #tpu.memory_space<hbm>> -> memref<1x160x125xi32, #tpu.memory_space<hbm>>
    %dma_wait3A_161 = tpu.memref_squeeze %dma_wait3A_160 : memref<1x160x125xi32, #tpu.memory_space<hbm>> -> memref<160x125xi32, #tpu.memory_space<hbm>>
    %dma_wait3A_162 = arith.constant 0 : i32
    %dma_wait3A_163 = tpu.memref_slice %dma_wait3A_161[%dma_wait3A, %dma_wait3A_162] : memref<160x125xi32, #tpu.memory_space<hbm>> -> memref<1x125xi32, #tpu.memory_space<hbm>>
    %dma_wait3A_164 = tpu.memref_squeeze %dma_wait3A_163 : memref<1x125xi32, #tpu.memory_space<hbm>> -> memref<125xi32, #tpu.memory_space<hbm>>
    %dma_wait3A_165 = arith.constant 0 : i32
    %dma_wait3A_166 = tpu.memref_slice %arg6[%dma_wait3A_154, %dma_wait3A_165] : memref<4x125xi32, #tpu.memory_space<vmem>> -> memref<1x125xi32, #tpu.memory_space<vmem>>
    %dma_wait3A_167 = tpu.memref_squeeze %dma_wait3A_166 : memref<1x125xi32, #tpu.memory_space<vmem>> -> memref<125xi32, #tpu.memory_space<vmem>>
    %dma_wait3A_168 = arith.constant 0 : i32
    %dma_wait3A_169 = arith.constant 0 : i32
    %dma_wait3A_170 = tpu.memref_slice %arg3[%arg1, %dma_wait3A_168, %dma_wait3A_169] : memref<16x160x125xi32, #tpu.memory_space<hbm>> -> memref<1x160x125xi32, #tpu.memory_space<hbm>>
    %dma_wait3A_171 = tpu.memref_squeeze %dma_wait3A_170 : memref<1x160x125xi32, #tpu.memory_space<hbm>> -> memref<160x125xi32, #tpu.memory_space<hbm>>
    %dma_wait3A_172 = arith.constant 0 : i32
    %dma_wait3A_173 = tpu.memref_slice %dma_wait3A_171[%dma_wait3A, %dma_wait3A_172] : memref<160x125xi32, #tpu.memory_space<hbm>> -> memref<1x125xi32, #tpu.memory_space<hbm>>
    %dma_wait3A_174 = tpu.memref_squeeze %dma_wait3A_173 : memref<1x125xi32, #tpu.memory_space<hbm>> -> memref<125xi32, #tpu.memory_space<hbm>>
    tpu.wait_dma2 semaphore(%arg15 : memref<!tpu.dma_semaphore, #tpu.memory_space<semaphore_mem>>) src(%dma_wait3A_174 : memref<125xi32, #tpu.memory_space<hbm>>) dst(%dma_wait3A_167 : memref<125xi32, #tpu.memory_space<vmem>>)
    %dma_wait3A_175 = arith.constant 0 : i32
    %dma_wait3A_176 = arith.constant 0 : i32
    %dma_wait3A_177 = arith.constant 0 : i32
    %dma_wait3A_178 = tpu.memref_slice %arg7[%dma_wait3A_176, %dma_wait3A_177] : memref<4x125xi32, #tpu.memory_space<vmem>> -> memref<1x125xi32, #tpu.memory_space<vmem>>
    %dma_wait3A_179 = tpu.memref_squeeze %dma_wait3A_178 : memref<1x125xi32, #tpu.memory_space<vmem>> -> memref<125xi32, #tpu.memory_space<vmem>>
    %dma_wait3A_180 = arith.constant 0 : i32
    %dma_wait3A_181 = arith.constant 0 : i32
    %dma_wait3A_182 = tpu.memref_slice %arg4[%arg1, %dma_wait3A_180, %dma_wait3A_181] : memref<16x160x125xi32, #tpu.memory_space<hbm>> -> memref<1x160x125xi32, #tpu.memory_space<hbm>>
    %dma_wait3A_183 = tpu.memref_squeeze %dma_wait3A_182 : memref<1x160x125xi32, #tpu.memory_space<hbm>> -> memref<160x125xi32, #tpu.memory_space<hbm>>
    %dma_wait3A_184 = arith.constant 0 : i32
    %dma_wait3A_185 = tpu.memref_slice %dma_wait3A_183[%dma_wait3A_175, %dma_wait3A_184] : memref<160x125xi32, #tpu.memory_space<hbm>> -> memref<1x125xi32, #tpu.memory_space<hbm>>
    %dma_wait3A_186 = tpu.memref_squeeze %dma_wait3A_185 : memref<1x125xi32, #tpu.memory_space<hbm>> -> memref<125xi32, #tpu.memory_space<hbm>>
    %dma_wait3A_187 = arith.constant 0 : i32
    %dma_wait3A_188 = tpu.memref_slice %arg7[%dma_wait3A_176, %dma_wait3A_187] : memref<4x125xi32, #tpu.memory_space<vmem>> -> memref<1x125xi32, #tpu.memory_space<vmem>>
    %dma_wait3A_189 = tpu.memref_squeeze %dma_wait3A_188 : memref<1x125xi32, #tpu.memory_space<vmem>> -> memref<125xi32, #tpu.memory_space<vmem>>
    %dma_wait3A_190 = arith.constant 0 : i32
    %dma_wait3A_191 = arith.constant 0 : i32
    %dma_wait3A_192 = tpu.memref_slice %arg4[%arg1, %dma_wait3A_190, %dma_wait3A_191] : memref<16x160x125xi32, #tpu.memory_space<hbm>> -> memref<1x160x125xi32, #tpu.memory_space<hbm>>
    %dma_wait3A_193 = tpu.memref_squeeze %dma_wait3A_192 : memref<1x160x125xi32, #tpu.memory_space<hbm>> -> memref<160x125xi32, #tpu.memory_space<hbm>>
    %dma_wait3A_194 = arith.constant 0 : i32
    %dma_wait3A_195 = tpu.memref_slice %dma_wait3A_193[%dma_wait3A_175, %dma_wait3A_194] : memref<160x125xi32, #tpu.memory_space<hbm>> -> memref<1x125xi32, #tpu.memory_space<hbm>>
    %dma_wait3A_196 = tpu.memref_squeeze %dma_wait3A_195 : memref<1x125xi32, #tpu.memory_space<hbm>> -> memref<125xi32, #tpu.memory_space<hbm>>
    tpu.wait_dma2 semaphore(%arg15 : memref<!tpu.dma_semaphore, #tpu.memory_space<semaphore_mem>>) src(%dma_wait3A_196 : memref<125xi32, #tpu.memory_space<hbm>>) dst(%dma_wait3A_189 : memref<125xi32, #tpu.memory_space<vmem>>)
    %dma_start3A_197 = arith.constant 0 : i32
    %dma_start3A_198 = arith.constant 0 : i32
    %dma_start3A_199 = tpu.memref_slice %arg6[%dma_start3A_197, %dma_start3A_198] : memref<4x125xi32, #tpu.memory_space<vmem>> -> memref<1x125xi32, #tpu.memory_space<vmem>>
    %dma_start3A_200 = tpu.memref_squeeze %dma_start3A_199 : memref<1x125xi32, #tpu.memory_space<vmem>> -> memref<125xi32, #tpu.memory_space<vmem>>
    %dma_start3A_201 = arith.constant 0 : i32
    %dma_start3A_202 = arith.constant 0 : i32
    %dma_start3A_203 = tpu.memref_slice %arg2[%dma_start3A_201, %dma_start3A_202] : memref<10000x128xf32, #tpu.memory_space<hbm>> -> memref<10000x128xf32, #tpu.memory_space<hbm>>
    tpu.enqueue_indirect_dma source(%dma_start3A_203 : memref<10000x128xf32, #tpu.memory_space<hbm>>) target(%arg8 : memref<125x128xf32, #tpu.memory_space<vmem>>) offsets(%dma_start3A_200 : memref<125xi32, #tpu.memory_space<vmem>>) semaphore(%arg11 : memref<!tpu.dma_semaphore, #tpu.memory_space<semaphore_mem>>)
    %scan3A_204 = arith.constant 0 : i32
    %scan3A_205 = arith.constant 0 : i32
    %scan3A_206 = arith.constant 40 : i32
    %scan3A_207 = arith.addi %scan3A_205, %scan3A_206 : i32
    %scan3A_208 = arith.constant 1 : i32
    %scan3A_209 = scf.for %scan3A_224 = %scan3A_205 to %scan3A_207 step %scan3A_208 iter_args(%scan3A_225 = %scan3A_204) -> (i32)  : i32 {
      %mul3A_226 = arith.constant 4 : i32
      %mul3A_227 = arith.muli %mul3A_226, %scan3A_224 : i32
      %add3A_228 = arith.constant 0 : i32
      %add3A_229 = arith.addi %mul3A_227, %add3A_228 : i32
      %dma_wait3A_230 = arith.constant 0 : i32
      %dma_wait3A_231 = arith.constant 0 : i32
      %dma_wait3A_232 = tpu.memref_slice %arg6[%dma_wait3A_230, %dma_wait3A_231] : memref<4x125xi32, #tpu.memory_space<vmem>> -> memref<1x125xi32, #tpu.memory_space<vmem>>
      %dma_wait3A_233 = tpu.memref_squeeze %dma_wait3A_232 : memref<1x125xi32, #tpu.memory_space<vmem>> -> memref<125xi32, #tpu.memory_space<vmem>>
      %dma_wait3A_234 = arith.constant 0 : i32
      %dma_wait3A_235 = arith.constant 0 : i32
      %dma_wait3A_236 = tpu.memref_slice %arg2[%dma_wait3A_234, %dma_wait3A_235] : memref<10000x128xf32, #tpu.memory_space<hbm>> -> memref<10000x128xf32, #tpu.memory_space<hbm>>
      tpu.wait_indirect_dma semaphore(%arg11 : memref<!tpu.dma_semaphore, #tpu.memory_space<semaphore_mem>>) src(%dma_wait3A_236 : memref<10000x128xf32, #tpu.memory_space<hbm>>) dst(%arg8 : memref<125x128xf32, #tpu.memory_space<vmem>>)
      %dma_start3A_237 = arith.constant 0 : i32
      %dma_start3A_238 = arith.constant 0 : i32
      %dma_start3A_239 = tpu.memref_slice %arg7[%dma_start3A_237, %dma_start3A_238] : memref<4x125xi32, #tpu.memory_space<vmem>> -> memref<1x125xi32, #tpu.memory_space<vmem>>
      %dma_start3A_240 = tpu.memref_squeeze %dma_start3A_239 : memref<1x125xi32, #tpu.memory_space<vmem>> -> memref<125xi32, #tpu.memory_space<vmem>>
      %dma_start3A_241 = arith.constant 0 : i32
      %dma_start3A_242 = arith.constant 0 : i32
      %dma_start3A_243 = tpu.memref_slice %arg10[%dma_start3A_241, %dma_start3A_242] : memref<10000x128xf32, #tpu.memory_space<vmem_shared>> -> memref<10000x128xf32, #tpu.memory_space<vmem_shared>>
      tpu.enqueue_indirect_dma source(%arg8 : memref<125x128xf32, #tpu.memory_space<vmem>>) target(%dma_start3A_243 : memref<10000x128xf32, #tpu.memory_space<vmem_shared>>) offsets(%dma_start3A_240 : memref<125xi32, #tpu.memory_space<vmem>>) semaphore(%arg13 : memref<!tpu.dma_semaphore, #tpu.memory_space<semaphore_mem>>) {add = true}
      %ge3A = arith.constant 1 : i32
      %ge3A_244 = arith.cmpi sge, %add3A_229, %ge3A : i32
      %convert_element_type3A_245 = arith.extui %ge3A_244 : i1 to i32
      %cond3A_246 = arith.constant 0 : i32
      %cond3A_247 = arith.cmpi ne, %convert_element_type3A_245, %cond3A_246 : i32
      scf.if %cond3A_247 {
        %dma_wait3A_373 = arith.constant 3 : i32
        %dma_wait3A_374 = arith.constant 0 : i32
        %dma_wait3A_375 = tpu.memref_slice %arg7[%dma_wait3A_373, %dma_wait3A_374] : memref<4x125xi32, #tpu.memory_space<vmem>> -> memref<1x125xi32, #tpu.memory_space<vmem>>
        %dma_wait3A_376 = tpu.memref_squeeze %dma_wait3A_375 : memref<1x125xi32, #tpu.memory_space<vmem>> -> memref<125xi32, #tpu.memory_space<vmem>>
        %dma_wait3A_377 = arith.constant 0 : i32
        %dma_wait3A_378 = arith.constant 0 : i32
        %dma_wait3A_379 = tpu.memref_slice %arg10[%dma_wait3A_377, %dma_wait3A_378] : memref<10000x128xf32, #tpu.memory_space<vmem_shared>> -> memref<10000x128xf32, #tpu.memory_space<vmem_shared>>
        tpu.wait_indirect_dma semaphore(%arg14 : memref<!tpu.dma_semaphore, #tpu.memory_space<semaphore_mem>>) src(%arg9 : memref<125x128xf32, #tpu.memory_space<vmem>>) dst(%dma_wait3A_379 : memref<10000x128xf32, #tpu.memory_space<vmem_shared>>)
      } else {
      }
      %add3A_248 = arith.constant 3 : i32
      %add3A_249 = arith.addi %add3A_229, %add3A_248 : i32
      %lt3A = arith.constant 160 : i32
      %lt3A_250 = arith.cmpi slt, %add3A_249, %lt3A : i32
      %convert_element_type3A_251 = arith.extui %lt3A_250 : i1 to i32
      %cond3A_252 = arith.constant 0 : i32
      %cond3A_253 = arith.cmpi ne, %convert_element_type3A_251, %cond3A_252 : i32
      scf.if %cond3A_253 {
        %add3A_373 = arith.constant 3 : i32
        %add3A_374 = arith.addi %add3A_229, %add3A_373 : i32
        %dma_start3A_375 = arith.constant 3 : i32
        %dma_start3A_376 = arith.constant 0 : i32
        %dma_start3A_377 = tpu.memref_slice %arg6[%dma_start3A_375, %dma_start3A_376] : memref<4x125xi32, #tpu.memory_space<vmem>> -> memref<1x125xi32, #tpu.memory_space<vmem>>
        %dma_start3A_378 = tpu.memref_squeeze %dma_start3A_377 : memref<1x125xi32, #tpu.memory_space<vmem>> -> memref<125xi32, #tpu.memory_space<vmem>>
        %dma_start3A_379 = arith.constant 0 : i32
        %dma_start3A_380 = arith.constant 0 : i32
        %dma_start3A_381 = tpu.memref_slice %arg3[%arg1, %dma_start3A_379, %dma_start3A_380] : memref<16x160x125xi32, #tpu.memory_space<hbm>> -> memref<1x160x125xi32, #tpu.memory_space<hbm>>
        %dma_start3A_382 = tpu.memref_squeeze %dma_start3A_381 : memref<1x160x125xi32, #tpu.memory_space<hbm>> -> memref<160x125xi32, #tpu.memory_space<hbm>>
        %dma_start3A_383 = arith.constant 0 : i32
        %dma_start3A_384 = tpu.memref_slice %dma_start3A_382[%add3A_374, %dma_start3A_383] : memref<160x125xi32, #tpu.memory_space<hbm>> -> memref<1x125xi32, #tpu.memory_space<hbm>>
        %dma_start3A_385 = tpu.memref_squeeze %dma_start3A_384 : memref<1x125xi32, #tpu.memory_space<hbm>> -> memref<125xi32, #tpu.memory_space<hbm>>
        %dma_start3A_386 = arith.constant 0 : i32
        %dma_start3A_387 = tpu.memref_slice %arg6[%dma_start3A_375, %dma_start3A_386] : memref<4x125xi32, #tpu.memory_space<vmem>> -> memref<1x125xi32, #tpu.memory_space<vmem>>
        %dma_start3A_388 = tpu.memref_squeeze %dma_start3A_387 : memref<1x125xi32, #tpu.memory_space<vmem>> -> memref<125xi32, #tpu.memory_space<vmem>>
        %dma_start3A_389 = arith.constant 0 : i32
        %dma_start3A_390 = arith.constant 0 : i32
        %dma_start3A_391 = tpu.memref_slice %arg3[%arg1, %dma_start3A_389, %dma_start3A_390] : memref<16x160x125xi32, #tpu.memory_space<hbm>> -> memref<1x160x125xi32, #tpu.memory_space<hbm>>
        %dma_start3A_392 = tpu.memref_squeeze %dma_start3A_391 : memref<1x160x125xi32, #tpu.memory_space<hbm>> -> memref<160x125xi32, #tpu.memory_space<hbm>>
        %dma_start3A_393 = arith.constant 0 : i32
        %dma_start3A_394 = tpu.memref_slice %dma_start3A_392[%add3A_374, %dma_start3A_393] : memref<160x125xi32, #tpu.memory_space<hbm>> -> memref<1x125xi32, #tpu.memory_space<hbm>>
        %dma_start3A_395 = tpu.memref_squeeze %dma_start3A_394 : memref<1x125xi32, #tpu.memory_space<hbm>> -> memref<125xi32, #tpu.memory_space<hbm>>
        tpu.enqueue_dma source(%dma_start3A_395 : memref<125xi32, #tpu.memory_space<hbm>>) target(%dma_start3A_388 : memref<125xi32, #tpu.memory_space<vmem>>) target_semaphore(%arg18 : memref<!tpu.dma_semaphore, #tpu.memory_space<semaphore_mem>>)
        %dma_start3A_396 = arith.constant 3 : i32
        %dma_start3A_397 = arith.constant 0 : i32
        %dma_start3A_398 = tpu.memref_slice %arg7[%dma_start3A_396, %dma_start3A_397] : memref<4x125xi32, #tpu.memory_space<vmem>> -> memref<1x125xi32, #tpu.memory_space<vmem>>
        %dma_start3A_399 = tpu.memref_squeeze %dma_start3A_398 : memref<1x125xi32, #tpu.memory_space<vmem>> -> memref<125xi32, #tpu.memory_space<vmem>>
        %dma_start3A_400 = arith.constant 0 : i32
        %dma_start3A_401 = arith.constant 0 : i32
        %dma_start3A_402 = tpu.memref_slice %arg4[%arg1, %dma_start3A_400, %dma_start3A_401] : memref<16x160x125xi32, #tpu.memory_space<hbm>> -> memref<1x160x125xi32, #tpu.memory_space<hbm>>
        %dma_start3A_403 = tpu.memref_squeeze %dma_start3A_402 : memref<1x160x125xi32, #tpu.memory_space<hbm>> -> memref<160x125xi32, #tpu.memory_space<hbm>>
        %dma_start3A_404 = arith.constant 0 : i32
        %dma_start3A_405 = tpu.memref_slice %dma_start3A_403[%add3A_374, %dma_start3A_404] : memref<160x125xi32, #tpu.memory_space<hbm>> -> memref<1x125xi32, #tpu.memory_space<hbm>>
        %dma_start3A_406 = tpu.memref_squeeze %dma_start3A_405 : memref<1x125xi32, #tpu.memory_space<hbm>> -> memref<125xi32, #tpu.memory_space<hbm>>
        %dma_start3A_407 = arith.constant 0 : i32
        %dma_start3A_408 = tpu.memref_slice %arg7[%dma_start3A_396, %dma_start3A_407] : memref<4x125xi32, #tpu.memory_space<vmem>> -> memref<1x125xi32, #tpu.memory_space<vmem>>
        %dma_start3A_409 = tpu.memref_squeeze %dma_start3A_408 : memref<1x125xi32, #tpu.memory_space<vmem>> -> memref<125xi32, #tpu.memory_space<vmem>>
        %dma_start3A_410 = arith.constant 0 : i32
        %dma_start3A_411 = arith.constant 0 : i32
        %dma_start3A_412 = tpu.memref_slice %arg4[%arg1, %dma_start3A_410, %dma_start3A_411] : memref<16x160x125xi32, #tpu.memory_space<hbm>> -> memref<1x160x125xi32, #tpu.memory_space<hbm>>
        %dma_start3A_413 = tpu.memref_squeeze %dma_start3A_412 : memref<1x160x125xi32, #tpu.memory_space<hbm>> -> memref<160x125xi32, #tpu.memory_space<hbm>>
        %dma_start3A_414 = arith.constant 0 : i32
        %dma_start3A_415 = tpu.memref_slice %dma_start3A_413[%add3A_374, %dma_start3A_414] : memref<160x125xi32, #tpu.memory_space<hbm>> -> memref<1x125xi32, #tpu.memory_space<hbm>>
        %dma_start3A_416 = tpu.memref_squeeze %dma_start3A_415 : memref<1x125xi32, #tpu.memory_space<hbm>> -> memref<125xi32, #tpu.memory_space<hbm>>
        tpu.enqueue_dma source(%dma_start3A_416 : memref<125xi32, #tpu.memory_space<hbm>>) target(%dma_start3A_409 : memref<125xi32, #tpu.memory_space<vmem>>) target_semaphore(%arg18 : memref<!tpu.dma_semaphore, #tpu.memory_space<semaphore_mem>>)
      } else {
      }
      %add3A_254 = arith.constant 1 : i32
      %add3A_255 = arith.addi %add3A_229, %add3A_254 : i32
      %lt3A_256 = arith.constant 160 : i32
      %lt3A_257 = arith.cmpi slt, %add3A_255, %lt3A_256 : i32
      %convert_element_type3A_258 = arith.extui %lt3A_257 : i1 to i32
      %cond3A_259 = arith.constant 0 : i32
      %cond3A_260 = arith.cmpi ne, %convert_element_type3A_258, %cond3A_259 : i32
      scf.if %cond3A_260 {
        %dma_wait3A_373 = arith.constant 0 : i32
        %dma_wait3A_374 = arith.constant 1 : i32
        %dma_wait3A_375 = arith.constant 0 : i32
        %dma_wait3A_376 = tpu.memref_slice %arg6[%dma_wait3A_374, %dma_wait3A_375] : memref<4x125xi32, #tpu.memory_space<vmem>> -> memref<1x125xi32, #tpu.memory_space<vmem>>
        %dma_wait3A_377 = tpu.memref_squeeze %dma_wait3A_376 : memref<1x125xi32, #tpu.memory_space<vmem>> -> memref<125xi32, #tpu.memory_space<vmem>>
        %dma_wait3A_378 = arith.constant 0 : i32
        %dma_wait3A_379 = arith.constant 0 : i32
        %dma_wait3A_380 = tpu.memref_slice %arg3[%arg1, %dma_wait3A_378, %dma_wait3A_379] : memref<16x160x125xi32, #tpu.memory_space<hbm>> -> memref<1x160x125xi32, #tpu.memory_space<hbm>>
        %dma_wait3A_381 = tpu.memref_squeeze %dma_wait3A_380 : memref<1x160x125xi32, #tpu.memory_space<hbm>> -> memref<160x125xi32, #tpu.memory_space<hbm>>
        %dma_wait3A_382 = arith.constant 0 : i32
        %dma_wait3A_383 = tpu.memref_slice %dma_wait3A_381[%dma_wait3A_373, %dma_wait3A_382] : memref<160x125xi32, #tpu.memory_space<hbm>> -> memref<1x125xi32, #tpu.memory_space<hbm>>
        %dma_wait3A_384 = tpu.memref_squeeze %dma_wait3A_383 : memref<1x125xi32, #tpu.memory_space<hbm>> -> memref<125xi32, #tpu.memory_space<hbm>>
        %dma_wait3A_385 = arith.constant 0 : i32
        %dma_wait3A_386 = tpu.memref_slice %arg6[%dma_wait3A_374, %dma_wait3A_385] : memref<4x125xi32, #tpu.memory_space<vmem>> -> memref<1x125xi32, #tpu.memory_space<vmem>>
        %dma_wait3A_387 = tpu.memref_squeeze %dma_wait3A_386 : memref<1x125xi32, #tpu.memory_space<vmem>> -> memref<125xi32, #tpu.memory_space<vmem>>
        %dma_wait3A_388 = arith.constant 0 : i32
        %dma_wait3A_389 = arith.constant 0 : i32
        %dma_wait3A_390 = tpu.memref_slice %arg3[%arg1, %dma_wait3A_388, %dma_wait3A_389] : memref<16x160x125xi32, #tpu.memory_space<hbm>> -> memref<1x160x125xi32, #tpu.memory_space<hbm>>
        %dma_wait3A_391 = tpu.memref_squeeze %dma_wait3A_390 : memref<1x160x125xi32, #tpu.memory_space<hbm>> -> memref<160x125xi32, #tpu.memory_space<hbm>>
        %dma_wait3A_392 = arith.constant 0 : i32
        %dma_wait3A_393 = tpu.memref_slice %dma_wait3A_391[%dma_wait3A_373, %dma_wait3A_392] : memref<160x125xi32, #tpu.memory_space<hbm>> -> memref<1x125xi32, #tpu.memory_space<hbm>>
        %dma_wait3A_394 = tpu.memref_squeeze %dma_wait3A_393 : memref<1x125xi32, #tpu.memory_space<hbm>> -> memref<125xi32, #tpu.memory_space<hbm>>
        tpu.wait_dma2 semaphore(%arg16 : memref<!tpu.dma_semaphore, #tpu.memory_space<semaphore_mem>>) src(%dma_wait3A_394 : memref<125xi32, #tpu.memory_space<hbm>>) dst(%dma_wait3A_387 : memref<125xi32, #tpu.memory_space<vmem>>)
        %dma_wait3A_395 = arith.constant 0 : i32
        %dma_wait3A_396 = arith.constant 1 : i32
        %dma_wait3A_397 = arith.constant 0 : i32
        %dma_wait3A_398 = tpu.memref_slice %arg7[%dma_wait3A_396, %dma_wait3A_397] : memref<4x125xi32, #tpu.memory_space<vmem>> -> memref<1x125xi32, #tpu.memory_space<vmem>>
        %dma_wait3A_399 = tpu.memref_squeeze %dma_wait3A_398 : memref<1x125xi32, #tpu.memory_space<vmem>> -> memref<125xi32, #tpu.memory_space<vmem>>
        %dma_wait3A_400 = arith.constant 0 : i32
        %dma_wait3A_401 = arith.constant 0 : i32
        %dma_wait3A_402 = tpu.memref_slice %arg4[%arg1, %dma_wait3A_400, %dma_wait3A_401] : memref<16x160x125xi32, #tpu.memory_space<hbm>> -> memref<1x160x125xi32, #tpu.memory_space<hbm>>
        %dma_wait3A_403 = tpu.memref_squeeze %dma_wait3A_402 : memref<1x160x125xi32, #tpu.memory_space<hbm>> -> memref<160x125xi32, #tpu.memory_space<hbm>>
        %dma_wait3A_404 = arith.constant 0 : i32
        %dma_wait3A_405 = tpu.memref_slice %dma_wait3A_403[%dma_wait3A_395, %dma_wait3A_404] : memref<160x125xi32, #tpu.memory_space<hbm>> -> memref<1x125xi32, #tpu.memory_space<hbm>>
        %dma_wait3A_406 = tpu.memref_squeeze %dma_wait3A_405 : memref<1x125xi32, #tpu.memory_space<hbm>> -> memref<125xi32, #tpu.memory_space<hbm>>
        %dma_wait3A_407 = arith.constant 0 : i32
        %dma_wait3A_408 = tpu.memref_slice %arg7[%dma_wait3A_396, %dma_wait3A_407] : memref<4x125xi32, #tpu.memory_space<vmem>> -> memref<1x125xi32, #tpu.memory_space<vmem>>
        %dma_wait3A_409 = tpu.memref_squeeze %dma_wait3A_408 : memref<1x125xi32, #tpu.memory_space<vmem>> -> memref<125xi32, #tpu.memory_space<vmem>>
        %dma_wait3A_410 = arith.constant 0 : i32
        %dma_wait3A_411 = arith.constant 0 : i32
        %dma_wait3A_412 = tpu.memref_slice %arg4[%arg1, %dma_wait3A_410, %dma_wait3A_411] : memref<16x160x125xi32, #tpu.memory_space<hbm>> -> memref<1x160x125xi32, #tpu.memory_space<hbm>>
        %dma_wait3A_413 = tpu.memref_squeeze %dma_wait3A_412 : memref<1x160x125xi32, #tpu.memory_space<hbm>> -> memref<160x125xi32, #tpu.memory_space<hbm>>
        %dma_wait3A_414 = arith.constant 0 : i32
        %dma_wait3A_415 = tpu.memref_slice %dma_wait3A_413[%dma_wait3A_395, %dma_wait3A_414] : memref<160x125xi32, #tpu.memory_space<hbm>> -> memref<1x125xi32, #tpu.memory_space<hbm>>
        %dma_wait3A_416 = tpu.memref_squeeze %dma_wait3A_415 : memref<1x125xi32, #tpu.memory_space<hbm>> -> memref<125xi32, #tpu.memory_space<hbm>>
        tpu.wait_dma2 semaphore(%arg16 : memref<!tpu.dma_semaphore, #tpu.memory_space<semaphore_mem>>) src(%dma_wait3A_416 : memref<125xi32, #tpu.memory_space<hbm>>) dst(%dma_wait3A_409 : memref<125xi32, #tpu.memory_space<vmem>>)
        %dma_start3A_417 = arith.constant 1 : i32
        %dma_start3A_418 = arith.constant 0 : i32
        %dma_start3A_419 = tpu.memref_slice %arg6[%dma_start3A_417, %dma_start3A_418] : memref<4x125xi32, #tpu.memory_space<vmem>> -> memref<1x125xi32, #tpu.memory_space<vmem>>
        %dma_start3A_420 = tpu.memref_squeeze %dma_start3A_419 : memref<1x125xi32, #tpu.memory_space<vmem>> -> memref<125xi32, #tpu.memory_space<vmem>>
        %dma_start3A_421 = arith.constant 0 : i32
        %dma_start3A_422 = arith.constant 0 : i32
        %dma_start3A_423 = tpu.memref_slice %arg2[%dma_start3A_421, %dma_start3A_422] : memref<10000x128xf32, #tpu.memory_space<hbm>> -> memref<10000x128xf32, #tpu.memory_space<hbm>>
        tpu.enqueue_indirect_dma source(%dma_start3A_423 : memref<10000x128xf32, #tpu.memory_space<hbm>>) target(%arg9 : memref<125x128xf32, #tpu.memory_space<vmem>>) offsets(%dma_start3A_420 : memref<125xi32, #tpu.memory_space<vmem>>) semaphore(%arg12 : memref<!tpu.dma_semaphore, #tpu.memory_space<semaphore_mem>>)
      } else {
      }
      %mul3A_261 = arith.constant 4 : i32
      %mul3A_262 = arith.muli %mul3A_261, %scan3A_224 : i32
      %add3A_263 = arith.constant 1 : i32
      %add3A_264 = arith.addi %mul3A_262, %add3A_263 : i32
      %dma_wait3A_265 = arith.constant 1 : i32
      %dma_wait3A_266 = arith.constant 0 : i32
      %dma_wait3A_267 = tpu.memref_slice %arg6[%dma_wait3A_265, %dma_wait3A_266] : memref<4x125xi32, #tpu.memory_space<vmem>> -> memref<1x125xi32, #tpu.memory_space<vmem>>
      %dma_wait3A_268 = tpu.memref_squeeze %dma_wait3A_267 : memref<1x125xi32, #tpu.memory_space<vmem>> -> memref<125xi32, #tpu.memory_space<vmem>>
      %dma_wait3A_269 = arith.constant 0 : i32
      %dma_wait3A_270 = arith.constant 0 : i32
      %dma_wait3A_271 = tpu.memref_slice %arg2[%dma_wait3A_269, %dma_wait3A_270] : memref<10000x128xf32, #tpu.memory_space<hbm>> -> memref<10000x128xf32, #tpu.memory_space<hbm>>
      tpu.wait_indirect_dma semaphore(%arg12 : memref<!tpu.dma_semaphore, #tpu.memory_space<semaphore_mem>>) src(%dma_wait3A_271 : memref<10000x128xf32, #tpu.memory_space<hbm>>) dst(%arg9 : memref<125x128xf32, #tpu.memory_space<vmem>>)
      %dma_start3A_272 = arith.constant 1 : i32
      %dma_start3A_273 = arith.constant 0 : i32
      %dma_start3A_274 = tpu.memref_slice %arg7[%dma_start3A_272, %dma_start3A_273] : memref<4x125xi32, #tpu.memory_space<vmem>> -> memref<1x125xi32, #tpu.memory_space<vmem>>
      %dma_start3A_275 = tpu.memref_squeeze %dma_start3A_274 : memref<1x125xi32, #tpu.memory_space<vmem>> -> memref<125xi32, #tpu.memory_space<vmem>>
      %dma_start3A_276 = arith.constant 0 : i32
      %dma_start3A_277 = arith.constant 0 : i32
      %dma_start3A_278 = tpu.memref_slice %arg10[%dma_start3A_276, %dma_start3A_277] : memref<10000x128xf32, #tpu.memory_space<vmem_shared>> -> memref<10000x128xf32, #tpu.memory_space<vmem_shared>>
      tpu.enqueue_indirect_dma source(%arg9 : memref<125x128xf32, #tpu.memory_space<vmem>>) target(%dma_start3A_278 : memref<10000x128xf32, #tpu.memory_space<vmem_shared>>) offsets(%dma_start3A_275 : memref<125xi32, #tpu.memory_space<vmem>>) semaphore(%arg14 : memref<!tpu.dma_semaphore, #tpu.memory_space<semaphore_mem>>) {add = true}
      %ge3A_279 = arith.constant 1 : i32
      %ge3A_280 = arith.cmpi sge, %add3A_264, %ge3A_279 : i32
      %convert_element_type3A_281 = arith.extui %ge3A_280 : i1 to i32
      %cond3A_282 = arith.constant 0 : i32
      %cond3A_283 = arith.cmpi ne, %convert_element_type3A_281, %cond3A_282 : i32
      scf.if %cond3A_283 {
        %dma_wait3A_373 = arith.constant 0 : i32
        %dma_wait3A_374 = arith.constant 0 : i32
        %dma_wait3A_375 = tpu.memref_slice %arg7[%dma_wait3A_373, %dma_wait3A_374] : memref<4x125xi32, #tpu.memory_space<vmem>> -> memref<1x125xi32, #tpu.memory_space<vmem>>
        %dma_wait3A_376 = tpu.memref_squeeze %dma_wait3A_375 : memref<1x125xi32, #tpu.memory_space<vmem>> -> memref<125xi32, #tpu.memory_space<vmem>>
        %dma_wait3A_377 = arith.constant 0 : i32
        %dma_wait3A_378 = arith.constant 0 : i32
        %dma_wait3A_379 = tpu.memref_slice %arg10[%dma_wait3A_377, %dma_wait3A_378] : memref<10000x128xf32, #tpu.memory_space<vmem_shared>> -> memref<10000x128xf32, #tpu.memory_space<vmem_shared>>
        tpu.wait_indirect_dma semaphore(%arg13 : memref<!tpu.dma_semaphore, #tpu.memory_space<semaphore_mem>>) src(%arg8 : memref<125x128xf32, #tpu.memory_space<vmem>>) dst(%dma_wait3A_379 : memref<10000x128xf32, #tpu.memory_space<vmem_shared>>)
      } else {
      }
      %add3A_284 = arith.constant 3 : i32
      %add3A_285 = arith.addi %add3A_264, %add3A_284 : i32
      %lt3A_286 = arith.constant 160 : i32
      %lt3A_287 = arith.cmpi slt, %add3A_285, %lt3A_286 : i32
      %convert_element_type3A_288 = arith.extui %lt3A_287 : i1 to i32
      %cond3A_289 = arith.constant 0 : i32
      %cond3A_290 = arith.cmpi ne, %convert_element_type3A_288, %cond3A_289 : i32
      scf.if %cond3A_290 {
        %add3A_373 = arith.constant 3 : i32
        %add3A_374 = arith.addi %add3A_264, %add3A_373 : i32
        %dma_start3A_375 = arith.constant 0 : i32
        %dma_start3A_376 = arith.constant 0 : i32
        %dma_start3A_377 = tpu.memref_slice %arg6[%dma_start3A_375, %dma_start3A_376] : memref<4x125xi32, #tpu.memory_space<vmem>> -> memref<1x125xi32, #tpu.memory_space<vmem>>
        %dma_start3A_378 = tpu.memref_squeeze %dma_start3A_377 : memref<1x125xi32, #tpu.memory_space<vmem>> -> memref<125xi32, #tpu.memory_space<vmem>>
        %dma_start3A_379 = arith.constant 0 : i32
        %dma_start3A_380 = arith.constant 0 : i32
        %dma_start3A_381 = tpu.memref_slice %arg3[%arg1, %dma_start3A_379, %dma_start3A_380] : memref<16x160x125xi32, #tpu.memory_space<hbm>> -> memref<1x160x125xi32, #tpu.memory_space<hbm>>
        %dma_start3A_382 = tpu.memref_squeeze %dma_start3A_381 : memref<1x160x125xi32, #tpu.memory_space<hbm>> -> memref<160x125xi32, #tpu.memory_space<hbm>>
        %dma_start3A_383 = arith.constant 0 : i32
        %dma_start3A_384 = tpu.memref_slice %dma_start3A_382[%add3A_374, %dma_start3A_383] : memref<160x125xi32, #tpu.memory_space<hbm>> -> memref<1x125xi32, #tpu.memory_space<hbm>>
        %dma_start3A_385 = tpu.memref_squeeze %dma_start3A_384 : memref<1x125xi32, #tpu.memory_space<hbm>> -> memref<125xi32, #tpu.memory_space<hbm>>
        %dma_start3A_386 = arith.constant 0 : i32
        %dma_start3A_387 = tpu.memref_slice %arg6[%dma_start3A_375, %dma_start3A_386] : memref<4x125xi32, #tpu.memory_space<vmem>> -> memref<1x125xi32, #tpu.memory_space<vmem>>
        %dma_start3A_388 = tpu.memref_squeeze %dma_start3A_387 : memref<1x125xi32, #tpu.memory_space<vmem>> -> memref<125xi32, #tpu.memory_space<vmem>>
        %dma_start3A_389 = arith.constant 0 : i32
        %dma_start3A_390 = arith.constant 0 : i32
        %dma_start3A_391 = tpu.memref_slice %arg3[%arg1, %dma_start3A_389, %dma_start3A_390] : memref<16x160x125xi32, #tpu.memory_space<hbm>> -> memref<1x160x125xi32, #tpu.memory_space<hbm>>
        %dma_start3A_392 = tpu.memref_squeeze %dma_start3A_391 : memref<1x160x125xi32, #tpu.memory_space<hbm>> -> memref<160x125xi32, #tpu.memory_space<hbm>>
        %dma_start3A_393 = arith.constant 0 : i32
        %dma_start3A_394 = tpu.memref_slice %dma_start3A_392[%add3A_374, %dma_start3A_393] : memref<160x125xi32, #tpu.memory_space<hbm>> -> memref<1x125xi32, #tpu.memory_space<hbm>>
        %dma_start3A_395 = tpu.memref_squeeze %dma_start3A_394 : memref<1x125xi32, #tpu.memory_space<hbm>> -> memref<125xi32, #tpu.memory_space<hbm>>
        tpu.enqueue_dma source(%dma_start3A_395 : memref<125xi32, #tpu.memory_space<hbm>>) target(%dma_start3A_388 : memref<125xi32, #tpu.memory_space<vmem>>) target_semaphore(%arg15 : memref<!tpu.dma_semaphore, #tpu.memory_space<semaphore_mem>>)
        %dma_start3A_396 = arith.constant 0 : i32
        %dma_start3A_397 = arith.constant 0 : i32
        %dma_start3A_398 = tpu.memref_slice %arg7[%dma_start3A_396, %dma_start3A_397] : memref<4x125xi32, #tpu.memory_space<vmem>> -> memref<1x125xi32, #tpu.memory_space<vmem>>
        %dma_start3A_399 = tpu.memref_squeeze %dma_start3A_398 : memref<1x125xi32, #tpu.memory_space<vmem>> -> memref<125xi32, #tpu.memory_space<vmem>>
        %dma_start3A_400 = arith.constant 0 : i32
        %dma_start3A_401 = arith.constant 0 : i32
        %dma_start3A_402 = tpu.memref_slice %arg4[%arg1, %dma_start3A_400, %dma_start3A_401] : memref<16x160x125xi32, #tpu.memory_space<hbm>> -> memref<1x160x125xi32, #tpu.memory_space<hbm>>
        %dma_start3A_403 = tpu.memref_squeeze %dma_start3A_402 : memref<1x160x125xi32, #tpu.memory_space<hbm>> -> memref<160x125xi32, #tpu.memory_space<hbm>>
        %dma_start3A_404 = arith.constant 0 : i32
        %dma_start3A_405 = tpu.memref_slice %dma_start3A_403[%add3A_374, %dma_start3A_404] : memref<160x125xi32, #tpu.memory_space<hbm>> -> memref<1x125xi32, #tpu.memory_space<hbm>>
        %dma_start3A_406 = tpu.memref_squeeze %dma_start3A_405 : memref<1x125xi32, #tpu.memory_space<hbm>> -> memref<125xi32, #tpu.memory_space<hbm>>
        %dma_start3A_407 = arith.constant 0 : i32
        %dma_start3A_408 = tpu.memref_slice %arg7[%dma_start3A_396, %dma_start3A_407] : memref<4x125xi32, #tpu.memory_space<vmem>> -> memref<1x125xi32, #tpu.memory_space<vmem>>
        %dma_start3A_409 = tpu.memref_squeeze %dma_start3A_408 : memref<1x125xi32, #tpu.memory_space<vmem>> -> memref<125xi32, #tpu.memory_space<vmem>>
        %dma_start3A_410 = arith.constant 0 : i32
        %dma_start3A_411 = arith.constant 0 : i32
        %dma_start3A_412 = tpu.memref_slice %arg4[%arg1, %dma_start3A_410, %dma_start3A_411] : memref<16x160x125xi32, #tpu.memory_space<hbm>> -> memref<1x160x125xi32, #tpu.memory_space<hbm>>
        %dma_start3A_413 = tpu.memref_squeeze %dma_start3A_412 : memref<1x160x125xi32, #tpu.memory_space<hbm>> -> memref<160x125xi32, #tpu.memory_space<hbm>>
        %dma_start3A_414 = arith.constant 0 : i32
        %dma_start3A_415 = tpu.memref_slice %dma_start3A_413[%add3A_374, %dma_start3A_414] : memref<160x125xi32, #tpu.memory_space<hbm>> -> memref<1x125xi32, #tpu.memory_space<hbm>>
        %dma_start3A_416 = tpu.memref_squeeze %dma_start3A_415 : memref<1x125xi32, #tpu.memory_space<hbm>> -> memref<125xi32, #tpu.memory_space<hbm>>
        tpu.enqueue_dma source(%dma_start3A_416 : memref<125xi32, #tpu.memory_space<hbm>>) target(%dma_start3A_409 : memref<125xi32, #tpu.memory_space<vmem>>) target_semaphore(%arg15 : memref<!tpu.dma_semaphore, #tpu.memory_space<semaphore_mem>>)
      } else {
      }
      %add3A_291 = arith.constant 1 : i32
      %add3A_292 = arith.addi %add3A_264, %add3A_291 : i32
      %lt3A_293 = arith.constant 160 : i32
      %lt3A_294 = arith.cmpi slt, %add3A_292, %lt3A_293 : i32
      %convert_element_type3A_295 = arith.extui %lt3A_294 : i1 to i32
      %cond3A_296 = arith.constant 0 : i32
      %cond3A_297 = arith.cmpi ne, %convert_element_type3A_295, %cond3A_296 : i32
      scf.if %cond3A_297 {
        %dma_wait3A_373 = arith.constant 0 : i32
        %dma_wait3A_374 = arith.constant 2 : i32
        %dma_wait3A_375 = arith.constant 0 : i32
        %dma_wait3A_376 = tpu.memref_slice %arg6[%dma_wait3A_374, %dma_wait3A_375] : memref<4x125xi32, #tpu.memory_space<vmem>> -> memref<1x125xi32, #tpu.memory_space<vmem>>
        %dma_wait3A_377 = tpu.memref_squeeze %dma_wait3A_376 : memref<1x125xi32, #tpu.memory_space<vmem>> -> memref<125xi32, #tpu.memory_space<vmem>>
        %dma_wait3A_378 = arith.constant 0 : i32
        %dma_wait3A_379 = arith.constant 0 : i32
        %dma_wait3A_380 = tpu.memref_slice %arg3[%arg1, %dma_wait3A_378, %dma_wait3A_379] : memref<16x160x125xi32, #tpu.memory_space<hbm>> -> memref<1x160x125xi32, #tpu.memory_space<hbm>>
        %dma_wait3A_381 = tpu.memref_squeeze %dma_wait3A_380 : memref<1x160x125xi32, #tpu.memory_space<hbm>> -> memref<160x125xi32, #tpu.memory_space<hbm>>
        %dma_wait3A_382 = arith.constant 0 : i32
        %dma_wait3A_383 = tpu.memref_slice %dma_wait3A_381[%dma_wait3A_373, %dma_wait3A_382] : memref<160x125xi32, #tpu.memory_space<hbm>> -> memref<1x125xi32, #tpu.memory_space<hbm>>
        %dma_wait3A_384 = tpu.memref_squeeze %dma_wait3A_383 : memref<1x125xi32, #tpu.memory_space<hbm>> -> memref<125xi32, #tpu.memory_space<hbm>>
        %dma_wait3A_385 = arith.constant 0 : i32
        %dma_wait3A_386 = tpu.memref_slice %arg6[%dma_wait3A_374, %dma_wait3A_385] : memref<4x125xi32, #tpu.memory_space<vmem>> -> memref<1x125xi32, #tpu.memory_space<vmem>>
        %dma_wait3A_387 = tpu.memref_squeeze %dma_wait3A_386 : memref<1x125xi32, #tpu.memory_space<vmem>> -> memref<125xi32, #tpu.memory_space<vmem>>
        %dma_wait3A_388 = arith.constant 0 : i32
        %dma_wait3A_389 = arith.constant 0 : i32
        %dma_wait3A_390 = tpu.memref_slice %arg3[%arg1, %dma_wait3A_388, %dma_wait3A_389] : memref<16x160x125xi32, #tpu.memory_space<hbm>> -> memref<1x160x125xi32, #tpu.memory_space<hbm>>
        %dma_wait3A_391 = tpu.memref_squeeze %dma_wait3A_390 : memref<1x160x125xi32, #tpu.memory_space<hbm>> -> memref<160x125xi32, #tpu.memory_space<hbm>>
        %dma_wait3A_392 = arith.constant 0 : i32
        %dma_wait3A_393 = tpu.memref_slice %dma_wait3A_391[%dma_wait3A_373, %dma_wait3A_392] : memref<160x125xi32, #tpu.memory_space<hbm>> -> memref<1x125xi32, #tpu.memory_space<hbm>>
        %dma_wait3A_394 = tpu.memref_squeeze %dma_wait3A_393 : memref<1x125xi32, #tpu.memory_space<hbm>> -> memref<125xi32, #tpu.memory_space<hbm>>
        tpu.wait_dma2 semaphore(%arg17 : memref<!tpu.dma_semaphore, #tpu.memory_space<semaphore_mem>>) src(%dma_wait3A_394 : memref<125xi32, #tpu.memory_space<hbm>>) dst(%dma_wait3A_387 : memref<125xi32, #tpu.memory_space<vmem>>)
        %dma_wait3A_395 = arith.constant 0 : i32
        %dma_wait3A_396 = arith.constant 2 : i32
        %dma_wait3A_397 = arith.constant 0 : i32
        %dma_wait3A_398 = tpu.memref_slice %arg7[%dma_wait3A_396, %dma_wait3A_397] : memref<4x125xi32, #tpu.memory_space<vmem>> -> memref<1x125xi32, #tpu.memory_space<vmem>>
        %dma_wait3A_399 = tpu.memref_squeeze %dma_wait3A_398 : memref<1x125xi32, #tpu.memory_space<vmem>> -> memref<125xi32, #tpu.memory_space<vmem>>
        %dma_wait3A_400 = arith.constant 0 : i32
        %dma_wait3A_401 = arith.constant 0 : i32
        %dma_wait3A_402 = tpu.memref_slice %arg4[%arg1, %dma_wait3A_400, %dma_wait3A_401] : memref<16x160x125xi32, #tpu.memory_space<hbm>> -> memref<1x160x125xi32, #tpu.memory_space<hbm>>
        %dma_wait3A_403 = tpu.memref_squeeze %dma_wait3A_402 : memref<1x160x125xi32, #tpu.memory_space<hbm>> -> memref<160x125xi32, #tpu.memory_space<hbm>>
        %dma_wait3A_404 = arith.constant 0 : i32
        %dma_wait3A_405 = tpu.memref_slice %dma_wait3A_403[%dma_wait3A_395, %dma_wait3A_404] : memref<160x125xi32, #tpu.memory_space<hbm>> -> memref<1x125xi32, #tpu.memory_space<hbm>>
        %dma_wait3A_406 = tpu.memref_squeeze %dma_wait3A_405 : memref<1x125xi32, #tpu.memory_space<hbm>> -> memref<125xi32, #tpu.memory_space<hbm>>
        %dma_wait3A_407 = arith.constant 0 : i32
        %dma_wait3A_408 = tpu.memref_slice %arg7[%dma_wait3A_396, %dma_wait3A_407] : memref<4x125xi32, #tpu.memory_space<vmem>> -> memref<1x125xi32, #tpu.memory_space<vmem>>
        %dma_wait3A_409 = tpu.memref_squeeze %dma_wait3A_408 : memref<1x125xi32, #tpu.memory_space<vmem>> -> memref<125xi32, #tpu.memory_space<vmem>>
        %dma_wait3A_410 = arith.constant 0 : i32
        %dma_wait3A_411 = arith.constant 0 : i32
        %dma_wait3A_412 = tpu.memref_slice %arg4[%arg1, %dma_wait3A_410, %dma_wait3A_411] : memref<16x160x125xi32, #tpu.memory_space<hbm>> -> memref<1x160x125xi32, #tpu.memory_space<hbm>>
        %dma_wait3A_413 = tpu.memref_squeeze %dma_wait3A_412 : memref<1x160x125xi32, #tpu.memory_space<hbm>> -> memref<160x125xi32, #tpu.memory_space<hbm>>
        %dma_wait3A_414 = arith.constant 0 : i32
        %dma_wait3A_415 = tpu.memref_slice %dma_wait3A_413[%dma_wait3A_395, %dma_wait3A_414] : memref<160x125xi32, #tpu.memory_space<hbm>> -> memref<1x125xi32, #tpu.memory_space<hbm>>
        %dma_wait3A_416 = tpu.memref_squeeze %dma_wait3A_415 : memref<1x125xi32, #tpu.memory_space<hbm>> -> memref<125xi32, #tpu.memory_space<hbm>>
        tpu.wait_dma2 semaphore(%arg17 : memref<!tpu.dma_semaphore, #tpu.memory_space<semaphore_mem>>) src(%dma_wait3A_416 : memref<125xi32, #tpu.memory_space<hbm>>) dst(%dma_wait3A_409 : memref<125xi32, #tpu.memory_space<vmem>>)
        %dma_start3A_417 = arith.constant 2 : i32
        %dma_start3A_418 = arith.constant 0 : i32
        %dma_start3A_419 = tpu.memref_slice %arg6[%dma_start3A_417, %dma_start3A_418] : memref<4x125xi32, #tpu.memory_space<vmem>> -> memref<1x125xi32, #tpu.memory_space<vmem>>
        %dma_start3A_420 = tpu.memref_squeeze %dma_start3A_419 : memref<1x125xi32, #tpu.memory_space<vmem>> -> memref<125xi32, #tpu.memory_space<vmem>>
        %dma_start3A_421 = arith.constant 0 : i32
        %dma_start3A_422 = arith.constant 0 : i32
        %dma_start3A_423 = tpu.memref_slice %arg2[%dma_start3A_421, %dma_start3A_422] : memref<10000x128xf32, #tpu.memory_space<hbm>> -> memref<10000x128xf32, #tpu.memory_space<hbm>>
        tpu.enqueue_indirect_dma source(%dma_start3A_423 : memref<10000x128xf32, #tpu.memory_space<hbm>>) target(%arg8 : memref<125x128xf32, #tpu.memory_space<vmem>>) offsets(%dma_start3A_420 : memref<125xi32, #tpu.memory_space<vmem>>) semaphore(%arg11 : memref<!tpu.dma_semaphore, #tpu.memory_space<semaphore_mem>>)
      } else {
      }
      %mul3A_298 = arith.constant 4 : i32
      %mul3A_299 = arith.muli %mul3A_298, %scan3A_224 : i32
      %add3A_300 = arith.constant 2 : i32
      %add3A_301 = arith.addi %mul3A_299, %add3A_300 : i32
      %dma_wait3A_302 = arith.constant 2 : i32
      %dma_wait3A_303 = arith.constant 0 : i32
      %dma_wait3A_304 = tpu.memref_slice %arg6[%dma_wait3A_302, %dma_wait3A_303] : memref<4x125xi32, #tpu.memory_space<vmem>> -> memref<1x125xi32, #tpu.memory_space<vmem>>
      %dma_wait3A_305 = tpu.memref_squeeze %dma_wait3A_304 : memref<1x125xi32, #tpu.memory_space<vmem>> -> memref<125xi32, #tpu.memory_space<vmem>>
      %dma_wait3A_306 = arith.constant 0 : i32
      %dma_wait3A_307 = arith.constant 0 : i32
      %dma_wait3A_308 = tpu.memref_slice %arg2[%dma_wait3A_306, %dma_wait3A_307] : memref<10000x128xf32, #tpu.memory_space<hbm>> -> memref<10000x128xf32, #tpu.memory_space<hbm>>
      tpu.wait_indirect_dma semaphore(%arg11 : memref<!tpu.dma_semaphore, #tpu.memory_space<semaphore_mem>>) src(%dma_wait3A_308 : memref<10000x128xf32, #tpu.memory_space<hbm>>) dst(%arg8 : memref<125x128xf32, #tpu.memory_space<vmem>>)
      %dma_start3A_309 = arith.constant 2 : i32
      %dma_start3A_310 = arith.constant 0 : i32
      %dma_start3A_311 = tpu.memref_slice %arg7[%dma_start3A_309, %dma_start3A_310] : memref<4x125xi32, #tpu.memory_space<vmem>> -> memref<1x125xi32, #tpu.memory_space<vmem>>
      %dma_start3A_312 = tpu.memref_squeeze %dma_start3A_311 : memref<1x125xi32, #tpu.memory_space<vmem>> -> memref<125xi32, #tpu.memory_space<vmem>>
      %dma_start3A_313 = arith.constant 0 : i32
      %dma_start3A_314 = arith.constant 0 : i32
      %dma_start3A_315 = tpu.memref_slice %arg10[%dma_start3A_313, %dma_start3A_314] : memref<10000x128xf32, #tpu.memory_space<vmem_shared>> -> memref<10000x128xf32, #tpu.memory_space<vmem_shared>>
      tpu.enqueue_indirect_dma source(%arg8 : memref<125x128xf32, #tpu.memory_space<vmem>>) target(%dma_start3A_315 : memref<10000x128xf32, #tpu.memory_space<vmem_shared>>) offsets(%dma_start3A_312 : memref<125xi32, #tpu.memory_space<vmem>>) semaphore(%arg13 : memref<!tpu.dma_semaphore, #tpu.memory_space<semaphore_mem>>) {add = true}
      %ge3A_316 = arith.constant 1 : i32
      %ge3A_317 = arith.cmpi sge, %add3A_301, %ge3A_316 : i32
      %convert_element_type3A_318 = arith.extui %ge3A_317 : i1 to i32
      %cond3A_319 = arith.constant 0 : i32
      %cond3A_320 = arith.cmpi ne, %convert_element_type3A_318, %cond3A_319 : i32
      scf.if %cond3A_320 {
        %dma_wait3A_373 = arith.constant 1 : i32
        %dma_wait3A_374 = arith.constant 0 : i32
        %dma_wait3A_375 = tpu.memref_slice %arg7[%dma_wait3A_373, %dma_wait3A_374] : memref<4x125xi32, #tpu.memory_space<vmem>> -> memref<1x125xi32, #tpu.memory_space<vmem>>
        %dma_wait3A_376 = tpu.memref_squeeze %dma_wait3A_375 : memref<1x125xi32, #tpu.memory_space<vmem>> -> memref<125xi32, #tpu.memory_space<vmem>>
        %dma_wait3A_377 = arith.constant 0 : i32
        %dma_wait3A_378 = arith.constant 0 : i32
        %dma_wait3A_379 = tpu.memref_slice %arg10[%dma_wait3A_377, %dma_wait3A_378] : memref<10000x128xf32, #tpu.memory_space<vmem_shared>> -> memref<10000x128xf32, #tpu.memory_space<vmem_shared>>
        tpu.wait_indirect_dma semaphore(%arg14 : memref<!tpu.dma_semaphore, #tpu.memory_space<semaphore_mem>>) src(%arg9 : memref<125x128xf32, #tpu.memory_space<vmem>>) dst(%dma_wait3A_379 : memref<10000x128xf32, #tpu.memory_space<vmem_shared>>)
      } else {
      }
      %add3A_321 = arith.constant 3 : i32
      %add3A_322 = arith.addi %add3A_301, %add3A_321 : i32
      %lt3A_323 = arith.constant 160 : i32
      %lt3A_324 = arith.cmpi slt, %add3A_322, %lt3A_323 : i32
      %convert_element_type3A_325 = arith.extui %lt3A_324 : i1 to i32
      %cond3A_326 = arith.constant 0 : i32
      %cond3A_327 = arith.cmpi ne, %convert_element_type3A_325, %cond3A_326 : i32
      scf.if %cond3A_327 {
        %add3A_373 = arith.constant 3 : i32
        %add3A_374 = arith.addi %add3A_301, %add3A_373 : i32
        %dma_start3A_375 = arith.constant 1 : i32
        %dma_start3A_376 = arith.constant 0 : i32
        %dma_start3A_377 = tpu.memref_slice %arg6[%dma_start3A_375, %dma_start3A_376] : memref<4x125xi32, #tpu.memory_space<vmem>> -> memref<1x125xi32, #tpu.memory_space<vmem>>
        %dma_start3A_378 = tpu.memref_squeeze %dma_start3A_377 : memref<1x125xi32, #tpu.memory_space<vmem>> -> memref<125xi32, #tpu.memory_space<vmem>>
        %dma_start3A_379 = arith.constant 0 : i32
        %dma_start3A_380 = arith.constant 0 : i32
        %dma_start3A_381 = tpu.memref_slice %arg3[%arg1, %dma_start3A_379, %dma_start3A_380] : memref<16x160x125xi32, #tpu.memory_space<hbm>> -> memref<1x160x125xi32, #tpu.memory_space<hbm>>
        %dma_start3A_382 = tpu.memref_squeeze %dma_start3A_381 : memref<1x160x125xi32, #tpu.memory_space<hbm>> -> memref<160x125xi32, #tpu.memory_space<hbm>>
        %dma_start3A_383 = arith.constant 0 : i32
        %dma_start3A_384 = tpu.memref_slice %dma_start3A_382[%add3A_374, %dma_start3A_383] : memref<160x125xi32, #tpu.memory_space<hbm>> -> memref<1x125xi32, #tpu.memory_space<hbm>>
        %dma_start3A_385 = tpu.memref_squeeze %dma_start3A_384 : memref<1x125xi32, #tpu.memory_space<hbm>> -> memref<125xi32, #tpu.memory_space<hbm>>
        %dma_start3A_386 = arith.constant 0 : i32
        %dma_start3A_387 = tpu.memref_slice %arg6[%dma_start3A_375, %dma_start3A_386] : memref<4x125xi32, #tpu.memory_space<vmem>> -> memref<1x125xi32, #tpu.memory_space<vmem>>
        %dma_start3A_388 = tpu.memref_squeeze %dma_start3A_387 : memref<1x125xi32, #tpu.memory_space<vmem>> -> memref<125xi32, #tpu.memory_space<vmem>>
        %dma_start3A_389 = arith.constant 0 : i32
        %dma_start3A_390 = arith.constant 0 : i32
        %dma_start3A_391 = tpu.memref_slice %arg3[%arg1, %dma_start3A_389, %dma_start3A_390] : memref<16x160x125xi32, #tpu.memory_space<hbm>> -> memref<1x160x125xi32, #tpu.memory_space<hbm>>
        %dma_start3A_392 = tpu.memref_squeeze %dma_start3A_391 : memref<1x160x125xi32, #tpu.memory_space<hbm>> -> memref<160x125xi32, #tpu.memory_space<hbm>>
        %dma_start3A_393 = arith.constant 0 : i32
        %dma_start3A_394 = tpu.memref_slice %dma_start3A_392[%add3A_374, %dma_start3A_393] : memref<160x125xi32, #tpu.memory_space<hbm>> -> memref<1x125xi32, #tpu.memory_space<hbm>>
        %dma_start3A_395 = tpu.memref_squeeze %dma_start3A_394 : memref<1x125xi32, #tpu.memory_space<hbm>> -> memref<125xi32, #tpu.memory_space<hbm>>
        tpu.enqueue_dma source(%dma_start3A_395 : memref<125xi32, #tpu.memory_space<hbm>>) target(%dma_start3A_388 : memref<125xi32, #tpu.memory_space<vmem>>) target_semaphore(%arg16 : memref<!tpu.dma_semaphore, #tpu.memory_space<semaphore_mem>>)
        %dma_start3A_396 = arith.constant 1 : i32
        %dma_start3A_397 = arith.constant 0 : i32
        %dma_start3A_398 = tpu.memref_slice %arg7[%dma_start3A_396, %dma_start3A_397] : memref<4x125xi32, #tpu.memory_space<vmem>> -> memref<1x125xi32, #tpu.memory_space<vmem>>
        %dma_start3A_399 = tpu.memref_squeeze %dma_start3A_398 : memref<1x125xi32, #tpu.memory_space<vmem>> -> memref<125xi32, #tpu.memory_space<vmem>>
        %dma_start3A_400 = arith.constant 0 : i32
        %dma_start3A_401 = arith.constant 0 : i32
        %dma_start3A_402 = tpu.memref_slice %arg4[%arg1, %dma_start3A_400, %dma_start3A_401] : memref<16x160x125xi32, #tpu.memory_space<hbm>> -> memref<1x160x125xi32, #tpu.memory_space<hbm>>
        %dma_start3A_403 = tpu.memref_squeeze %dma_start3A_402 : memref<1x160x125xi32, #tpu.memory_space<hbm>> -> memref<160x125xi32, #tpu.memory_space<hbm>>
        %dma_start3A_404 = arith.constant 0 : i32
        %dma_start3A_405 = tpu.memref_slice %dma_start3A_403[%add3A_374, %dma_start3A_404] : memref<160x125xi32, #tpu.memory_space<hbm>> -> memref<1x125xi32, #tpu.memory_space<hbm>>
        %dma_start3A_406 = tpu.memref_squeeze %dma_start3A_405 : memref<1x125xi32, #tpu.memory_space<hbm>> -> memref<125xi32, #tpu.memory_space<hbm>>
        %dma_start3A_407 = arith.constant 0 : i32
        %dma_start3A_408 = tpu.memref_slice %arg7[%dma_start3A_396, %dma_start3A_407] : memref<4x125xi32, #tpu.memory_space<vmem>> -> memref<1x125xi32, #tpu.memory_space<vmem>>
        %dma_start3A_409 = tpu.memref_squeeze %dma_start3A_408 : memref<1x125xi32, #tpu.memory_space<vmem>> -> memref<125xi32, #tpu.memory_space<vmem>>
        %dma_start3A_410 = arith.constant 0 : i32
        %dma_start3A_411 = arith.constant 0 : i32
        %dma_start3A_412 = tpu.memref_slice %arg4[%arg1, %dma_start3A_410, %dma_start3A_411] : memref<16x160x125xi32, #tpu.memory_space<hbm>> -> memref<1x160x125xi32, #tpu.memory_space<hbm>>
        %dma_start3A_413 = tpu.memref_squeeze %dma_start3A_412 : memref<1x160x125xi32, #tpu.memory_space<hbm>> -> memref<160x125xi32, #tpu.memory_space<hbm>>
        %dma_start3A_414 = arith.constant 0 : i32
        %dma_start3A_415 = tpu.memref_slice %dma_start3A_413[%add3A_374, %dma_start3A_414] : memref<160x125xi32, #tpu.memory_space<hbm>> -> memref<1x125xi32, #tpu.memory_space<hbm>>
        %dma_start3A_416 = tpu.memref_squeeze %dma_start3A_415 : memref<1x125xi32, #tpu.memory_space<hbm>> -> memref<125xi32, #tpu.memory_space<hbm>>
        tpu.enqueue_dma source(%dma_start3A_416 : memref<125xi32, #tpu.memory_space<hbm>>) target(%dma_start3A_409 : memref<125xi32, #tpu.memory_space<vmem>>) target_semaphore(%arg16 : memref<!tpu.dma_semaphore, #tpu.memory_space<semaphore_mem>>)
      } else {
      }
      %add3A_328 = arith.constant 1 : i32
      %add3A_329 = arith.addi %add3A_301, %add3A_328 : i32
      %lt3A_330 = arith.constant 160 : i32
      %lt3A_331 = arith.cmpi slt, %add3A_329, %lt3A_330 : i32
      %convert_element_type3A_332 = arith.extui %lt3A_331 : i1 to i32
      %cond3A_333 = arith.constant 0 : i32
      %cond3A_334 = arith.cmpi ne, %convert_element_type3A_332, %cond3A_333 : i32
      scf.if %cond3A_334 {
        %dma_wait3A_373 = arith.constant 0 : i32
        %dma_wait3A_374 = arith.constant 3 : i32
        %dma_wait3A_375 = arith.constant 0 : i32
        %dma_wait3A_376 = tpu.memref_slice %arg6[%dma_wait3A_374, %dma_wait3A_375] : memref<4x125xi32, #tpu.memory_space<vmem>> -> memref<1x125xi32, #tpu.memory_space<vmem>>
        %dma_wait3A_377 = tpu.memref_squeeze %dma_wait3A_376 : memref<1x125xi32, #tpu.memory_space<vmem>> -> memref<125xi32, #tpu.memory_space<vmem>>
        %dma_wait3A_378 = arith.constant 0 : i32
        %dma_wait3A_379 = arith.constant 0 : i32
        %dma_wait3A_380 = tpu.memref_slice %arg3[%arg1, %dma_wait3A_378, %dma_wait3A_379] : memref<16x160x125xi32, #tpu.memory_space<hbm>> -> memref<1x160x125xi32, #tpu.memory_space<hbm>>
        %dma_wait3A_381 = tpu.memref_squeeze %dma_wait3A_380 : memref<1x160x125xi32, #tpu.memory_space<hbm>> -> memref<160x125xi32, #tpu.memory_space<hbm>>
        %dma_wait3A_382 = arith.constant 0 : i32
        %dma_wait3A_383 = tpu.memref_slice %dma_wait3A_381[%dma_wait3A_373, %dma_wait3A_382] : memref<160x125xi32, #tpu.memory_space<hbm>> -> memref<1x125xi32, #tpu.memory_space<hbm>>
        %dma_wait3A_384 = tpu.memref_squeeze %dma_wait3A_383 : memref<1x125xi32, #tpu.memory_space<hbm>> -> memref<125xi32, #tpu.memory_space<hbm>>
        %dma_wait3A_385 = arith.constant 0 : i32
        %dma_wait3A_386 = tpu.memref_slice %arg6[%dma_wait3A_374, %dma_wait3A_385] : memref<4x125xi32, #tpu.memory_space<vmem>> -> memref<1x125xi32, #tpu.memory_space<vmem>>
        %dma_wait3A_387 = tpu.memref_squeeze %dma_wait3A_386 : memref<1x125xi32, #tpu.memory_space<vmem>> -> memref<125xi32, #tpu.memory_space<vmem>>
        %dma_wait3A_388 = arith.constant 0 : i32
        %dma_wait3A_389 = arith.constant 0 : i32
        %dma_wait3A_390 = tpu.memref_slice %arg3[%arg1, %dma_wait3A_388, %dma_wait3A_389] : memref<16x160x125xi32, #tpu.memory_space<hbm>> -> memref<1x160x125xi32, #tpu.memory_space<hbm>>
        %dma_wait3A_391 = tpu.memref_squeeze %dma_wait3A_390 : memref<1x160x125xi32, #tpu.memory_space<hbm>> -> memref<160x125xi32, #tpu.memory_space<hbm>>
        %dma_wait3A_392 = arith.constant 0 : i32
        %dma_wait3A_393 = tpu.memref_slice %dma_wait3A_391[%dma_wait3A_373, %dma_wait3A_392] : memref<160x125xi32, #tpu.memory_space<hbm>> -> memref<1x125xi32, #tpu.memory_space<hbm>>
        %dma_wait3A_394 = tpu.memref_squeeze %dma_wait3A_393 : memref<1x125xi32, #tpu.memory_space<hbm>> -> memref<125xi32, #tpu.memory_space<hbm>>
        tpu.wait_dma2 semaphore(%arg18 : memref<!tpu.dma_semaphore, #tpu.memory_space<semaphore_mem>>) src(%dma_wait3A_394 : memref<125xi32, #tpu.memory_space<hbm>>) dst(%dma_wait3A_387 : memref<125xi32, #tpu.memory_space<vmem>>)
        %dma_wait3A_395 = arith.constant 0 : i32
        %dma_wait3A_396 = arith.constant 3 : i32
        %dma_wait3A_397 = arith.constant 0 : i32
        %dma_wait3A_398 = tpu.memref_slice %arg7[%dma_wait3A_396, %dma_wait3A_397] : memref<4x125xi32, #tpu.memory_space<vmem>> -> memref<1x125xi32, #tpu.memory_space<vmem>>
        %dma_wait3A_399 = tpu.memref_squeeze %dma_wait3A_398 : memref<1x125xi32, #tpu.memory_space<vmem>> -> memref<125xi32, #tpu.memory_space<vmem>>
        %dma_wait3A_400 = arith.constant 0 : i32
        %dma_wait3A_401 = arith.constant 0 : i32
        %dma_wait3A_402 = tpu.memref_slice %arg4[%arg1, %dma_wait3A_400, %dma_wait3A_401] : memref<16x160x125xi32, #tpu.memory_space<hbm>> -> memref<1x160x125xi32, #tpu.memory_space<hbm>>
        %dma_wait3A_403 = tpu.memref_squeeze %dma_wait3A_402 : memref<1x160x125xi32, #tpu.memory_space<hbm>> -> memref<160x125xi32, #tpu.memory_space<hbm>>
        %dma_wait3A_404 = arith.constant 0 : i32
        %dma_wait3A_405 = tpu.memref_slice %dma_wait3A_403[%dma_wait3A_395, %dma_wait3A_404] : memref<160x125xi32, #tpu.memory_space<hbm>> -> memref<1x125xi32, #tpu.memory_space<hbm>>
        %dma_wait3A_406 = tpu.memref_squeeze %dma_wait3A_405 : memref<1x125xi32, #tpu.memory_space<hbm>> -> memref<125xi32, #tpu.memory_space<hbm>>
        %dma_wait3A_407 = arith.constant 0 : i32
        %dma_wait3A_408 = tpu.memref_slice %arg7[%dma_wait3A_396, %dma_wait3A_407] : memref<4x125xi32, #tpu.memory_space<vmem>> -> memref<1x125xi32, #tpu.memory_space<vmem>>
        %dma_wait3A_409 = tpu.memref_squeeze %dma_wait3A_408 : memref<1x125xi32, #tpu.memory_space<vmem>> -> memref<125xi32, #tpu.memory_space<vmem>>
        %dma_wait3A_410 = arith.constant 0 : i32
        %dma_wait3A_411 = arith.constant 0 : i32
        %dma_wait3A_412 = tpu.memref_slice %arg4[%arg1, %dma_wait3A_410, %dma_wait3A_411] : memref<16x160x125xi32, #tpu.memory_space<hbm>> -> memref<1x160x125xi32, #tpu.memory_space<hbm>>
        %dma_wait3A_413 = tpu.memref_squeeze %dma_wait3A_412 : memref<1x160x125xi32, #tpu.memory_space<hbm>> -> memref<160x125xi32, #tpu.memory_space<hbm>>
        %dma_wait3A_414 = arith.constant 0 : i32
        %dma_wait3A_415 = tpu.memref_slice %dma_wait3A_413[%dma_wait3A_395, %dma_wait3A_414] : memref<160x125xi32, #tpu.memory_space<hbm>> -> memref<1x125xi32, #tpu.memory_space<hbm>>
        %dma_wait3A_416 = tpu.memref_squeeze %dma_wait3A_415 : memref<1x125xi32, #tpu.memory_space<hbm>> -> memref<125xi32, #tpu.memory_space<hbm>>
        tpu.wait_dma2 semaphore(%arg18 : memref<!tpu.dma_semaphore, #tpu.memory_space<semaphore_mem>>) src(%dma_wait3A_416 : memref<125xi32, #tpu.memory_space<hbm>>) dst(%dma_wait3A_409 : memref<125xi32, #tpu.memory_space<vmem>>)
        %dma_start3A_417 = arith.constant 3 : i32
        %dma_start3A_418 = arith.constant 0 : i32
        %dma_start3A_419 = tpu.memref_slice %arg6[%dma_start3A_417, %dma_start3A_418] : memref<4x125xi32, #tpu.memory_space<vmem>> -> memref<1x125xi32, #tpu.memory_space<vmem>>
        %dma_start3A_420 = tpu.memref_squeeze %dma_start3A_419 : memref<1x125xi32, #tpu.memory_space<vmem>> -> memref<125xi32, #tpu.memory_space<vmem>>
        %dma_start3A_421 = arith.constant 0 : i32
        %dma_start3A_422 = arith.constant 0 : i32
        %dma_start3A_423 = tpu.memref_slice %arg2[%dma_start3A_421, %dma_start3A_422] : memref<10000x128xf32, #tpu.memory_space<hbm>> -> memref<10000x128xf32, #tpu.memory_space<hbm>>
        tpu.enqueue_indirect_dma source(%dma_start3A_423 : memref<10000x128xf32, #tpu.memory_space<hbm>>) target(%arg9 : memref<125x128xf32, #tpu.memory_space<vmem>>) offsets(%dma_start3A_420 : memref<125xi32, #tpu.memory_space<vmem>>) semaphore(%arg12 : memref<!tpu.dma_semaphore, #tpu.memory_space<semaphore_mem>>)
      } else {
      }
      %mul3A_335 = arith.constant 4 : i32
      %mul3A_336 = arith.muli %mul3A_335, %scan3A_224 : i32
      %add3A_337 = arith.constant 3 : i32
      %add3A_338 = arith.addi %mul3A_336, %add3A_337 : i32
      %dma_wait3A_339 = arith.constant 3 : i32
      %dma_wait3A_340 = arith.constant 0 : i32
      %dma_wait3A_341 = tpu.memref_slice %arg6[%dma_wait3A_339, %dma_wait3A_340] : memref<4x125xi32, #tpu.memory_space<vmem>> -> memref<1x125xi32, #tpu.memory_space<vmem>>
      %dma_wait3A_342 = tpu.memref_squeeze %dma_wait3A_341 : memref<1x125xi32, #tpu.memory_space<vmem>> -> memref<125xi32, #tpu.memory_space<vmem>>
      %dma_wait3A_343 = arith.constant 0 : i32
      %dma_wait3A_344 = arith.constant 0 : i32
      %dma_wait3A_345 = tpu.memref_slice %arg2[%dma_wait3A_343, %dma_wait3A_344] : memref<10000x128xf32, #tpu.memory_space<hbm>> -> memref<10000x128xf32, #tpu.memory_space<hbm>>
      tpu.wait_indirect_dma semaphore(%arg12 : memref<!tpu.dma_semaphore, #tpu.memory_space<semaphore_mem>>) src(%dma_wait3A_345 : memref<10000x128xf32, #tpu.memory_space<hbm>>) dst(%arg9 : memref<125x128xf32, #tpu.memory_space<vmem>>)
      %dma_start3A_346 = arith.constant 3 : i32
      %dma_start3A_347 = arith.constant 0 : i32
      %dma_start3A_348 = tpu.memref_slice %arg7[%dma_start3A_346, %dma_start3A_347] : memref<4x125xi32, #tpu.memory_space<vmem>> -> memref<1x125xi32, #tpu.memory_space<vmem>>
      %dma_start3A_349 = tpu.memref_squeeze %dma_start3A_348 : memref<1x125xi32, #tpu.memory_space<vmem>> -> memref<125xi32, #tpu.memory_space<vmem>>
      %dma_start3A_350 = arith.constant 0 : i32
      %dma_start3A_351 = arith.constant 0 : i32
      %dma_start3A_352 = tpu.memref_slice %arg10[%dma_start3A_350, %dma_start3A_351] : memref<10000x128xf32, #tpu.memory_space<vmem_shared>> -> memref<10000x128xf32, #tpu.memory_space<vmem_shared>>
      tpu.enqueue_indirect_dma source(%arg9 : memref<125x128xf32, #tpu.memory_space<vmem>>) target(%dma_start3A_352 : memref<10000x128xf32, #tpu.memory_space<vmem_shared>>) offsets(%dma_start3A_349 : memref<125xi32, #tpu.memory_space<vmem>>) semaphore(%arg14 : memref<!tpu.dma_semaphore, #tpu.memory_space<semaphore_mem>>) {add = true}
      %ge3A_353 = arith.constant 1 : i32
      %ge3A_354 = arith.cmpi sge, %add3A_338, %ge3A_353 : i32
      %convert_element_type3A_355 = arith.extui %ge3A_354 : i1 to i32
      %cond3A_356 = arith.constant 0 : i32
      %cond3A_357 = arith.cmpi ne, %convert_element_type3A_355, %cond3A_356 : i32
      scf.if %cond3A_357 {
        %dma_wait3A_373 = arith.constant 2 : i32
        %dma_wait3A_374 = arith.constant 0 : i32
        %dma_wait3A_375 = tpu.memref_slice %arg7[%dma_wait3A_373, %dma_wait3A_374] : memref<4x125xi32, #tpu.memory_space<vmem>> -> memref<1x125xi32, #tpu.memory_space<vmem>>
        %dma_wait3A_376 = tpu.memref_squeeze %dma_wait3A_375 : memref<1x125xi32, #tpu.memory_space<vmem>> -> memref<125xi32, #tpu.memory_space<vmem>>
        %dma_wait3A_377 = arith.constant 0 : i32
        %dma_wait3A_378 = arith.constant 0 : i32
        %dma_wait3A_379 = tpu.memref_slice %arg10[%dma_wait3A_377, %dma_wait3A_378] : memref<10000x128xf32, #tpu.memory_space<vmem_shared>> -> memref<10000x128xf32, #tpu.memory_space<vmem_shared>>
        tpu.wait_indirect_dma semaphore(%arg13 : memref<!tpu.dma_semaphore, #tpu.memory_space<semaphore_mem>>) src(%arg8 : memref<125x128xf32, #tpu.memory_space<vmem>>) dst(%dma_wait3A_379 : memref<10000x128xf32, #tpu.memory_space<vmem_shared>>)
      } else {
      }
      %add3A_358 = arith.constant 3 : i32
      %add3A_359 = arith.addi %add3A_338, %add3A_358 : i32
      %lt3A_360 = arith.constant 160 : i32
      %lt3A_361 = arith.cmpi slt, %add3A_359, %lt3A_360 : i32
      %convert_element_type3A_362 = arith.extui %lt3A_361 : i1 to i32
      %cond3A_363 = arith.constant 0 : i32
      %cond3A_364 = arith.cmpi ne, %convert_element_type3A_362, %cond3A_363 : i32
      scf.if %cond3A_364 {
        %add3A_373 = arith.constant 3 : i32
        %add3A_374 = arith.addi %add3A_338, %add3A_373 : i32
        %dma_start3A_375 = arith.constant 2 : i32
        %dma_start3A_376 = arith.constant 0 : i32
        %dma_start3A_377 = tpu.memref_slice %arg6[%dma_start3A_375, %dma_start3A_376] : memref<4x125xi32, #tpu.memory_space<vmem>> -> memref<1x125xi32, #tpu.memory_space<vmem>>
        %dma_start3A_378 = tpu.memref_squeeze %dma_start3A_377 : memref<1x125xi32, #tpu.memory_space<vmem>> -> memref<125xi32, #tpu.memory_space<vmem>>
        %dma_start3A_379 = arith.constant 0 : i32
        %dma_start3A_380 = arith.constant 0 : i32
        %dma_start3A_381 = tpu.memref_slice %arg3[%arg1, %dma_start3A_379, %dma_start3A_380] : memref<16x160x125xi32, #tpu.memory_space<hbm>> -> memref<1x160x125xi32, #tpu.memory_space<hbm>>
        %dma_start3A_382 = tpu.memref_squeeze %dma_start3A_381 : memref<1x160x125xi32, #tpu.memory_space<hbm>> -> memref<160x125xi32, #tpu.memory_space<hbm>>
        %dma_start3A_383 = arith.constant 0 : i32
        %dma_start3A_384 = tpu.memref_slice %dma_start3A_382[%add3A_374, %dma_start3A_383] : memref<160x125xi32, #tpu.memory_space<hbm>> -> memref<1x125xi32, #tpu.memory_space<hbm>>
        %dma_start3A_385 = tpu.memref_squeeze %dma_start3A_384 : memref<1x125xi32, #tpu.memory_space<hbm>> -> memref<125xi32, #tpu.memory_space<hbm>>
        %dma_start3A_386 = arith.constant 0 : i32
        %dma_start3A_387 = tpu.memref_slice %arg6[%dma_start3A_375, %dma_start3A_386] : memref<4x125xi32, #tpu.memory_space<vmem>> -> memref<1x125xi32, #tpu.memory_space<vmem>>
        %dma_start3A_388 = tpu.memref_squeeze %dma_start3A_387 : memref<1x125xi32, #tpu.memory_space<vmem>> -> memref<125xi32, #tpu.memory_space<vmem>>
        %dma_start3A_389 = arith.constant 0 : i32
        %dma_start3A_390 = arith.constant 0 : i32
        %dma_start3A_391 = tpu.memref_slice %arg3[%arg1, %dma_start3A_389, %dma_start3A_390] : memref<16x160x125xi32, #tpu.memory_space<hbm>> -> memref<1x160x125xi32, #tpu.memory_space<hbm>>
        %dma_start3A_392 = tpu.memref_squeeze %dma_start3A_391 : memref<1x160x125xi32, #tpu.memory_space<hbm>> -> memref<160x125xi32, #tpu.memory_space<hbm>>
        %dma_start3A_393 = arith.constant 0 : i32
        %dma_start3A_394 = tpu.memref_slice %dma_start3A_392[%add3A_374, %dma_start3A_393] : memref<160x125xi32, #tpu.memory_space<hbm>> -> memref<1x125xi32, #tpu.memory_space<hbm>>
        %dma_start3A_395 = tpu.memref_squeeze %dma_start3A_394 : memref<1x125xi32, #tpu.memory_space<hbm>> -> memref<125xi32, #tpu.memory_space<hbm>>
        tpu.enqueue_dma source(%dma_start3A_395 : memref<125xi32, #tpu.memory_space<hbm>>) target(%dma_start3A_388 : memref<125xi32, #tpu.memory_space<vmem>>) target_semaphore(%arg17 : memref<!tpu.dma_semaphore, #tpu.memory_space<semaphore_mem>>)
        %dma_start3A_396 = arith.constant 2 : i32
        %dma_start3A_397 = arith.constant 0 : i32
        %dma_start3A_398 = tpu.memref_slice %arg7[%dma_start3A_396, %dma_start3A_397] : memref<4x125xi32, #tpu.memory_space<vmem>> -> memref<1x125xi32, #tpu.memory_space<vmem>>
        %dma_start3A_399 = tpu.memref_squeeze %dma_start3A_398 : memref<1x125xi32, #tpu.memory_space<vmem>> -> memref<125xi32, #tpu.memory_space<vmem>>
        %dma_start3A_400 = arith.constant 0 : i32
        %dma_start3A_401 = arith.constant 0 : i32
        %dma_start3A_402 = tpu.memref_slice %arg4[%arg1, %dma_start3A_400, %dma_start3A_401] : memref<16x160x125xi32, #tpu.memory_space<hbm>> -> memref<1x160x125xi32, #tpu.memory_space<hbm>>
        %dma_start3A_403 = tpu.memref_squeeze %dma_start3A_402 : memref<1x160x125xi32, #tpu.memory_space<hbm>> -> memref<160x125xi32, #tpu.memory_space<hbm>>
        %dma_start3A_404 = arith.constant 0 : i32
        %dma_start3A_405 = tpu.memref_slice %dma_start3A_403[%add3A_374, %dma_start3A_404] : memref<160x125xi32, #tpu.memory_space<hbm>> -> memref<1x125xi32, #tpu.memory_space<hbm>>
        %dma_start3A_406 = tpu.memref_squeeze %dma_start3A_405 : memref<1x125xi32, #tpu.memory_space<hbm>> -> memref<125xi32, #tpu.memory_space<hbm>>
        %dma_start3A_407 = arith.constant 0 : i32
        %dma_start3A_408 = tpu.memref_slice %arg7[%dma_start3A_396, %dma_start3A_407] : memref<4x125xi32, #tpu.memory_space<vmem>> -> memref<1x125xi32, #tpu.memory_space<vmem>>
        %dma_start3A_409 = tpu.memref_squeeze %dma_start3A_408 : memref<1x125xi32, #tpu.memory_space<vmem>> -> memref<125xi32, #tpu.memory_space<vmem>>
        %dma_start3A_410 = arith.constant 0 : i32
        %dma_start3A_411 = arith.constant 0 : i32
        %dma_start3A_412 = tpu.memref_slice %arg4[%arg1, %dma_start3A_410, %dma_start3A_411] : memref<16x160x125xi32, #tpu.memory_space<hbm>> -> memref<1x160x125xi32, #tpu.memory_space<hbm>>
        %dma_start3A_413 = tpu.memref_squeeze %dma_start3A_412 : memref<1x160x125xi32, #tpu.memory_space<hbm>> -> memref<160x125xi32, #tpu.memory_space<hbm>>
        %dma_start3A_414 = arith.constant 0 : i32
        %dma_start3A_415 = tpu.memref_slice %dma_start3A_413[%add3A_374, %dma_start3A_414] : memref<160x125xi32, #tpu.memory_space<hbm>> -> memref<1x125xi32, #tpu.memory_space<hbm>>
        %dma_start3A_416 = tpu.memref_squeeze %dma_start3A_415 : memref<1x125xi32, #tpu.memory_space<hbm>> -> memref<125xi32, #tpu.memory_space<hbm>>
        tpu.enqueue_dma source(%dma_start3A_416 : memref<125xi32, #tpu.memory_space<hbm>>) target(%dma_start3A_409 : memref<125xi32, #tpu.memory_space<vmem>>) target_semaphore(%arg17 : memref<!tpu.dma_semaphore, #tpu.memory_space<semaphore_mem>>)
      } else {
      }
      %add3A_365 = arith.constant 1 : i32
      %add3A_366 = arith.addi %add3A_338, %add3A_365 : i32
      %lt3A_367 = arith.constant 160 : i32
      %lt3A_368 = arith.cmpi slt, %add3A_366, %lt3A_367 : i32
      %convert_element_type3A_369 = arith.extui %lt3A_368 : i1 to i32
      %cond3A_370 = arith.constant 0 : i32
      %cond3A_371 = arith.cmpi ne, %convert_element_type3A_369, %cond3A_370 : i32
      scf.if %cond3A_371 {
        %dma_wait3A_373 = arith.constant 0 : i32
        %dma_wait3A_374 = arith.constant 0 : i32
        %dma_wait3A_375 = arith.constant 0 : i32
        %dma_wait3A_376 = tpu.memref_slice %arg6[%dma_wait3A_374, %dma_wait3A_375] : memref<4x125xi32, #tpu.memory_space<vmem>> -> memref<1x125xi32, #tpu.memory_space<vmem>>
        %dma_wait3A_377 = tpu.memref_squeeze %dma_wait3A_376 : memref<1x125xi32, #tpu.memory_space<vmem>> -> memref<125xi32, #tpu.memory_space<vmem>>
        %dma_wait3A_378 = arith.constant 0 : i32
        %dma_wait3A_379 = arith.constant 0 : i32
        %dma_wait3A_380 = tpu.memref_slice %arg3[%arg1, %dma_wait3A_378, %dma_wait3A_379] : memref<16x160x125xi32, #tpu.memory_space<hbm>> -> memref<1x160x125xi32, #tpu.memory_space<hbm>>
        %dma_wait3A_381 = tpu.memref_squeeze %dma_wait3A_380 : memref<1x160x125xi32, #tpu.memory_space<hbm>> -> memref<160x125xi32, #tpu.memory_space<hbm>>
        %dma_wait3A_382 = arith.constant 0 : i32
        %dma_wait3A_383 = tpu.memref_slice %dma_wait3A_381[%dma_wait3A_373, %dma_wait3A_382] : memref<160x125xi32, #tpu.memory_space<hbm>> -> memref<1x125xi32, #tpu.memory_space<hbm>>
        %dma_wait3A_384 = tpu.memref_squeeze %dma_wait3A_383 : memref<1x125xi32, #tpu.memory_space<hbm>> -> memref<125xi32, #tpu.memory_space<hbm>>
        %dma_wait3A_385 = arith.constant 0 : i32
        %dma_wait3A_386 = tpu.memref_slice %arg6[%dma_wait3A_374, %dma_wait3A_385] : memref<4x125xi32, #tpu.memory_space<vmem>> -> memref<1x125xi32, #tpu.memory_space<vmem>>
        %dma_wait3A_387 = tpu.memref_squeeze %dma_wait3A_386 : memref<1x125xi32, #tpu.memory_space<vmem>> -> memref<125xi32, #tpu.memory_space<vmem>>
        %dma_wait3A_388 = arith.constant 0 : i32
        %dma_wait3A_389 = arith.constant 0 : i32
        %dma_wait3A_390 = tpu.memref_slice %arg3[%arg1, %dma_wait3A_388, %dma_wait3A_389] : memref<16x160x125xi32, #tpu.memory_space<hbm>> -> memref<1x160x125xi32, #tpu.memory_space<hbm>>
        %dma_wait3A_391 = tpu.memref_squeeze %dma_wait3A_390 : memref<1x160x125xi32, #tpu.memory_space<hbm>> -> memref<160x125xi32, #tpu.memory_space<hbm>>
        %dma_wait3A_392 = arith.constant 0 : i32
        %dma_wait3A_393 = tpu.memref_slice %dma_wait3A_391[%dma_wait3A_373, %dma_wait3A_392] : memref<160x125xi32, #tpu.memory_space<hbm>> -> memref<1x125xi32, #tpu.memory_space<hbm>>
        %dma_wait3A_394 = tpu.memref_squeeze %dma_wait3A_393 : memref<1x125xi32, #tpu.memory_space<hbm>> -> memref<125xi32, #tpu.memory_space<hbm>>
        tpu.wait_dma2 semaphore(%arg15 : memref<!tpu.dma_semaphore, #tpu.memory_space<semaphore_mem>>) src(%dma_wait3A_394 : memref<125xi32, #tpu.memory_space<hbm>>) dst(%dma_wait3A_387 : memref<125xi32, #tpu.memory_space<vmem>>)
        %dma_wait3A_395 = arith.constant 0 : i32
        %dma_wait3A_396 = arith.constant 0 : i32
        %dma_wait3A_397 = arith.constant 0 : i32
        %dma_wait3A_398 = tpu.memref_slice %arg7[%dma_wait3A_396, %dma_wait3A_397] : memref<4x125xi32, #tpu.memory_space<vmem>> -> memref<1x125xi32, #tpu.memory_space<vmem>>
        %dma_wait3A_399 = tpu.memref_squeeze %dma_wait3A_398 : memref<1x125xi32, #tpu.memory_space<vmem>> -> memref<125xi32, #tpu.memory_space<vmem>>
        %dma_wait3A_400 = arith.constant 0 : i32
        %dma_wait3A_401 = arith.constant 0 : i32
        %dma_wait3A_402 = tpu.memref_slice %arg4[%arg1, %dma_wait3A_400, %dma_wait3A_401] : memref<16x160x125xi32, #tpu.memory_space<hbm>> -> memref<1x160x125xi32, #tpu.memory_space<hbm>>
        %dma_wait3A_403 = tpu.memref_squeeze %dma_wait3A_402 : memref<1x160x125xi32, #tpu.memory_space<hbm>> -> memref<160x125xi32, #tpu.memory_space<hbm>>
        %dma_wait3A_404 = arith.constant 0 : i32
        %dma_wait3A_405 = tpu.memref_slice %dma_wait3A_403[%dma_wait3A_395, %dma_wait3A_404] : memref<160x125xi32, #tpu.memory_space<hbm>> -> memref<1x125xi32, #tpu.memory_space<hbm>>
        %dma_wait3A_406 = tpu.memref_squeeze %dma_wait3A_405 : memref<1x125xi32, #tpu.memory_space<hbm>> -> memref<125xi32, #tpu.memory_space<hbm>>
        %dma_wait3A_407 = arith.constant 0 : i32
        %dma_wait3A_408 = tpu.memref_slice %arg7[%dma_wait3A_396, %dma_wait3A_407] : memref<4x125xi32, #tpu.memory_space<vmem>> -> memref<1x125xi32, #tpu.memory_space<vmem>>
        %dma_wait3A_409 = tpu.memref_squeeze %dma_wait3A_408 : memref<1x125xi32, #tpu.memory_space<vmem>> -> memref<125xi32, #tpu.memory_space<vmem>>
        %dma_wait3A_410 = arith.constant 0 : i32
        %dma_wait3A_411 = arith.constant 0 : i32
        %dma_wait3A_412 = tpu.memref_slice %arg4[%arg1, %dma_wait3A_410, %dma_wait3A_411] : memref<16x160x125xi32, #tpu.memory_space<hbm>> -> memref<1x160x125xi32, #tpu.memory_space<hbm>>
        %dma_wait3A_413 = tpu.memref_squeeze %dma_wait3A_412 : memref<1x160x125xi32, #tpu.memory_space<hbm>> -> memref<160x125xi32, #tpu.memory_space<hbm>>
        %dma_wait3A_414 = arith.constant 0 : i32
        %dma_wait3A_415 = tpu.memref_slice %dma_wait3A_413[%dma_wait3A_395, %dma_wait3A_414] : memref<160x125xi32, #tpu.memory_space<hbm>> -> memref<1x125xi32, #tpu.memory_space<hbm>>
        %dma_wait3A_416 = tpu.memref_squeeze %dma_wait3A_415 : memref<1x125xi32, #tpu.memory_space<hbm>> -> memref<125xi32, #tpu.memory_space<hbm>>
        tpu.wait_dma2 semaphore(%arg15 : memref<!tpu.dma_semaphore, #tpu.memory_space<semaphore_mem>>) src(%dma_wait3A_416 : memref<125xi32, #tpu.memory_space<hbm>>) dst(%dma_wait3A_409 : memref<125xi32, #tpu.memory_space<vmem>>)
        %dma_start3A_417 = arith.constant 0 : i32
        %dma_start3A_418 = arith.constant 0 : i32
        %dma_start3A_419 = tpu.memref_slice %arg6[%dma_start3A_417, %dma_start3A_418] : memref<4x125xi32, #tpu.memory_space<vmem>> -> memref<1x125xi32, #tpu.memory_space<vmem>>
        %dma_start3A_420 = tpu.memref_squeeze %dma_start3A_419 : memref<1x125xi32, #tpu.memory_space<vmem>> -> memref<125xi32, #tpu.memory_space<vmem>>
        %dma_start3A_421 = arith.constant 0 : i32
        %dma_start3A_422 = arith.constant 0 : i32
        %dma_start3A_423 = tpu.memref_slice %arg2[%dma_start3A_421, %dma_start3A_422] : memref<10000x128xf32, #tpu.memory_space<hbm>> -> memref<10000x128xf32, #tpu.memory_space<hbm>>
        tpu.enqueue_indirect_dma source(%dma_start3A_423 : memref<10000x128xf32, #tpu.memory_space<hbm>>) target(%arg8 : memref<125x128xf32, #tpu.memory_space<vmem>>) offsets(%dma_start3A_420 : memref<125xi32, #tpu.memory_space<vmem>>) semaphore(%arg11 : memref<!tpu.dma_semaphore, #tpu.memory_space<semaphore_mem>>)
      } else {
      }
      %scan3A_372 = arith.constant 0 : i32
      scf.yield %scan3A_372 : i32
    }
    %scan3A_210 = arith.constant 40 : i32
    %dma_wait3A_211 = arith.constant 3 : i32
    %dma_wait3A_212 = arith.constant 0 : i32
    %dma_wait3A_213 = tpu.memref_slice %arg7[%dma_wait3A_211, %dma_wait3A_212] : memref<4x125xi32, #tpu.memory_space<vmem>> -> memref<1x125xi32, #tpu.memory_space<vmem>>
    %dma_wait3A_214 = tpu.memref_squeeze %dma_wait3A_213 : memref<1x125xi32, #tpu.memory_space<vmem>> -> memref<125xi32, #tpu.memory_space<vmem>>
    %dma_wait3A_215 = arith.constant 0 : i32
    %dma_wait3A_216 = arith.constant 0 : i32
    %dma_wait3A_217 = tpu.memref_slice %arg10[%dma_wait3A_215, %dma_wait3A_216] : memref<10000x128xf32, #tpu.memory_space<vmem_shared>> -> memref<10000x128xf32, #tpu.memory_space<vmem_shared>>
    tpu.wait_indirect_dma semaphore(%arg14 : memref<!tpu.dma_semaphore, #tpu.memory_space<semaphore_mem>>) src(%arg9 : memref<125x128xf32, #tpu.memory_space<vmem>>) dst(%dma_wait3A_217 : memref<10000x128xf32, #tpu.memory_space<vmem_shared>>)
    %barrier3A_218 = arith.constant 0 : index
    tpu.barrier barrier_id(%barrier3A_218)
    %run_scoped3A = arith.constant 0 : i32
    "tpu.region"() ({
      %run_scoped3A_224 = tpu.sem_alloc : memref<!tpu.dma_semaphore, #tpu.memory_space<semaphore_mem>>
      %dma_start3A_225 = arith.constant 0 : i32
      %dma_start3A_226 = arith.constant 0 : i32
      %dma_start3A_227 = tpu.memref_slice %arg5[%run_scoped3A, %dma_start3A_225, %dma_start3A_226] : memref<1x10000x128xf32, #tpu.memory_space<hbm>> -> memref<1x10000x128xf32, #tpu.memory_space<hbm>>
      %dma_start3A_228 = tpu.memref_squeeze %dma_start3A_227 : memref<1x10000x128xf32, #tpu.memory_space<hbm>> -> memref<10000x128xf32, #tpu.memory_space<hbm>>
      %dma_start3A_229 = arith.constant 0 : i32
      %dma_start3A_230 = tpu.memref_slice %dma_start3A_228[%multiple_of3A, %dma_start3A_229] : memref<10000x128xf32, #tpu.memory_space<hbm>> -> memref<624x128xf32, #tpu.memory_space<hbm>>
      %dma_start3A_231 = arith.constant 0 : i32
      %dma_start3A_232 = tpu.memref_slice %arg10[%multiple_of3A, %dma_start3A_231] : memref<10000x128xf32, #tpu.memory_space<vmem_shared>> -> memref<624x128xf32, #tpu.memory_space<vmem_shared>>
      tpu.enqueue_dma source(%dma_start3A_232 : memref<624x128xf32, #tpu.memory_space<vmem_shared>>) target(%dma_start3A_230 : memref<624x128xf32, #tpu.memory_space<hbm>>) target_semaphore(%run_scoped3A_224 : memref<!tpu.dma_semaphore, #tpu.memory_space<semaphore_mem>>)
      %dma_wait3A_233 = arith.constant 0 : i32
      %dma_wait3A_234 = arith.constant 0 : i32
      %dma_wait3A_235 = tpu.memref_slice %arg5[%run_scoped3A, %dma_wait3A_233, %dma_wait3A_234] : memref<1x10000x128xf32, #tpu.memory_space<hbm>> -> memref<1x10000x128xf32, #tpu.memory_space<hbm>>
      %dma_wait3A_236 = tpu.memref_squeeze %dma_wait3A_235 : memref<1x10000x128xf32, #tpu.memory_space<hbm>> -> memref<10000x128xf32, #tpu.memory_space<hbm>>
      %dma_wait3A_237 = arith.constant 0 : i32
      %dma_wait3A_238 = tpu.memref_slice %dma_wait3A_236[%multiple_of3A, %dma_wait3A_237] : memref<10000x128xf32, #tpu.memory_space<hbm>> -> memref<624x128xf32, #tpu.memory_space<hbm>>
      %dma_wait3A_239 = arith.constant 0 : i32
      %dma_wait3A_240 = tpu.memref_slice %arg10[%multiple_of3A, %dma_wait3A_239] : memref<10000x128xf32, #tpu.memory_space<vmem_shared>> -> memref<624x128xf32, #tpu.memory_space<vmem_shared>>
      tpu.wait_dma2 semaphore(%run_scoped3A_224 : memref<!tpu.dma_semaphore, #tpu.memory_space<semaphore_mem>>) src(%dma_wait3A_240 : memref<624x128xf32, #tpu.memory_space<vmem_shared>>) dst(%dma_wait3A_238 : memref<624x128xf32, #tpu.memory_space<hbm>>)
      tpu.yield
    }) : () -> ()
    %eq3A_219 = arith.constant 0 : i32
    %eq3A_220 = arith.cmpi eq, %arg1, %eq3A_219 : i32
    %convert_element_type3A_221 = arith.extui %eq3A_220 : i1 to i32
    %cond3A_222 = arith.constant 0 : i32
    %cond3A_223 = arith.cmpi ne, %convert_element_type3A_221, %cond3A_222 : i32
    scf.if %cond3A_223 {
      %run_scoped3A_224 = arith.constant 0 : i32
      "tpu.region"() ({
        %run_scoped3A_225 = tpu.sem_alloc : memref<!tpu.dma_semaphore, #tpu.memory_space<semaphore_mem>>
        %dma_start3A_226 = arith.constant 0 : i32
        %dma_start3A_227 = arith.constant 0 : i32
        %dma_start3A_228 = tpu.memref_slice %arg5[%run_scoped3A_224, %dma_start3A_226, %dma_start3A_227] : memref<1x10000x128xf32, #tpu.memory_space<hbm>> -> memref<1x10000x128xf32, #tpu.memory_space<hbm>>
        %dma_start3A_229 = tpu.memref_squeeze %dma_start3A_228 : memref<1x10000x128xf32, #tpu.memory_space<hbm>> -> memref<10000x128xf32, #tpu.memory_space<hbm>>
        %dma_start3A_230 = arith.constant 9984 : i32
        %dma_start3A_231 = arith.constant 0 : i32
        %dma_start3A_232 = tpu.memref_slice %dma_start3A_229[%dma_start3A_230, %dma_start3A_231] : memref<10000x128xf32, #tpu.memory_space<hbm>> -> memref<16x128xf32, #tpu.memory_space<hbm>>
        %dma_start3A_233 = arith.constant 9984 : i32
        %dma_start3A_234 = arith.constant 0 : i32
        %dma_start3A_235 = tpu.memref_slice %arg10[%dma_start3A_233, %dma_start3A_234] : memref<10000x128xf32, #tpu.memory_space<vmem_shared>> -> memref<16x128xf32, #tpu.memory_space<vmem_shared>>
        tpu.enqueue_dma source(%dma_start3A_235 : memref<16x128xf32, #tpu.memory_space<vmem_shared>>) target(%dma_start3A_232 : memref<16x128xf32, #tpu.memory_space<hbm>>) target_semaphore(%run_scoped3A_225 : memref<!tpu.dma_semaphore, #tpu.memory_space<semaphore_mem>>)
        %dma_wait3A_236 = arith.constant 0 : i32
        %dma_wait3A_237 = arith.constant 0 : i32
        %dma_wait3A_238 = tpu.memref_slice %arg5[%run_scoped3A_224, %dma_wait3A_236, %dma_wait3A_237] : memref<1x10000x128xf32, #tpu.memory_space<hbm>> -> memref<1x10000x128xf32, #tpu.memory_space<hbm>>
        %dma_wait3A_239 = tpu.memref_squeeze %dma_wait3A_238 : memref<1x10000x128xf32, #tpu.memory_space<hbm>> -> memref<10000x128xf32, #tpu.memory_space<hbm>>
        %dma_wait3A_240 = arith.constant 9984 : i32
        %dma_wait3A_241 = arith.constant 0 : i32
        %dma_wait3A_242 = tpu.memref_slice %dma_wait3A_239[%dma_wait3A_240, %dma_wait3A_241] : memref<10000x128xf32, #tpu.memory_space<hbm>> -> memref<16x128xf32, #tpu.memory_space<hbm>>
        %dma_wait3A_243 = arith.constant 9984 : i32
        %dma_wait3A_244 = arith.constant 0 : i32
        %dma_wait3A_245 = tpu.memref_slice %arg10[%dma_wait3A_243, %dma_wait3A_244] : memref<10000x128xf32, #tpu.memory_space<vmem_shared>> -> memref<16x128xf32, #tpu.memory_space<vmem_shared>>
        tpu.wait_dma2 semaphore(%run_scoped3A_225 : memref<!tpu.dma_semaphore, #tpu.memory_space<semaphore_mem>>) src(%dma_wait3A_245 : memref<16x128xf32, #tpu.memory_space<vmem_shared>>) dst(%dma_wait3A_242 : memref<16x128xf32, #tpu.memory_space<hbm>>)
        tpu.yield
      }) : () -> ()
    } else {
    }
    return
  }
}

module attributes {stable_mosaic.version = 14 : i64} {
  func.func @body(%arg0: i32, %arg1: memref<1000x128xf32, #tpu.memory_space<vmem>>, %arg2: memref<128x128xf32, #tpu.memory_space<vmem>>, %arg3: memref<1x1000x128xf32, #tpu.memory_space<vmem>>, %arg4: memref<1000x128xf32, #tpu.memory_space<vmem>>) attributes {dimension_semantics = [#tpu.dimension_semantics<arbitrary>], iteration_bounds = array<i64: 10>, scalar_prefetch = 0 : i64, scratch_operands = 0 : i64, tpu.core_type = #tpu.core_type<tc>, window_params = [{transform_indices = @transform_0, window_bounds = array<i64: 1000, 128>}, {pipeline_mode = #tpu.pipeline_mode<synchronous>, transform_indices = @transform_1, window_bounds = array<i64: 128, 128>}, {transform_indices = @transform_2, window_bounds = array<i64: 1, 1000, 128>}, {transform_indices = @transform_3, window_bounds = array<i64: 1000, 128>}]} {
    %get3A = arith.constant 0 : index
    %get3A_0 = arith.constant 0 : index
    %get3A_1 = vector.load %arg1[%get3A, %get3A_0] : memref<1000x128xf32, #tpu.memory_space<vmem>>, vector<1000x128xf32>
    %get3A_2 = arith.constant 0 : index
    %get3A_3 = arith.constant 0 : index
    %get3A_4 = vector.load %arg2[%get3A_2, %get3A_3] : memref<128x128xf32, #tpu.memory_space<vmem>>, vector<128x128xf32>
    %dot_general3A = arith.constant dense<0.000000e+00> : vector<1000x128xf32>
    %dot_general3A_5 = tpu.matmul %get3A_1, %get3A_4, %dot_general3A {dimension_numbers = #tpu.dot_dimension_numbers<[1], [0], [0], [1], [0, 0, 1, 1], [], []>, precision = #tpu.contract_precision<fp32>, transpose_lhs_hint = false} : vector<1000x128xf32>, vector<128x128xf32>, vector<1000x128xf32> -> vector<1000x128xf32>
    %get3A_6 = arith.constant 0 : index
    %get3A_7 = arith.constant 0 : index
    %get3A_8 = arith.constant 0 : index
    %get3A_9 = vector.load %arg3[%get3A_6, %get3A_7, %get3A_8] : memref<1x1000x128xf32, #tpu.memory_space<vmem>>, vector<1x1000x128xf32>
    %get3A_10 = vector.shape_cast %get3A_9 : vector<1x1000x128xf32> to vector<1000x128xf32>
    %slice3A = vector.extract_strided_slice %get3A_10 {offsets = [0, 0], sizes = [1000, 1], strides = [1, 1]} : vector<1000x128xf32> to vector<1000x1xf32>
    %add3A = arith.constant 1.000000e+00 : f32
    %add3A_11 = vector.broadcast %add3A : f32 to vector<1000x1xf32>
    %add3A_12 = arith.addf %slice3A, %add3A_11 : vector<1000x1xf32>
    %rsqrt3A = math.rsqrt %add3A_12 : vector<1000x1xf32>
    %mul3A = vector.broadcast %rsqrt3A : vector<1000x1xf32> to vector<1000x128xf32>
    %mul3A_13 = arith.mulf %dot_general3A_5, %mul3A : vector<1000x128xf32>
    %swap3A = arith.constant 0 : index
    %swap3A_14 = arith.constant 0 : index
    %swap3A_15 = vector.load %arg4[%swap3A, %swap3A_14] : memref<1000x128xf32, #tpu.memory_space<vmem>>, vector<1000x128xf32>
    tpu.vector_store %arg4[%swap3A, %swap3A_14], %mul3A_13 {strides = array<i32>} : memref<1000x128xf32, #tpu.memory_space<vmem>>, vector<1000x128xf32>,
    return
  }
  func.func @transform_0(%arg0: i32) -> (i32, i32) {
    %c0_i32 = arith.constant 0 : i32
    %c0_i32_0 = arith.constant 0 : i32
    return %arg0, %c0_i32 : i32, i32
  }
  func.func @transform_1(%arg0: i32) -> (i32, i32) {
    %c0_i32 = arith.constant 0 : i32
    %c0_i32_0 = arith.constant 0 : i32
    %c0_i32_1 = arith.constant 0 : i32
    return %c0_i32, %c0_i32_0 : i32, i32
  }
  func.func @transform_2(%arg0: i32) -> (i32, i32, i32) {
    %c0_i32 = arith.constant 0 : i32
    %c0_i32_0 = arith.constant 0 : i32
    %c0_i32_1 = arith.constant 0 : i32
    return %c0_i32, %arg0, %c0_i32_0 : i32, i32, i32
  }
  func.func @transform_3(%arg0: i32) -> (i32, i32) {
    %c0_i32 = arith.constant 0 : i32
    %c0_i32_0 = arith.constant 0 : i32
    return %arg0, %c0_i32 : i32, i32
  }
}

module attributes {stable_mosaic.version = 14 : i64} {
  func.func @body(%arg0: i32, %arg1: memref<1x1000x128xf32, #tpu.memory_space<vmem>>, %arg2: memref<1000x128xf32, #tpu.memory_space<vmem>>, %arg3: memref<1x1000x128xf32, #tpu.memory_space<vmem>>, %arg4: memref<1x128xf32, #tpu.memory_space<vmem>>, %arg5: memref<128x128xf32, #tpu.memory_space<vmem>>, %arg6: memref<1000x128xf32, #tpu.memory_space<vmem>>) attributes {dimension_semantics = [#tpu.dimension_semantics<arbitrary>], iteration_bounds = array<i64: 10>, scalar_prefetch = 0 : i64, scratch_operands = 0 : i64, tpu.core_type = #tpu.core_type<tc>, window_params = [{transform_indices = @transform_0, window_bounds = array<i64: 1, 1000, 128>}, {transform_indices = @transform_1, window_bounds = array<i64: 1000, 128>}, {transform_indices = @transform_2, window_bounds = array<i64: 1, 1000, 128>}, {pipeline_mode = #tpu.pipeline_mode<synchronous>, transform_indices = @transform_3, window_bounds = array<i64: 1, 128>}, {pipeline_mode = #tpu.pipeline_mode<synchronous>, transform_indices = @transform_4, window_bounds = array<i64: 128, 128>}, {transform_indices = @transform_5, window_bounds = array<i64: 1000, 128>}]} {
    %get3A = arith.constant 0 : index
    %get3A_0 = arith.constant 0 : index
    %get3A_1 = arith.constant 0 : index
    %get3A_2 = vector.load %arg3[%get3A, %get3A_0, %get3A_1] : memref<1x1000x128xf32, #tpu.memory_space<vmem>>, vector<1x1000x128xf32>
    %get3A_3 = vector.shape_cast %get3A_2 : vector<1x1000x128xf32> to vector<1000x128xf32>
    %slice3A = vector.extract_strided_slice %get3A_3 {offsets = [0, 0], sizes = [1000, 1], strides = [1, 1]} : vector<1000x128xf32> to vector<1000x1xf32>
    %add3A = arith.constant 1.000000e+00 : f32
    %add3A_4 = vector.broadcast %add3A : f32 to vector<1000x1xf32>
    %add3A_5 = arith.addf %slice3A, %add3A_4 : vector<1000x1xf32>
    %rsqrt3A = math.rsqrt %add3A_5 : vector<1000x1xf32>
    %get3A_6 = arith.constant 0 : index
    %get3A_7 = arith.constant 0 : index
    %get3A_8 = arith.constant 0 : index
    %get3A_9 = vector.load %arg1[%get3A_6, %get3A_7, %get3A_8] : memref<1x1000x128xf32, #tpu.memory_space<vmem>>, vector<1x1000x128xf32>
    %get3A_10 = vector.shape_cast %get3A_9 : vector<1x1000x128xf32> to vector<1000x128xf32>
    %get3A_11 = arith.constant 0 : index
    %get3A_12 = arith.constant 0 : index
    %get3A_13 = vector.load %arg2[%get3A_11, %get3A_12] : memref<1000x128xf32, #tpu.memory_space<vmem>>, vector<1000x128xf32>
    %add3A_14 = arith.addf %get3A_10, %get3A_13 : vector<1000x128xf32>
    %mul3A = vector.broadcast %rsqrt3A : vector<1000x1xf32> to vector<1000x128xf32>
    %mul3A_15 = arith.mulf %mul3A, %add3A_14 : vector<1000x128xf32>
    %get3A_16 = arith.constant 0 : index
    %get3A_17 = arith.constant 0 : index
    %get3A_18 = vector.load %arg4[%get3A_16, %get3A_17] : memref<1x128xf32, #tpu.memory_space<vmem>>, vector<1x128xf32>
    %add3A_19 = vector.broadcast %get3A_18 : vector<1x128xf32> to vector<1000x128xf32>
    %add3A_20 = arith.addf %mul3A_15, %add3A_19 : vector<1000x128xf32>
    %max3A = arith.constant 0.000000e+00 : f32
    %max3A_21 = vector.broadcast %max3A : f32 to vector<1000x128xf32>
    %max3A_22 = arith.maximumf %add3A_20, %max3A_21 : vector<1000x128xf32>
    %get3A_23 = arith.constant 0 : index
    %get3A_24 = arith.constant 0 : index
    %get3A_25 = vector.load %arg5[%get3A_23, %get3A_24] : memref<128x128xf32, #tpu.memory_space<vmem>>, vector<128x128xf32>
    %dot_general3A = arith.constant dense<0.000000e+00> : vector<1000x128xf32>
    %dot_general3A_26 = tpu.matmul %max3A_22, %get3A_25, %dot_general3A {dimension_numbers = #tpu.dot_dimension_numbers<[1], [0], [0], [1], [0, 0, 1, 1], [], []>, precision = #tpu.contract_precision<fp32>, transpose_lhs_hint = false} : vector<1000x128xf32>, vector<128x128xf32>, vector<1000x128xf32> -> vector<1000x128xf32>
    %mul3A_27 = vector.broadcast %rsqrt3A : vector<1000x1xf32> to vector<1000x128xf32>
    %mul3A_28 = arith.mulf %dot_general3A_26, %mul3A_27 : vector<1000x128xf32>
    %swap3A = arith.constant 0 : index
    %swap3A_29 = arith.constant 0 : index
    %swap3A_30 = vector.load %arg6[%swap3A, %swap3A_29] : memref<1000x128xf32, #tpu.memory_space<vmem>>, vector<1000x128xf32>
    tpu.vector_store %arg6[%swap3A, %swap3A_29], %mul3A_28 {strides = array<i32>} : memref<1000x128xf32, #tpu.memory_space<vmem>>, vector<1000x128xf32>,
    return
  }
  func.func @transform_0(%arg0: i32) -> (i32, i32, i32) {
    %c0_i32 = arith.constant 0 : i32
    %c0_i32_0 = arith.constant 0 : i32
    %c0_i32_1 = arith.constant 0 : i32
    return %c0_i32, %arg0, %c0_i32_0 : i32, i32, i32
  }
  func.func @transform_1(%arg0: i32) -> (i32, i32) {
    %c0_i32 = arith.constant 0 : i32
    %c0_i32_0 = arith.constant 0 : i32
    return %arg0, %c0_i32 : i32, i32
  }
  func.func @transform_2(%arg0: i32) -> (i32, i32, i32) {
    %c0_i32 = arith.constant 0 : i32
    %c0_i32_0 = arith.constant 0 : i32
    %c0_i32_1 = arith.constant 0 : i32
    return %c0_i32, %arg0, %c0_i32_0 : i32, i32, i32
  }
  func.func @transform_3(%arg0: i32) -> (i32, i32) {
    %c0_i32 = arith.constant 0 : i32
    %c0_i32_0 = arith.constant 0 : i32
    %c0_i32_1 = arith.constant 0 : i32
    return %c0_i32, %c0_i32_0 : i32, i32
  }
  func.func @transform_4(%arg0: i32) -> (i32, i32) {
    %c0_i32 = arith.constant 0 : i32
    %c0_i32_0 = arith.constant 0 : i32
    %c0_i32_1 = arith.constant 0 : i32
    return %c0_i32, %c0_i32_0 : i32, i32
  }
  func.func @transform_5(%arg0: i32) -> (i32, i32) {
    %c0_i32 = arith.constant 0 : i32
    %c0_i32_0 = arith.constant 0 : i32
    return %arg0, %c0_i32 : i32, i32
  }
}

module attributes {stable_mosaic.version = 14 : i64} {
  func.func @body(%arg0: i32, %arg1: memref<1x1000x128xf32, #tpu.memory_space<vmem>>, %arg2: memref<1000x128xf32, #tpu.memory_space<vmem>>, %arg3: memref<1x1000x128xf32, #tpu.memory_space<vmem>>, %arg4: memref<1x128xf32, #tpu.memory_space<vmem>>, %arg5: memref<1x1x1000xi32, #tpu.memory_space<vmem>>, %arg6: memref<128x128xf32, #tpu.memory_space<vmem>>, %arg7: memref<1x128xf32, #tpu.memory_space<vmem>>, %arg8: memref<16x128xf32, #tpu.memory_space<vmem>>, %arg9: memref<16x128xf32, #tpu.memory_space<vmem>>, %arg10: memref<16x128xf32, #tpu.memory_space<vmem>>) attributes {dimension_semantics = [#tpu.dimension_semantics<arbitrary>], iteration_bounds = array<i64: 10>, scalar_prefetch = 0 : i64, scratch_operands = 2 : i64, tpu.core_type = #tpu.core_type<tc>, window_params = [{transform_indices = @transform_0, window_bounds = array<i64: 1, 1000, 128>}, {transform_indices = @transform_1, window_bounds = array<i64: 1000, 128>}, {transform_indices = @transform_2, window_bounds = array<i64: 1, 1000, 128>}, {pipeline_mode = #tpu.pipeline_mode<synchronous>, transform_indices = @transform_3, window_bounds = array<i64: 1, 128>}, {transform_indices = @transform_4, window_bounds = array<i64: 1, 1, 1000>}, {pipeline_mode = #tpu.pipeline_mode<synchronous>, transform_indices = @transform_5, window_bounds = array<i64: 128, 128>}, {pipeline_mode = #tpu.pipeline_mode<synchronous>, transform_indices = @transform_6, window_bounds = array<i64: 1, 128>}, {pipeline_mode = #tpu.pipeline_mode<synchronous>, transform_indices = @transform_7, window_bounds = array<i64: 16, 128>}]} {
    %eq3A = arith.constant 0 : i32
    %eq3A_0 = arith.cmpi eq, %arg0, %eq3A : i32
    %convert_element_type3A = arith.extui %eq3A_0 : i1 to i32
    %cond3A = arith.constant 0 : i32
    %cond3A_1 = arith.cmpi ne, %convert_element_type3A, %cond3A : i32
    scf.if %cond3A_1 {
      %broadcast_in_dim3A_55 = arith.constant 0.000000e+00 : f32
      %broadcast_in_dim3A_56 = vector.broadcast %broadcast_in_dim3A_55 : f32 to vector<16x128xf32>
      %swap3A_57 = arith.constant 0 : index
      %swap3A_58 = arith.constant 0 : index
      %swap3A_59 = vector.load %arg9[%swap3A_57, %swap3A_58] : memref<16x128xf32, #tpu.memory_space<vmem>>, vector<16x128xf32>
      tpu.vector_store %arg9[%swap3A_57, %swap3A_58], %broadcast_in_dim3A_56 {strides = array<i32>} : memref<16x128xf32, #tpu.memory_space<vmem>>, vector<16x128xf32>,
      %broadcast_in_dim3A_60 = arith.constant 0.000000e+00 : f32
      %broadcast_in_dim3A_61 = vector.broadcast %broadcast_in_dim3A_60 : f32 to vector<16x128xf32>
      %swap3A_62 = arith.constant 0 : index
      %swap3A_63 = arith.constant 0 : index
      %swap3A_64 = vector.load %arg10[%swap3A_62, %swap3A_63] : memref<16x128xf32, #tpu.memory_space<vmem>>, vector<16x128xf32>
      tpu.vector_store %arg10[%swap3A_62, %swap3A_63], %broadcast_in_dim3A_61 {strides = array<i32>} : memref<16x128xf32, #tpu.memory_space<vmem>>, vector<16x128xf32>,
    } else {
    }
    %get3A = arith.constant 0 : index
    %get3A_2 = arith.constant 0 : index
    %get3A_3 = arith.constant 0 : index
    %get3A_4 = vector.load %arg1[%get3A, %get3A_2, %get3A_3] : memref<1x1000x128xf32, #tpu.memory_space<vmem>>, vector<1x1000x128xf32>
    %get3A_5 = vector.shape_cast %get3A_4 : vector<1x1000x128xf32> to vector<1000x128xf32>
    %get3A_6 = arith.constant 0 : index
    %get3A_7 = arith.constant 0 : index
    %get3A_8 = vector.load %arg2[%get3A_6, %get3A_7] : memref<1000x128xf32, #tpu.memory_space<vmem>>, vector<1000x128xf32>
    %add3A = arith.addf %get3A_5, %get3A_8 : vector<1000x128xf32>
    %get3A_9 = arith.constant 0 : index
    %get3A_10 = arith.constant 0 : index
    %get3A_11 = arith.constant 0 : index
    %get3A_12 = vector.load %arg3[%get3A_9, %get3A_10, %get3A_11] : memref<1x1000x128xf32, #tpu.memory_space<vmem>>, vector<1x1000x128xf32>
    %get3A_13 = vector.shape_cast %get3A_12 : vector<1x1000x128xf32> to vector<1000x128xf32>
    %slice3A = vector.extract_strided_slice %get3A_13 {offsets = [0, 0], sizes = [1000, 1], strides = [1, 1]} : vector<1000x128xf32> to vector<1000x1xf32>
    %add3A_14 = arith.constant 1.000000e+00 : f32
    %add3A_15 = vector.broadcast %add3A_14 : f32 to vector<1000x1xf32>
    %add3A_16 = arith.addf %slice3A, %add3A_15 : vector<1000x1xf32>
    %rsqrt3A = math.rsqrt %add3A_16 : vector<1000x1xf32>
    %mul3A = vector.broadcast %rsqrt3A : vector<1000x1xf32> to vector<1000x128xf32>
    %mul3A_17 = arith.mulf %mul3A, %add3A : vector<1000x128xf32>
    %get3A_18 = arith.constant 0 : index
    %get3A_19 = arith.constant 0 : index
    %get3A_20 = vector.load %arg4[%get3A_18, %get3A_19] : memref<1x128xf32, #tpu.memory_space<vmem>>, vector<1x128xf32>
    %add3A_21 = vector.broadcast %get3A_20 : vector<1x128xf32> to vector<1000x128xf32>
    %add3A_22 = arith.addf %mul3A_17, %add3A_21 : vector<1000x128xf32>
    %max3A = arith.constant 0.000000e+00 : f32
    %max3A_23 = vector.broadcast %max3A : f32 to vector<1000x128xf32>
    %max3A_24 = arith.maximumf %add3A_22, %max3A_23 : vector<1000x128xf32>
    %iota3A = tpu.iota {dimensions = array<i32: 0>} : vector<16x1000xi32>
    %get3A_25 = arith.constant 0 : index
    %get3A_26 = arith.constant 0 : index
    %get3A_27 = arith.constant 0 : index
    %get3A_28 = vector.load %arg5[%get3A_25, %get3A_26, %get3A_27] : memref<1x1x1000xi32, #tpu.memory_space<vmem>>, vector<1x1x1000xi32>
    %get3A_29 = vector.shape_cast %get3A_28 : vector<1x1x1000xi32> to vector<1x1000xi32>
    %eq3A_30 = vector.broadcast %get3A_29 : vector<1x1000xi32> to vector<16x1000xi32>
    %eq3A_31 = arith.cmpi eq, %eq3A_30, %iota3A : vector<16x1000xi32>
    %convert_element_type3A_32 = arith.extui %eq3A_31 : vector<16x1000xi1> to vector<16x1000xi32>
    %convert_element_type3A_33 = arith.sitofp %convert_element_type3A_32 : vector<16x1000xi32> to vector<16x1000xf32>
    %get3A_34 = arith.constant 0 : index
    %get3A_35 = arith.constant 0 : index
    %get3A_36 = vector.load %arg9[%get3A_34, %get3A_35] : memref<16x128xf32, #tpu.memory_space<vmem>>, vector<16x128xf32>
    %dot_general3A = arith.constant dense<0.000000e+00> : vector<16x128xf32>
    %dot_general3A_37 = tpu.matmul %convert_element_type3A_33, %max3A_24, %dot_general3A {dimension_numbers = #tpu.dot_dimension_numbers<[1], [0], [0], [1], [0, 0, 1, 1], [], []>, precision = #tpu.contract_precision<fp32>, transpose_lhs_hint = false} : vector<16x1000xf32>, vector<1000x128xf32>, vector<16x128xf32> -> vector<16x128xf32>
    %add3A_38 = arith.addf %get3A_36, %dot_general3A_37 : vector<16x128xf32>
    %swap3A = arith.constant 0 : index
    %swap3A_39 = arith.constant 0 : index
    %swap3A_40 = vector.load %arg9[%swap3A, %swap3A_39] : memref<16x128xf32, #tpu.memory_space<vmem>>, vector<16x128xf32>
    tpu.vector_store %arg9[%swap3A, %swap3A_39], %add3A_38 {strides = array<i32>} : memref<16x128xf32, #tpu.memory_space<vmem>>, vector<16x128xf32>,
    %get3A_41 = arith.constant 0 : index
    %get3A_42 = arith.constant 0 : index
    %get3A_43 = vector.load %arg10[%get3A_41, %get3A_42] : memref<16x128xf32, #tpu.memory_space<vmem>>, vector<16x128xf32>
    %reduce_sum3A = arith.constant dense<0.000000e+00> : vector<16xf32>
    %reduce_sum3A_44 = vector.multi_reduction <add>, %convert_element_type3A_33, %reduce_sum3A [1] : vector<16x1000xf32> to vector<16xf32>
    %broadcast_in_dim3A = vector.shape_cast %reduce_sum3A_44 : vector<16xf32> to vector<16x1xf32>
    %add3A_45 = vector.broadcast %broadcast_in_dim3A : vector<16x1xf32> to vector<16x128xf32>
    %add3A_46 = arith.addf %get3A_43, %add3A_45 : vector<16x128xf32>
    %swap3A_47 = arith.constant 0 : index
    %swap3A_48 = arith.constant 0 : index
    %swap3A_49 = vector.load %arg10[%swap3A_47, %swap3A_48] : memref<16x128xf32, #tpu.memory_space<vmem>>, vector<16x128xf32>
    tpu.vector_store %arg10[%swap3A_47, %swap3A_48], %add3A_46 {strides = array<i32>} : memref<16x128xf32, #tpu.memory_space<vmem>>, vector<16x128xf32>,
    %eq3A_50 = arith.constant 9 : i32
    %eq3A_51 = arith.cmpi eq, %arg0, %eq3A_50 : i32
    %convert_element_type3A_52 = arith.extui %eq3A_51 : i1 to i32
    %cond3A_53 = arith.constant 0 : i32
    %cond3A_54 = arith.cmpi ne, %convert_element_type3A_52, %cond3A_53 : i32
    scf.if %cond3A_54 {
      %get3A_55 = arith.constant 0 : index
      %get3A_56 = arith.constant 0 : index
      %get3A_57 = vector.load %arg9[%get3A_55, %get3A_56] : memref<16x128xf32, #tpu.memory_space<vmem>>, vector<16x128xf32>
      %get3A_58 = arith.constant 0 : index
      %get3A_59 = arith.constant 0 : index
      %get3A_60 = vector.load %arg10[%get3A_58, %get3A_59] : memref<16x128xf32, #tpu.memory_space<vmem>>, vector<16x128xf32>
      %max3A_61 = arith.constant 1.000000e+00 : f32
      %max3A_62 = vector.broadcast %max3A_61 : f32 to vector<16x128xf32>
      %max3A_63 = arith.maximumf %get3A_60, %max3A_62 : vector<16x128xf32>
      %div3A = arith.divf %get3A_57, %max3A_63 : vector<16x128xf32>
      %get3A_64 = arith.constant 0 : index
      %get3A_65 = arith.constant 0 : index
      %get3A_66 = vector.load %arg6[%get3A_64, %get3A_65] : memref<128x128xf32, #tpu.memory_space<vmem>>, vector<128x128xf32>
      %dot_general3A_67 = arith.constant dense<0.000000e+00> : vector<16x128xf32>
      %dot_general3A_68 = tpu.matmul %div3A, %get3A_66, %dot_general3A_67 {dimension_numbers = #tpu.dot_dimension_numbers<[1], [0], [0], [1], [0, 0, 1, 1], [], []>, precision = #tpu.contract_precision<fp32>, transpose_lhs_hint = false} : vector<16x128xf32>, vector<128x128xf32>, vector<16x128xf32> -> vector<16x128xf32>
      %get3A_69 = arith.constant 0 : index
      %get3A_70 = arith.constant 0 : index
      %get3A_71 = vector.load %arg7[%get3A_69, %get3A_70] : memref<1x128xf32, #tpu.memory_space<vmem>>, vector<1x128xf32>
      %add3A_72 = vector.broadcast %get3A_71 : vector<1x128xf32> to vector<16x128xf32>
      %add3A_73 = arith.addf %dot_general3A_68, %add3A_72 : vector<16x128xf32>
      %swap3A_74 = arith.constant 0 : index
      %swap3A_75 = arith.constant 0 : index
      %swap3A_76 = vector.load %arg8[%swap3A_74, %swap3A_75] : memref<16x128xf32, #tpu.memory_space<vmem>>, vector<16x128xf32>
      tpu.vector_store %arg8[%swap3A_74, %swap3A_75], %add3A_73 {strides = array<i32>} : memref<16x128xf32, #tpu.memory_space<vmem>>, vector<16x128xf32>,
    } else {
    }
    return
  }
  func.func @transform_0(%arg0: i32) -> (i32, i32, i32) {
    %c0_i32 = arith.constant 0 : i32
    %c0_i32_0 = arith.constant 0 : i32
    %c0_i32_1 = arith.constant 0 : i32
    return %c0_i32, %arg0, %c0_i32_0 : i32, i32, i32
  }
  func.func @transform_1(%arg0: i32) -> (i32, i32) {
    %c0_i32 = arith.constant 0 : i32
    %c0_i32_0 = arith.constant 0 : i32
    return %arg0, %c0_i32 : i32, i32
  }
  func.func @transform_2(%arg0: i32) -> (i32, i32, i32) {
    %c0_i32 = arith.constant 0 : i32
    %c0_i32_0 = arith.constant 0 : i32
    %c0_i32_1 = arith.constant 0 : i32
    return %c0_i32, %arg0, %c0_i32_0 : i32, i32, i32
  }
  func.func @transform_3(%arg0: i32) -> (i32, i32) {
    %c0_i32 = arith.constant 0 : i32
    %c0_i32_0 = arith.constant 0 : i32
    %c0_i32_1 = arith.constant 0 : i32
    return %c0_i32, %c0_i32_0 : i32, i32
  }
  func.func @transform_4(%arg0: i32) -> (i32, i32, i32) {
    %c0_i32 = arith.constant 0 : i32
    %c0_i32_0 = arith.constant 0 : i32
    %c0_i32_1 = arith.constant 0 : i32
    return %arg0, %c0_i32, %c0_i32_0 : i32, i32, i32
  }
  func.func @transform_5(%arg0: i32) -> (i32, i32) {
    %c0_i32 = arith.constant 0 : i32
    %c0_i32_0 = arith.constant 0 : i32
    %c0_i32_1 = arith.constant 0 : i32
    return %c0_i32, %c0_i32_0 : i32, i32
  }
  func.func @transform_6(%arg0: i32) -> (i32, i32) {
    %c0_i32 = arith.constant 0 : i32
    %c0_i32_0 = arith.constant 0 : i32
    %c0_i32_1 = arith.constant 0 : i32
    return %c0_i32, %c0_i32_0 : i32, i32
  }
  func.func @transform_7(%arg0: i32) -> (i32, i32) {
    %c0_i32 = arith.constant 0 : i32
    %c0_i32_0 = arith.constant 0 : i32
    %c0_i32_1 = arith.constant 0 : i32
    return %c0_i32, %c0_i32_0 : i32, i32
  }
}

</mosaic_0001>

<sc_bundles>
// kernel: kernel.11.cloned.1.call-start
scs
__scs_entry_jumppad:
0x0: {  	(pc) =	sbr.rel $0x88, $3  }
0x1: {  	(tag) =	ssettag $0x0;
	lr =	simm.s32 $0x1  }
0x2: {  	[smem:$0x3F98] =	sst lr;
	_ =	strace $0xD0000000  }
0x3: {  	_ = 	snop  }
0x4: {  	_ = 	snop  }
0x5: {  	_ = 	snop  }
0x6: {  	_ = 	snop  }
0x7: {  	_ = 	snop  }
__scs_overlays_trampoline_lowered:
0x8: {  	[smem:$0x3FA7] =	sst s0  }
0x9: {  	[smem:$0x3FA8] =	sst s1  }
0xa: {  	[smem:$0x3FA9] =	sst s2  }
0xb: {  	[smem:$0x3FAA] =	sst s3  }
0xc: {  	[smem:$0x3FAB] =	sst s4  }
0xd: {  	[smem:$0x3FAC] =	sst s5  }
0xe: {  	[smem:$0x3FAD] =	sst s6  }
0xf: {  	[smem:$0x3FAE] =	sst s7  }
0x10: {  	[smem:$0x3FAF] =	sst s8  }
0x11: {  	[smem:$0x3FB0] =	sst s9;
	s0 =	simm.s32 @!p0 $0x0  }
0x12: {  	s1 =	sld [smem:$0x3F96];
	s0 =	simm.s32 @p0 $0x1  }
0x13: {  	[smem:$0x3FB1] =	sst s0;
	s0 =	simm.s32 @!p1 $0x0  }
0x14: {  	s2 =	sld [smem:$0x3F95];
	s0 =	simm.s32 @p1 $0x1  }
0x15: {  	[smem:$0x3FB2] =	sst s0;
	s0 =	simm.s32 @!p2 $0x0  }
0x16: {  	s3 =	sld [smem:$0x3FDB];
	s0 =	simm.s32 @p2 $0x1  }
0x17: {  	s4 =	simm.s32 $0x1BF5;
	[smem:$0x3FB4] =	sst s0  }
0x18: {  	s0 =	sld [smem:$0x3F97];
	_ =	swait.ge [sflag:s4], $0x0  }
0x19: {  	s7 =	sld [smem:$0x3F98]  }
0x1a: {  	s8 =	sadd.s32 $0xFFFFE003, lr  }
0x1b: {  	s9 =	sadd.s32 $0xFFFFFEF7, lr;
	s5 =	simm.s32 $0xFFFFFFFF;
	p2 =	slt.u32 s8, $0xFFFFF086  }
0x1c: {  	p1 =	slt.u32 s9, $0xF7A;
	s5 =	simm.s32 @!p2 $0x0  }
0x1d: {  	s5 =	simm.s32 @p1 $0x1;
	p0 =	seq.s32 s7, s2  }
0x1e: {  	s7 =	smul.u32 @!p0 $0xF7A, s2;
	p2 =	seq.s32 @!p0 s5, $0x0  }
0x1f: {  	s9 =	smul.u32 $0xF7A, s1;
	s8 =	simm.s32 @!p0 $0x1BF5;
	p2 =	por !p2, p0  }
0x20: {  	[sflag:s8] =	ssyncset.s32 @!p0 $0xFFFFF086;
	s6 =	sadd.s32 @!p0 s3, s7;
	s7 =	simm.s32 @!p0 $0x108  }
0x21: {  	s3 =	sadd.s32 s3, s9;
	s6 =	sadd.s32 @!p0 $0x88, s6;
	s7 =	simm.s32 @p2 $0x1082  }
0x22: {  	[simem:s7], [sflag:s8] =	dma.local @!p0 [hbm:s6], $0xF7A  }
0x23: {  	s9 =	sor.u32 $0xD0000000, s2;
	s6 =	simm.s32 $0x108;
	_ =	swait.ge @!p0 [sflag:s8], $0x0  }
0x24: {  	s3 =	sadd.s32 $0x88, s3;
	s6 =	simm.s32 @!p1 $0x1082;
	[sflag:s4] =	ssyncset.s32 $0xFFFFF086  }
0x25: {  	[simem:s6], [sflag:s4] =	dma.local [hbm:s3], $0xF7A  }
0x26: {  	[smem:$0x3F98] =	sst s1;
	(tag) =	ssettag s2;
	_ =	strace s9  }
0x27: {  	s1 =	sld [smem:$0x3FA8]  }
0x28: {  	s2 =	sld [smem:$0x3FA9]  }
0x29: {  	s4 =	sld [smem:$0x3FAB]  }
0x2a: {  	p0 =	seq.s32 s5, $0x0;
	s5 =	sld [smem:$0x3FAC]  }
0x2b: {  	s6 =	sld [smem:$0x3FAD]  }
0x2c: {  	s7 =	sld [smem:$0x3FAE]  }
0x2d: {  	s3 =	simm.s32 $0x108;
	s8 =	sld [smem:$0x3FAF]  }
0x2e: {  	s3 =	simm.s32 @!p0 $0x1082;
	s9 =	sld [smem:$0x3FB0]  }
0x2f: {  	lr =	sadd.s32 s0, s3;
	s0 =	sld [smem:$0x3FA7]  }
0x30: {  	s3 =	sld [smem:$0x3FAA]  }
0x31: {  	[smem:$0x3FB3] =	sst s10  }
0x32: {  	s10 =	sld [smem:$0x3FB1];
	_ =	sdelay $0x3  }
0x33: {  	p0 =	seq.s32 s10, $0x1;
	s10 =	sld [smem:$0x3FB3];
	_ =	sdelay $0x3  }
0x34: {  	[smem:$0x3FB3] =	sst s10  }
0x35: {  	s10 =	sld [smem:$0x3FB2];
	_ =	sdelay $0x3  }
0x36: {  	p1 =	seq.s32 s10, $0x1;
	s10 =	sld [smem:$0x3FB3];
	_ =	sdelay $0x3  }
0x37: {  	[smem:$0x3FB3] =	sst s10  }
0x38: {  	s10 =	sld [smem:$0x3FB4]  }
0x39: {  	_ = 	snop;
	(pc) =	sbr.ind lr, $3  }
0x3a: {  	_ = 	snop  }
0x3b: {  	_ = 	snop  }
0x3c: {  	p2 =	seq.s32 s10, $0x1;
	s10 =	sld [smem:$0x3FB3]  }
0x3d: {  	_ =	shalt  }
0x3e: {  	_ =	shalt  }
0x3f: {  	_ =	shalt  }
0x40: {  	_ =	shalt  }
0x41: {  	_ =	shalt  }
0x42: {  	_ =	shalt  }
0x43: {  	_ =	shalt  }
0x44: {  	_ =	shalt  }
0x45: {  	_ =	shalt  }
0x46: {  	_ =	shalt  }
0x47: {  	_ =	shalt  }
0x48: {  	_ =	shalt  }
0x49: {  	_ =	shalt  }
0x4a: {  	_ =	shalt  }
0x4b: {  	_ =	shalt  }
0x4c: {  	_ =	shalt  }
0x4d: {  	_ =	shalt  }
0x4e: {  	_ =	shalt  }
0x4f: {  	_ =	shalt  }
0x50: {  	_ =	shalt  }
0x51: {  	_ =	shalt  }
0x52: {  	_ =	shalt  }
0x53: {  	_ =	shalt  }
0x54: {  	_ =	shalt  }
0x55: {  	_ =	shalt  }
0x56: {  	_ =	shalt  }
0x57: {  	_ =	shalt  }
0x58: {  	_ =	shalt  }
0x59: {  	_ =	shalt  }
0x5a: {  	_ =	shalt  }
0x5b: {  	_ =	shalt  }
0x5c: {  	_ =	shalt  }
0x5d: {  	_ =	shalt  }
0x5e: {  	_ =	shalt  }
0x5f: {  	_ =	shalt  }
0x60: {  	_ =	shalt  }
0x61: {  	_ =	shalt  }
0x62: {  	_ =	shalt  }
0x63: {  	_ =	shalt  }
0x64: {  	_ =	shalt  }
0x65: {  	_ =	shalt  }
0x66: {  	_ =	shalt  }
0x67: {  	_ =	shalt  }
0x68: {  	_ =	shalt  }
0x69: {  	_ =	shalt  }
0x6a: {  	_ =	shalt  }
0x6b: {  	_ =	shalt  }
0x6c: {  	_ =	shalt  }
0x6d: {  	_ =	shalt  }
0x6e: {  	_ =	shalt  }
0x6f: {  	_ =	shalt  }
0x70: {  	_ =	shalt  }
0x71: {  	_ =	shalt  }
0x72: {  	_ =	shalt  }
0x73: {  	_ =	shalt  }
0x74: {  	_ =	shalt  }
0x75: {  	_ =	shalt  }
0x76: {  	_ =	shalt  }
0x77: {  	_ =	shalt  }
0x78: {  	_ =	shalt  }
0x79: {  	_ =	shalt  }
0x7a: {  	_ =	shalt  }
0x7b: {  	_ =	shalt  }
0x7c: {  	_ =	shalt  }
0x7d: {  	_ =	shalt  }
0x7e: {  	_ =	shalt  }
0x7f: {  	_ =	shalt  }
0x80: {  	_ =	shalt  }
0x81: {  	_ =	shalt  }
0x82: {  	_ =	shalt  }
0x83: {  	_ =	shalt  }
0x84: {  	_ =	shalt  }
0x85: {  	_ =	shalt  }
0x86: {  	_ =	shalt  }
0x87: {  	_ =	shalt  }
.Lfunc_end0:
.L_simem_size_0:
called_computation.1_lowered:
.L_overlay_start_0:
0x88: {  	s0 =	sld [smem:$0x3FD9]  }
0x89: {  	s1 =	sld [smem:$0x3FFE];
	_ =	sdelay $0x3  }
0x8a: {  	s0 =	sadd.s32 s1, s0  }
0x8b: {  	[smem:$0x3FBF] =	sst s0  }
0x8c: {  	_ = 	snop  }
0x8d: {  	(tm) =	ssettm $0x1  }
0x8e: {  	s15 =	sld [smem:$0x3FFB];
	_ =	sdelay $0x3  }
0x8f: {  	_ =	strace s15  }
0x90: {  	s0 =	sld [smem:$0x3FFC];
	_ =	sdelay $0x3  }
0x91: {  	_ =	strace s0  }
0x92: {  	s0 =	sld [smem:$0x3FFD];
	_ =	sdelay $0x3  }
0x93: {  	_ =	strace s0  }
0x94: {  	_ =	strace $0x8FFFFFFF  }
0x95: {  	s16 =	sld [smem:$0x3FDB];
	_ =	sdelay $0x1  }
0x96: {  	s17 =	simm.s32 $_scs_section_size  }
0x97: {  	s2 =	simm.s32 $_size__tile_overlayer_lowered;
	s3 =	simm.s32 $_tile_overlayer_lowered  }
0x98: {  	s20 =	simm.s32 $0x1BFF;
	s19 =	sshll.u32 s3, $0x1;
	s0 =	sadd.s32 s17, s16  }
0x99: {  	s4 =	simm.s32 $0x0;
	s18 =	sshll.u32 s2, $0x1;
	s2 =	sadd.s32 s19, s0  }
0x9a: {  	[timem:s4], [sflag:s20] =	dma.local [hbm:s2], s18  }
0x9b: {  	_ =	swait.ge [sflag:s20], s18  }
0x9c: {  	s1 =	ssub.s32 $0x0, s18;
	[sflag:s20] =	ssyncset.done $0x0  }
0x9d: {  	[sflag:s20] =	ssyncadd.s32 s1;
	_ =	sdelay $0x1  }
0x9e: {  	s21 =	simm.s32 $0x1B8B  }
0x9f: {  	_ =	swait.ge [sflag:s21], $0x1  }
0xa0: {  	[sflag:s21] =	ssyncset.done $0x0  }
0xa1: {  	s23 =	simm.s32 $0x1B8E;
	s22 =	sld [smem:$0x3FFE];
	[sflag:s21] =	ssyncadd.s32 $0xFFFFFFFF  }
0xa2: {  	s24 =	simm.s32 $execute0_lowered;
	[smem:$0x3FD2] =	sst s23  }
0xa3: {  	s2 =	sshll.u32 s24, $0x1;
	_ =	strace $0x80000049;
	[dreg:$0x1] =	wrdreg $0xFFFFFFFF  }
0xa4: {  	s25 =	simm.s32 $_size_execute0_lowered;
	s0 =	sadd.s32 s0, s2;
	[dreg:$0x0] =	wrdreg $0x0  }
0xa5: {  	s2 =	sshll.u32 s25, $0x1;
	[dreg:$0x2] =	wrdreg s0  }
0xa6: {  	[dreg:$0x3] =	wrdreg s2  }
0xa7: {  	[dreg:$0x4] =	wrdreg $0xC0  }
0xa8: {  	_ =	task [dreg:s4], $0x5FFFF  }
0xa9: {  	[dreg:$0x1] =	wrdreg $0xFFFFFFFF  }
0xaa: {  	[dreg:$0x0] =	wrdreg $0x60  }
0xab: {  	[dreg:$0x2] =	wrdreg s22  }
0xac: {  	[dreg:$0x3] =	wrdreg $0x84000  }
0xad: {  	[dreg:$0x4] =	wrdreg $0x9  }
0xae: {  	_ =	task.clear_ibuf [dreg:s4], $0x5FFFF;
	_ =	strace $0x90000049  }
0xaf: {  	s26 =	simm.s32 $0x9;
	_ =	strace $0x8000004B  }
0xb0: {  	_ =	swait.ge [sflag:s26], $0x1  }
0xb1: {  	[sflag:s26] =	ssyncadd.s32 $0xFFFFFFFF  }
0xb2: {  	_ =	strace $0x9000004B  }
0xb3: {  	_ =	sfence  }
0xb4: {  	s28 =	sld [smem:$0x0];
	_ =	sdelay $0x1  }
0xb5: {  	s29 =	srdreg.scid  }
0xb6: {  	s30 =	sshll.u32 s29, $0xD;
	s31 =	sshrl.u32 s29, $0x2  }
0xb7: {  	s1 =	sand.u32 $0x1, s29;
	s2 =	sand.u32 $0x4000, s30;
	s0 =	sadd.s32 s31, s28  }
0xb8: {  	s1 =	sor.u32 s2, s1;
	s0 =	sshll.u32 s0, $0x11  }
0xb9: {  	s0 =	sor.u32 s0, s1  }
0xba: {  	s0 =	sadd.s32 $0x8F2B, s0  }
0xbb: {  	[sflag:s0] =	ssyncadd.remote.s32 $0x1  }
0xbc: {  	_ =	sfence.sel $0xFFFF  }
0xbd: {  	[dreg:$0x0] =	wrdreg $0xFFFFFFFF;
	(pc) =	sbr.abs _section_cstart, $3  }
0xbe: {  	[dreg:$0x1] =	wrdreg $0xFFFFFFFF  }
0xbf: {  	_ =	task.clear_ibuf [dreg:s4], $0x2FFFF;
	_ =	strace $0x9FFFFFFF  }
0xc0: {  	(tm) =	ssettm $0x7FFFFFFF  }
0xc1: {  	_ =	shalt  }
tec
execute0_lowered:
.L_overlay_start_1:
0x0: {  	(tag) =	ssettag $0x1  }
0x1: {  	s0 =	rddreg [dreg:$0x0]  }
0x2: {  	s1 =	rddreg [dreg:$0x1];
	s2 =	simm.s32 $0x0  }
0x3: {  	s4 =	simm.s32 $0x3C0;
	[smem:$0x7FF] =	sst s2;
	s3 =	sadd.s32 $0xC200, s0  }
0x4: {  	s7 =	sadd.s32 $0x33400, s0;
	s9 =	sadd.s32 $0x2200, s0;
	s12 =	sadd.s32 $0x3D400, s0  }
0x5: {  	v0 =	vimm.f32 $0.0e+00;
	s2 =	stileid.u32;
	s0 =	simm.s32 $0x70;
	_ =	strace $0x8000004A  }
.LBB2_1:
0x6: {  	p0 =	sne.s32 s4, $0xF9C0;
	[tilespmem:s0+$0x400] =	vst v0  }
0x7: {  	[tilespmem:s0+$0x390] =	vst v0  }
0x8: {  	[tilespmem:s0+$0x3A0] =	vst v0  }
.Ltmp0:
0x9: {  	[tilespmem:s0+$0x3B0] =	vst v0;
	(pc) =	sbr.rel @p0 .LBB2_1-.Ltmp0, $4  }
0xa: {  	[tilespmem:s0+$0x3C0] =	vst v0  }
0xb: {  	[tilespmem:s0+$0x3D0] =	vst v0  }
0xc: {  	[tilespmem:s0+$0x3E0] =	vst v0  }
0xd: {  	[tilespmem:s0+$0x3F0] =	vst v0;
	s0 =	sshra.s32 s4, $0x2;
	s4 =	sadd.s32 $0x200, s4  }
0xe: {  	[tilespmem:s0+$0x400] =	vst v0  }
0xf: {  	[tilespmem:s0+$0x390] =	vst v0  }
0x10: {  	[tilespmem:s0+$0x3A0] =	vst v0  }
0x11: {  	[tilespmem:s0+$0x3B0] =	vst v0  }
0x12: {  	[tilespmem:s0+$0x3C0] =	vst v0;
	s4 =	smul.u32 $0x4E000, s2  }
0x13: {  	[tilespmem:s0+$0x3D0] =	vst v0  }
0x14: {  	[tilespmem:s0+$0x3E0] =	vst v0;
	s4 =	sshrl.u32 s4, $0x2  }
0x15: {  	[tilespmem:s0+$0x3F0] =	vst v0;
	s5 =	simm.s32 $0x400;
	s16 =	simm.s32 $0x9;
	s4 =	sadd.s32 s4, s1  }
0x16: {  	[spmem:s4] =	stream.linear.scatter [tilespmem:s5], [sflag:$0x9], $0x3000, $0x38;
	[tilespmem:$0x1BC80] =	vst v63  }
0x17: {  	_ =	swait.ge [sflag:s16], $0x3000  }
0x18: {  	[sflag:s16] =	ssyncset.done $0x0  }
0x19: {  	s6 =	sadd.s32 $0x3000, s4;
	[sflag:s16] =	ssyncadd.s32 $0xFFFFD000  }
0x1a: {  	[spmem:s6] =	stream.linear.scatter [tilespmem:s5], [sflag:$0x9], $0x3000, $0x38;
	[tilespmem:$0x1BC80] =	vst v63  }
0x1b: {  	_ =	swait.ge [sflag:s16], $0x3000  }
0x1c: {  	[sflag:s16] =	ssyncset.done $0x0  }
0x1d: {  	s17 =	sadd.s32 $0x6000, s4;
	[sflag:s16] =	ssyncadd.s32 $0xFFFFD000  }
0x1e: {  	[spmem:s17] =	stream.linear.scatter [tilespmem:s5], [sflag:$0x9], $0x3000, $0x38;
	[tilespmem:$0x1BC80] =	vst v63  }
0x1f: {  	_ =	swait.ge [sflag:s16], $0x3000  }
0x20: {  	[sflag:s16] =	ssyncset.done $0x0  }
0x21: {  	s18 =	sadd.s32 $0x9000, s4;
	[sflag:s16] =	ssyncadd.s32 $0xFFFFD000  }
0x22: {  	[spmem:s18] =	stream.linear.scatter [tilespmem:s5], [sflag:$0x9], $0x3000, $0x38;
	[tilespmem:$0x1BC80] =	vst v63  }
0x23: {  	_ =	swait.ge [sflag:s16], $0x3000  }
0x24: {  	[sflag:s16] =	ssyncset.done $0x0  }
0x25: {  	s19 =	sadd.s32 $0xC000, s4;
	[sflag:s16] =	ssyncadd.s32 $0xFFFFD000  }
0x26: {  	[spmem:s19] =	stream.linear.scatter [tilespmem:s5], [sflag:$0x9], $0x3000, $0x38;
	[tilespmem:$0x1BC80] =	vst v63  }
0x27: {  	_ =	swait.ge [sflag:s16], $0x3000  }
0x28: {  	[sflag:s16] =	ssyncset.done $0x0  }
0x29: {  	s20 =	sadd.s32 $0xF000, s4;
	[sflag:s16] =	ssyncadd.s32 $0xFFFFD000  }
0x2a: {  	[spmem:s20] =	stream.linear.scatter [tilespmem:s5], [sflag:$0x9], $0x3000, $0x38;
	[tilespmem:$0x1BC80] =	vst v63  }
0x2b: {  	_ =	swait.ge [sflag:s16], $0x3000  }
0x2c: {  	[sflag:s16] =	ssyncset.done $0x0  }
0x2d: {  	s21 =	sadd.s32 $0x12000, s4;
	[dreg:$0x3] =	wrdreg s4;
	[sflag:s16] =	ssyncadd.s32 $0xFFFFD000  }
0x2e: {  	[spmem:s21] =	stream.linear.scatter [tilespmem:s5], [sflag:$0x9], $0x1800, $0x38;
	[tilespmem:$0x1BC80] =	vst v63  }
0x2f: {  	_ =	swait.ge [sflag:s16], $0x1800  }
0x30: {  	p0 =	sne.s32 s2, $0x0;
	[sflag:s16] =	ssyncset.done $0x0  }
0x31: {  	s0 =	simm.s32 @!p0 $0x400;
	s4 =	sadd.s32 $0x138000, s1;
	[sflag:s16] =	ssyncadd.s32 $0xFFFFE800  }
0x32: {  	[spmem:s4] =	stream.linear.scatter @!p0 [tilespmem:s0], [sflag:$0x9], $0x800, $0x38;
	[tilespmem:$0x1BC80] =	vst v63  }
0x33: {  	[dreg:$0x4] =	wrdreg s4;
	s0 =	simm.s32 @!p0 $0x9  }
0x34: {  	_ =	swait.ge @!p0 [sflag:s0], $0x800  }
0x35: {  	s10 =	smul.u32 $0xA00, s2;
	[sflag:s0] =	ssyncset.done @!p0 $0x0  }
0x36: {  	s8 =	simm.s32 $0x0;
	[sflag:s0] =	ssyncadd.s32 @!p0 $0xFFFFF800  }
0x37: {  	s11 =	simm.s32 $0x80;
	s7 =	sadd.s32 s7, s10;
	[bflag:$0x0] =	sbarrier.arrive $0xFFFF  }
0x38: {  	[tilespmem:s8], [sflag:$0x5] =	stream.linear.gather [hbm4b:s7+s8], $0x80, $0x38;
	[tilespmem:$0x1BC80] =	vst v63  }
0x39: {  	s13 =	simm.s32 $0x280;
	s9 =	sadd.s32 s9, s10;
	s10 =	simm.s32 $0x200  }
0x3a: {  	[tilespmem:s10], [sflag:$0x5] =	stream.linear.gather [hbm4b:s9+s8], $0x80, $0x38;
	[tilespmem:$0x1BC80] =	vst v63  }
0x3b: {  	s14 =	simm.s32 $0x100;
	s26 =	smul.u32 $0x2700, s2;
	s22 =	sadd.s32 $0x10, s7  }
0x3c: {  	[tilespmem:s11], [sflag:$0x6] =	stream.linear.gather [hbm4b:s22+s8], $0x80, $0x38;
	[tilespmem:$0x1BC80] =	vst v63  }
0x3d: {  	s31 =	sadd.s32 $0x27000, s12;
	s28 =	simm.s32 $0x4;
	s23 =	sadd.s32 $0x10, s9  }
0x3e: {  	[tilespmem:s13], [sflag:$0x6] =	stream.linear.gather [hbm4b:s23+s8], $0x80, $0x38;
	[tilespmem:$0x1BC80] =	vst v63  }
0x3f: {  	s29 =	simm.s32 $0x8;
	s30 =	simm.s32 $0x0;
	s24 =	sadd.s32 $0x20, s7  }
0x40: {  	[tilespmem:s14], [sflag:$0x7] =	stream.linear.gather [hbm4b:s24+s8], $0x80, $0x38;
	[tilespmem:$0x1BC80] =	vst v63  }
0x41: {  	s25 =	sadd.s32 $0x20, s9;
	s17 =	simm.s32 $0x5;
	s16 =	simm.s32 $0x300  }
0x42: {  	[tilespmem:s16], [sflag:$0x7] =	stream.linear.gather [hbm4b:s25+s8], $0x80, $0x38;
	[tilespmem:$0x1BC80] =	vst v63  }
0x43: {  	s18 =	simm.s32 $0x7D;
	s19 =	simm.s32 $0x1;
	_ =	swait.ge [sflag:s17], $0x80  }
0x44: {  	s20 =	simm.s32 $0x180;
	s21 =	simm.s32 $0x380;
	[sflag:s17] =	ssyncset.done $0x0  }
0x45: {  	s0 =	sadd.s32 s12, s26;
	s26 =	simm.s32 $0x7;
	[sflag:s17] =	ssyncadd.s32 $0xFFFFFF80  }
0x46: {  	s22 =	simm.s32 $0x6;
	s23 =	simm.s32 $0x4400;
	_ =	swait.ge [sflag:s17], $0x80  }
0x47: {  	s24 =	simm.s32 $0x2;
	[dreg:$0x6] =	wrdreg s0;
	[sflag:s17] =	ssyncset.done $0x0  }
0x48: {  	s25 =	simm.s32 $0x3;
	[dreg:$0x5] =	wrdreg s31;
	[sflag:s17] =	ssyncadd.s32 $0xFFFFFF80  }
0x49: {  	[tilespmem:s5], [sflag:$0x1] =	stream.indirect.gather [hbm4b:s3+s18], $0x80, s8, s18, $0xb8;
	[tilespmem:$0x1BC80] =	vst v63  }
.LBB2_3:
0x4a: {  	_ =	swait.ge [sflag:s19], $0x3E80  }
0x4b: {  	p1 =	seq.s32 s30, $0x0;
	[sflag:s19] =	ssyncset.done $0x0  }
0x4c: {  	s0 =	simm.s32 @!p1 $0x4;
	[sflag:s19] =	ssyncadd.s32 $0xFFFFC180  }
0x4d: {  	[spmem:s1] =	stream.indirect.scatter.add.f32 [tilespmem:s5], [sflag:$0x3], $0x80, s10, s18, $0xb8;
	[tilespmem:$0x1BC80] =	vst v63  }
0x4e: {  	_ =	swait.ge @!p1 [sflag:s0], $0x3E80  }
0x4f: {  	s31 =	sadd.s32 s30, s7;
	[sflag:s0] =	ssyncset.done @!p1 $0x0  }
0x50: {  	s15 =	sadd.s32 $0x30, s31;
	[sflag:s0] =	ssyncadd.s32 @!p1 $0xFFFFC180;
	s0 =	sadd.s32 s30, s9  }
0x51: {  	[tilespmem:s20], [sflag:$0x8] =	stream.linear.gather [hbm4b:s15+s8], $0x80, $0x38;
	[tilespmem:$0x1BC80] =	vst v63  }
0x52: {  	s2 =	sadd.s32 $0x30, s0  }
0x53: {  	[tilespmem:s21], [sflag:$0x8] =	stream.linear.gather [hbm4b:s2+s8], $0x80, $0x38;
	[tilespmem:$0x1BC80] =	vst v63  }
0x54: {  	_ =	swait.ge [sflag:s22], $0x80  }
0x55: {  	[sflag:s22] =	ssyncset.done $0x0  }
0x56: {  	[sflag:s22] =	ssyncadd.s32 $0xFFFFFF80  }
0x57: {  	_ =	swait.ge [sflag:s22], $0x80  }
0x58: {  	[sflag:s22] =	ssyncset.done $0x0  }
0x59: {  	[sflag:s22] =	ssyncadd.s32 $0xFFFFFF80  }
0x5a: {  	[tilespmem:s23], [sflag:$0x2] =	stream.indirect.gather [hbm4b:s3+s18], $0x80, s11, s18, $0xb8;
	[tilespmem:$0x1BC80] =	vst v63  }
0x5b: {  	_ =	swait.ge [sflag:s24], $0x3E80  }
0x5c: {  	[sflag:s24] =	ssyncset.done $0x0  }
0x5d: {  	[sflag:s24] =	ssyncadd.s32 $0xFFFFC180  }
0x5e: {  	[spmem:s1] =	stream.indirect.scatter.add.f32 [tilespmem:s23], [sflag:$0x4], $0x80, s13, s18, $0xb8;
	[tilespmem:$0x1BC80] =	vst v63  }
0x5f: {  	p1 =	seq.s32 s30, $0x9C0;
	_ =	swait.ge [sflag:s25], $0x3E80  }
0x60: {  	s2 =	sadd.s32 @!p1 s30, s7;
	[sflag:s25] =	ssyncset.done $0x0  }
0x61: {  	s15 =	simm.s32 @!p1 $0x0;
	s12 =	sadd.s32 @!p1 $0x40, s2;
	[sflag:s25] =	ssyncadd.s32 $0xFFFFC180  }
0x62: {  	[tilespmem:s15], [sflag:$0x5] =	stream.linear.gather @!p1 [hbm4b:s12+s15], $0x80, $0x38;
	[tilespmem:$0x1BC80] =	vst v63  }
0x63: {  	s12 =	sadd.s32 @!p1 s30, s9  }
0x64: {  	s4 =	simm.s32 @!p1 $0x200;
	s6 =	sadd.s32 @!p1 $0x40, s12  }
0x65: {  	[tilespmem:s4], [sflag:$0x5] =	stream.linear.gather @!p1 [hbm4b:s6+s15], $0x80, $0x38;
	[tilespmem:$0x1BC80] =	vst v63  }
0x66: {  	_ =	swait.ge [sflag:s26], $0x80  }
0x67: {  	[sflag:s26] =	ssyncset.done $0x0  }
0x68: {  	[sflag:s26] =	ssyncadd.s32 $0xFFFFFF80  }
0x69: {  	_ =	swait.ge [sflag:s26], $0x80  }
0x6a: {  	[sflag:s26] =	ssyncset.done $0x0  }
0x6b: {  	[sflag:s26] =	ssyncadd.s32 $0xFFFFFF80  }
0x6c: {  	[tilespmem:s5], [sflag:$0x1] =	stream.indirect.gather [hbm4b:s3+s18], $0x80, s14, s18, $0xb8;
	[tilespmem:$0x1BC80] =	vst v63  }
0x6d: {  	_ =	swait.ge [sflag:s19], $0x3E80  }
0x6e: {  	[sflag:s19] =	ssyncset.done $0x0  }
0x6f: {  	[sflag:s19] =	ssyncadd.s32 $0xFFFFC180  }
0x70: {  	[spmem:s1] =	stream.indirect.scatter.add.f32 [tilespmem:s5], [sflag:$0x3], $0x80, s16, s18, $0xb8;
	[tilespmem:$0x1BC80] =	vst v63  }
0x71: {  	_ =	swait.ge [sflag:s28], $0x3E80  }
0x72: {  	[sflag:s28] =	ssyncset.done $0x0  }
0x73: {  	s2 =	sadd.s32 @!p1 $0x50, s2;
	s4 =	simm.s32 @!p1 $0x80;
	[sflag:s28] =	ssyncadd.s32 $0xFFFFC180  }
0x74: {  	[tilespmem:s4], [sflag:$0x6] =	stream.linear.gather @!p1 [hbm4b:s2+s15], $0x80, $0x38;
	[tilespmem:$0x1BC80] =	vst v63  }
0x75: {  	s2 =	sadd.s32 @!p1 $0x50, s12;
	s4 =	simm.s32 @!p1 $0x280  }
0x76: {  	[tilespmem:s4], [sflag:$0x6] =	stream.linear.gather @!p1 [hbm4b:s2+s15], $0x80, $0x38;
	[tilespmem:$0x1BC80] =	vst v63  }
0x77: {  	_ =	swait.ge [sflag:s29], $0x80  }
0x78: {  	[sflag:s29] =	ssyncset.done $0x0  }
0x79: {  	[sflag:s29] =	ssyncadd.s32 $0xFFFFFF80  }
0x7a: {  	_ =	swait.ge [sflag:s29], $0x80  }
0x7b: {  	[sflag:s29] =	ssyncset.done $0x0  }
0x7c: {  	[sflag:s29] =	ssyncadd.s32 $0xFFFFFF80  }
0x7d: {  	[tilespmem:s23], [sflag:$0x2] =	stream.indirect.gather [hbm4b:s3+s18], $0x80, s20, s18, $0xb8;
	[tilespmem:$0x1BC80] =	vst v63  }
0x7e: {  	_ =	swait.ge [sflag:s24], $0x3E80  }
0x7f: {  	[sflag:s24] =	ssyncset.done $0x0  }
.Ltmp1:
0x80: {  	[sflag:s24] =	ssyncadd.s32 $0xFFFFC180;
	(pc) =	sbr.rel @p1 .LBB2_5-.Ltmp1, $4  }
0x81: {  	[spmem:s1] =	stream.indirect.scatter.add.f32 [tilespmem:s23], [sflag:$0x4], $0x80, s21, s18, $0xb8;
	[tilespmem:$0x1BC80] =	vst v63  }
0x82: {  	_ =	swait.ge [sflag:s25], $0x3E80  }
0x83: {  	[sflag:s25] =	ssyncset.done $0x0  }
0x84: {  	[sflag:s25] =	ssyncadd.s32 $0xFFFFC180  }
0x85: {  	s2 =	sadd.s32 $0x60, s31  }
0x86: {  	[tilespmem:s14], [sflag:$0x7] =	stream.linear.gather [hbm4b:s2+s8], $0x80, $0x38;
	[tilespmem:$0x1BC80] =	vst v63  }
0x87: {  	s0 =	sadd.s32 $0x60, s0  }
0x88: {  	[tilespmem:s16], [sflag:$0x7] =	stream.linear.gather [hbm4b:s0+s8], $0x80, $0x38;
	[tilespmem:$0x1BC80] =	vst v63  }
0x89: {  	_ =	swait.ge [sflag:s17], $0x80  }
0x8a: {  	[sflag:s17] =	ssyncset.done $0x0  }
.Ltmp2:
0x8b: {  	[sflag:s17] =	ssyncadd.s32 $0xFFFFFF80;
	(pc) =	sbr.rel .LBB2_3-.Ltmp2, $4  }
0x8c: {  	_ =	swait.ge [sflag:s17], $0x80  }
0x8d: {  	[sflag:s17] =	ssyncset.done $0x0  }
0x8e: {  	s30 =	sadd.s32 $0x40, s30;
	[sflag:s17] =	ssyncadd.s32 $0xFFFFFF80  }
0x8f: {  	[tilespmem:s5], [sflag:$0x1] =	stream.indirect.gather [hbm4b:s3+s18], $0x80, s8, s18, $0xb8;
	[tilespmem:$0x1BC80] =	vst v63  }
.LBB2_5:
0x90: {  	s0 =	simm.s32 $0x4  }
0x91: {  	_ =	swait.ge [sflag:s0], $0x3E80  }
0x92: {  	[sflag:s0] =	ssyncset.done $0x0  }
0x93: {  	[sflag:s0] =	ssyncadd.s32 $0xFFFFC180  }
0x94: {  	s30 =	stileid.u32;
	[bflag:$0x0] =	sbarrier.arrive $0xFFFF  }
0x95: {  	s31 =	simm.s32 $0x9;
	s0 =	sshll.u32 s30, $0x6;
	s1 =	rddreg [dreg:$0x3]  }
0x96: {  	s0 =	sor.u32 $0x1C09, s0;
	s2 =	rddreg [dreg:$0x6];
	s1 =	sshrl.u32 s1, $0x3  }
0x97: {  	[hbm:s2], [sflag:s0] =	dma.local [spmem:s1], $0x2700  }
0x98: {  	_ =	swait.ge [sflag:s31], $0x2700  }
0x99: {  	[sflag:s31] =	ssyncset.done $0x0  }
0x9a: {  	[sflag:s31] =	ssyncadd.s32 $0xFFFFD900  }
0x9b: {  	_ =	sfence.sel @p0 $0x180000  }
0x9c: {  	[bflag:$0x0] =	sbarrier.arrive @p0 $0xFFFF  }
0x9d: {  	_ =	strace @p0 $0x9000004A  }
0x9e: {  	[bflag:$0x2] =	sbarrier.arrive @p0 $0xFFFF  }
0x9f: {  	s1 =	rddreg [dreg:$0x4]  }
0xa0: {  	s2 =	rddreg [dreg:$0x5];
	s1 =	sshrl.u32 @!p0 s1, $0x3  }
0xa1: {  	[hbm:s2], [sflag:s0] =	dma.local @!p0 [spmem:s1], $0x100  }
0xa2: {  	s0 =	simm.s32 @!p0 $0x9  }
0xa3: {  	_ =	swait.ge @!p0 [sflag:s0], $0x100  }
0xa4: {  	[sflag:s0] =	ssyncset.done @!p0 $0x0  }
0xa5: {  	[sflag:s0] =	ssyncadd.s32 @!p0 $0xFFFFFF00  }
0xa6: {  	_ =	sfence.sel @!p0 $0x180000  }
0xa7: {  	[bflag:$0x0] =	sbarrier.arrive @!p0 $0xFFFF  }
0xa8: {  	_ =	strace @!p0 $0x9000004A  }
0xa9: {  	[bflag:$0x2] =	sbarrier.arrive @!p0 $0xFFFF  }
0xaa: {  	s0 =	rddreg [dreg:$0x2]  }
0xab: {  	s0 =	sadd.s32 @!p0 $0x100000, s0  }
0xac: {  	[sflag:s0] =	ssyncadd.tile.s32 @!p0 $0x1;
	_ =	shalt  }
.Lfunc_end2:
_tile_overlayer_lowered:
.L_overlay_start_2:
0xad: {  	(tag) =	ssettag $0x2  }
0xae: {  	s0 =	rddreg [dreg:$0x0];
	s2 =	stileid.u32  }
0xaf: {  	s1 =	rddreg [dreg:$0x1];
	p0 =	sne.s32 s2, $0x0  }
0xb0: {  	s3 =	rddreg [dreg:$0x2];
	[bflag:$0x3] =	sbarrier.arrive $0xFFFF;
	s2 =	simm.s32 @!p0 $0x1C09  }
0xb1: {  	[timem:s3], [sflag:s2] =	dma.local @!p0 [hbm:s0], s1  }
0xb2: {  	s0 =	simm.s32 @!p0 $0x9  }
0xb3: {  	_ =	swait.ge @!p0 [sflag:s0], s1  }
0xb4: {  	s1 =	ssub.s32 @!p0 $0x0, s1;
	[sflag:s0] =	ssyncset.done @!p0 $0x0  }
0xb5: {  	[sflag:s0] =	ssyncadd.s32 @!p0 s1  }
0xb6: {  	[bflag:$0x3] =	sbarrier.arrive $0xFFFF  }
0xb7: {  	_ =	shalt  }

// kernel: kernel.14.cloned.1.call-start
scs
__scs_entry_jumppad:
0x0: {  	(pc) =	sbr.rel $0x88, $3  }
0x1: {  	(tag) =	ssettag $0x0;
	lr =	simm.s32 $0x1  }
0x2: {  	[smem:$0x3F98] =	sst lr;
	_ =	strace $0xD0000000  }
0x3: {  	_ = 	snop  }
0x4: {  	_ = 	snop  }
0x5: {  	_ = 	snop  }
0x6: {  	_ = 	snop  }
0x7: {  	_ = 	snop  }
__scs_overlays_trampoline_lowered:
0x8: {  	[smem:$0x3FA7] =	sst s0  }
0x9: {  	[smem:$0x3FA8] =	sst s1  }
0xa: {  	[smem:$0x3FA9] =	sst s2  }
0xb: {  	[smem:$0x3FAA] =	sst s3  }
0xc: {  	[smem:$0x3FAB] =	sst s4  }
0xd: {  	[smem:$0x3FAC] =	sst s5  }
0xe: {  	[smem:$0x3FAD] =	sst s6  }
0xf: {  	[smem:$0x3FAE] =	sst s7  }
0x10: {  	[smem:$0x3FAF] =	sst s8  }
0x11: {  	[smem:$0x3FB0] =	sst s9;
	s0 =	simm.s32 @!p0 $0x0  }
0x12: {  	s1 =	sld [smem:$0x3F96];
	s0 =	simm.s32 @p0 $0x1  }
0x13: {  	[smem:$0x3FB1] =	sst s0;
	s0 =	simm.s32 @!p1 $0x0  }
0x14: {  	s2 =	sld [smem:$0x3F95];
	s0 =	simm.s32 @p1 $0x1  }
0x15: {  	[smem:$0x3FB2] =	sst s0;
	s0 =	simm.s32 @!p2 $0x0  }
0x16: {  	s3 =	sld [smem:$0x3FDB];
	s0 =	simm.s32 @p2 $0x1  }
0x17: {  	s4 =	simm.s32 $0x1BF5;
	[smem:$0x3FB4] =	sst s0  }
0x18: {  	s0 =	sld [smem:$0x3F97];
	_ =	swait.ge [sflag:s4], $0x0  }
0x19: {  	s7 =	sld [smem:$0x3F98]  }
0x1a: {  	s8 =	sadd.s32 $0xFFFFE003, lr  }
0x1b: {  	s9 =	sadd.s32 $0xFFFFFEF7, lr;
	s5 =	simm.s32 $0xFFFFFFFF;
	p2 =	slt.u32 s8, $0xFFFFF086  }
0x1c: {  	p1 =	slt.u32 s9, $0xF7A;
	s5 =	simm.s32 @!p2 $0x0  }
0x1d: {  	s5 =	simm.s32 @p1 $0x1;
	p0 =	seq.s32 s7, s2  }
0x1e: {  	s7 =	smul.u32 @!p0 $0xF7A, s2;
	p2 =	seq.s32 @!p0 s5, $0x0  }
0x1f: {  	s9 =	smul.u32 $0xF7A, s1;
	s8 =	simm.s32 @!p0 $0x1BF5;
	p2 =	por !p2, p0  }
0x20: {  	[sflag:s8] =	ssyncset.s32 @!p0 $0xFFFFF086;
	s6 =	sadd.s32 @!p0 s3, s7;
	s7 =	simm.s32 @!p0 $0x108  }
0x21: {  	s3 =	sadd.s32 s3, s9;
	s6 =	sadd.s32 @!p0 $0x88, s6;
	s7 =	simm.s32 @p2 $0x1082  }
0x22: {  	[simem:s7], [sflag:s8] =	dma.local @!p0 [hbm:s6], $0xF7A  }
0x23: {  	s9 =	sor.u32 $0xD0000000, s2;
	s6 =	simm.s32 $0x108;
	_ =	swait.ge @!p0 [sflag:s8], $0x0  }
0x24: {  	s3 =	sadd.s32 $0x88, s3;
	s6 =	simm.s32 @!p1 $0x1082;
	[sflag:s4] =	ssyncset.s32 $0xFFFFF086  }
0x25: {  	[simem:s6], [sflag:s4] =	dma.local [hbm:s3], $0xF7A  }
0x26: {  	[smem:$0x3F98] =	sst s1;
	(tag) =	ssettag s2;
	_ =	strace s9  }
0x27: {  	s1 =	sld [smem:$0x3FA8]  }
0x28: {  	s2 =	sld [smem:$0x3FA9]  }
0x29: {  	s4 =	sld [smem:$0x3FAB]  }
0x2a: {  	p0 =	seq.s32 s5, $0x0;
	s5 =	sld [smem:$0x3FAC]  }
0x2b: {  	s6 =	sld [smem:$0x3FAD]  }
0x2c: {  	s7 =	sld [smem:$0x3FAE]  }
0x2d: {  	s3 =	simm.s32 $0x108;
	s8 =	sld [smem:$0x3FAF]  }
0x2e: {  	s3 =	simm.s32 @!p0 $0x1082;
	s9 =	sld [smem:$0x3FB0]  }
0x2f: {  	lr =	sadd.s32 s0, s3;
	s0 =	sld [smem:$0x3FA7]  }
0x30: {  	s3 =	sld [smem:$0x3FAA]  }
0x31: {  	[smem:$0x3FB3] =	sst s10  }
0x32: {  	s10 =	sld [smem:$0x3FB1];
	_ =	sdelay $0x3  }
0x33: {  	p0 =	seq.s32 s10, $0x1;
	s10 =	sld [smem:$0x3FB3];
	_ =	sdelay $0x3  }
0x34: {  	[smem:$0x3FB3] =	sst s10  }
0x35: {  	s10 =	sld [smem:$0x3FB2];
	_ =	sdelay $0x3  }
0x36: {  	p1 =	seq.s32 s10, $0x1;
	s10 =	sld [smem:$0x3FB3];
	_ =	sdelay $0x3  }
0x37: {  	[smem:$0x3FB3] =	sst s10  }
0x38: {  	s10 =	sld [smem:$0x3FB4]  }
0x39: {  	_ = 	snop;
	(pc) =	sbr.ind lr, $3  }
0x3a: {  	_ = 	snop  }
0x3b: {  	_ = 	snop  }
0x3c: {  	p2 =	seq.s32 s10, $0x1;
	s10 =	sld [smem:$0x3FB3]  }
0x3d: {  	_ =	shalt  }
0x3e: {  	_ =	shalt  }
0x3f: {  	_ =	shalt  }
0x40: {  	_ =	shalt  }
0x41: {  	_ =	shalt  }
0x42: {  	_ =	shalt  }
0x43: {  	_ =	shalt  }
0x44: {  	_ =	shalt  }
0x45: {  	_ =	shalt  }
0x46: {  	_ =	shalt  }
0x47: {  	_ =	shalt  }
0x48: {  	_ =	shalt  }
0x49: {  	_ =	shalt  }
0x4a: {  	_ =	shalt  }
0x4b: {  	_ =	shalt  }
0x4c: {  	_ =	shalt  }
0x4d: {  	_ =	shalt  }
0x4e: {  	_ =	shalt  }
0x4f: {  	_ =	shalt  }
0x50: {  	_ =	shalt  }
0x51: {  	_ =	shalt  }
0x52: {  	_ =	shalt  }
0x53: {  	_ =	shalt  }
0x54: {  	_ =	shalt  }
0x55: {  	_ =	shalt  }
0x56: {  	_ =	shalt  }
0x57: {  	_ =	shalt  }
0x58: {  	_ =	shalt  }
0x59: {  	_ =	shalt  }
0x5a: {  	_ =	shalt  }
0x5b: {  	_ =	shalt  }
0x5c: {  	_ =	shalt  }
0x5d: {  	_ =	shalt  }
0x5e: {  	_ =	shalt  }
0x5f: {  	_ =	shalt  }
0x60: {  	_ =	shalt  }
0x61: {  	_ =	shalt  }
0x62: {  	_ =	shalt  }
0x63: {  	_ =	shalt  }
0x64: {  	_ =	shalt  }
0x65: {  	_ =	shalt  }
0x66: {  	_ =	shalt  }
0x67: {  	_ =	shalt  }
0x68: {  	_ =	shalt  }
0x69: {  	_ =	shalt  }
0x6a: {  	_ =	shalt  }
0x6b: {  	_ =	shalt  }
0x6c: {  	_ =	shalt  }
0x6d: {  	_ =	shalt  }
0x6e: {  	_ =	shalt  }
0x6f: {  	_ =	shalt  }
0x70: {  	_ =	shalt  }
0x71: {  	_ =	shalt  }
0x72: {  	_ =	shalt  }
0x73: {  	_ =	shalt  }
0x74: {  	_ =	shalt  }
0x75: {  	_ =	shalt  }
0x76: {  	_ =	shalt  }
0x77: {  	_ =	shalt  }
0x78: {  	_ =	shalt  }
0x79: {  	_ =	shalt  }
0x7a: {  	_ =	shalt  }
0x7b: {  	_ =	shalt  }
0x7c: {  	_ =	shalt  }
0x7d: {  	_ =	shalt  }
0x7e: {  	_ =	shalt  }
0x7f: {  	_ =	shalt  }
0x80: {  	_ =	shalt  }
0x81: {  	_ =	shalt  }
0x82: {  	_ =	shalt  }
0x83: {  	_ =	shalt  }
0x84: {  	_ =	shalt  }
0x85: {  	_ =	shalt  }
0x86: {  	_ =	shalt  }
0x87: {  	_ =	shalt  }
.Lfunc_end0:
.L_simem_size_0:
called_computation.2_lowered:
.L_overlay_start_0:
0x88: {  	s0 =	sld [smem:$0x3FD9]  }
0x89: {  	s1 =	sld [smem:$0x3FFE];
	_ =	sdelay $0x3  }
0x8a: {  	s0 =	sadd.s32 s1, s0  }
0x8b: {  	[smem:$0x3FBF] =	sst s0  }
0x8c: {  	_ = 	snop  }
0x8d: {  	(tm) =	ssettm $0x1  }
0x8e: {  	s15 =	sld [smem:$0x3FFB];
	_ =	sdelay $0x3  }
0x8f: {  	_ =	strace s15  }
0x90: {  	s0 =	sld [smem:$0x3FFC];
	_ =	sdelay $0x3  }
0x91: {  	_ =	strace s0  }
0x92: {  	s0 =	sld [smem:$0x3FFD];
	_ =	sdelay $0x3  }
0x93: {  	_ =	strace s0  }
0x94: {  	_ =	strace $0x8FFFFFFF  }
0x95: {  	s16 =	sld [smem:$0x3FDB];
	_ =	sdelay $0x1  }
0x96: {  	s17 =	simm.s32 $_scs_section_size  }
0x97: {  	s2 =	simm.s32 $_size__tile_overlayer_lowered;
	s3 =	simm.s32 $_tile_overlayer_lowered  }
0x98: {  	s20 =	simm.s32 $0x1BFF;
	s19 =	sshll.u32 s3, $0x1;
	s0 =	sadd.s32 s17, s16  }
0x99: {  	s4 =	simm.s32 $0x0;
	s18 =	sshll.u32 s2, $0x1;
	s2 =	sadd.s32 s19, s0  }
0x9a: {  	[timem:s4], [sflag:s20] =	dma.local [hbm:s2], s18  }
0x9b: {  	_ =	swait.ge [sflag:s20], s18  }
0x9c: {  	s1 =	ssub.s32 $0x0, s18;
	[sflag:s20] =	ssyncset.done $0x0  }
0x9d: {  	[sflag:s20] =	ssyncadd.s32 s1;
	_ =	sdelay $0x1  }
0x9e: {  	s21 =	simm.s32 $0x1B8B  }
0x9f: {  	_ =	swait.ge [sflag:s21], $0x1  }
0xa0: {  	[sflag:s21] =	ssyncset.done $0x0  }
0xa1: {  	s23 =	simm.s32 $0x1B8E;
	s22 =	sld [smem:$0x3FFE];
	[sflag:s21] =	ssyncadd.s32 $0xFFFFFFFF  }
0xa2: {  	s24 =	simm.s32 $execute0_lowered;
	[smem:$0x3FD2] =	sst s23  }
0xa3: {  	s2 =	sshll.u32 s24, $0x1;
	_ =	strace $0x8000004C;
	[dreg:$0x1] =	wrdreg $0xFFFFFFFF  }
0xa4: {  	s25 =	simm.s32 $_size_execute0_lowered;
	s0 =	sadd.s32 s0, s2;
	[dreg:$0x0] =	wrdreg $0x0  }
0xa5: {  	s2 =	sshll.u32 s25, $0x1;
	[dreg:$0x2] =	wrdreg s0  }
0xa6: {  	[dreg:$0x3] =	wrdreg s2  }
0xa7: {  	[dreg:$0x4] =	wrdreg $0xC0  }
0xa8: {  	_ =	task [dreg:s4], $0x5FFFF  }
0xa9: {  	[dreg:$0x1] =	wrdreg $0xFFFFFFFF  }
0xaa: {  	[dreg:$0x0] =	wrdreg $0x60  }
0xab: {  	[dreg:$0x2] =	wrdreg s22  }
0xac: {  	[dreg:$0x3] =	wrdreg $0x84000  }
0xad: {  	[dreg:$0x4] =	wrdreg $0x9  }
0xae: {  	_ =	task.clear_ibuf [dreg:s4], $0x5FFFF;
	_ =	strace $0x9000004C  }
0xaf: {  	s26 =	simm.s32 $0x9;
	_ =	strace $0x8000004E  }
0xb0: {  	_ =	swait.ge [sflag:s26], $0x1  }
0xb1: {  	[sflag:s26] =	ssyncadd.s32 $0xFFFFFFFF  }
0xb2: {  	_ =	strace $0x9000004E  }
0xb3: {  	_ =	sfence  }
0xb4: {  	s28 =	sld [smem:$0x0];
	_ =	sdelay $0x1  }
0xb5: {  	s29 =	srdreg.scid  }
0xb6: {  	s30 =	sshll.u32 s29, $0xD;
	s31 =	sshrl.u32 s29, $0x2  }
0xb7: {  	s1 =	sand.u32 $0x1, s29;
	s2 =	sand.u32 $0x4000, s30;
	s0 =	sadd.s32 s31, s28  }
0xb8: {  	s1 =	sor.u32 s2, s1;
	s0 =	sshll.u32 s0, $0x11  }
0xb9: {  	s0 =	sor.u32 s0, s1  }
0xba: {  	s0 =	sadd.s32 $0x8F2B, s0  }
0xbb: {  	[sflag:s0] =	ssyncadd.remote.s32 $0x1  }
0xbc: {  	_ =	sfence.sel $0xFFFF  }
0xbd: {  	[dreg:$0x0] =	wrdreg $0xFFFFFFFF;
	(pc) =	sbr.abs _section_cstart, $3  }
0xbe: {  	[dreg:$0x1] =	wrdreg $0xFFFFFFFF  }
0xbf: {  	_ =	task.clear_ibuf [dreg:s4], $0x2FFFF;
	_ =	strace $0x9FFFFFFF  }
0xc0: {  	(tm) =	ssettm $0x7FFFFFFF  }
0xc1: {  	_ =	shalt  }
tec
execute0_lowered:
.L_overlay_start_1:
0x0: {  	(tag) =	ssettag $0x1  }
0x1: {  	s0 =	rddreg [dreg:$0x0]  }
0x2: {  	s1 =	rddreg [dreg:$0x1];
	s2 =	simm.s32 $0x0  }
0x3: {  	s4 =	simm.s32 $0x3C0;
	[smem:$0x7FF] =	sst s2;
	s3 =	sadd.s32 $0xC200, s0  }
0x4: {  	s7 =	sadd.s32 $0x33400, s0;
	s9 =	sadd.s32 $0x2200, s0;
	s12 =	sadd.s32 $0x3D400, s0  }
0x5: {  	v0 =	vimm.f32 $0.0e+00;
	s2 =	stileid.u32;
	s0 =	simm.s32 $0x70;
	_ =	strace $0x8000004D  }
.LBB2_1:
0x6: {  	p0 =	sne.s32 s4, $0xF9C0;
	[tilespmem:s0+$0x400] =	vst v0  }
0x7: {  	[tilespmem:s0+$0x390] =	vst v0  }
0x8: {  	[tilespmem:s0+$0x3A0] =	vst v0  }
.Ltmp0:
0x9: {  	[tilespmem:s0+$0x3B0] =	vst v0;
	(pc) =	sbr.rel @p0 .LBB2_1-.Ltmp0, $4  }
0xa: {  	[tilespmem:s0+$0x3C0] =	vst v0  }
0xb: {  	[tilespmem:s0+$0x3D0] =	vst v0  }
0xc: {  	[tilespmem:s0+$0x3E0] =	vst v0  }
0xd: {  	[tilespmem:s0+$0x3F0] =	vst v0;
	s0 =	sshra.s32 s4, $0x2;
	s4 =	sadd.s32 $0x200, s4  }
0xe: {  	[tilespmem:s0+$0x400] =	vst v0  }
0xf: {  	[tilespmem:s0+$0x390] =	vst v0  }
0x10: {  	[tilespmem:s0+$0x3A0] =	vst v0  }
0x11: {  	[tilespmem:s0+$0x3B0] =	vst v0  }
0x12: {  	[tilespmem:s0+$0x3C0] =	vst v0;
	s4 =	smul.u32 $0x4E000, s2  }
0x13: {  	[tilespmem:s0+$0x3D0] =	vst v0  }
0x14: {  	[tilespmem:s0+$0x3E0] =	vst v0;
	s4 =	sshrl.u32 s4, $0x2  }
0x15: {  	[tilespmem:s0+$0x3F0] =	vst v0;
	s5 =	simm.s32 $0x400;
	s16 =	simm.s32 $0x9;
	s4 =	sadd.s32 s4, s1  }
0x16: {  	[spmem:s4] =	stream.linear.scatter [tilespmem:s5], [sflag:$0x9], $0x3000, $0x38;
	[tilespmem:$0x1BC80] =	vst v63  }
0x17: {  	_ =	swait.ge [sflag:s16], $0x3000  }
0x18: {  	[sflag:s16] =	ssyncset.done $0x0  }
0x19: {  	s6 =	sadd.s32 $0x3000, s4;
	[sflag:s16] =	ssyncadd.s32 $0xFFFFD000  }
0x1a: {  	[spmem:s6] =	stream.linear.scatter [tilespmem:s5], [sflag:$0x9], $0x3000, $0x38;
	[tilespmem:$0x1BC80] =	vst v63  }
0x1b: {  	_ =	swait.ge [sflag:s16], $0x3000  }
0x1c: {  	[sflag:s16] =	ssyncset.done $0x0  }
0x1d: {  	s17 =	sadd.s32 $0x6000, s4;
	[sflag:s16] =	ssyncadd.s32 $0xFFFFD000  }
0x1e: {  	[spmem:s17] =	stream.linear.scatter [tilespmem:s5], [sflag:$0x9], $0x3000, $0x38;
	[tilespmem:$0x1BC80] =	vst v63  }
0x1f: {  	_ =	swait.ge [sflag:s16], $0x3000  }
0x20: {  	[sflag:s16] =	ssyncset.done $0x0  }
0x21: {  	s18 =	sadd.s32 $0x9000, s4;
	[sflag:s16] =	ssyncadd.s32 $0xFFFFD000  }
0x22: {  	[spmem:s18] =	stream.linear.scatter [tilespmem:s5], [sflag:$0x9], $0x3000, $0x38;
	[tilespmem:$0x1BC80] =	vst v63  }
0x23: {  	_ =	swait.ge [sflag:s16], $0x3000  }
0x24: {  	[sflag:s16] =	ssyncset.done $0x0  }
0x25: {  	s19 =	sadd.s32 $0xC000, s4;
	[sflag:s16] =	ssyncadd.s32 $0xFFFFD000  }
0x26: {  	[spmem:s19] =	stream.linear.scatter [tilespmem:s5], [sflag:$0x9], $0x3000, $0x38;
	[tilespmem:$0x1BC80] =	vst v63  }
0x27: {  	_ =	swait.ge [sflag:s16], $0x3000  }
0x28: {  	[sflag:s16] =	ssyncset.done $0x0  }
0x29: {  	s20 =	sadd.s32 $0xF000, s4;
	[sflag:s16] =	ssyncadd.s32 $0xFFFFD000  }
0x2a: {  	[spmem:s20] =	stream.linear.scatter [tilespmem:s5], [sflag:$0x9], $0x3000, $0x38;
	[tilespmem:$0x1BC80] =	vst v63  }
0x2b: {  	_ =	swait.ge [sflag:s16], $0x3000  }
0x2c: {  	[sflag:s16] =	ssyncset.done $0x0  }
0x2d: {  	s21 =	sadd.s32 $0x12000, s4;
	[dreg:$0x3] =	wrdreg s4;
	[sflag:s16] =	ssyncadd.s32 $0xFFFFD000  }
0x2e: {  	[spmem:s21] =	stream.linear.scatter [tilespmem:s5], [sflag:$0x9], $0x1800, $0x38;
	[tilespmem:$0x1BC80] =	vst v63  }
0x2f: {  	_ =	swait.ge [sflag:s16], $0x1800  }
0x30: {  	p0 =	sne.s32 s2, $0x0;
	[sflag:s16] =	ssyncset.done $0x0  }
0x31: {  	s0 =	simm.s32 @!p0 $0x400;
	s4 =	sadd.s32 $0x138000, s1;
	[sflag:s16] =	ssyncadd.s32 $0xFFFFE800  }
0x32: {  	[spmem:s4] =	stream.linear.scatter @!p0 [tilespmem:s0], [sflag:$0x9], $0x800, $0x38;
	[tilespmem:$0x1BC80] =	vst v63  }
0x33: {  	[dreg:$0x4] =	wrdreg s4;
	s0 =	simm.s32 @!p0 $0x9  }
0x34: {  	_ =	swait.ge @!p0 [sflag:s0], $0x800  }
0x35: {  	s10 =	smul.u32 $0xA00, s2;
	[sflag:s0] =	ssyncset.done @!p0 $0x0  }
0x36: {  	s8 =	simm.s32 $0x0;
	[sflag:s0] =	ssyncadd.s32 @!p0 $0xFFFFF800  }
0x37: {  	s11 =	simm.s32 $0x80;
	s7 =	sadd.s32 s7, s10;
	[bflag:$0x0] =	sbarrier.arrive $0xFFFF  }
0x38: {  	[tilespmem:s8], [sflag:$0x5] =	stream.linear.gather [hbm4b:s7+s8], $0x80, $0x38;
	[tilespmem:$0x1BC80] =	vst v63  }
0x39: {  	s13 =	simm.s32 $0x280;
	s9 =	sadd.s32 s9, s10;
	s10 =	simm.s32 $0x200  }
0x3a: {  	[tilespmem:s10], [sflag:$0x5] =	stream.linear.gather [hbm4b:s9+s8], $0x80, $0x38;
	[tilespmem:$0x1BC80] =	vst v63  }
0x3b: {  	s14 =	simm.s32 $0x100;
	s26 =	smul.u32 $0x2700, s2;
	s22 =	sadd.s32 $0x10, s7  }
0x3c: {  	[tilespmem:s11], [sflag:$0x6] =	stream.linear.gather [hbm4b:s22+s8], $0x80, $0x38;
	[tilespmem:$0x1BC80] =	vst v63  }
0x3d: {  	s31 =	sadd.s32 $0x27000, s12;
	s28 =	simm.s32 $0x4;
	s23 =	sadd.s32 $0x10, s9  }
0x3e: {  	[tilespmem:s13], [sflag:$0x6] =	stream.linear.gather [hbm4b:s23+s8], $0x80, $0x38;
	[tilespmem:$0x1BC80] =	vst v63  }
0x3f: {  	s29 =	simm.s32 $0x8;
	s30 =	simm.s32 $0x0;
	s24 =	sadd.s32 $0x20, s7  }
0x40: {  	[tilespmem:s14], [sflag:$0x7] =	stream.linear.gather [hbm4b:s24+s8], $0x80, $0x38;
	[tilespmem:$0x1BC80] =	vst v63  }
0x41: {  	s25 =	sadd.s32 $0x20, s9;
	s17 =	simm.s32 $0x5;
	s16 =	simm.s32 $0x300  }
0x42: {  	[tilespmem:s16], [sflag:$0x7] =	stream.linear.gather [hbm4b:s25+s8], $0x80, $0x38;
	[tilespmem:$0x1BC80] =	vst v63  }
0x43: {  	s18 =	simm.s32 $0x7D;
	s19 =	simm.s32 $0x1;
	_ =	swait.ge [sflag:s17], $0x80  }
0x44: {  	s20 =	simm.s32 $0x180;
	s21 =	simm.s32 $0x380;
	[sflag:s17] =	ssyncset.done $0x0  }
0x45: {  	s0 =	sadd.s32 s12, s26;
	s26 =	simm.s32 $0x7;
	[sflag:s17] =	ssyncadd.s32 $0xFFFFFF80  }
0x46: {  	s22 =	simm.s32 $0x6;
	s23 =	simm.s32 $0x4400;
	_ =	swait.ge [sflag:s17], $0x80  }
0x47: {  	s24 =	simm.s32 $0x2;
	[dreg:$0x6] =	wrdreg s0;
	[sflag:s17] =	ssyncset.done $0x0  }
0x48: {  	s25 =	simm.s32 $0x3;
	[dreg:$0x5] =	wrdreg s31;
	[sflag:s17] =	ssyncadd.s32 $0xFFFFFF80  }
0x49: {  	[tilespmem:s5], [sflag:$0x1] =	stream.indirect.gather [hbm4b:s3+s18], $0x80, s8, s18, $0xb8;
	[tilespmem:$0x1BC80] =	vst v63  }
.LBB2_3:
0x4a: {  	_ =	swait.ge [sflag:s19], $0x3E80  }
0x4b: {  	p1 =	seq.s32 s30, $0x0;
	[sflag:s19] =	ssyncset.done $0x0  }
0x4c: {  	s0 =	simm.s32 @!p1 $0x4;
	[sflag:s19] =	ssyncadd.s32 $0xFFFFC180  }
0x4d: {  	[spmem:s1] =	stream.indirect.scatter.add.f32 [tilespmem:s5], [sflag:$0x3], $0x80, s10, s18, $0xb8;
	[tilespmem:$0x1BC80] =	vst v63  }
0x4e: {  	_ =	swait.ge @!p1 [sflag:s0], $0x3E80  }
0x4f: {  	s31 =	sadd.s32 s30, s7;
	[sflag:s0] =	ssyncset.done @!p1 $0x0  }
0x50: {  	s15 =	sadd.s32 $0x30, s31;
	[sflag:s0] =	ssyncadd.s32 @!p1 $0xFFFFC180;
	s0 =	sadd.s32 s30, s9  }
0x51: {  	[tilespmem:s20], [sflag:$0x8] =	stream.linear.gather [hbm4b:s15+s8], $0x80, $0x38;
	[tilespmem:$0x1BC80] =	vst v63  }
0x52: {  	s2 =	sadd.s32 $0x30, s0  }
0x53: {  	[tilespmem:s21], [sflag:$0x8] =	stream.linear.gather [hbm4b:s2+s8], $0x80, $0x38;
	[tilespmem:$0x1BC80] =	vst v63  }
0x54: {  	_ =	swait.ge [sflag:s22], $0x80  }
0x55: {  	[sflag:s22] =	ssyncset.done $0x0  }
0x56: {  	[sflag:s22] =	ssyncadd.s32 $0xFFFFFF80  }
0x57: {  	_ =	swait.ge [sflag:s22], $0x80  }
0x58: {  	[sflag:s22] =	ssyncset.done $0x0  }
0x59: {  	[sflag:s22] =	ssyncadd.s32 $0xFFFFFF80  }
0x5a: {  	[tilespmem:s23], [sflag:$0x2] =	stream.indirect.gather [hbm4b:s3+s18], $0x80, s11, s18, $0xb8;
	[tilespmem:$0x1BC80] =	vst v63  }
0x5b: {  	_ =	swait.ge [sflag:s24], $0x3E80  }
0x5c: {  	[sflag:s24] =	ssyncset.done $0x0  }
0x5d: {  	[sflag:s24] =	ssyncadd.s32 $0xFFFFC180  }
0x5e: {  	[spmem:s1] =	stream.indirect.scatter.add.f32 [tilespmem:s23], [sflag:$0x4], $0x80, s13, s18, $0xb8;
	[tilespmem:$0x1BC80] =	vst v63  }
0x5f: {  	p1 =	seq.s32 s30, $0x9C0;
	_ =	swait.ge [sflag:s25], $0x3E80  }
0x60: {  	s2 =	sadd.s32 @!p1 s30, s7;
	[sflag:s25] =	ssyncset.done $0x0  }
0x61: {  	s15 =	simm.s32 @!p1 $0x0;
	s12 =	sadd.s32 @!p1 $0x40, s2;
	[sflag:s25] =	ssyncadd.s32 $0xFFFFC180  }
0x62: {  	[tilespmem:s15], [sflag:$0x5] =	stream.linear.gather @!p1 [hbm4b:s12+s15], $0x80, $0x38;
	[tilespmem:$0x1BC80] =	vst v63  }
0x63: {  	s12 =	sadd.s32 @!p1 s30, s9  }
0x64: {  	s4 =	simm.s32 @!p1 $0x200;
	s6 =	sadd.s32 @!p1 $0x40, s12  }
0x65: {  	[tilespmem:s4], [sflag:$0x5] =	stream.linear.gather @!p1 [hbm4b:s6+s15], $0x80, $0x38;
	[tilespmem:$0x1BC80] =	vst v63  }
0x66: {  	_ =	swait.ge [sflag:s26], $0x80  }
0x67: {  	[sflag:s26] =	ssyncset.done $0x0  }
0x68: {  	[sflag:s26] =	ssyncadd.s32 $0xFFFFFF80  }
0x69: {  	_ =	swait.ge [sflag:s26], $0x80  }
0x6a: {  	[sflag:s26] =	ssyncset.done $0x0  }
0x6b: {  	[sflag:s26] =	ssyncadd.s32 $0xFFFFFF80  }
0x6c: {  	[tilespmem:s5], [sflag:$0x1] =	stream.indirect.gather [hbm4b:s3+s18], $0x80, s14, s18, $0xb8;
	[tilespmem:$0x1BC80] =	vst v63  }
0x6d: {  	_ =	swait.ge [sflag:s19], $0x3E80  }
0x6e: {  	[sflag:s19] =	ssyncset.done $0x0  }
0x6f: {  	[sflag:s19] =	ssyncadd.s32 $0xFFFFC180  }
0x70: {  	[spmem:s1] =	stream.indirect.scatter.add.f32 [tilespmem:s5], [sflag:$0x3], $0x80, s16, s18, $0xb8;
	[tilespmem:$0x1BC80] =	vst v63  }
0x71: {  	_ =	swait.ge [sflag:s28], $0x3E80  }
0x72: {  	[sflag:s28] =	ssyncset.done $0x0  }
0x73: {  	s2 =	sadd.s32 @!p1 $0x50, s2;
	s4 =	simm.s32 @!p1 $0x80;
	[sflag:s28] =	ssyncadd.s32 $0xFFFFC180  }
0x74: {  	[tilespmem:s4], [sflag:$0x6] =	stream.linear.gather @!p1 [hbm4b:s2+s15], $0x80, $0x38;
	[tilespmem:$0x1BC80] =	vst v63  }
0x75: {  	s2 =	sadd.s32 @!p1 $0x50, s12;
	s4 =	simm.s32 @!p1 $0x280  }
0x76: {  	[tilespmem:s4], [sflag:$0x6] =	stream.linear.gather @!p1 [hbm4b:s2+s15], $0x80, $0x38;
	[tilespmem:$0x1BC80] =	vst v63  }
0x77: {  	_ =	swait.ge [sflag:s29], $0x80  }
0x78: {  	[sflag:s29] =	ssyncset.done $0x0  }
0x79: {  	[sflag:s29] =	ssyncadd.s32 $0xFFFFFF80  }
0x7a: {  	_ =	swait.ge [sflag:s29], $0x80  }
0x7b: {  	[sflag:s29] =	ssyncset.done $0x0  }
0x7c: {  	[sflag:s29] =	ssyncadd.s32 $0xFFFFFF80  }
0x7d: {  	[tilespmem:s23], [sflag:$0x2] =	stream.indirect.gather [hbm4b:s3+s18], $0x80, s20, s18, $0xb8;
	[tilespmem:$0x1BC80] =	vst v63  }
0x7e: {  	_ =	swait.ge [sflag:s24], $0x3E80  }
0x7f: {  	[sflag:s24] =	ssyncset.done $0x0  }
.Ltmp1:
0x80: {  	[sflag:s24] =	ssyncadd.s32 $0xFFFFC180;
	(pc) =	sbr.rel @p1 .LBB2_5-.Ltmp1, $4  }
0x81: {  	[spmem:s1] =	stream.indirect.scatter.add.f32 [tilespmem:s23], [sflag:$0x4], $0x80, s21, s18, $0xb8;
	[tilespmem:$0x1BC80] =	vst v63  }
0x82: {  	_ =	swait.ge [sflag:s25], $0x3E80  }
0x83: {  	[sflag:s25] =	ssyncset.done $0x0  }
0x84: {  	[sflag:s25] =	ssyncadd.s32 $0xFFFFC180  }
0x85: {  	s2 =	sadd.s32 $0x60, s31  }
0x86: {  	[tilespmem:s14], [sflag:$0x7] =	stream.linear.gather [hbm4b:s2+s8], $0x80, $0x38;
	[tilespmem:$0x1BC80] =	vst v63  }
0x87: {  	s0 =	sadd.s32 $0x60, s0  }
0x88: {  	[tilespmem:s16], [sflag:$0x7] =	stream.linear.gather [hbm4b:s0+s8], $0x80, $0x38;
	[tilespmem:$0x1BC80] =	vst v63  }
0x89: {  	_ =	swait.ge [sflag:s17], $0x80  }
0x8a: {  	[sflag:s17] =	ssyncset.done $0x0  }
.Ltmp2:
0x8b: {  	[sflag:s17] =	ssyncadd.s32 $0xFFFFFF80;
	(pc) =	sbr.rel .LBB2_3-.Ltmp2, $4  }
0x8c: {  	_ =	swait.ge [sflag:s17], $0x80  }
0x8d: {  	[sflag:s17] =	ssyncset.done $0x0  }
0x8e: {  	s30 =	sadd.s32 $0x40, s30;
	[sflag:s17] =	ssyncadd.s32 $0xFFFFFF80  }
0x8f: {  	[tilespmem:s5], [sflag:$0x1] =	stream.indirect.gather [hbm4b:s3+s18], $0x80, s8, s18, $0xb8;
	[tilespmem:$0x1BC80] =	vst v63  }
.LBB2_5:
0x90: {  	s0 =	simm.s32 $0x4  }
0x91: {  	_ =	swait.ge [sflag:s0], $0x3E80  }
0x92: {  	[sflag:s0] =	ssyncset.done $0x0  }
0x93: {  	[sflag:s0] =	ssyncadd.s32 $0xFFFFC180  }
0x94: {  	s30 =	stileid.u32;
	[bflag:$0x0] =	sbarrier.arrive $0xFFFF  }
0x95: {  	s31 =	simm.s32 $0x9;
	s0 =	sshll.u32 s30, $0x6;
	s1 =	rddreg [dreg:$0x3]  }
0x96: {  	s0 =	sor.u32 $0x1C09, s0;
	s2 =	rddreg [dreg:$0x6];
	s1 =	sshrl.u32 s1, $0x3  }
0x97: {  	[hbm:s2], [sflag:s0] =	dma.local [spmem:s1], $0x2700  }
0x98: {  	_ =	swait.ge [sflag:s31], $0x2700  }
0x99: {  	[sflag:s31] =	ssyncset.done $0x0  }
0x9a: {  	[sflag:s31] =	ssyncadd.s32 $0xFFFFD900  }
0x9b: {  	_ =	sfence.sel @p0 $0x180000  }
0x9c: {  	[bflag:$0x0] =	sbarrier.arrive @p0 $0xFFFF  }
0x9d: {  	_ =	strace @p0 $0x9000004D  }
0x9e: {  	[bflag:$0x2] =	sbarrier.arrive @p0 $0xFFFF  }
0x9f: {  	s1 =	rddreg [dreg:$0x4]  }
0xa0: {  	s2 =	rddreg [dreg:$0x5];
	s1 =	sshrl.u32 @!p0 s1, $0x3  }
0xa1: {  	[hbm:s2], [sflag:s0] =	dma.local @!p0 [spmem:s1], $0x100  }
0xa2: {  	s0 =	simm.s32 @!p0 $0x9  }
0xa3: {  	_ =	swait.ge @!p0 [sflag:s0], $0x100  }
0xa4: {  	[sflag:s0] =	ssyncset.done @!p0 $0x0  }
0xa5: {  	[sflag:s0] =	ssyncadd.s32 @!p0 $0xFFFFFF00  }
0xa6: {  	_ =	sfence.sel @!p0 $0x180000  }
0xa7: {  	[bflag:$0x0] =	sbarrier.arrive @!p0 $0xFFFF  }
0xa8: {  	_ =	strace @!p0 $0x9000004D  }
0xa9: {  	[bflag:$0x2] =	sbarrier.arrive @!p0 $0xFFFF  }
0xaa: {  	s0 =	rddreg [dreg:$0x2]  }
0xab: {  	s0 =	sadd.s32 @!p0 $0x100000, s0  }
0xac: {  	[sflag:s0] =	ssyncadd.tile.s32 @!p0 $0x1;
	_ =	shalt  }
.Lfunc_end2:
_tile_overlayer_lowered:
.L_overlay_start_2:
0xad: {  	(tag) =	ssettag $0x2  }
0xae: {  	s0 =	rddreg [dreg:$0x0];
	s2 =	stileid.u32  }
0xaf: {  	s1 =	rddreg [dreg:$0x1];
	p0 =	sne.s32 s2, $0x0  }
0xb0: {  	s3 =	rddreg [dreg:$0x2];
	[bflag:$0x3] =	sbarrier.arrive $0xFFFF;
	s2 =	simm.s32 @!p0 $0x1C09  }
0xb1: {  	[timem:s3], [sflag:s2] =	dma.local @!p0 [hbm:s0], s1  }
0xb2: {  	s0 =	simm.s32 @!p0 $0x9  }
0xb3: {  	_ =	swait.ge @!p0 [sflag:s0], s1  }
0xb4: {  	s1 =	ssub.s32 @!p0 $0x0, s1;
	[sflag:s0] =	ssyncset.done @!p0 $0x0  }
0xb5: {  	[sflag:s0] =	ssyncadd.s32 @!p0 s1  }
0xb6: {  	[bflag:$0x3] =	sbarrier.arrive $0xFFFF  }
0xb7: {  	_ =	shalt  }

// kernel: kernel.8.cloned.1.call-start
scs
__scs_entry_jumppad:
0x0: {  	(pc) =	sbr.rel $0x88, $3  }
0x1: {  	(tag) =	ssettag $0x0;
	lr =	simm.s32 $0x1  }
0x2: {  	[smem:$0x3F98] =	sst lr;
	_ =	strace $0xD0000000  }
0x3: {  	_ = 	snop  }
0x4: {  	_ = 	snop  }
0x5: {  	_ = 	snop  }
0x6: {  	_ = 	snop  }
0x7: {  	_ = 	snop  }
__scs_overlays_trampoline_lowered:
0x8: {  	[smem:$0x3FA7] =	sst s0  }
0x9: {  	[smem:$0x3FA8] =	sst s1  }
0xa: {  	[smem:$0x3FA9] =	sst s2  }
0xb: {  	[smem:$0x3FAA] =	sst s3  }
0xc: {  	[smem:$0x3FAB] =	sst s4  }
0xd: {  	[smem:$0x3FAC] =	sst s5  }
0xe: {  	[smem:$0x3FAD] =	sst s6  }
0xf: {  	[smem:$0x3FAE] =	sst s7  }
0x10: {  	[smem:$0x3FAF] =	sst s8  }
0x11: {  	[smem:$0x3FB0] =	sst s9;
	s0 =	simm.s32 @!p0 $0x0  }
0x12: {  	s1 =	sld [smem:$0x3F96];
	s0 =	simm.s32 @p0 $0x1  }
0x13: {  	[smem:$0x3FB1] =	sst s0;
	s0 =	simm.s32 @!p1 $0x0  }
0x14: {  	s2 =	sld [smem:$0x3F95];
	s0 =	simm.s32 @p1 $0x1  }
0x15: {  	[smem:$0x3FB2] =	sst s0;
	s0 =	simm.s32 @!p2 $0x0  }
0x16: {  	s3 =	sld [smem:$0x3FDB];
	s0 =	simm.s32 @p2 $0x1  }
0x17: {  	s4 =	simm.s32 $0x1BF5;
	[smem:$0x3FB4] =	sst s0  }
0x18: {  	s0 =	sld [smem:$0x3F97];
	_ =	swait.ge [sflag:s4], $0x0  }
0x19: {  	s7 =	sld [smem:$0x3F98]  }
0x1a: {  	s8 =	sadd.s32 $0xFFFFE003, lr  }
0x1b: {  	s9 =	sadd.s32 $0xFFFFFEF7, lr;
	s5 =	simm.s32 $0xFFFFFFFF;
	p2 =	slt.u32 s8, $0xFFFFF086  }
0x1c: {  	p1 =	slt.u32 s9, $0xF7A;
	s5 =	simm.s32 @!p2 $0x0  }
0x1d: {  	s5 =	simm.s32 @p1 $0x1;
	p0 =	seq.s32 s7, s2  }
0x1e: {  	s7 =	smul.u32 @!p0 $0xF7A, s2;
	p2 =	seq.s32 @!p0 s5, $0x0  }
0x1f: {  	s9 =	smul.u32 $0xF7A, s1;
	s8 =	simm.s32 @!p0 $0x1BF5;
	p2 =	por !p2, p0  }
0x20: {  	[sflag:s8] =	ssyncset.s32 @!p0 $0xFFFFF086;
	s6 =	sadd.s32 @!p0 s3, s7;
	s7 =	simm.s32 @!p0 $0x108  }
0x21: {  	s3 =	sadd.s32 s3, s9;
	s6 =	sadd.s32 @!p0 $0x88, s6;
	s7 =	simm.s32 @p2 $0x1082  }
0x22: {  	[simem:s7], [sflag:s8] =	dma.local @!p0 [hbm:s6], $0xF7A  }
0x23: {  	s9 =	sor.u32 $0xD0000000, s2;
	s6 =	simm.s32 $0x108;
	_ =	swait.ge @!p0 [sflag:s8], $0x0  }
0x24: {  	s3 =	sadd.s32 $0x88, s3;
	s6 =	simm.s32 @!p1 $0x1082;
	[sflag:s4] =	ssyncset.s32 $0xFFFFF086  }
0x25: {  	[simem:s6], [sflag:s4] =	dma.local [hbm:s3], $0xF7A  }
0x26: {  	[smem:$0x3F98] =	sst s1;
	(tag) =	ssettag s2;
	_ =	strace s9  }
0x27: {  	s1 =	sld [smem:$0x3FA8]  }
0x28: {  	s2 =	sld [smem:$0x3FA9]  }
0x29: {  	s4 =	sld [smem:$0x3FAB]  }
0x2a: {  	p0 =	seq.s32 s5, $0x0;
	s5 =	sld [smem:$0x3FAC]  }
0x2b: {  	s6 =	sld [smem:$0x3FAD]  }
0x2c: {  	s7 =	sld [smem:$0x3FAE]  }
0x2d: {  	s3 =	simm.s32 $0x108;
	s8 =	sld [smem:$0x3FAF]  }
0x2e: {  	s3 =	simm.s32 @!p0 $0x1082;
	s9 =	sld [smem:$0x3FB0]  }
0x2f: {  	lr =	sadd.s32 s0, s3;
	s0 =	sld [smem:$0x3FA7]  }
0x30: {  	s3 =	sld [smem:$0x3FAA]  }
0x31: {  	[smem:$0x3FB3] =	sst s10  }
0x32: {  	s10 =	sld [smem:$0x3FB1];
	_ =	sdelay $0x3  }
0x33: {  	p0 =	seq.s32 s10, $0x1;
	s10 =	sld [smem:$0x3FB3];
	_ =	sdelay $0x3  }
0x34: {  	[smem:$0x3FB3] =	sst s10  }
0x35: {  	s10 =	sld [smem:$0x3FB2];
	_ =	sdelay $0x3  }
0x36: {  	p1 =	seq.s32 s10, $0x1;
	s10 =	sld [smem:$0x3FB3];
	_ =	sdelay $0x3  }
0x37: {  	[smem:$0x3FB3] =	sst s10  }
0x38: {  	s10 =	sld [smem:$0x3FB4]  }
0x39: {  	_ = 	snop;
	(pc) =	sbr.ind lr, $3  }
0x3a: {  	_ = 	snop  }
0x3b: {  	_ = 	snop  }
0x3c: {  	p2 =	seq.s32 s10, $0x1;
	s10 =	sld [smem:$0x3FB3]  }
0x3d: {  	_ =	shalt  }
0x3e: {  	_ =	shalt  }
0x3f: {  	_ =	shalt  }
0x40: {  	_ =	shalt  }
0x41: {  	_ =	shalt  }
0x42: {  	_ =	shalt  }
0x43: {  	_ =	shalt  }
0x44: {  	_ =	shalt  }
0x45: {  	_ =	shalt  }
0x46: {  	_ =	shalt  }
0x47: {  	_ =	shalt  }
0x48: {  	_ =	shalt  }
0x49: {  	_ =	shalt  }
0x4a: {  	_ =	shalt  }
0x4b: {  	_ =	shalt  }
0x4c: {  	_ =	shalt  }
0x4d: {  	_ =	shalt  }
0x4e: {  	_ =	shalt  }
0x4f: {  	_ =	shalt  }
0x50: {  	_ =	shalt  }
0x51: {  	_ =	shalt  }
0x52: {  	_ =	shalt  }
0x53: {  	_ =	shalt  }
0x54: {  	_ =	shalt  }
0x55: {  	_ =	shalt  }
0x56: {  	_ =	shalt  }
0x57: {  	_ =	shalt  }
0x58: {  	_ =	shalt  }
0x59: {  	_ =	shalt  }
0x5a: {  	_ =	shalt  }
0x5b: {  	_ =	shalt  }
0x5c: {  	_ =	shalt  }
0x5d: {  	_ =	shalt  }
0x5e: {  	_ =	shalt  }
0x5f: {  	_ =	shalt  }
0x60: {  	_ =	shalt  }
0x61: {  	_ =	shalt  }
0x62: {  	_ =	shalt  }
0x63: {  	_ =	shalt  }
0x64: {  	_ =	shalt  }
0x65: {  	_ =	shalt  }
0x66: {  	_ =	shalt  }
0x67: {  	_ =	shalt  }
0x68: {  	_ =	shalt  }
0x69: {  	_ =	shalt  }
0x6a: {  	_ =	shalt  }
0x6b: {  	_ =	shalt  }
0x6c: {  	_ =	shalt  }
0x6d: {  	_ =	shalt  }
0x6e: {  	_ =	shalt  }
0x6f: {  	_ =	shalt  }
0x70: {  	_ =	shalt  }
0x71: {  	_ =	shalt  }
0x72: {  	_ =	shalt  }
0x73: {  	_ =	shalt  }
0x74: {  	_ =	shalt  }
0x75: {  	_ =	shalt  }
0x76: {  	_ =	shalt  }
0x77: {  	_ =	shalt  }
0x78: {  	_ =	shalt  }
0x79: {  	_ =	shalt  }
0x7a: {  	_ =	shalt  }
0x7b: {  	_ =	shalt  }
0x7c: {  	_ =	shalt  }
0x7d: {  	_ =	shalt  }
0x7e: {  	_ =	shalt  }
0x7f: {  	_ =	shalt  }
0x80: {  	_ =	shalt  }
0x81: {  	_ =	shalt  }
0x82: {  	_ =	shalt  }
0x83: {  	_ =	shalt  }
0x84: {  	_ =	shalt  }
0x85: {  	_ =	shalt  }
0x86: {  	_ =	shalt  }
0x87: {  	_ =	shalt  }
.Lfunc_end0:
.L_simem_size_0:
called_computation_lowered:
.L_overlay_start_0:
0x88: {  	s0 =	sld [smem:$0x3FD9]  }
0x89: {  	s1 =	sld [smem:$0x3FFE];
	_ =	sdelay $0x3  }
0x8a: {  	s0 =	sadd.s32 s1, s0  }
0x8b: {  	[smem:$0x3FBF] =	sst s0  }
0x8c: {  	_ = 	snop  }
0x8d: {  	(tm) =	ssettm $0x1  }
0x8e: {  	s15 =	sld [smem:$0x3FFB];
	_ =	sdelay $0x3  }
0x8f: {  	_ =	strace s15  }
0x90: {  	s0 =	sld [smem:$0x3FFC];
	_ =	sdelay $0x3  }
0x91: {  	_ =	strace s0  }
0x92: {  	s0 =	sld [smem:$0x3FFD];
	_ =	sdelay $0x3  }
0x93: {  	_ =	strace s0  }
0x94: {  	_ =	strace $0x8FFFFFFF  }
0x95: {  	s16 =	sld [smem:$0x3FDB];
	_ =	sdelay $0x1  }
0x96: {  	s17 =	simm.s32 $_scs_section_size  }
0x97: {  	s2 =	simm.s32 $_size__tile_overlayer_lowered;
	s3 =	simm.s32 $_tile_overlayer_lowered  }
0x98: {  	s20 =	simm.s32 $0x1BFF;
	s19 =	sshll.u32 s3, $0x1;
	s0 =	sadd.s32 s17, s16  }
0x99: {  	s4 =	simm.s32 $0x0;
	s18 =	sshll.u32 s2, $0x1;
	s2 =	sadd.s32 s19, s0  }
0x9a: {  	[timem:s4], [sflag:s20] =	dma.local [hbm:s2], s18  }
0x9b: {  	_ =	swait.ge [sflag:s20], s18  }
0x9c: {  	s1 =	ssub.s32 $0x0, s18;
	[sflag:s20] =	ssyncset.done $0x0  }
0x9d: {  	[sflag:s20] =	ssyncadd.s32 s1;
	_ =	sdelay $0x1  }
0x9e: {  	s21 =	simm.s32 $0x1B8B  }
0x9f: {  	_ =	swait.ge [sflag:s21], $0x1  }
0xa0: {  	[sflag:s21] =	ssyncset.done $0x0  }
0xa1: {  	s23 =	simm.s32 $0x1B8E;
	s22 =	sld [smem:$0x3FFE];
	[sflag:s21] =	ssyncadd.s32 $0xFFFFFFFF  }
0xa2: {  	s24 =	simm.s32 $execute0_lowered;
	[smem:$0x3FD2] =	sst s23  }
0xa3: {  	s2 =	sshll.u32 s24, $0x1;
	_ =	strace $0x80000046;
	[dreg:$0x1] =	wrdreg $0xFFFFFFFF  }
0xa4: {  	s25 =	simm.s32 $_size_execute0_lowered;
	s0 =	sadd.s32 s0, s2;
	[dreg:$0x0] =	wrdreg $0x0  }
0xa5: {  	s2 =	sshll.u32 s25, $0x1;
	[dreg:$0x2] =	wrdreg s0  }
0xa6: {  	[dreg:$0x3] =	wrdreg s2  }
0xa7: {  	[dreg:$0x4] =	wrdreg $0xC0  }
0xa8: {  	_ =	task [dreg:s4], $0x5FFFF  }
0xa9: {  	[dreg:$0x1] =	wrdreg $0xFFFFFFFF  }
0xaa: {  	[dreg:$0x0] =	wrdreg $0x60  }
0xab: {  	[dreg:$0x2] =	wrdreg s22  }
0xac: {  	[dreg:$0x3] =	wrdreg $0x82000  }
0xad: {  	[dreg:$0x4] =	wrdreg $0x9  }
0xae: {  	_ =	task.clear_ibuf [dreg:s4], $0x5FFFF;
	_ =	strace $0x90000046  }
0xaf: {  	s26 =	simm.s32 $0x9;
	_ =	strace $0x80000048  }
0xb0: {  	_ =	swait.ge [sflag:s26], $0x1  }
0xb1: {  	[sflag:s26] =	ssyncadd.s32 $0xFFFFFFFF  }
0xb2: {  	_ =	strace $0x90000048  }
0xb3: {  	_ =	sfence  }
0xb4: {  	s28 =	sld [smem:$0x0];
	_ =	sdelay $0x1  }
0xb5: {  	s29 =	srdreg.scid  }
0xb6: {  	s30 =	sshll.u32 s29, $0xD;
	s31 =	sshrl.u32 s29, $0x2  }
0xb7: {  	s1 =	sand.u32 $0x1, s29;
	s2 =	sand.u32 $0x4000, s30;
	s0 =	sadd.s32 s31, s28  }
0xb8: {  	s1 =	sor.u32 s2, s1;
	s0 =	sshll.u32 s0, $0x11  }
0xb9: {  	s0 =	sor.u32 s0, s1  }
0xba: {  	s0 =	sadd.s32 $0x8F2B, s0  }
0xbb: {  	[sflag:s0] =	ssyncadd.remote.s32 $0x1  }
0xbc: {  	_ =	sfence.sel $0xFFFF  }
0xbd: {  	[dreg:$0x0] =	wrdreg $0xFFFFFFFF;
	(pc) =	sbr.abs _section_cstart, $3  }
0xbe: {  	[dreg:$0x1] =	wrdreg $0xFFFFFFFF  }
0xbf: {  	_ =	task.clear_ibuf [dreg:s4], $0x2FFFF;
	_ =	strace $0x9FFFFFFF  }
0xc0: {  	(tm) =	ssettm $0x7FFFFFFF  }
0xc1: {  	_ =	shalt  }
tec
execute0_lowered:
.L_overlay_start_1:
0x0: {  	(tag) =	ssettag $0x1  }
0x1: {  	s1 =	rddreg [dreg:$0x0]  }
0x2: {  	s2 =	rddreg [dreg:$0x1]  }
0x3: {  	s0 =	rddreg [dreg:$0x2];
	s3 =	simm.s32 $0x0;
	s5 =	simm.s32 $0x200  }
0x4: {  	[smem:$0x7FF] =	sst s3;
	s6 =	sadd.s32 $0x2200, s1;
	s4 =	sadd.s32 $0xC200, s1  }
0x5: {  	v0 =	vimm.f32 $1.000000000e+00;
	v1 =	vimm.f32 $0.0e+00;
	s1 =	stileid.u32;
	s3 =	simm.s32 $0x0;
	_ =	strace $0x80000047  }
.LBB2_1:
0x6: {  	p0 =	sne.s32 s5, $0xF800;
	[tilespmem:s3+$0x4270] =	vst v1  }
0x7: {  	[tilespmem:s3+$0x200] =	vst v0  }
0x8: {  	[tilespmem:s3+$0x4200] =	vst v1  }
0x9: {  	[tilespmem:s3+$0x210] =	vst v0  }
0xa: {  	[tilespmem:s3+$0x4210] =	vst v1  }
0xb: {  	[tilespmem:s3+$0x220] =	vst v0  }
0xc: {  	[tilespmem:s3+$0x4220] =	vst v1  }
0xd: {  	[tilespmem:s3+$0x230] =	vst v0  }
0xe: {  	[tilespmem:s3+$0x4230] =	vst v1  }
0xf: {  	[tilespmem:s3+$0x240] =	vst v0  }
0x10: {  	[tilespmem:s3+$0x4240] =	vst v1  }
.Ltmp0:
0x11: {  	[tilespmem:s3+$0x250] =	vst v0;
	(pc) =	sbr.rel @p0 .LBB2_1-.Ltmp0, $4  }
0x12: {  	[tilespmem:s3+$0x4250] =	vst v1  }
0x13: {  	[tilespmem:s3+$0x260] =	vst v0  }
0x14: {  	[tilespmem:s3+$0x4260] =	vst v1  }
0x15: {  	[tilespmem:s3+$0x270] =	vst v0;
	s3 =	sshra.s32 s5, $0x2;
	s5 =	sadd.s32 $0x200, s5  }
0x16: {  	[tilespmem:s3+$0x4270] =	vst v1  }
0x17: {  	[tilespmem:s3+$0x200] =	vst v0  }
0x18: {  	[tilespmem:s3+$0x4200] =	vst v1  }
0x19: {  	[tilespmem:s3+$0x210] =	vst v0  }
0x1a: {  	[tilespmem:s3+$0x4210] =	vst v1  }
0x1b: {  	[tilespmem:s3+$0x220] =	vst v0  }
0x1c: {  	[tilespmem:s3+$0x4220] =	vst v1  }
0x1d: {  	[tilespmem:s3+$0x230] =	vst v0  }
0x1e: {  	[tilespmem:s3+$0x4230] =	vst v1  }
0x1f: {  	[tilespmem:s3+$0x240] =	vst v0  }
0x20: {  	[tilespmem:s3+$0x4240] =	vst v1  }
0x21: {  	[tilespmem:s3+$0x250] =	vst v0  }
0x22: {  	[tilespmem:s3+$0x4250] =	vst v1;
	s5 =	smul.u32 $0x4E000, s1  }
0x23: {  	[tilespmem:s3+$0x260] =	vst v0  }
0x24: {  	[tilespmem:s3+$0x4260] =	vst v1;
	s5 =	sshrl.u32 s5, $0x2  }
0x25: {  	[tilespmem:s3+$0x270] =	vst v0;
	s22 =	simm.s32 $0x4200;
	s7 =	simm.s32 $0x7;
	s3 =	sadd.s32 s5, s2  }
0x26: {  	[spmem:s3] =	stream.linear.scatter [tilespmem:s22], [sflag:$0x7], $0x3000, $0x38;
	[tilespmem:$0x1BA80] =	vst v63  }
0x27: {  	_ =	swait.ge [sflag:s7], $0x3000  }
0x28: {  	[sflag:s7] =	ssyncset.done $0x0  }
0x29: {  	s8 =	sadd.s32 $0x3000, s3;
	[sflag:s7] =	ssyncadd.s32 $0xFFFFD000  }
0x2a: {  	[spmem:s8] =	stream.linear.scatter [tilespmem:s22], [sflag:$0x7], $0x3000, $0x38;
	[tilespmem:$0x1BA80] =	vst v63  }
0x2b: {  	_ =	swait.ge [sflag:s7], $0x3000  }
0x2c: {  	[sflag:s7] =	ssyncset.done $0x0  }
0x2d: {  	s23 =	sadd.s32 $0x6000, s3;
	[sflag:s7] =	ssyncadd.s32 $0xFFFFD000  }
0x2e: {  	[spmem:s23] =	stream.linear.scatter [tilespmem:s22], [sflag:$0x7], $0x3000, $0x38;
	[tilespmem:$0x1BA80] =	vst v63  }
0x2f: {  	_ =	swait.ge [sflag:s7], $0x3000  }
0x30: {  	[sflag:s7] =	ssyncset.done $0x0  }
0x31: {  	s24 =	sadd.s32 $0x9000, s3;
	[sflag:s7] =	ssyncadd.s32 $0xFFFFD000  }
0x32: {  	[spmem:s24] =	stream.linear.scatter [tilespmem:s22], [sflag:$0x7], $0x3000, $0x38;
	[tilespmem:$0x1BA80] =	vst v63  }
0x33: {  	_ =	swait.ge [sflag:s7], $0x3000  }
0x34: {  	[sflag:s7] =	ssyncset.done $0x0  }
0x35: {  	s25 =	sadd.s32 $0xC000, s3;
	[sflag:s7] =	ssyncadd.s32 $0xFFFFD000  }
0x36: {  	[spmem:s25] =	stream.linear.scatter [tilespmem:s22], [sflag:$0x7], $0x3000, $0x38;
	[tilespmem:$0x1BA80] =	vst v63  }
0x37: {  	_ =	swait.ge [sflag:s7], $0x3000  }
0x38: {  	[sflag:s7] =	ssyncset.done $0x0  }
0x39: {  	s26 =	sadd.s32 $0xF000, s3;
	[sflag:s7] =	ssyncadd.s32 $0xFFFFD000  }
0x3a: {  	[spmem:s26] =	stream.linear.scatter [tilespmem:s22], [sflag:$0x7], $0x3000, $0x38;
	[tilespmem:$0x1BA80] =	vst v63  }
0x3b: {  	_ =	swait.ge [sflag:s7], $0x3000  }
0x3c: {  	[sflag:s7] =	ssyncset.done $0x0  }
0x3d: {  	s28 =	sadd.s32 $0x12000, s3;
	[sflag:s7] =	ssyncadd.s32 $0xFFFFD000  }
0x3e: {  	[spmem:s28] =	stream.linear.scatter [tilespmem:s22], [sflag:$0x7], $0x1800, $0x38;
	[tilespmem:$0x1BA80] =	vst v63  }
0x3f: {  	_ =	swait.ge [sflag:s7], $0x1800  }
0x40: {  	p0 =	sne.s32 s1, $0x0;
	[sflag:s7] =	ssyncset.done $0x0  }
0x41: {  	s5 =	sadd.s32 $0x138000, s2;
	[sflag:s7] =	ssyncadd.s32 $0xFFFFE800;
	s7 =	simm.s32 @!p0 $0x4200  }
0x42: {  	[spmem:s5] =	stream.linear.scatter @!p0 [tilespmem:s7], [sflag:$0x7], $0x800, $0x38;
	[tilespmem:$0x1BA80] =	vst v63  }
0x43: {  	s7 =	simm.s32 @!p0 $0x7  }
0x44: {  	_ =	swait.ge @!p0 [sflag:s7], $0x800  }
0x45: {  	s29 =	smul.u32 $0xA00, s1;
	[sflag:s7] =	ssyncset.done @!p0 $0x0  }
0x46: {  	[sflag:s7] =	ssyncadd.s32 @!p0 $0xFFFFF800  }
0x47: {  	s6 =	sadd.s32 s6, s29;
	s7 =	simm.s32 $0x0;
	[bflag:$0x0] =	sbarrier.arrive $0xFFFF  }
0x48: {  	[tilespmem:s7], [sflag:$0x3] =	stream.linear.gather [hbm4b:s6+s7], $0x80, $0x38;
	[tilespmem:$0x1BA80] =	vst v63  }
0x49: {  	s9 =	sadd.s32 $0x10, s6;
	s8 =	simm.s32 $0x80  }
0x4a: {  	[tilespmem:s8], [sflag:$0x4] =	stream.linear.gather [hbm4b:s9+s7], $0x80, $0x38;
	[tilespmem:$0x1BA80] =	vst v63  }
0x4b: {  	s9 =	simm.s32 $0x3  }
0x4c: {  	_ =	swait.ge [sflag:s9], $0x80  }
0x4d: {  	[sflag:s9] =	ssyncset.done $0x0  }
0x4e: {  	s10 =	simm.s32 $0x7D;
	s11 =	simm.s32 $0x200;
	[sflag:s9] =	ssyncadd.s32 $0xFFFFFF80  }
0x4f: {  	[spmem:s2] =	stream.indirect.scatter.add.f32 [tilespmem:s11], [sflag:$0x1], $0x80, s7, s10, $0xb8;
	[tilespmem:$0x1BA80] =	vst v63  }
0x50: {  	s12 =	simm.s32 $0x100;
	s13 =	sadd.s32 $0x20, s6  }
0x51: {  	[tilespmem:s12], [sflag:$0x5] =	stream.linear.gather [hbm4b:s13+s7], $0x80, $0x38;
	[tilespmem:$0x1BA80] =	vst v63  }
0x52: {  	s13 =	simm.s32 $0x4  }
0x53: {  	_ =	swait.ge [sflag:s13], $0x80  }
0x54: {  	[sflag:s13] =	ssyncset.done $0x0  }
0x55: {  	[sflag:s13] =	ssyncadd.s32 $0xFFFFFF80  }
0x56: {  	[spmem:s2] =	stream.indirect.scatter.add.f32 [tilespmem:s11], [sflag:$0x2], $0x80, s8, s10, $0xb8;
	[tilespmem:$0x1BA80] =	vst v63  }
0x57: {  	s14 =	simm.s32 $0x180;
	s16 =	simm.s32 $0x5;
	s15 =	sadd.s32 $0x30, s6  }
0x58: {  	[tilespmem:s14], [sflag:$0x6] =	stream.linear.gather [hbm4b:s15+s7], $0x80, $0x38;
	[tilespmem:$0x1BA80] =	vst v63  }
0x59: {  	_ =	swait.ge [sflag:s16], $0x80  }
0x5a: {  	[sflag:s16] =	ssyncset.done $0x0  }
0x5b: {  	s17 =	simm.s32 $0x1;
	[sflag:s16] =	ssyncadd.s32 $0xFFFFFF80  }
0x5c: {  	_ =	swait.ge [sflag:s17], $0x3E80  }
0x5d: {  	[sflag:s17] =	ssyncset.done $0x0  }
0x5e: {  	[sflag:s17] =	ssyncadd.s32 $0xFFFFC180  }
0x5f: {  	[spmem:s2] =	stream.indirect.scatter.add.f32 [tilespmem:s11], [sflag:$0x1], $0x80, s12, s10, $0xb8;
	[tilespmem:$0x1BA80] =	vst v63  }
0x60: {  	s18 =	simm.s32 $0x6;
	s30 =	sadd.s32 $0x40, s6  }
0x61: {  	[tilespmem:s7], [sflag:$0x3] =	stream.linear.gather [hbm4b:s30+s7], $0x80, $0x38;
	[tilespmem:$0x1BA80] =	vst v63  }
0x62: {  	_ =	swait.ge [sflag:s18], $0x80  }
0x63: {  	[sflag:s18] =	ssyncset.done $0x0  }
0x64: {  	s19 =	simm.s32 $0x2;
	[sflag:s18] =	ssyncadd.s32 $0xFFFFFF80  }
0x65: {  	_ =	swait.ge [sflag:s19], $0x3E80  }
0x66: {  	[sflag:s19] =	ssyncset.done $0x0  }
0x67: {  	[sflag:s19] =	ssyncadd.s32 $0xFFFFC180  }
0x68: {  	[spmem:s2] =	stream.indirect.scatter.add.f32 [tilespmem:s11], [sflag:$0x2], $0x80, s14, s10, $0xb8;
	[tilespmem:$0x1BA80] =	vst v63  }
0x69: {  	s31 =	smul.u32 $0x2700, s1;
	s20 =	sadd.s32 $0x50, s6  }
0x6a: {  	[tilespmem:s8], [sflag:$0x4] =	stream.linear.gather [hbm4b:s20+s7], $0x80, $0x38;
	[tilespmem:$0x1BA80] =	vst v63  }
0x6b: {  	s15 =	sadd.s32 s4, s31;
	s4 =	sadd.s32 $0x27000, s4;
	s20 =	simm.s32 $0xFFFFF680  }
.LBB2_3:
0x6c: {  	_ =	swait.ge [sflag:s9], $0x80  }
0x6d: {  	[sflag:s9] =	ssyncset.done $0x0  }
0x6e: {  	s21 =	sadd.s32 $0x9C0, s20;
	[sflag:s9] =	ssyncadd.s32 $0xFFFFFF80  }
0x6f: {  	s22 =	sand.u32 $0xF80, s21;
	_ =	swait.ge [sflag:s17], $0x3E80  }
0x70: {  	s21 =	sand.u32 $0x40, s21;
	s22 =	sadd.s32 s6, s22;
	[sflag:s17] =	ssyncset.done $0x0  }
0x71: {  	s21 =	sadd.s32 s21, s22;
	[sflag:s17] =	ssyncadd.s32 $0xFFFFC180  }
0x72: {  	[spmem:s2] =	stream.indirect.scatter.add.f32 [tilespmem:s11], [sflag:$0x1], $0x80, s7, s10, $0xb8;
	[tilespmem:$0x1BA80] =	vst v63  }
0x73: {  	s22 =	sadd.s32 $0x20, s21  }
0x74: {  	[tilespmem:s12], [sflag:$0x5] =	stream.linear.gather [hbm4b:s22+s7], $0x80, $0x38;
	[tilespmem:$0x1BA80] =	vst v63  }
0x75: {  	_ =	swait.ge [sflag:s13], $0x80  }
0x76: {  	[sflag:s13] =	ssyncset.done $0x0  }
0x77: {  	[sflag:s13] =	ssyncadd.s32 $0xFFFFFF80  }
0x78: {  	_ =	swait.ge [sflag:s19], $0x3E80  }
0x79: {  	[sflag:s19] =	ssyncset.done $0x0  }
0x7a: {  	[sflag:s19] =	ssyncadd.s32 $0xFFFFC180  }
0x7b: {  	[spmem:s2] =	stream.indirect.scatter.add.f32 [tilespmem:s11], [sflag:$0x2], $0x80, s8, s10, $0xb8;
	[tilespmem:$0x1BA80] =	vst v63  }
0x7c: {  	s21 =	sadd.s32 $0x30, s21  }
0x7d: {  	[tilespmem:s14], [sflag:$0x6] =	stream.linear.gather [hbm4b:s21+s7], $0x80, $0x38;
	[tilespmem:$0x1BA80] =	vst v63  }
0x7e: {  	_ =	swait.ge [sflag:s16], $0x80  }
0x7f: {  	p1 =	seq.s32 s20, $0x0;
	[sflag:s16] =	ssyncset.done $0x0  }
.Ltmp1:
0x80: {  	[sflag:s16] =	ssyncadd.s32 $0xFFFFFF80;
	(pc) =	sbr.rel @p1 .LBB2_5-.Ltmp1, $4  }
0x81: {  	_ =	swait.ge [sflag:s17], $0x3E80  }
0x82: {  	[sflag:s17] =	ssyncset.done $0x0  }
0x83: {  	[sflag:s17] =	ssyncadd.s32 $0xFFFFC180  }
0x84: {  	[spmem:s2] =	stream.indirect.scatter.add.f32 [tilespmem:s11], [sflag:$0x1], $0x80, s12, s10, $0xb8;
	[tilespmem:$0x1BA80] =	vst v63  }
0x85: {  	s21 =	sadd.s32 s20, s6  }
0x86: {  	s22 =	sadd.s32 $0xA00, s21  }
0x87: {  	[tilespmem:s7], [sflag:$0x3] =	stream.linear.gather [hbm4b:s22+s7], $0x80, $0x38;
	[tilespmem:$0x1BA80] =	vst v63  }
0x88: {  	_ =	swait.ge [sflag:s18], $0x80  }
0x89: {  	[sflag:s18] =	ssyncset.done $0x0  }
0x8a: {  	[sflag:s18] =	ssyncadd.s32 $0xFFFFFF80  }
0x8b: {  	_ =	swait.ge [sflag:s19], $0x3E80  }
.Ltmp2:
0x8c: {  	[sflag:s19] =	ssyncset.done $0x0;
	(pc) =	sbr.rel .LBB2_3-.Ltmp2, $4  }
0x8d: {  	[sflag:s19] =	ssyncadd.s32 $0xFFFFC180  }
0x8e: {  	[spmem:s2] =	stream.indirect.scatter.add.f32 [tilespmem:s11], [sflag:$0x2], $0x80, s14, s10, $0xb8;
	[tilespmem:$0x1BA80] =	vst v63  }
0x8f: {  	s20 =	sadd.s32 $0x40, s20;
	s21 =	sadd.s32 $0xA10, s21  }
0x90: {  	[tilespmem:s8], [sflag:$0x4] =	stream.linear.gather [hbm4b:s21+s7], $0x80, $0x38;
	[tilespmem:$0x1BA80] =	vst v63  }
.LBB2_5:
0x91: {  	s6 =	simm.s32 $0x6  }
0x92: {  	_ =	swait.ge [sflag:s6], $0x80  }
0x93: {  	[sflag:s6] =	ssyncset.done $0x0  }
0x94: {  	s28 =	simm.s32 $0x2;
	[sflag:s6] =	ssyncadd.s32 $0xFFFFFF80  }
0x95: {  	_ =	swait.ge [sflag:s28], $0x3E80  }
0x96: {  	s7 =	simm.s32 $0x7D;
	s8 =	simm.s32 $0x180;
	[sflag:s28] =	ssyncset.done $0x0  }
0x97: {  	s9 =	simm.s32 $0x200;
	s29 =	simm.s32 $0x1;
	[sflag:s28] =	ssyncadd.s32 $0xFFFFC180  }
0x98: {  	[spmem:s2] =	stream.indirect.scatter.add.f32 [tilespmem:s9], [sflag:$0x2], $0x80, s8, s7, $0xb8;
	[tilespmem:$0x1BA80] =	vst v63  }
0x99: {  	_ =	swait.ge [sflag:s29], $0x3E80  }
0x9a: {  	[sflag:s29] =	ssyncset.done $0x0  }
0x9b: {  	[sflag:s29] =	ssyncadd.s32 $0xFFFFC180  }
0x9c: {  	_ =	swait.ge [sflag:s28], $0x3E80  }
0x9d: {  	[sflag:s28] =	ssyncset.done $0x0  }
0x9e: {  	s1 =	sshll.u32 s1, $0x6;
	s30 =	sshrl.u32 s3, $0x3;
	[sflag:s28] =	ssyncadd.s32 $0xFFFFC180  }
0x9f: {  	s31 =	simm.s32 $0x7;
	s1 =	sor.u32 $0x1C07, s1;
	[bflag:$0x0] =	sbarrier.arrive $0xFFFF  }
0xa0: {  	[hbm:s15], [sflag:s1] =	dma.local [spmem:s30], $0x2700  }
0xa1: {  	_ =	swait.ge [sflag:s31], $0x2700  }
0xa2: {  	[sflag:s31] =	ssyncset.done $0x0  }
0xa3: {  	[sflag:s31] =	ssyncadd.s32 $0xFFFFD900  }
0xa4: {  	_ =	sfence.sel @p0 $0x180000  }
0xa5: {  	[bflag:$0x0] =	sbarrier.arrive @p0 $0xFFFF  }
0xa6: {  	_ =	strace @p0 $0x90000047  }
0xa7: {  	s2 =	sshrl.u32 @!p0 s5, $0x3;
	[bflag:$0x2] =	sbarrier.arrive @p0 $0xFFFF  }
0xa8: {  	[hbm:s4], [sflag:s1] =	dma.local @!p0 [spmem:s2], $0x100  }
0xa9: {  	s1 =	simm.s32 @!p0 $0x7  }
0xaa: {  	_ =	swait.ge @!p0 [sflag:s1], $0x100  }
0xab: {  	[sflag:s1] =	ssyncset.done @!p0 $0x0  }
0xac: {  	[sflag:s1] =	ssyncadd.s32 @!p0 $0xFFFFFF00  }
0xad: {  	_ =	sfence.sel @!p0 $0x180000  }
0xae: {  	[bflag:$0x0] =	sbarrier.arrive @!p0 $0xFFFF  }
0xaf: {  	_ =	strace @!p0 $0x90000047  }
0xb0: {  	s0 =	sadd.s32 @!p0 $0x100000, s0;
	[bflag:$0x2] =	sbarrier.arrive @!p0 $0xFFFF  }
0xb1: {  	[sflag:s0] =	ssyncadd.tile.s32 @!p0 $0x1;
	_ =	shalt  }
.Lfunc_end2:
_tile_overlayer_lowered:
.L_overlay_start_2:
0xb2: {  	(tag) =	ssettag $0x2  }
0xb3: {  	s0 =	rddreg [dreg:$0x0];
	s2 =	stileid.u32  }
0xb4: {  	s1 =	rddreg [dreg:$0x1];
	p0 =	sne.s32 s2, $0x0  }
0xb5: {  	s3 =	rddreg [dreg:$0x2];
	[bflag:$0x3] =	sbarrier.arrive $0xFFFF;
	s2 =	simm.s32 @!p0 $0x1C07  }
0xb6: {  	[timem:s3], [sflag:s2] =	dma.local @!p0 [hbm:s0], s1  }
0xb7: {  	s0 =	simm.s32 @!p0 $0x7  }
0xb8: {  	_ =	swait.ge @!p0 [sflag:s0], s1  }
0xb9: {  	s1 =	ssub.s32 @!p0 $0x0, s1;
	[sflag:s0] =	ssyncset.done @!p0 $0x0  }
0xba: {  	[sflag:s0] =	ssyncadd.s32 @!p0 s1  }
0xbb: {  	[bflag:$0x3] =	sbarrier.arrive $0xFFFF  }
0xbc: {  	_ =	shalt  }

</sc_bundles>
